<compile_context>
chip_gen: v7x
topology: tpu7x:2x2x1
jax: 0.10.2.dev20260603
libtpu: 0.0.44.dev20260713+nightly
codegen_flags: <defaults>
</compile_context>

<pallas_src>
import functools

import jax
import jax.numpy as jnp
from jax import lax
from jax.experimental import pallas as pl
from jax.experimental.pallas import tpu as pltpu
from jax.experimental.pallas import tpu_sc as plsc

N_NODES = 10000
T = 8
E = 640000
TT = T * T

NC = 2
NS = 16
NW = NC * NS
C = 128
NCHUNKS = E // C
KPW = NCHUNKS // NW
NREM = NCHUNKS - KPW * NW
NBUF = 4
NQUAD = KPW // NBUF

_mesh = plsc.VectorSubcoreMesh(
    core_axis_name="c", subcore_axis_name="s", num_cores=NC, num_subcores=NS
)


@functools.partial(
    pl.kernel,
    out_type=jax.ShapeDtypeStruct((TT, E), jnp.float32),
    mesh=_mesh,
    compiler_params=pltpu.CompilerParams(needs_layout_passes=False),
    scratch_types=[
        pltpu.VMEM((N_NODES * T,), jnp.float32),
        [pltpu.VMEM((C,), jnp.int32) for _ in range(NBUF)],
        [pltpu.VMEM((C,), jnp.int32) for _ in range(NBUF)],
        [pltpu.VMEM((TT, C), jnp.float32) for _ in range(NBUF)],
        [pltpu.SemaphoreType.DMA for _ in range(NBUF)],
        [pltpu.SemaphoreType.DMA for _ in range(NBUF)],
    ],
)
def _encode(edge_hbm, node_hbm, out_hbm,
            table_v, idx1s, idx2s, outs, isems, osems):
    wid = lax.axis_index("s") * NC + lax.axis_index("c")
    pltpu.sync_copy(node_hbm, table_v)

    def chunk_base(k):
        return (wid + k * NW) * C

    def start_idx(k, bi):
        base = chunk_base(k)
        pltpu.async_copy(edge_hbm.at[pl.ds(base, C)], idx1s[bi], isems[bi])
        pltpu.async_copy(edge_hbm.at[pl.ds(E + base, C)], idx2s[bi], isems[bi])

    def wait_idx(bi):
        pltpu.make_async_copy(edge_hbm.at[pl.ds(0, C)], idx1s[bi], isems[bi]).wait()
        pltpu.make_async_copy(edge_hbm.at[pl.ds(0, C)], idx2s[bi], isems[bi]).wait()

    def wait_out(bi):
        pltpu.make_async_copy(
            outs[bi], out_hbm.at[:, pl.ds(0, C)], osems[bi]
        ).wait()

    def compute_chunk(idx1_v, idx2_v, out_v):
        @plsc.parallel_loop(0, C // 16, 1, unroll=1)
        def group_body(g):
            vs8 = idx1_v[pl.ds(g * 16, 16)] * T
            vd8 = idx2_v[pl.ds(g * 16, 16)] * T
            a = [plsc.load_gather(table_v, [vs8 + i]) for i in range(T)]
            b = [plsc.load_gather(table_v, [vd8 + j]) for j in range(T)]
            for i in range(T):
                for j in range(T):
                    out_v[i * T + j, pl.ds(g * 16, 16)] = a[i] * b[j]

    for bi in range(NBUF):
        start_idx(bi, bi)

    def quad_body(k4, _):
        for bi in range(NBUF):
            k = k4 * NBUF + bi
            wait_idx(bi)

            @pl.when(k4 > 0)
            def _wait_prev():
                wait_out(bi)

            compute_chunk(idx1s[bi], idx2s[bi], outs[bi])
            pltpu.async_copy(
                outs[bi], out_hbm.at[:, pl.ds(chunk_base(k), C)], osems[bi]
            )

            @pl.when(k4 < NQUAD - 1)
            def _prefetch():
                start_idx(k + NBUF, bi)
        return 0

    lax.fori_loop(0, NQUAD, quad_body, 0)
    for bi in range(NBUF):
        wait_out(bi)

    @pl.when(wid < NREM)
    def _leftover():
        base = (KPW * NW + wid) * C
        pltpu.sync_copy(edge_hbm.at[pl.ds(base, C)], idx1s[0])
        pltpu.sync_copy(edge_hbm.at[pl.ds(E + base, C)], idx2s[0])
        compute_chunk(idx1s[0], idx2s[0], outs[0])
        pltpu.sync_copy(outs[0], out_hbm.at[:, pl.ds(base, C)])


def kernel(edge_index, node_type):
    out_t = _encode(edge_index.reshape(-1), node_type.reshape(-1))
    return out_t.T

# --- scband reference (transcript-rebuilt; emitter-appended) ---
"""Pipeline reference for scband-edge-encoder-68453188764310 (READ-ONLY COPY).

The authoritative reference and input builder live on the scoring server;
editing this copy changes nothing except your own understanding.
"""

import jax, jax.numpy as jnp
import numpy as np

N_NODES = 10000
N_EDGES = 640000
T = 8

def setup_inputs(seed: int = 0) -> dict:
    key = jax.random.key(seed)
    k1, k2 = jax.random.split(key)
    edge_index = jax.random.randint(k1, (2, N_EDGES), 0, N_NODES, dtype=jnp.int64 if jax.config.read('jax_enable_x64') else jnp.int32).astype(jnp.int32)
    node_type = jax.random.normal(k2, (N_NODES, T), dtype=jnp.float32)
    return {"edge_index": edge_index, "node_type": node_type}

def reference(edge_index, node_type):
    # get_edge_node_type: gather endpoint node-type features for each edge
    node1 = jnp.take(node_type, edge_index[0], axis=0)  # [E, T]
    node2 = jnp.take(node_type, edge_index[1], axis=0)  # [E, T]
    # directed=True branch: outer product per edge, then flatten
    encoded_edges = jnp.einsum('ki,kj->kij', node1, node2).reshape(node1.shape[0], -1)  # [E, T*T]
    return encoded_edges

if __name__ == "__main__":
    import jax
    _d = setup_inputs()
    print(jax.jit(kernel)(*tuple(_d.values())))

</pallas_src>

<mosaic_0001>
#map = affine_map<(d0, d1) -> (0)>
#map1 = affine_map<(d0, d1) -> (0, 0)>
module attributes {stable_mosaic.version = 14 : i64} {
  func.func @_encode(%arg0: i32, %arg1: i32, %arg2: memref<1280000xi32, #tpu.memory_space<hbm>>, %arg3: memref<80000xf32, #tpu.memory_space<hbm>>, %arg4: memref<64x640000xf32, #tpu.memory_space<hbm>>, %arg5: memref<80000xf32, #tpu.memory_space<vmem>>, %arg6: memref<128xi32, #tpu.memory_space<vmem>>, %arg7: memref<128xi32, #tpu.memory_space<vmem>>, %arg8: memref<128xi32, #tpu.memory_space<vmem>>, %arg9: memref<128xi32, #tpu.memory_space<vmem>>, %arg10: memref<128xi32, #tpu.memory_space<vmem>>, %arg11: memref<128xi32, #tpu.memory_space<vmem>>, %arg12: memref<128xi32, #tpu.memory_space<vmem>>, %arg13: memref<128xi32, #tpu.memory_space<vmem>>, %arg14: memref<64x128xf32, #tpu.memory_space<vmem>>, %arg15: memref<64x128xf32, #tpu.memory_space<vmem>>, %arg16: memref<64x128xf32, #tpu.memory_space<vmem>>, %arg17: memref<64x128xf32, #tpu.memory_space<vmem>>, %arg18: memref<!tpu.dma_semaphore, #tpu.memory_space<semaphore_mem>>, %arg19: memref<!tpu.dma_semaphore, #tpu.memory_space<semaphore_mem>>, %arg20: memref<!tpu.dma_semaphore, #tpu.memory_space<semaphore_mem>>, %arg21: memref<!tpu.dma_semaphore, #tpu.memory_space<semaphore_mem>>, %arg22: memref<!tpu.dma_semaphore, #tpu.memory_space<semaphore_mem>>, %arg23: memref<!tpu.dma_semaphore, #tpu.memory_space<semaphore_mem>>, %arg24: memref<!tpu.dma_semaphore, #tpu.memory_space<semaphore_mem>>, %arg25: memref<!tpu.dma_semaphore, #tpu.memory_space<semaphore_mem>>) attributes {dimension_semantics = [#tpu.dimension_semantics<core_parallel>, #tpu.dimension_semantics<subcore_parallel>], iteration_bounds = array<i64: 2, 16>, scalar_prefetch = 0 : i64, scratch_operands = 21 : i64, tpu.core_type = #tpu.core_type<sc_vector_subcore>, window_params = [{transform_indices = #map}, {transform_indices = #map}, {transform_indices = #map1}]} {
    %mul3A = arith.constant 2 : i32
    %mul3A_0 = arith.muli %arg1, %mul3A : i32
    %add3A = arith.addi %mul3A_0, %arg0 : i32
    "tpu.region"() ({
      %run_scoped3A = tpu.sem_alloc : memref<!tpu.dma_semaphore, #tpu.memory_space<semaphore_mem>>
      tpu.enqueue_dma source(%arg3 : memref<80000xf32, #tpu.memory_space<hbm>>) target(%arg5 : memref<80000xf32, #tpu.memory_space<vmem>>) target_semaphore(%run_scoped3A : memref<!tpu.dma_semaphore, #tpu.memory_space<semaphore_mem>>)
      tpu.wait_dma2 semaphore(%run_scoped3A : memref<!tpu.dma_semaphore, #tpu.memory_space<semaphore_mem>>) src(%arg3 : memref<80000xf32, #tpu.memory_space<hbm>>) dst(%arg5 : memref<80000xf32, #tpu.memory_space<vmem>>)
      tpu.yield
    }) : () -> ()
    %add3A_1 = arith.constant 0 : i32
    %add3A_2 = arith.addi %add3A, %add3A_1 : i32
    %mul3A_3 = arith.constant 128 : i32
    %mul3A_4 = arith.muli %add3A_2, %mul3A_3 : i32
    %dma_start3A = tpu.memref_slice %arg2[%mul3A_4] : memref<1280000xi32, #tpu.memory_space<hbm>> -> memref<128xi32, #tpu.memory_space<hbm>>
    %dma_start3A_5 = tpu.memref_slice %arg2[%mul3A_4] : memref<1280000xi32, #tpu.memory_space<hbm>> -> memref<128xi32, #tpu.memory_space<hbm>>
    tpu.enqueue_dma source(%dma_start3A_5 : memref<128xi32, #tpu.memory_space<hbm>>) target(%arg6 : memref<128xi32, #tpu.memory_space<vmem>>) target_semaphore(%arg18 : memref<!tpu.dma_semaphore, #tpu.memory_space<semaphore_mem>>)
    %add3A_6 = arith.constant 640000 : i32
    %add3A_7 = arith.addi %add3A_6, %mul3A_4 : i32
    %dma_start3A_8 = tpu.memref_slice %arg2[%add3A_7] : memref<1280000xi32, #tpu.memory_space<hbm>> -> memref<128xi32, #tpu.memory_space<hbm>>
    %dma_start3A_9 = tpu.memref_slice %arg2[%add3A_7] : memref<1280000xi32, #tpu.memory_space<hbm>> -> memref<128xi32, #tpu.memory_space<hbm>>
    tpu.enqueue_dma source(%dma_start3A_9 : memref<128xi32, #tpu.memory_space<hbm>>) target(%arg10 : memref<128xi32, #tpu.memory_space<vmem>>) target_semaphore(%arg18 : memref<!tpu.dma_semaphore, #tpu.memory_space<semaphore_mem>>)
    %add3A_10 = arith.constant 32 : i32
    %add3A_11 = arith.addi %add3A, %add3A_10 : i32
    %mul3A_12 = arith.constant 128 : i32
    %mul3A_13 = arith.muli %add3A_11, %mul3A_12 : i32
    %dma_start3A_14 = tpu.memref_slice %arg2[%mul3A_13] : memref<1280000xi32, #tpu.memory_space<hbm>> -> memref<128xi32, #tpu.memory_space<hbm>>
    %dma_start3A_15 = tpu.memref_slice %arg2[%mul3A_13] : memref<1280000xi32, #tpu.memory_space<hbm>> -> memref<128xi32, #tpu.memory_space<hbm>>
    tpu.enqueue_dma source(%dma_start3A_15 : memref<128xi32, #tpu.memory_space<hbm>>) target(%arg7 : memref<128xi32, #tpu.memory_space<vmem>>) target_semaphore(%arg19 : memref<!tpu.dma_semaphore, #tpu.memory_space<semaphore_mem>>)
    %add3A_16 = arith.constant 640000 : i32
    %add3A_17 = arith.addi %add3A_16, %mul3A_13 : i32
    %dma_start3A_18 = tpu.memref_slice %arg2[%add3A_17] : memref<1280000xi32, #tpu.memory_space<hbm>> -> memref<128xi32, #tpu.memory_space<hbm>>
    %dma_start3A_19 = tpu.memref_slice %arg2[%add3A_17] : memref<1280000xi32, #tpu.memory_space<hbm>> -> memref<128xi32, #tpu.memory_space<hbm>>
    tpu.enqueue_dma source(%dma_start3A_19 : memref<128xi32, #tpu.memory_space<hbm>>) target(%arg11 : memref<128xi32, #tpu.memory_space<vmem>>) target_semaphore(%arg19 : memref<!tpu.dma_semaphore, #tpu.memory_space<semaphore_mem>>)
    %add3A_20 = arith.constant 64 : i32
    %add3A_21 = arith.addi %add3A, %add3A_20 : i32
    %mul3A_22 = arith.constant 128 : i32
    %mul3A_23 = arith.muli %add3A_21, %mul3A_22 : i32
    %dma_start3A_24 = tpu.memref_slice %arg2[%mul3A_23] : memref<1280000xi32, #tpu.memory_space<hbm>> -> memref<128xi32, #tpu.memory_space<hbm>>
    %dma_start3A_25 = tpu.memref_slice %arg2[%mul3A_23] : memref<1280000xi32, #tpu.memory_space<hbm>> -> memref<128xi32, #tpu.memory_space<hbm>>
    tpu.enqueue_dma source(%dma_start3A_25 : memref<128xi32, #tpu.memory_space<hbm>>) target(%arg8 : memref<128xi32, #tpu.memory_space<vmem>>) target_semaphore(%arg20 : memref<!tpu.dma_semaphore, #tpu.memory_space<semaphore_mem>>)
    %add3A_26 = arith.constant 640000 : i32
    %add3A_27 = arith.addi %add3A_26, %mul3A_23 : i32
    %dma_start3A_28 = tpu.memref_slice %arg2[%add3A_27] : memref<1280000xi32, #tpu.memory_space<hbm>> -> memref<128xi32, #tpu.memory_space<hbm>>
    %dma_start3A_29 = tpu.memref_slice %arg2[%add3A_27] : memref<1280000xi32, #tpu.memory_space<hbm>> -> memref<128xi32, #tpu.memory_space<hbm>>
    tpu.enqueue_dma source(%dma_start3A_29 : memref<128xi32, #tpu.memory_space<hbm>>) target(%arg12 : memref<128xi32, #tpu.memory_space<vmem>>) target_semaphore(%arg20 : memref<!tpu.dma_semaphore, #tpu.memory_space<semaphore_mem>>)
    %add3A_30 = arith.constant 96 : i32
    %add3A_31 = arith.addi %add3A, %add3A_30 : i32
    %mul3A_32 = arith.constant 128 : i32
    %mul3A_33 = arith.muli %add3A_31, %mul3A_32 : i32
    %dma_start3A_34 = tpu.memref_slice %arg2[%mul3A_33] : memref<1280000xi32, #tpu.memory_space<hbm>> -> memref<128xi32, #tpu.memory_space<hbm>>
    %dma_start3A_35 = tpu.memref_slice %arg2[%mul3A_33] : memref<1280000xi32, #tpu.memory_space<hbm>> -> memref<128xi32, #tpu.memory_space<hbm>>
    tpu.enqueue_dma source(%dma_start3A_35 : memref<128xi32, #tpu.memory_space<hbm>>) target(%arg9 : memref<128xi32, #tpu.memory_space<vmem>>) target_semaphore(%arg21 : memref<!tpu.dma_semaphore, #tpu.memory_space<semaphore_mem>>)
    %add3A_36 = arith.constant 640000 : i32
    %add3A_37 = arith.addi %add3A_36, %mul3A_33 : i32
    %dma_start3A_38 = tpu.memref_slice %arg2[%add3A_37] : memref<1280000xi32, #tpu.memory_space<hbm>> -> memref<128xi32, #tpu.memory_space<hbm>>
    %dma_start3A_39 = tpu.memref_slice %arg2[%add3A_37] : memref<1280000xi32, #tpu.memory_space<hbm>> -> memref<128xi32, #tpu.memory_space<hbm>>
    tpu.enqueue_dma source(%dma_start3A_39 : memref<128xi32, #tpu.memory_space<hbm>>) target(%arg13 : memref<128xi32, #tpu.memory_space<vmem>>) target_semaphore(%arg21 : memref<!tpu.dma_semaphore, #tpu.memory_space<semaphore_mem>>)
    %scan3A = arith.constant 0 : i32
    %scan3A_40 = arith.constant 0 : i32
    %scan3A_41 = arith.constant 39 : i32
    %scan3A_42 = arith.addi %scan3A_40, %scan3A_41 : i32
    %scan3A_43 = arith.constant 1 : i32
    %scan3A_44 = scf.for %scan3A_71 = %scan3A_40 to %scan3A_42 step %scan3A_43 iter_args(%scan3A_72 = %scan3A) -> (i32)  : i32 {
      %mul3A_73 = arith.constant 4 : i32
      %mul3A_74 = arith.muli %scan3A_71, %mul3A_73 : i32
      %add3A_75 = arith.constant 0 : i32
      %add3A_76 = arith.addi %mul3A_74, %add3A_75 : i32
      %dma_wait3A_77 = arith.constant 0 : i32
      %dma_wait3A_78 = tpu.memref_slice %arg2[%dma_wait3A_77] : memref<1280000xi32, #tpu.memory_space<hbm>> -> memref<128xi32, #tpu.memory_space<hbm>>
      %dma_wait3A_79 = arith.constant 0 : i32
      %dma_wait3A_80 = tpu.memref_slice %arg2[%dma_wait3A_79] : memref<1280000xi32, #tpu.memory_space<hbm>> -> memref<128xi32, #tpu.memory_space<hbm>>
      tpu.wait_dma2 semaphore(%arg18 : memref<!tpu.dma_semaphore, #tpu.memory_space<semaphore_mem>>) src(%dma_wait3A_80 : memref<128xi32, #tpu.memory_space<hbm>>) dst(%arg6 : memref<128xi32, #tpu.memory_space<vmem>>)
      %dma_wait3A_81 = arith.constant 0 : i32
      %dma_wait3A_82 = tpu.memref_slice %arg2[%dma_wait3A_81] : memref<1280000xi32, #tpu.memory_space<hbm>> -> memref<128xi32, #tpu.memory_space<hbm>>
      %dma_wait3A_83 = arith.constant 0 : i32
      %dma_wait3A_84 = tpu.memref_slice %arg2[%dma_wait3A_83] : memref<1280000xi32, #tpu.memory_space<hbm>> -> memref<128xi32, #tpu.memory_space<hbm>>
      tpu.wait_dma2 semaphore(%arg18 : memref<!tpu.dma_semaphore, #tpu.memory_space<semaphore_mem>>) src(%dma_wait3A_84 : memref<128xi32, #tpu.memory_space<hbm>>) dst(%arg10 : memref<128xi32, #tpu.memory_space<vmem>>)
      %gt3A = arith.constant 0 : i32
      %gt3A_85 = arith.cmpi sgt, %scan3A_71, %gt3A : i32
      %convert_element_type3A_86 = arith.extui %gt3A_85 : i1 to i32
      %cond3A_87 = arith.constant 0 : i32
      %cond3A_88 = arith.cmpi ne, %convert_element_type3A_86, %cond3A_87 : i32
      scf.if %cond3A_88 {
        %dma_wait3A_208 = arith.constant 0 : i32
        %dma_wait3A_209 = arith.constant 0 : i32
        %dma_wait3A_210 = tpu.memref_slice %arg4[%dma_wait3A_208, %dma_wait3A_209] : memref<64x640000xf32, #tpu.memory_space<hbm>> -> memref<64x128xf32, #tpu.memory_space<hbm>>
        %dma_wait3A_211 = arith.constant 0 : i32
        %dma_wait3A_212 = arith.constant 0 : i32
        %dma_wait3A_213 = tpu.memref_slice %arg4[%dma_wait3A_211, %dma_wait3A_212] : memref<64x640000xf32, #tpu.memory_space<hbm>> -> memref<64x128xf32, #tpu.memory_space<hbm>>
        tpu.wait_dma2 semaphore(%arg22 : memref<!tpu.dma_semaphore, #tpu.memory_space<semaphore_mem>>) src(%arg14 : memref<64x128xf32, #tpu.memory_space<vmem>>) dst(%dma_wait3A_213 : memref<64x128xf32, #tpu.memory_space<hbm>>)
      } else {
      }
      %parallel_loop3A = arith.constant 0 : i32
      %parallel_loop3A_89 = arith.constant 8 : i32
      %parallel_loop3A_90 = arith.constant 1 : i32
      scf.for %parallel_loop3A_208 = %parallel_loop3A to %parallel_loop3A_89 step %parallel_loop3A_90  : i32 {
        %parallel_loop3A_209 = arith.constant 16 : i32
        %parallel_loop3A_210 = arith.muli %parallel_loop3A_208, %parallel_loop3A_209 : i32
        %parallel_loop3A_211 = arith.index_cast %parallel_loop3A_210 : i32 to index
        %parallel_loop3A_212 = tpu.vector_load %arg6[%parallel_loop3A_211] {strides = array<i32>} : memref<128xi32, #tpu.memory_space<vmem>>, vector<16xi32>,
        %parallel_loop3A_213 = arith.constant 8 : i32
        %parallel_loop3A_214 = vector.broadcast %parallel_loop3A_213 : i32 to vector<16xi32>
        %parallel_loop3A_215 = arith.muli %parallel_loop3A_212, %parallel_loop3A_214 : vector<16xi32>
        %parallel_loop3A_216 = arith.constant 16 : i32
        %parallel_loop3A_217 = arith.muli %parallel_loop3A_208, %parallel_loop3A_216 : i32
        %parallel_loop3A_218 = arith.index_cast %parallel_loop3A_217 : i32 to index
        %parallel_loop3A_219 = tpu.vector_load %arg10[%parallel_loop3A_218] {strides = array<i32>} : memref<128xi32, #tpu.memory_space<vmem>>, vector<16xi32>,
        %parallel_loop3A_220 = arith.constant 8 : i32
        %parallel_loop3A_221 = vector.broadcast %parallel_loop3A_220 : i32 to vector<16xi32>
        %parallel_loop3A_222 = arith.muli %parallel_loop3A_219, %parallel_loop3A_221 : vector<16xi32>
        %parallel_loop3A_223 = arith.constant 0 : i32
        %parallel_loop3A_224 = vector.broadcast %parallel_loop3A_223 : i32 to vector<16xi32>
        %parallel_loop3A_225 = arith.addi %parallel_loop3A_215, %parallel_loop3A_224 : vector<16xi32>
        %parallel_loop3A_226 = tpu.vector_load_idx %arg5[%parallel_loop3A_225] : memref<80000xf32, #tpu.memory_space<vmem>>[vector<16xi32>], vector<16xf32>,
        %parallel_loop3A_227 = arith.constant 1 : i32
        %parallel_loop3A_228 = vector.broadcast %parallel_loop3A_227 : i32 to vector<16xi32>
        %parallel_loop3A_229 = arith.addi %parallel_loop3A_215, %parallel_loop3A_228 : vector<16xi32>
        %parallel_loop3A_230 = tpu.vector_load_idx %arg5[%parallel_loop3A_229] : memref<80000xf32, #tpu.memory_space<vmem>>[vector<16xi32>], vector<16xf32>,
        %parallel_loop3A_231 = arith.constant 2 : i32
        %parallel_loop3A_232 = vector.broadcast %parallel_loop3A_231 : i32 to vector<16xi32>
        %parallel_loop3A_233 = arith.addi %parallel_loop3A_215, %parallel_loop3A_232 : vector<16xi32>
        %parallel_loop3A_234 = tpu.vector_load_idx %arg5[%parallel_loop3A_233] : memref<80000xf32, #tpu.memory_space<vmem>>[vector<16xi32>], vector<16xf32>,
        %parallel_loop3A_235 = arith.constant 3 : i32
        %parallel_loop3A_236 = vector.broadcast %parallel_loop3A_235 : i32 to vector<16xi32>
        %parallel_loop3A_237 = arith.addi %parallel_loop3A_215, %parallel_loop3A_236 : vector<16xi32>
        %parallel_loop3A_238 = tpu.vector_load_idx %arg5[%parallel_loop3A_237] : memref<80000xf32, #tpu.memory_space<vmem>>[vector<16xi32>], vector<16xf32>,
        %parallel_loop3A_239 = arith.constant 4 : i32
        %parallel_loop3A_240 = vector.broadcast %parallel_loop3A_239 : i32 to vector<16xi32>
        %parallel_loop3A_241 = arith.addi %parallel_loop3A_215, %parallel_loop3A_240 : vector<16xi32>
        %parallel_loop3A_242 = tpu.vector_load_idx %arg5[%parallel_loop3A_241] : memref<80000xf32, #tpu.memory_space<vmem>>[vector<16xi32>], vector<16xf32>,
        %parallel_loop3A_243 = arith.constant 5 : i32
        %parallel_loop3A_244 = vector.broadcast %parallel_loop3A_243 : i32 to vector<16xi32>
        %parallel_loop3A_245 = arith.addi %parallel_loop3A_215, %parallel_loop3A_244 : vector<16xi32>
        %parallel_loop3A_246 = tpu.vector_load_idx %arg5[%parallel_loop3A_245] : memref<80000xf32, #tpu.memory_space<vmem>>[vector<16xi32>], vector<16xf32>,
        %parallel_loop3A_247 = arith.constant 6 : i32
        %parallel_loop3A_248 = vector.broadcast %parallel_loop3A_247 : i32 to vector<16xi32>
        %parallel_loop3A_249 = arith.addi %parallel_loop3A_215, %parallel_loop3A_248 : vector<16xi32>
        %parallel_loop3A_250 = tpu.vector_load_idx %arg5[%parallel_loop3A_249] : memref<80000xf32, #tpu.memory_space<vmem>>[vector<16xi32>], vector<16xf32>,
        %parallel_loop3A_251 = arith.constant 7 : i32
        %parallel_loop3A_252 = vector.broadcast %parallel_loop3A_251 : i32 to vector<16xi32>
        %parallel_loop3A_253 = arith.addi %parallel_loop3A_215, %parallel_loop3A_252 : vector<16xi32>
        %parallel_loop3A_254 = tpu.vector_load_idx %arg5[%parallel_loop3A_253] : memref<80000xf32, #tpu.memory_space<vmem>>[vector<16xi32>], vector<16xf32>,
        %parallel_loop3A_255 = arith.constant 0 : i32
        %parallel_loop3A_256 = vector.broadcast %parallel_loop3A_255 : i32 to vector<16xi32>
        %parallel_loop3A_257 = arith.addi %parallel_loop3A_222, %parallel_loop3A_256 : vector<16xi32>
        %parallel_loop3A_258 = tpu.vector_load_idx %arg5[%parallel_loop3A_257] : memref<80000xf32, #tpu.memory_space<vmem>>[vector<16xi32>], vector<16xf32>,
        %parallel_loop3A_259 = arith.constant 1 : i32
        %parallel_loop3A_260 = vector.broadcast %parallel_loop3A_259 : i32 to vector<16xi32>
        %parallel_loop3A_261 = arith.addi %parallel_loop3A_222, %parallel_loop3A_260 : vector<16xi32>
        %parallel_loop3A_262 = tpu.vector_load_idx %arg5[%parallel_loop3A_261] : memref<80000xf32, #tpu.memory_space<vmem>>[vector<16xi32>], vector<16xf32>,
        %parallel_loop3A_263 = arith.constant 2 : i32
        %parallel_loop3A_264 = vector.broadcast %parallel_loop3A_263 : i32 to vector<16xi32>
        %parallel_loop3A_265 = arith.addi %parallel_loop3A_222, %parallel_loop3A_264 : vector<16xi32>
        %parallel_loop3A_266 = tpu.vector_load_idx %arg5[%parallel_loop3A_265] : memref<80000xf32, #tpu.memory_space<vmem>>[vector<16xi32>], vector<16xf32>,
        %parallel_loop3A_267 = arith.constant 3 : i32
        %parallel_loop3A_268 = vector.broadcast %parallel_loop3A_267 : i32 to vector<16xi32>
        %parallel_loop3A_269 = arith.addi %parallel_loop3A_222, %parallel_loop3A_268 : vector<16xi32>
        %parallel_loop3A_270 = tpu.vector_load_idx %arg5[%parallel_loop3A_269] : memref<80000xf32, #tpu.memory_space<vmem>>[vector<16xi32>], vector<16xf32>,
        %parallel_loop3A_271 = arith.constant 4 : i32
        %parallel_loop3A_272 = vector.broadcast %parallel_loop3A_271 : i32 to vector<16xi32>
        %parallel_loop3A_273 = arith.addi %parallel_loop3A_222, %parallel_loop3A_272 : vector<16xi32>
        %parallel_loop3A_274 = tpu.vector_load_idx %arg5[%parallel_loop3A_273] : memref<80000xf32, #tpu.memory_space<vmem>>[vector<16xi32>], vector<16xf32>,
        %parallel_loop3A_275 = arith.constant 5 : i32
        %parallel_loop3A_276 = vector.broadcast %parallel_loop3A_275 : i32 to vector<16xi32>
        %parallel_loop3A_277 = arith.addi %parallel_loop3A_222, %parallel_loop3A_276 : vector<16xi32>
        %parallel_loop3A_278 = tpu.vector_load_idx %arg5[%parallel_loop3A_277] : memref<80000xf32, #tpu.memory_space<vmem>>[vector<16xi32>], vector<16xf32>,
        %parallel_loop3A_279 = arith.constant 6 : i32
        %parallel_loop3A_280 = vector.broadcast %parallel_loop3A_279 : i32 to vector<16xi32>
        %parallel_loop3A_281 = arith.addi %parallel_loop3A_222, %parallel_loop3A_280 : vector<16xi32>
        %parallel_loop3A_282 = tpu.vector_load_idx %arg5[%parallel_loop3A_281] : memref<80000xf32, #tpu.memory_space<vmem>>[vector<16xi32>], vector<16xf32>,
        %parallel_loop3A_283 = arith.constant 7 : i32
        %parallel_loop3A_284 = vector.broadcast %parallel_loop3A_283 : i32 to vector<16xi32>
        %parallel_loop3A_285 = arith.addi %parallel_loop3A_222, %parallel_loop3A_284 : vector<16xi32>
        %parallel_loop3A_286 = tpu.vector_load_idx %arg5[%parallel_loop3A_285] : memref<80000xf32, #tpu.memory_space<vmem>>[vector<16xi32>], vector<16xf32>,
        %parallel_loop3A_287 = arith.mulf %parallel_loop3A_226, %parallel_loop3A_258 : vector<16xf32>
        %parallel_loop3A_288 = arith.constant 16 : i32
        %parallel_loop3A_289 = arith.muli %parallel_loop3A_208, %parallel_loop3A_288 : i32
        %parallel_loop3A_290 = arith.constant 0 : i32
        %parallel_loop3A_291 = arith.index_cast %parallel_loop3A_290 : i32 to index
        %parallel_loop3A_292 = arith.index_cast %parallel_loop3A_289 : i32 to index
        %parallel_loop3A_293 = tpu.vector_load %arg14[%parallel_loop3A_291, %parallel_loop3A_292] {strides = array<i32>} : memref<64x128xf32, #tpu.memory_space<vmem>>, vector<16xf32>,
        tpu.vector_store %arg14[%parallel_loop3A_291, %parallel_loop3A_292], %parallel_loop3A_287 {strides = array<i32>} : memref<64x128xf32, #tpu.memory_space<vmem>>, vector<16xf32>,
        %parallel_loop3A_294 = arith.mulf %parallel_loop3A_226, %parallel_loop3A_262 : vector<16xf32>
        %parallel_loop3A_295 = arith.constant 16 : i32
        %parallel_loop3A_296 = arith.muli %parallel_loop3A_208, %parallel_loop3A_295 : i32
        %parallel_loop3A_297 = arith.constant 1 : i32
        %parallel_loop3A_298 = arith.index_cast %parallel_loop3A_297 : i32 to index
        %parallel_loop3A_299 = arith.index_cast %parallel_loop3A_296 : i32 to index
        %parallel_loop3A_300 = tpu.vector_load %arg14[%parallel_loop3A_298, %parallel_loop3A_299] {strides = array<i32>} : memref<64x128xf32, #tpu.memory_space<vmem>>, vector<16xf32>,
        tpu.vector_store %arg14[%parallel_loop3A_298, %parallel_loop3A_299], %parallel_loop3A_294 {strides = array<i32>} : memref<64x128xf32, #tpu.memory_space<vmem>>, vector<16xf32>,
        %parallel_loop3A_301 = arith.mulf %parallel_loop3A_226, %parallel_loop3A_266 : vector<16xf32>
        %parallel_loop3A_302 = arith.constant 16 : i32
        %parallel_loop3A_303 = arith.muli %parallel_loop3A_208, %parallel_loop3A_302 : i32
        %parallel_loop3A_304 = arith.constant 2 : i32
        %parallel_loop3A_305 = arith.index_cast %parallel_loop3A_304 : i32 to index
        %parallel_loop3A_306 = arith.index_cast %parallel_loop3A_303 : i32 to index
        %parallel_loop3A_307 = tpu.vector_load %arg14[%parallel_loop3A_305, %parallel_loop3A_306] {strides = array<i32>} : memref<64x128xf32, #tpu.memory_space<vmem>>, vector<16xf32>,
        tpu.vector_store %arg14[%parallel_loop3A_305, %parallel_loop3A_306], %parallel_loop3A_301 {strides = array<i32>} : memref<64x128xf32, #tpu.memory_space<vmem>>, vector<16xf32>,
        %parallel_loop3A_308 = arith.mulf %parallel_loop3A_226, %parallel_loop3A_270 : vector<16xf32>
        %parallel_loop3A_309 = arith.constant 16 : i32
        %parallel_loop3A_310 = arith.muli %parallel_loop3A_208, %parallel_loop3A_309 : i32
        %parallel_loop3A_311 = arith.constant 3 : i32
        %parallel_loop3A_312 = arith.index_cast %parallel_loop3A_311 : i32 to index
        %parallel_loop3A_313 = arith.index_cast %parallel_loop3A_310 : i32 to index
        %parallel_loop3A_314 = tpu.vector_load %arg14[%parallel_loop3A_312, %parallel_loop3A_313] {strides = array<i32>} : memref<64x128xf32, #tpu.memory_space<vmem>>, vector<16xf32>,
        tpu.vector_store %arg14[%parallel_loop3A_312, %parallel_loop3A_313], %parallel_loop3A_308 {strides = array<i32>} : memref<64x128xf32, #tpu.memory_space<vmem>>, vector<16xf32>,
        %parallel_loop3A_315 = arith.mulf %parallel_loop3A_226, %parallel_loop3A_274 : vector<16xf32>
        %parallel_loop3A_316 = arith.constant 16 : i32
        %parallel_loop3A_317 = arith.muli %parallel_loop3A_208, %parallel_loop3A_316 : i32
        %parallel_loop3A_318 = arith.constant 4 : i32
        %parallel_loop3A_319 = arith.index_cast %parallel_loop3A_318 : i32 to index
        %parallel_loop3A_320 = arith.index_cast %parallel_loop3A_317 : i32 to index
        %parallel_loop3A_321 = tpu.vector_load %arg14[%parallel_loop3A_319, %parallel_loop3A_320] {strides = array<i32>} : memref<64x128xf32, #tpu.memory_space<vmem>>, vector<16xf32>,
        tpu.vector_store %arg14[%parallel_loop3A_319, %parallel_loop3A_320], %parallel_loop3A_315 {strides = array<i32>} : memref<64x128xf32, #tpu.memory_space<vmem>>, vector<16xf32>,
        %parallel_loop3A_322 = arith.mulf %parallel_loop3A_226, %parallel_loop3A_278 : vector<16xf32>
        %parallel_loop3A_323 = arith.constant 16 : i32
        %parallel_loop3A_324 = arith.muli %parallel_loop3A_208, %parallel_loop3A_323 : i32
        %parallel_loop3A_325 = arith.constant 5 : i32
        %parallel_loop3A_326 = arith.index_cast %parallel_loop3A_325 : i32 to index
        %parallel_loop3A_327 = arith.index_cast %parallel_loop3A_324 : i32 to index
        %parallel_loop3A_328 = tpu.vector_load %arg14[%parallel_loop3A_326, %parallel_loop3A_327] {strides = array<i32>} : memref<64x128xf32, #tpu.memory_space<vmem>>, vector<16xf32>,
        tpu.vector_store %arg14[%parallel_loop3A_326, %parallel_loop3A_327], %parallel_loop3A_322 {strides = array<i32>} : memref<64x128xf32, #tpu.memory_space<vmem>>, vector<16xf32>,
        %parallel_loop3A_329 = arith.mulf %parallel_loop3A_226, %parallel_loop3A_282 : vector<16xf32>
        %parallel_loop3A_330 = arith.constant 16 : i32
        %parallel_loop3A_331 = arith.muli %parallel_loop3A_208, %parallel_loop3A_330 : i32
        %parallel_loop3A_332 = arith.constant 6 : i32
        %parallel_loop3A_333 = arith.index_cast %parallel_loop3A_332 : i32 to index
        %parallel_loop3A_334 = arith.index_cast %parallel_loop3A_331 : i32 to index
        %parallel_loop3A_335 = tpu.vector_load %arg14[%parallel_loop3A_333, %parallel_loop3A_334] {strides = array<i32>} : memref<64x128xf32, #tpu.memory_space<vmem>>, vector<16xf32>,
        tpu.vector_store %arg14[%parallel_loop3A_333, %parallel_loop3A_334], %parallel_loop3A_329 {strides = array<i32>} : memref<64x128xf32, #tpu.memory_space<vmem>>, vector<16xf32>,
        %parallel_loop3A_336 = arith.mulf %parallel_loop3A_226, %parallel_loop3A_286 : vector<16xf32>
        %parallel_loop3A_337 = arith.constant 16 : i32
        %parallel_loop3A_338 = arith.muli %parallel_loop3A_208, %parallel_loop3A_337 : i32
        %parallel_loop3A_339 = arith.constant 7 : i32
        %parallel_loop3A_340 = arith.index_cast %parallel_loop3A_339 : i32 to index
        %parallel_loop3A_341 = arith.index_cast %parallel_loop3A_338 : i32 to index
        %parallel_loop3A_342 = tpu.vector_load %arg14[%parallel_loop3A_340, %parallel_loop3A_341] {strides = array<i32>} : memref<64x128xf32, #tpu.memory_space<vmem>>, vector<16xf32>,
        tpu.vector_store %arg14[%parallel_loop3A_340, %parallel_loop3A_341], %parallel_loop3A_336 {strides = array<i32>} : memref<64x128xf32, #tpu.memory_space<vmem>>, vector<16xf32>,
        %parallel_loop3A_343 = arith.mulf %parallel_loop3A_230, %parallel_loop3A_258 : vector<16xf32>
        %parallel_loop3A_344 = arith.constant 16 : i32
        %parallel_loop3A_345 = arith.muli %parallel_loop3A_208, %parallel_loop3A_344 : i32
        %parallel_loop3A_346 = arith.constant 8 : i32
        %parallel_loop3A_347 = arith.index_cast %parallel_loop3A_346 : i32 to index
        %parallel_loop3A_348 = arith.index_cast %parallel_loop3A_345 : i32 to index
        %parallel_loop3A_349 = tpu.vector_load %arg14[%parallel_loop3A_347, %parallel_loop3A_348] {strides = array<i32>} : memref<64x128xf32, #tpu.memory_space<vmem>>, vector<16xf32>,
        tpu.vector_store %arg14[%parallel_loop3A_347, %parallel_loop3A_348], %parallel_loop3A_343 {strides = array<i32>} : memref<64x128xf32, #tpu.memory_space<vmem>>, vector<16xf32>,
        %parallel_loop3A_350 = arith.mulf %parallel_loop3A_230, %parallel_loop3A_262 : vector<16xf32>
        %parallel_loop3A_351 = arith.constant 16 : i32
        %parallel_loop3A_352 = arith.muli %parallel_loop3A_208, %parallel_loop3A_351 : i32
        %parallel_loop3A_353 = arith.constant 9 : i32
        %parallel_loop3A_354 = arith.index_cast %parallel_loop3A_353 : i32 to index
        %parallel_loop3A_355 = arith.index_cast %parallel_loop3A_352 : i32 to index
        %parallel_loop3A_356 = tpu.vector_load %arg14[%parallel_loop3A_354, %parallel_loop3A_355] {strides = array<i32>} : memref<64x128xf32, #tpu.memory_space<vmem>>, vector<16xf32>,
        tpu.vector_store %arg14[%parallel_loop3A_354, %parallel_loop3A_355], %parallel_loop3A_350 {strides = array<i32>} : memref<64x128xf32, #tpu.memory_space<vmem>>, vector<16xf32>,
        %parallel_loop3A_357 = arith.mulf %parallel_loop3A_230, %parallel_loop3A_266 : vector<16xf32>
        %parallel_loop3A_358 = arith.constant 16 : i32
        %parallel_loop3A_359 = arith.muli %parallel_loop3A_208, %parallel_loop3A_358 : i32
        %parallel_loop3A_360 = arith.constant 10 : i32
        %parallel_loop3A_361 = arith.index_cast %parallel_loop3A_360 : i32 to index
        %parallel_loop3A_362 = arith.index_cast %parallel_loop3A_359 : i32 to index
        %parallel_loop3A_363 = tpu.vector_load %arg14[%parallel_loop3A_361, %parallel_loop3A_362] {strides = array<i32>} : memref<64x128xf32, #tpu.memory_space<vmem>>, vector<16xf32>,
        tpu.vector_store %arg14[%parallel_loop3A_361, %parallel_loop3A_362], %parallel_loop3A_357 {strides = array<i32>} : memref<64x128xf32, #tpu.memory_space<vmem>>, vector<16xf32>,
        %parallel_loop3A_364 = arith.mulf %parallel_loop3A_230, %parallel_loop3A_270 : vector<16xf32>
        %parallel_loop3A_365 = arith.constant 16 : i32
        %parallel_loop3A_366 = arith.muli %parallel_loop3A_208, %parallel_loop3A_365 : i32
        %parallel_loop3A_367 = arith.constant 11 : i32
        %parallel_loop3A_368 = arith.index_cast %parallel_loop3A_367 : i32 to index
        %parallel_loop3A_369 = arith.index_cast %parallel_loop3A_366 : i32 to index
        %parallel_loop3A_370 = tpu.vector_load %arg14[%parallel_loop3A_368, %parallel_loop3A_369] {strides = array<i32>} : memref<64x128xf32, #tpu.memory_space<vmem>>, vector<16xf32>,
        tpu.vector_store %arg14[%parallel_loop3A_368, %parallel_loop3A_369], %parallel_loop3A_364 {strides = array<i32>} : memref<64x128xf32, #tpu.memory_space<vmem>>, vector<16xf32>,
        %parallel_loop3A_371 = arith.mulf %parallel_loop3A_230, %parallel_loop3A_274 : vector<16xf32>
        %parallel_loop3A_372 = arith.constant 16 : i32
        %parallel_loop3A_373 = arith.muli %parallel_loop3A_208, %parallel_loop3A_372 : i32
        %parallel_loop3A_374 = arith.constant 12 : i32
        %parallel_loop3A_375 = arith.index_cast %parallel_loop3A_374 : i32 to index
        %parallel_loop3A_376 = arith.index_cast %parallel_loop3A_373 : i32 to index
        %parallel_loop3A_377 = tpu.vector_load %arg14[%parallel_loop3A_375, %parallel_loop3A_376] {strides = array<i32>} : memref<64x128xf32, #tpu.memory_space<vmem>>, vector<16xf32>,
        tpu.vector_store %arg14[%parallel_loop3A_375, %parallel_loop3A_376], %parallel_loop3A_371 {strides = array<i32>} : memref<64x128xf32, #tpu.memory_space<vmem>>, vector<16xf32>,
        %parallel_loop3A_378 = arith.mulf %parallel_loop3A_230, %parallel_loop3A_278 : vector<16xf32>
        %parallel_loop3A_379 = arith.constant 16 : i32
        %parallel_loop3A_380 = arith.muli %parallel_loop3A_208, %parallel_loop3A_379 : i32
        %parallel_loop3A_381 = arith.constant 13 : i32
        %parallel_loop3A_382 = arith.index_cast %parallel_loop3A_381 : i32 to index
        %parallel_loop3A_383 = arith.index_cast %parallel_loop3A_380 : i32 to index
        %parallel_loop3A_384 = tpu.vector_load %arg14[%parallel_loop3A_382, %parallel_loop3A_383] {strides = array<i32>} : memref<64x128xf32, #tpu.memory_space<vmem>>, vector<16xf32>,
        tpu.vector_store %arg14[%parallel_loop3A_382, %parallel_loop3A_383], %parallel_loop3A_378 {strides = array<i32>} : memref<64x128xf32, #tpu.memory_space<vmem>>, vector<16xf32>,
        %parallel_loop3A_385 = arith.mulf %parallel_loop3A_230, %parallel_loop3A_282 : vector<16xf32>
        %parallel_loop3A_386 = arith.constant 16 : i32
        %parallel_loop3A_387 = arith.muli %parallel_loop3A_208, %parallel_loop3A_386 : i32
        %parallel_loop3A_388 = arith.constant 14 : i32
        %parallel_loop3A_389 = arith.index_cast %parallel_loop3A_388 : i32 to index
        %parallel_loop3A_390 = arith.index_cast %parallel_loop3A_387 : i32 to index
        %parallel_loop3A_391 = tpu.vector_load %arg14[%parallel_loop3A_389, %parallel_loop3A_390] {strides = array<i32>} : memref<64x128xf32, #tpu.memory_space<vmem>>, vector<16xf32>,
        tpu.vector_store %arg14[%parallel_loop3A_389, %parallel_loop3A_390], %parallel_loop3A_385 {strides = array<i32>} : memref<64x128xf32, #tpu.memory_space<vmem>>, vector<16xf32>,
        %parallel_loop3A_392 = arith.mulf %parallel_loop3A_230, %parallel_loop3A_286 : vector<16xf32>
        %parallel_loop3A_393 = arith.constant 16 : i32
        %parallel_loop3A_394 = arith.muli %parallel_loop3A_208, %parallel_loop3A_393 : i32
        %parallel_loop3A_395 = arith.constant 15 : i32
        %parallel_loop3A_396 = arith.index_cast %parallel_loop3A_395 : i32 to index
        %parallel_loop3A_397 = arith.index_cast %parallel_loop3A_394 : i32 to index
        %parallel_loop3A_398 = tpu.vector_load %arg14[%parallel_loop3A_396, %parallel_loop3A_397] {strides = array<i32>} : memref<64x128xf32, #tpu.memory_space<vmem>>, vector<16xf32>,
        tpu.vector_store %arg14[%parallel_loop3A_396, %parallel_loop3A_397], %parallel_loop3A_392 {strides = array<i32>} : memref<64x128xf32, #tpu.memory_space<vmem>>, vector<16xf32>,
        %parallel_loop3A_399 = arith.mulf %parallel_loop3A_234, %parallel_loop3A_258 : vector<16xf32>
        %parallel_loop3A_400 = arith.constant 16 : i32
        %parallel_loop3A_401 = arith.muli %parallel_loop3A_208, %parallel_loop3A_400 : i32
        %parallel_loop3A_402 = arith.constant 16 : i32
        %parallel_loop3A_403 = arith.index_cast %parallel_loop3A_402 : i32 to index
        %parallel_loop3A_404 = arith.index_cast %parallel_loop3A_401 : i32 to index
        %parallel_loop3A_405 = tpu.vector_load %arg14[%parallel_loop3A_403, %parallel_loop3A_404] {strides = array<i32>} : memref<64x128xf32, #tpu.memory_space<vmem>>, vector<16xf32>,
        tpu.vector_store %arg14[%parallel_loop3A_403, %parallel_loop3A_404], %parallel_loop3A_399 {strides = array<i32>} : memref<64x128xf32, #tpu.memory_space<vmem>>, vector<16xf32>,
        %parallel_loop3A_406 = arith.mulf %parallel_loop3A_234, %parallel_loop3A_262 : vector<16xf32>
        %parallel_loop3A_407 = arith.constant 16 : i32
        %parallel_loop3A_408 = arith.muli %parallel_loop3A_208, %parallel_loop3A_407 : i32
        %parallel_loop3A_409 = arith.constant 17 : i32
        %parallel_loop3A_410 = arith.index_cast %parallel_loop3A_409 : i32 to index
        %parallel_loop3A_411 = arith.index_cast %parallel_loop3A_408 : i32 to index
        %parallel_loop3A_412 = tpu.vector_load %arg14[%parallel_loop3A_410, %parallel_loop3A_411] {strides = array<i32>} : memref<64x128xf32, #tpu.memory_space<vmem>>, vector<16xf32>,
        tpu.vector_store %arg14[%parallel_loop3A_410, %parallel_loop3A_411], %parallel_loop3A_406 {strides = array<i32>} : memref<64x128xf32, #tpu.memory_space<vmem>>, vector<16xf32>,
        %parallel_loop3A_413 = arith.mulf %parallel_loop3A_234, %parallel_loop3A_266 : vector<16xf32>
        %parallel_loop3A_414 = arith.constant 16 : i32
        %parallel_loop3A_415 = arith.muli %parallel_loop3A_208, %parallel_loop3A_414 : i32
        %parallel_loop3A_416 = arith.constant 18 : i32
        %parallel_loop3A_417 = arith.index_cast %parallel_loop3A_416 : i32 to index
        %parallel_loop3A_418 = arith.index_cast %parallel_loop3A_415 : i32 to index
        %parallel_loop3A_419 = tpu.vector_load %arg14[%parallel_loop3A_417, %parallel_loop3A_418] {strides = array<i32>} : memref<64x128xf32, #tpu.memory_space<vmem>>, vector<16xf32>,
        tpu.vector_store %arg14[%parallel_loop3A_417, %parallel_loop3A_418], %parallel_loop3A_413 {strides = array<i32>} : memref<64x128xf32, #tpu.memory_space<vmem>>, vector<16xf32>,
        %parallel_loop3A_420 = arith.mulf %parallel_loop3A_234, %parallel_loop3A_270 : vector<16xf32>
        %parallel_loop3A_421 = arith.constant 16 : i32
        %parallel_loop3A_422 = arith.muli %parallel_loop3A_208, %parallel_loop3A_421 : i32
        %parallel_loop3A_423 = arith.constant 19 : i32
        %parallel_loop3A_424 = arith.index_cast %parallel_loop3A_423 : i32 to index
        %parallel_loop3A_425 = arith.index_cast %parallel_loop3A_422 : i32 to index
        %parallel_loop3A_426 = tpu.vector_load %arg14[%parallel_loop3A_424, %parallel_loop3A_425] {strides = array<i32>} : memref<64x128xf32, #tpu.memory_space<vmem>>, vector<16xf32>,
        tpu.vector_store %arg14[%parallel_loop3A_424, %parallel_loop3A_425], %parallel_loop3A_420 {strides = array<i32>} : memref<64x128xf32, #tpu.memory_space<vmem>>, vector<16xf32>,
        %parallel_loop3A_427 = arith.mulf %parallel_loop3A_234, %parallel_loop3A_274 : vector<16xf32>
        %parallel_loop3A_428 = arith.constant 16 : i32
        %parallel_loop3A_429 = arith.muli %parallel_loop3A_208, %parallel_loop3A_428 : i32
        %parallel_loop3A_430 = arith.constant 20 : i32
        %parallel_loop3A_431 = arith.index_cast %parallel_loop3A_430 : i32 to index
        %parallel_loop3A_432 = arith.index_cast %parallel_loop3A_429 : i32 to index
        %parallel_loop3A_433 = tpu.vector_load %arg14[%parallel_loop3A_431, %parallel_loop3A_432] {strides = array<i32>} : memref<64x128xf32, #tpu.memory_space<vmem>>, vector<16xf32>,
        tpu.vector_store %arg14[%parallel_loop3A_431, %parallel_loop3A_432], %parallel_loop3A_427 {strides = array<i32>} : memref<64x128xf32, #tpu.memory_space<vmem>>, vector<16xf32>,
        %parallel_loop3A_434 = arith.mulf %parallel_loop3A_234, %parallel_loop3A_278 : vector<16xf32>
        %parallel_loop3A_435 = arith.constant 16 : i32
        %parallel_loop3A_436 = arith.muli %parallel_loop3A_208, %parallel_loop3A_435 : i32
        %parallel_loop3A_437 = arith.constant 21 : i32
        %parallel_loop3A_438 = arith.index_cast %parallel_loop3A_437 : i32 to index
        %parallel_loop3A_439 = arith.index_cast %parallel_loop3A_436 : i32 to index
        %parallel_loop3A_440 = tpu.vector_load %arg14[%parallel_loop3A_438, %parallel_loop3A_439] {strides = array<i32>} : memref<64x128xf32, #tpu.memory_space<vmem>>, vector<16xf32>,
        tpu.vector_store %arg14[%parallel_loop3A_438, %parallel_loop3A_439], %parallel_loop3A_434 {strides = array<i32>} : memref<64x128xf32, #tpu.memory_space<vmem>>, vector<16xf32>,
        %parallel_loop3A_441 = arith.mulf %parallel_loop3A_234, %parallel_loop3A_282 : vector<16xf32>
        %parallel_loop3A_442 = arith.constant 16 : i32
        %parallel_loop3A_443 = arith.muli %parallel_loop3A_208, %parallel_loop3A_442 : i32
        %parallel_loop3A_444 = arith.constant 22 : i32
        %parallel_loop3A_445 = arith.index_cast %parallel_loop3A_444 : i32 to index
        %parallel_loop3A_446 = arith.index_cast %parallel_loop3A_443 : i32 to index
        %parallel_loop3A_447 = tpu.vector_load %arg14[%parallel_loop3A_445, %parallel_loop3A_446] {strides = array<i32>} : memref<64x128xf32, #tpu.memory_space<vmem>>, vector<16xf32>,
        tpu.vector_store %arg14[%parallel_loop3A_445, %parallel_loop3A_446], %parallel_loop3A_441 {strides = array<i32>} : memref<64x128xf32, #tpu.memory_space<vmem>>, vector<16xf32>,
        %parallel_loop3A_448 = arith.mulf %parallel_loop3A_234, %parallel_loop3A_286 : vector<16xf32>
        %parallel_loop3A_449 = arith.constant 16 : i32
        %parallel_loop3A_450 = arith.muli %parallel_loop3A_208, %parallel_loop3A_449 : i32
        %parallel_loop3A_451 = arith.constant 23 : i32
        %parallel_loop3A_452 = arith.index_cast %parallel_loop3A_451 : i32 to index
        %parallel_loop3A_453 = arith.index_cast %parallel_loop3A_450 : i32 to index
        %parallel_loop3A_454 = tpu.vector_load %arg14[%parallel_loop3A_452, %parallel_loop3A_453] {strides = array<i32>} : memref<64x128xf32, #tpu.memory_space<vmem>>, vector<16xf32>,
        tpu.vector_store %arg14[%parallel_loop3A_452, %parallel_loop3A_453], %parallel_loop3A_448 {strides = array<i32>} : memref<64x128xf32, #tpu.memory_space<vmem>>, vector<16xf32>,
        %parallel_loop3A_455 = arith.mulf %parallel_loop3A_238, %parallel_loop3A_258 : vector<16xf32>
        %parallel_loop3A_456 = arith.constant 16 : i32
        %parallel_loop3A_457 = arith.muli %parallel_loop3A_208, %parallel_loop3A_456 : i32
        %parallel_loop3A_458 = arith.constant 24 : i32
        %parallel_loop3A_459 = arith.index_cast %parallel_loop3A_458 : i32 to index
        %parallel_loop3A_460 = arith.index_cast %parallel_loop3A_457 : i32 to index
        %parallel_loop3A_461 = tpu.vector_load %arg14[%parallel_loop3A_459, %parallel_loop3A_460] {strides = array<i32>} : memref<64x128xf32, #tpu.memory_space<vmem>>, vector<16xf32>,
        tpu.vector_store %arg14[%parallel_loop3A_459, %parallel_loop3A_460], %parallel_loop3A_455 {strides = array<i32>} : memref<64x128xf32, #tpu.memory_space<vmem>>, vector<16xf32>,
        %parallel_loop3A_462 = arith.mulf %parallel_loop3A_238, %parallel_loop3A_262 : vector<16xf32>
        %parallel_loop3A_463 = arith.constant 16 : i32
        %parallel_loop3A_464 = arith.muli %parallel_loop3A_208, %parallel_loop3A_463 : i32
        %parallel_loop3A_465 = arith.constant 25 : i32
        %parallel_loop3A_466 = arith.index_cast %parallel_loop3A_465 : i32 to index
        %parallel_loop3A_467 = arith.index_cast %parallel_loop3A_464 : i32 to index
        %parallel_loop3A_468 = tpu.vector_load %arg14[%parallel_loop3A_466, %parallel_loop3A_467] {strides = array<i32>} : memref<64x128xf32, #tpu.memory_space<vmem>>, vector<16xf32>,
        tpu.vector_store %arg14[%parallel_loop3A_466, %parallel_loop3A_467], %parallel_loop3A_462 {strides = array<i32>} : memref<64x128xf32, #tpu.memory_space<vmem>>, vector<16xf32>,
        %parallel_loop3A_469 = arith.mulf %parallel_loop3A_238, %parallel_loop3A_266 : vector<16xf32>
        %parallel_loop3A_470 = arith.constant 16 : i32
        %parallel_loop3A_471 = arith.muli %parallel_loop3A_208, %parallel_loop3A_470 : i32
        %parallel_loop3A_472 = arith.constant 26 : i32
        %parallel_loop3A_473 = arith.index_cast %parallel_loop3A_472 : i32 to index
        %parallel_loop3A_474 = arith.index_cast %parallel_loop3A_471 : i32 to index
        %parallel_loop3A_475 = tpu.vector_load %arg14[%parallel_loop3A_473, %parallel_loop3A_474] {strides = array<i32>} : memref<64x128xf32, #tpu.memory_space<vmem>>, vector<16xf32>,
        tpu.vector_store %arg14[%parallel_loop3A_473, %parallel_loop3A_474], %parallel_loop3A_469 {strides = array<i32>} : memref<64x128xf32, #tpu.memory_space<vmem>>, vector<16xf32>,
        %parallel_loop3A_476 = arith.mulf %parallel_loop3A_238, %parallel_loop3A_270 : vector<16xf32>
        %parallel_loop3A_477 = arith.constant 16 : i32
        %parallel_loop3A_478 = arith.muli %parallel_loop3A_208, %parallel_loop3A_477 : i32
        %parallel_loop3A_479 = arith.constant 27 : i32
        %parallel_loop3A_480 = arith.index_cast %parallel_loop3A_479 : i32 to index
        %parallel_loop3A_481 = arith.index_cast %parallel_loop3A_478 : i32 to index
        %parallel_loop3A_482 = tpu.vector_load %arg14[%parallel_loop3A_480, %parallel_loop3A_481] {strides = array<i32>} : memref<64x128xf32, #tpu.memory_space<vmem>>, vector<16xf32>,
        tpu.vector_store %arg14[%parallel_loop3A_480, %parallel_loop3A_481], %parallel_loop3A_476 {strides = array<i32>} : memref<64x128xf32, #tpu.memory_space<vmem>>, vector<16xf32>,
        %parallel_loop3A_483 = arith.mulf %parallel_loop3A_238, %parallel_loop3A_274 : vector<16xf32>
        %parallel_loop3A_484 = arith.constant 16 : i32
        %parallel_loop3A_485 = arith.muli %parallel_loop3A_208, %parallel_loop3A_484 : i32
        %parallel_loop3A_486 = arith.constant 28 : i32
        %parallel_loop3A_487 = arith.index_cast %parallel_loop3A_486 : i32 to index
        %parallel_loop3A_488 = arith.index_cast %parallel_loop3A_485 : i32 to index
        %parallel_loop3A_489 = tpu.vector_load %arg14[%parallel_loop3A_487, %parallel_loop3A_488] {strides = array<i32>} : memref<64x128xf32, #tpu.memory_space<vmem>>, vector<16xf32>,
        tpu.vector_store %arg14[%parallel_loop3A_487, %parallel_loop3A_488], %parallel_loop3A_483 {strides = array<i32>} : memref<64x128xf32, #tpu.memory_space<vmem>>, vector<16xf32>,
        %parallel_loop3A_490 = arith.mulf %parallel_loop3A_238, %parallel_loop3A_278 : vector<16xf32>
        %parallel_loop3A_491 = arith.constant 16 : i32
        %parallel_loop3A_492 = arith.muli %parallel_loop3A_208, %parallel_loop3A_491 : i32
        %parallel_loop3A_493 = arith.constant 29 : i32
        %parallel_loop3A_494 = arith.index_cast %parallel_loop3A_493 : i32 to index
        %parallel_loop3A_495 = arith.index_cast %parallel_loop3A_492 : i32 to index
        %parallel_loop3A_496 = tpu.vector_load %arg14[%parallel_loop3A_494, %parallel_loop3A_495] {strides = array<i32>} : memref<64x128xf32, #tpu.memory_space<vmem>>, vector<16xf32>,
        tpu.vector_store %arg14[%parallel_loop3A_494, %parallel_loop3A_495], %parallel_loop3A_490 {strides = array<i32>} : memref<64x128xf32, #tpu.memory_space<vmem>>, vector<16xf32>,
        %parallel_loop3A_497 = arith.mulf %parallel_loop3A_238, %parallel_loop3A_282 : vector<16xf32>
        %parallel_loop3A_498 = arith.constant 16 : i32
        %parallel_loop3A_499 = arith.muli %parallel_loop3A_208, %parallel_loop3A_498 : i32
        %parallel_loop3A_500 = arith.constant 30 : i32
        %parallel_loop3A_501 = arith.index_cast %parallel_loop3A_500 : i32 to index
        %parallel_loop3A_502 = arith.index_cast %parallel_loop3A_499 : i32 to index
        %parallel_loop3A_503 = tpu.vector_load %arg14[%parallel_loop3A_501, %parallel_loop3A_502] {strides = array<i32>} : memref<64x128xf32, #tpu.memory_space<vmem>>, vector<16xf32>,
        tpu.vector_store %arg14[%parallel_loop3A_501, %parallel_loop3A_502], %parallel_loop3A_497 {strides = array<i32>} : memref<64x128xf32, #tpu.memory_space<vmem>>, vector<16xf32>,
        %parallel_loop3A_504 = arith.mulf %parallel_loop3A_238, %parallel_loop3A_286 : vector<16xf32>
        %parallel_loop3A_505 = arith.constant 16 : i32
        %parallel_loop3A_506 = arith.muli %parallel_loop3A_208, %parallel_loop3A_505 : i32
        %parallel_loop3A_507 = arith.constant 31 : i32
        %parallel_loop3A_508 = arith.index_cast %parallel_loop3A_507 : i32 to index
        %parallel_loop3A_509 = arith.index_cast %parallel_loop3A_506 : i32 to index
        %parallel_loop3A_510 = tpu.vector_load %arg14[%parallel_loop3A_508, %parallel_loop3A_509] {strides = array<i32>} : memref<64x128xf32, #tpu.memory_space<vmem>>, vector<16xf32>,
        tpu.vector_store %arg14[%parallel_loop3A_508, %parallel_loop3A_509], %parallel_loop3A_504 {strides = array<i32>} : memref<64x128xf32, #tpu.memory_space<vmem>>, vector<16xf32>,
        %parallel_loop3A_511 = arith.mulf %parallel_loop3A_242, %parallel_loop3A_258 : vector<16xf32>
        %parallel_loop3A_512 = arith.constant 16 : i32
        %parallel_loop3A_513 = arith.muli %parallel_loop3A_208, %parallel_loop3A_512 : i32
        %parallel_loop3A_514 = arith.constant 32 : i32
        %parallel_loop3A_515 = arith.index_cast %parallel_loop3A_514 : i32 to index
        %parallel_loop3A_516 = arith.index_cast %parallel_loop3A_513 : i32 to index
        %parallel_loop3A_517 = tpu.vector_load %arg14[%parallel_loop3A_515, %parallel_loop3A_516] {strides = array<i32>} : memref<64x128xf32, #tpu.memory_space<vmem>>, vector<16xf32>,
        tpu.vector_store %arg14[%parallel_loop3A_515, %parallel_loop3A_516], %parallel_loop3A_511 {strides = array<i32>} : memref<64x128xf32, #tpu.memory_space<vmem>>, vector<16xf32>,
        %parallel_loop3A_518 = arith.mulf %parallel_loop3A_242, %parallel_loop3A_262 : vector<16xf32>
        %parallel_loop3A_519 = arith.constant 16 : i32
        %parallel_loop3A_520 = arith.muli %parallel_loop3A_208, %parallel_loop3A_519 : i32
        %parallel_loop3A_521 = arith.constant 33 : i32
        %parallel_loop3A_522 = arith.index_cast %parallel_loop3A_521 : i32 to index
        %parallel_loop3A_523 = arith.index_cast %parallel_loop3A_520 : i32 to index
        %parallel_loop3A_524 = tpu.vector_load %arg14[%parallel_loop3A_522, %parallel_loop3A_523] {strides = array<i32>} : memref<64x128xf32, #tpu.memory_space<vmem>>, vector<16xf32>,
        tpu.vector_store %arg14[%parallel_loop3A_522, %parallel_loop3A_523], %parallel_loop3A_518 {strides = array<i32>} : memref<64x128xf32, #tpu.memory_space<vmem>>, vector<16xf32>,
        %parallel_loop3A_525 = arith.mulf %parallel_loop3A_242, %parallel_loop3A_266 : vector<16xf32>
        %parallel_loop3A_526 = arith.constant 16 : i32
        %parallel_loop3A_527 = arith.muli %parallel_loop3A_208, %parallel_loop3A_526 : i32
        %parallel_loop3A_528 = arith.constant 34 : i32
        %parallel_loop3A_529 = arith.index_cast %parallel_loop3A_528 : i32 to index
        %parallel_loop3A_530 = arith.index_cast %parallel_loop3A_527 : i32 to index
        %parallel_loop3A_531 = tpu.vector_load %arg14[%parallel_loop3A_529, %parallel_loop3A_530] {strides = array<i32>} : memref<64x128xf32, #tpu.memory_space<vmem>>, vector<16xf32>,
        tpu.vector_store %arg14[%parallel_loop3A_529, %parallel_loop3A_530], %parallel_loop3A_525 {strides = array<i32>} : memref<64x128xf32, #tpu.memory_space<vmem>>, vector<16xf32>,
        %parallel_loop3A_532 = arith.mulf %parallel_loop3A_242, %parallel_loop3A_270 : vector<16xf32>
        %parallel_loop3A_533 = arith.constant 16 : i32
        %parallel_loop3A_534 = arith.muli %parallel_loop3A_208, %parallel_loop3A_533 : i32
        %parallel_loop3A_535 = arith.constant 35 : i32
        %parallel_loop3A_536 = arith.index_cast %parallel_loop3A_535 : i32 to index
        %parallel_loop3A_537 = arith.index_cast %parallel_loop3A_534 : i32 to index
        %parallel_loop3A_538 = tpu.vector_load %arg14[%parallel_loop3A_536, %parallel_loop3A_537] {strides = array<i32>} : memref<64x128xf32, #tpu.memory_space<vmem>>, vector<16xf32>,
        tpu.vector_store %arg14[%parallel_loop3A_536, %parallel_loop3A_537], %parallel_loop3A_532 {strides = array<i32>} : memref<64x128xf32, #tpu.memory_space<vmem>>, vector<16xf32>,
        %parallel_loop3A_539 = arith.mulf %parallel_loop3A_242, %parallel_loop3A_274 : vector<16xf32>
        %parallel_loop3A_540 = arith.constant 16 : i32
        %parallel_loop3A_541 = arith.muli %parallel_loop3A_208, %parallel_loop3A_540 : i32
        %parallel_loop3A_542 = arith.constant 36 : i32
        %parallel_loop3A_543 = arith.index_cast %parallel_loop3A_542 : i32 to index
        %parallel_loop3A_544 = arith.index_cast %parallel_loop3A_541 : i32 to index
        %parallel_loop3A_545 = tpu.vector_load %arg14[%parallel_loop3A_543, %parallel_loop3A_544] {strides = array<i32>} : memref<64x128xf32, #tpu.memory_space<vmem>>, vector<16xf32>,
        tpu.vector_store %arg14[%parallel_loop3A_543, %parallel_loop3A_544], %parallel_loop3A_539 {strides = array<i32>} : memref<64x128xf32, #tpu.memory_space<vmem>>, vector<16xf32>,
        %parallel_loop3A_546 = arith.mulf %parallel_loop3A_242, %parallel_loop3A_278 : vector<16xf32>
        %parallel_loop3A_547 = arith.constant 16 : i32
        %parallel_loop3A_548 = arith.muli %parallel_loop3A_208, %parallel_loop3A_547 : i32
        %parallel_loop3A_549 = arith.constant 37 : i32
        %parallel_loop3A_550 = arith.index_cast %parallel_loop3A_549 : i32 to index
        %parallel_loop3A_551 = arith.index_cast %parallel_loop3A_548 : i32 to index
        %parallel_loop3A_552 = tpu.vector_load %arg14[%parallel_loop3A_550, %parallel_loop3A_551] {strides = array<i32>} : memref<64x128xf32, #tpu.memory_space<vmem>>, vector<16xf32>,
        tpu.vector_store %arg14[%parallel_loop3A_550, %parallel_loop3A_551], %parallel_loop3A_546 {strides = array<i32>} : memref<64x128xf32, #tpu.memory_space<vmem>>, vector<16xf32>,
        %parallel_loop3A_553 = arith.mulf %parallel_loop3A_242, %parallel_loop3A_282 : vector<16xf32>
        %parallel_loop3A_554 = arith.constant 16 : i32
        %parallel_loop3A_555 = arith.muli %parallel_loop3A_208, %parallel_loop3A_554 : i32
        %parallel_loop3A_556 = arith.constant 38 : i32
        %parallel_loop3A_557 = arith.index_cast %parallel_loop3A_556 : i32 to index
        %parallel_loop3A_558 = arith.index_cast %parallel_loop3A_555 : i32 to index
        %parallel_loop3A_559 = tpu.vector_load %arg14[%parallel_loop3A_557, %parallel_loop3A_558] {strides = array<i32>} : memref<64x128xf32, #tpu.memory_space<vmem>>, vector<16xf32>,
        tpu.vector_store %arg14[%parallel_loop3A_557, %parallel_loop3A_558], %parallel_loop3A_553 {strides = array<i32>} : memref<64x128xf32, #tpu.memory_space<vmem>>, vector<16xf32>,
        %parallel_loop3A_560 = arith.mulf %parallel_loop3A_242, %parallel_loop3A_286 : vector<16xf32>
        %parallel_loop3A_561 = arith.constant 16 : i32
        %parallel_loop3A_562 = arith.muli %parallel_loop3A_208, %parallel_loop3A_561 : i32
        %parallel_loop3A_563 = arith.constant 39 : i32
        %parallel_loop3A_564 = arith.index_cast %parallel_loop3A_563 : i32 to index
        %parallel_loop3A_565 = arith.index_cast %parallel_loop3A_562 : i32 to index
        %parallel_loop3A_566 = tpu.vector_load %arg14[%parallel_loop3A_564, %parallel_loop3A_565] {strides = array<i32>} : memref<64x128xf32, #tpu.memory_space<vmem>>, vector<16xf32>,
        tpu.vector_store %arg14[%parallel_loop3A_564, %parallel_loop3A_565], %parallel_loop3A_560 {strides = array<i32>} : memref<64x128xf32, #tpu.memory_space<vmem>>, vector<16xf32>,
        %parallel_loop3A_567 = arith.mulf %parallel_loop3A_246, %parallel_loop3A_258 : vector<16xf32>
        %parallel_loop3A_568 = arith.constant 16 : i32
        %parallel_loop3A_569 = arith.muli %parallel_loop3A_208, %parallel_loop3A_568 : i32
        %parallel_loop3A_570 = arith.constant 40 : i32
        %parallel_loop3A_571 = arith.index_cast %parallel_loop3A_570 : i32 to index
        %parallel_loop3A_572 = arith.index_cast %parallel_loop3A_569 : i32 to index
        %parallel_loop3A_573 = tpu.vector_load %arg14[%parallel_loop3A_571, %parallel_loop3A_572] {strides = array<i32>} : memref<64x128xf32, #tpu.memory_space<vmem>>, vector<16xf32>,
        tpu.vector_store %arg14[%parallel_loop3A_571, %parallel_loop3A_572], %parallel_loop3A_567 {strides = array<i32>} : memref<64x128xf32, #tpu.memory_space<vmem>>, vector<16xf32>,
        %parallel_loop3A_574 = arith.mulf %parallel_loop3A_246, %parallel_loop3A_262 : vector<16xf32>
        %parallel_loop3A_575 = arith.constant 16 : i32
        %parallel_loop3A_576 = arith.muli %parallel_loop3A_208, %parallel_loop3A_575 : i32
        %parallel_loop3A_577 = arith.constant 41 : i32
        %parallel_loop3A_578 = arith.index_cast %parallel_loop3A_577 : i32 to index
        %parallel_loop3A_579 = arith.index_cast %parallel_loop3A_576 : i32 to index
        %parallel_loop3A_580 = tpu.vector_load %arg14[%parallel_loop3A_578, %parallel_loop3A_579] {strides = array<i32>} : memref<64x128xf32, #tpu.memory_space<vmem>>, vector<16xf32>,
        tpu.vector_store %arg14[%parallel_loop3A_578, %parallel_loop3A_579], %parallel_loop3A_574 {strides = array<i32>} : memref<64x128xf32, #tpu.memory_space<vmem>>, vector<16xf32>,
        %parallel_loop3A_581 = arith.mulf %parallel_loop3A_246, %parallel_loop3A_266 : vector<16xf32>
        %parallel_loop3A_582 = arith.constant 16 : i32
        %parallel_loop3A_583 = arith.muli %parallel_loop3A_208, %parallel_loop3A_582 : i32
        %parallel_loop3A_584 = arith.constant 42 : i32
        %parallel_loop3A_585 = arith.index_cast %parallel_loop3A_584 : i32 to index
        %parallel_loop3A_586 = arith.index_cast %parallel_loop3A_583 : i32 to index
        %parallel_loop3A_587 = tpu.vector_load %arg14[%parallel_loop3A_585, %parallel_loop3A_586] {strides = array<i32>} : memref<64x128xf32, #tpu.memory_space<vmem>>, vector<16xf32>,
        tpu.vector_store %arg14[%parallel_loop3A_585, %parallel_loop3A_586], %parallel_loop3A_581 {strides = array<i32>} : memref<64x128xf32, #tpu.memory_space<vmem>>, vector<16xf32>,
        %parallel_loop3A_588 = arith.mulf %parallel_loop3A_246, %parallel_loop3A_270 : vector<16xf32>
        %parallel_loop3A_589 = arith.constant 16 : i32
        %parallel_loop3A_590 = arith.muli %parallel_loop3A_208, %parallel_loop3A_589 : i32
        %parallel_loop3A_591 = arith.constant 43 : i32
        %parallel_loop3A_592 = arith.index_cast %parallel_loop3A_591 : i32 to index
        %parallel_loop3A_593 = arith.index_cast %parallel_loop3A_590 : i32 to index
        %parallel_loop3A_594 = tpu.vector_load %arg14[%parallel_loop3A_592, %parallel_loop3A_593] {strides = array<i32>} : memref<64x128xf32, #tpu.memory_space<vmem>>, vector<16xf32>,
        tpu.vector_store %arg14[%parallel_loop3A_592, %parallel_loop3A_593], %parallel_loop3A_588 {strides = array<i32>} : memref<64x128xf32, #tpu.memory_space<vmem>>, vector<16xf32>,
        %parallel_loop3A_595 = arith.mulf %parallel_loop3A_246, %parallel_loop3A_274 : vector<16xf32>
        %parallel_loop3A_596 = arith.constant 16 : i32
        %parallel_loop3A_597 = arith.muli %parallel_loop3A_208, %parallel_loop3A_596 : i32
        %parallel_loop3A_598 = arith.constant 44 : i32
        %parallel_loop3A_599 = arith.index_cast %parallel_loop3A_598 : i32 to index
        %parallel_loop3A_600 = arith.index_cast %parallel_loop3A_597 : i32 to index
        %parallel_loop3A_601 = tpu.vector_load %arg14[%parallel_loop3A_599, %parallel_loop3A_600] {strides = array<i32>} : memref<64x128xf32, #tpu.memory_space<vmem>>, vector<16xf32>,
        tpu.vector_store %arg14[%parallel_loop3A_599, %parallel_loop3A_600], %parallel_loop3A_595 {strides = array<i32>} : memref<64x128xf32, #tpu.memory_space<vmem>>, vector<16xf32>,
        %parallel_loop3A_602 = arith.mulf %parallel_loop3A_246, %parallel_loop3A_278 : vector<16xf32>
        %parallel_loop3A_603 = arith.constant 16 : i32
        %parallel_loop3A_604 = arith.muli %parallel_loop3A_208, %parallel_loop3A_603 : i32
        %parallel_loop3A_605 = arith.constant 45 : i32
        %parallel_loop3A_606 = arith.index_cast %parallel_loop3A_605 : i32 to index
        %parallel_loop3A_607 = arith.index_cast %parallel_loop3A_604 : i32 to index
        %parallel_loop3A_608 = tpu.vector_load %arg14[%parallel_loop3A_606, %parallel_loop3A_607] {strides = array<i32>} : memref<64x128xf32, #tpu.memory_space<vmem>>, vector<16xf32>,
        tpu.vector_store %arg14[%parallel_loop3A_606, %parallel_loop3A_607], %parallel_loop3A_602 {strides = array<i32>} : memref<64x128xf32, #tpu.memory_space<vmem>>, vector<16xf32>,
        %parallel_loop3A_609 = arith.mulf %parallel_loop3A_246, %parallel_loop3A_282 : vector<16xf32>
        %parallel_loop3A_610 = arith.constant 16 : i32
        %parallel_loop3A_611 = arith.muli %parallel_loop3A_208, %parallel_loop3A_610 : i32
        %parallel_loop3A_612 = arith.constant 46 : i32
        %parallel_loop3A_613 = arith.index_cast %parallel_loop3A_612 : i32 to index
        %parallel_loop3A_614 = arith.index_cast %parallel_loop3A_611 : i32 to index
        %parallel_loop3A_615 = tpu.vector_load %arg14[%parallel_loop3A_613, %parallel_loop3A_614] {strides = array<i32>} : memref<64x128xf32, #tpu.memory_space<vmem>>, vector<16xf32>,
        tpu.vector_store %arg14[%parallel_loop3A_613, %parallel_loop3A_614], %parallel_loop3A_609 {strides = array<i32>} : memref<64x128xf32, #tpu.memory_space<vmem>>, vector<16xf32>,
        %parallel_loop3A_616 = arith.mulf %parallel_loop3A_246, %parallel_loop3A_286 : vector<16xf32>
        %parallel_loop3A_617 = arith.constant 16 : i32
        %parallel_loop3A_618 = arith.muli %parallel_loop3A_208, %parallel_loop3A_617 : i32
        %parallel_loop3A_619 = arith.constant 47 : i32
        %parallel_loop3A_620 = arith.index_cast %parallel_loop3A_619 : i32 to index
        %parallel_loop3A_621 = arith.index_cast %parallel_loop3A_618 : i32 to index
        %parallel_loop3A_622 = tpu.vector_load %arg14[%parallel_loop3A_620, %parallel_loop3A_621] {strides = array<i32>} : memref<64x128xf32, #tpu.memory_space<vmem>>, vector<16xf32>,
        tpu.vector_store %arg14[%parallel_loop3A_620, %parallel_loop3A_621], %parallel_loop3A_616 {strides = array<i32>} : memref<64x128xf32, #tpu.memory_space<vmem>>, vector<16xf32>,
        %parallel_loop3A_623 = arith.mulf %parallel_loop3A_250, %parallel_loop3A_258 : vector<16xf32>
        %parallel_loop3A_624 = arith.constant 16 : i32
        %parallel_loop3A_625 = arith.muli %parallel_loop3A_208, %parallel_loop3A_624 : i32
        %parallel_loop3A_626 = arith.constant 48 : i32
        %parallel_loop3A_627 = arith.index_cast %parallel_loop3A_626 : i32 to index
        %parallel_loop3A_628 = arith.index_cast %parallel_loop3A_625 : i32 to index
        %parallel_loop3A_629 = tpu.vector_load %arg14[%parallel_loop3A_627, %parallel_loop3A_628] {strides = array<i32>} : memref<64x128xf32, #tpu.memory_space<vmem>>, vector<16xf32>,
        tpu.vector_store %arg14[%parallel_loop3A_627, %parallel_loop3A_628], %parallel_loop3A_623 {strides = array<i32>} : memref<64x128xf32, #tpu.memory_space<vmem>>, vector<16xf32>,
        %parallel_loop3A_630 = arith.mulf %parallel_loop3A_250, %parallel_loop3A_262 : vector<16xf32>
        %parallel_loop3A_631 = arith.constant 16 : i32
        %parallel_loop3A_632 = arith.muli %parallel_loop3A_208, %parallel_loop3A_631 : i32
        %parallel_loop3A_633 = arith.constant 49 : i32
        %parallel_loop3A_634 = arith.index_cast %parallel_loop3A_633 : i32 to index
        %parallel_loop3A_635 = arith.index_cast %parallel_loop3A_632 : i32 to index
        %parallel_loop3A_636 = tpu.vector_load %arg14[%parallel_loop3A_634, %parallel_loop3A_635] {strides = array<i32>} : memref<64x128xf32, #tpu.memory_space<vmem>>, vector<16xf32>,
        tpu.vector_store %arg14[%parallel_loop3A_634, %parallel_loop3A_635], %parallel_loop3A_630 {strides = array<i32>} : memref<64x128xf32, #tpu.memory_space<vmem>>, vector<16xf32>,
        %parallel_loop3A_637 = arith.mulf %parallel_loop3A_250, %parallel_loop3A_266 : vector<16xf32>
        %parallel_loop3A_638 = arith.constant 16 : i32
        %parallel_loop3A_639 = arith.muli %parallel_loop3A_208, %parallel_loop3A_638 : i32
        %parallel_loop3A_640 = arith.constant 50 : i32
        %parallel_loop3A_641 = arith.index_cast %parallel_loop3A_640 : i32 to index
        %parallel_loop3A_642 = arith.index_cast %parallel_loop3A_639 : i32 to index
        %parallel_loop3A_643 = tpu.vector_load %arg14[%parallel_loop3A_641, %parallel_loop3A_642] {strides = array<i32>} : memref<64x128xf32, #tpu.memory_space<vmem>>, vector<16xf32>,
        tpu.vector_store %arg14[%parallel_loop3A_641, %parallel_loop3A_642], %parallel_loop3A_637 {strides = array<i32>} : memref<64x128xf32, #tpu.memory_space<vmem>>, vector<16xf32>,
        %parallel_loop3A_644 = arith.mulf %parallel_loop3A_250, %parallel_loop3A_270 : vector<16xf32>
        %parallel_loop3A_645 = arith.constant 16 : i32
        %parallel_loop3A_646 = arith.muli %parallel_loop3A_208, %parallel_loop3A_645 : i32
        %parallel_loop3A_647 = arith.constant 51 : i32
        %parallel_loop3A_648 = arith.index_cast %parallel_loop3A_647 : i32 to index
        %parallel_loop3A_649 = arith.index_cast %parallel_loop3A_646 : i32 to index
        %parallel_loop3A_650 = tpu.vector_load %arg14[%parallel_loop3A_648, %parallel_loop3A_649] {strides = array<i32>} : memref<64x128xf32, #tpu.memory_space<vmem>>, vector<16xf32>,
        tpu.vector_store %arg14[%parallel_loop3A_648, %parallel_loop3A_649], %parallel_loop3A_644 {strides = array<i32>} : memref<64x128xf32, #tpu.memory_space<vmem>>, vector<16xf32>,
        %parallel_loop3A_651 = arith.mulf %parallel_loop3A_250, %parallel_loop3A_274 : vector<16xf32>
        %parallel_loop3A_652 = arith.constant 16 : i32
        %parallel_loop3A_653 = arith.muli %parallel_loop3A_208, %parallel_loop3A_652 : i32
        %parallel_loop3A_654 = arith.constant 52 : i32
        %parallel_loop3A_655 = arith.index_cast %parallel_loop3A_654 : i32 to index
        %parallel_loop3A_656 = arith.index_cast %parallel_loop3A_653 : i32 to index
        %parallel_loop3A_657 = tpu.vector_load %arg14[%parallel_loop3A_655, %parallel_loop3A_656] {strides = array<i32>} : memref<64x128xf32, #tpu.memory_space<vmem>>, vector<16xf32>,
        tpu.vector_store %arg14[%parallel_loop3A_655, %parallel_loop3A_656], %parallel_loop3A_651 {strides = array<i32>} : memref<64x128xf32, #tpu.memory_space<vmem>>, vector<16xf32>,
        %parallel_loop3A_658 = arith.mulf %parallel_loop3A_250, %parallel_loop3A_278 : vector<16xf32>
        %parallel_loop3A_659 = arith.constant 16 : i32
        %parallel_loop3A_660 = arith.muli %parallel_loop3A_208, %parallel_loop3A_659 : i32
        %parallel_loop3A_661 = arith.constant 53 : i32
        %parallel_loop3A_662 = arith.index_cast %parallel_loop3A_661 : i32 to index
        %parallel_loop3A_663 = arith.index_cast %parallel_loop3A_660 : i32 to index
        %parallel_loop3A_664 = tpu.vector_load %arg14[%parallel_loop3A_662, %parallel_loop3A_663] {strides = array<i32>} : memref<64x128xf32, #tpu.memory_space<vmem>>, vector<16xf32>,
        tpu.vector_store %arg14[%parallel_loop3A_662, %parallel_loop3A_663], %parallel_loop3A_658 {strides = array<i32>} : memref<64x128xf32, #tpu.memory_space<vmem>>, vector<16xf32>,
        %parallel_loop3A_665 = arith.mulf %parallel_loop3A_250, %parallel_loop3A_282 : vector<16xf32>
        %parallel_loop3A_666 = arith.constant 16 : i32
        %parallel_loop3A_667 = arith.muli %parallel_loop3A_208, %parallel_loop3A_666 : i32
        %parallel_loop3A_668 = arith.constant 54 : i32
        %parallel_loop3A_669 = arith.index_cast %parallel_loop3A_668 : i32 to index
        %parallel_loop3A_670 = arith.index_cast %parallel_loop3A_667 : i32 to index
        %parallel_loop3A_671 = tpu.vector_load %arg14[%parallel_loop3A_669, %parallel_loop3A_670] {strides = array<i32>} : memref<64x128xf32, #tpu.memory_space<vmem>>, vector<16xf32>,
        tpu.vector_store %arg14[%parallel_loop3A_669, %parallel_loop3A_670], %parallel_loop3A_665 {strides = array<i32>} : memref<64x128xf32, #tpu.memory_space<vmem>>, vector<16xf32>,
        %parallel_loop3A_672 = arith.mulf %parallel_loop3A_250, %parallel_loop3A_286 : vector<16xf32>
        %parallel_loop3A_673 = arith.constant 16 : i32
        %parallel_loop3A_674 = arith.muli %parallel_loop3A_208, %parallel_loop3A_673 : i32
        %parallel_loop3A_675 = arith.constant 55 : i32
        %parallel_loop3A_676 = arith.index_cast %parallel_loop3A_675 : i32 to index
        %parallel_loop3A_677 = arith.index_cast %parallel_loop3A_674 : i32 to index
        %parallel_loop3A_678 = tpu.vector_load %arg14[%parallel_loop3A_676, %parallel_loop3A_677] {strides = array<i32>} : memref<64x128xf32, #tpu.memory_space<vmem>>, vector<16xf32>,
        tpu.vector_store %arg14[%parallel_loop3A_676, %parallel_loop3A_677], %parallel_loop3A_672 {strides = array<i32>} : memref<64x128xf32, #tpu.memory_space<vmem>>, vector<16xf32>,
        %parallel_loop3A_679 = arith.mulf %parallel_loop3A_254, %parallel_loop3A_258 : vector<16xf32>
        %parallel_loop3A_680 = arith.constant 16 : i32
        %parallel_loop3A_681 = arith.muli %parallel_loop3A_208, %parallel_loop3A_680 : i32
        %parallel_loop3A_682 = arith.constant 56 : i32
        %parallel_loop3A_683 = arith.index_cast %parallel_loop3A_682 : i32 to index
        %parallel_loop3A_684 = arith.index_cast %parallel_loop3A_681 : i32 to index
        %parallel_loop3A_685 = tpu.vector_load %arg14[%parallel_loop3A_683, %parallel_loop3A_684] {strides = array<i32>} : memref<64x128xf32, #tpu.memory_space<vmem>>, vector<16xf32>,
        tpu.vector_store %arg14[%parallel_loop3A_683, %parallel_loop3A_684], %parallel_loop3A_679 {strides = array<i32>} : memref<64x128xf32, #tpu.memory_space<vmem>>, vector<16xf32>,
        %parallel_loop3A_686 = arith.mulf %parallel_loop3A_254, %parallel_loop3A_262 : vector<16xf32>
        %parallel_loop3A_687 = arith.constant 16 : i32
        %parallel_loop3A_688 = arith.muli %parallel_loop3A_208, %parallel_loop3A_687 : i32
        %parallel_loop3A_689 = arith.constant 57 : i32
        %parallel_loop3A_690 = arith.index_cast %parallel_loop3A_689 : i32 to index
        %parallel_loop3A_691 = arith.index_cast %parallel_loop3A_688 : i32 to index
        %parallel_loop3A_692 = tpu.vector_load %arg14[%parallel_loop3A_690, %parallel_loop3A_691] {strides = array<i32>} : memref<64x128xf32, #tpu.memory_space<vmem>>, vector<16xf32>,
        tpu.vector_store %arg14[%parallel_loop3A_690, %parallel_loop3A_691], %parallel_loop3A_686 {strides = array<i32>} : memref<64x128xf32, #tpu.memory_space<vmem>>, vector<16xf32>,
        %parallel_loop3A_693 = arith.mulf %parallel_loop3A_254, %parallel_loop3A_266 : vector<16xf32>
        %parallel_loop3A_694 = arith.constant 16 : i32
        %parallel_loop3A_695 = arith.muli %parallel_loop3A_208, %parallel_loop3A_694 : i32
        %parallel_loop3A_696 = arith.constant 58 : i32
        %parallel_loop3A_697 = arith.index_cast %parallel_loop3A_696 : i32 to index
        %parallel_loop3A_698 = arith.index_cast %parallel_loop3A_695 : i32 to index
        %parallel_loop3A_699 = tpu.vector_load %arg14[%parallel_loop3A_697, %parallel_loop3A_698] {strides = array<i32>} : memref<64x128xf32, #tpu.memory_space<vmem>>, vector<16xf32>,
        tpu.vector_store %arg14[%parallel_loop3A_697, %parallel_loop3A_698], %parallel_loop3A_693 {strides = array<i32>} : memref<64x128xf32, #tpu.memory_space<vmem>>, vector<16xf32>,
        %parallel_loop3A_700 = arith.mulf %parallel_loop3A_254, %parallel_loop3A_270 : vector<16xf32>
        %parallel_loop3A_701 = arith.constant 16 : i32
        %parallel_loop3A_702 = arith.muli %parallel_loop3A_208, %parallel_loop3A_701 : i32
        %parallel_loop3A_703 = arith.constant 59 : i32
        %parallel_loop3A_704 = arith.index_cast %parallel_loop3A_703 : i32 to index
        %parallel_loop3A_705 = arith.index_cast %parallel_loop3A_702 : i32 to index
        %parallel_loop3A_706 = tpu.vector_load %arg14[%parallel_loop3A_704, %parallel_loop3A_705] {strides = array<i32>} : memref<64x128xf32, #tpu.memory_space<vmem>>, vector<16xf32>,
        tpu.vector_store %arg14[%parallel_loop3A_704, %parallel_loop3A_705], %parallel_loop3A_700 {strides = array<i32>} : memref<64x128xf32, #tpu.memory_space<vmem>>, vector<16xf32>,
        %parallel_loop3A_707 = arith.mulf %parallel_loop3A_254, %parallel_loop3A_274 : vector<16xf32>
        %parallel_loop3A_708 = arith.constant 16 : i32
        %parallel_loop3A_709 = arith.muli %parallel_loop3A_208, %parallel_loop3A_708 : i32
        %parallel_loop3A_710 = arith.constant 60 : i32
        %parallel_loop3A_711 = arith.index_cast %parallel_loop3A_710 : i32 to index
        %parallel_loop3A_712 = arith.index_cast %parallel_loop3A_709 : i32 to index
        %parallel_loop3A_713 = tpu.vector_load %arg14[%parallel_loop3A_711, %parallel_loop3A_712] {strides = array<i32>} : memref<64x128xf32, #tpu.memory_space<vmem>>, vector<16xf32>,
        tpu.vector_store %arg14[%parallel_loop3A_711, %parallel_loop3A_712], %parallel_loop3A_707 {strides = array<i32>} : memref<64x128xf32, #tpu.memory_space<vmem>>, vector<16xf32>,
        %parallel_loop3A_714 = arith.mulf %parallel_loop3A_254, %parallel_loop3A_278 : vector<16xf32>
        %parallel_loop3A_715 = arith.constant 16 : i32
        %parallel_loop3A_716 = arith.muli %parallel_loop3A_208, %parallel_loop3A_715 : i32
        %parallel_loop3A_717 = arith.constant 61 : i32
        %parallel_loop3A_718 = arith.index_cast %parallel_loop3A_717 : i32 to index
        %parallel_loop3A_719 = arith.index_cast %parallel_loop3A_716 : i32 to index
        %parallel_loop3A_720 = tpu.vector_load %arg14[%parallel_loop3A_718, %parallel_loop3A_719] {strides = array<i32>} : memref<64x128xf32, #tpu.memory_space<vmem>>, vector<16xf32>,
        tpu.vector_store %arg14[%parallel_loop3A_718, %parallel_loop3A_719], %parallel_loop3A_714 {strides = array<i32>} : memref<64x128xf32, #tpu.memory_space<vmem>>, vector<16xf32>,
        %parallel_loop3A_721 = arith.mulf %parallel_loop3A_254, %parallel_loop3A_282 : vector<16xf32>
        %parallel_loop3A_722 = arith.constant 16 : i32
        %parallel_loop3A_723 = arith.muli %parallel_loop3A_208, %parallel_loop3A_722 : i32
        %parallel_loop3A_724 = arith.constant 62 : i32
        %parallel_loop3A_725 = arith.index_cast %parallel_loop3A_724 : i32 to index
        %parallel_loop3A_726 = arith.index_cast %parallel_loop3A_723 : i32 to index
        %parallel_loop3A_727 = tpu.vector_load %arg14[%parallel_loop3A_725, %parallel_loop3A_726] {strides = array<i32>} : memref<64x128xf32, #tpu.memory_space<vmem>>, vector<16xf32>,
        tpu.vector_store %arg14[%parallel_loop3A_725, %parallel_loop3A_726], %parallel_loop3A_721 {strides = array<i32>} : memref<64x128xf32, #tpu.memory_space<vmem>>, vector<16xf32>,
        %parallel_loop3A_728 = arith.mulf %parallel_loop3A_254, %parallel_loop3A_286 : vector<16xf32>
        %parallel_loop3A_729 = arith.constant 16 : i32
        %parallel_loop3A_730 = arith.muli %parallel_loop3A_208, %parallel_loop3A_729 : i32
        %parallel_loop3A_731 = arith.constant 63 : i32
        %parallel_loop3A_732 = arith.index_cast %parallel_loop3A_731 : i32 to index
        %parallel_loop3A_733 = arith.index_cast %parallel_loop3A_730 : i32 to index
        %parallel_loop3A_734 = tpu.vector_load %arg14[%parallel_loop3A_732, %parallel_loop3A_733] {strides = array<i32>} : memref<64x128xf32, #tpu.memory_space<vmem>>, vector<16xf32>,
        tpu.vector_store %arg14[%parallel_loop3A_732, %parallel_loop3A_733], %parallel_loop3A_728 {strides = array<i32>} : memref<64x128xf32, #tpu.memory_space<vmem>>, vector<16xf32>,
      } {sc.loop_unroll_factor = 1 : i64, sc.parallel_access}
      %mul3A_91 = arith.constant 32 : i32
      %mul3A_92 = arith.muli %add3A_76, %mul3A_91 : i32
      %add3A_93 = arith.addi %add3A, %mul3A_92 : i32
      %mul3A_94 = arith.constant 128 : i32
      %mul3A_95 = arith.muli %add3A_93, %mul3A_94 : i32
      %dma_start3A_96 = arith.constant 0 : i32
      %dma_start3A_97 = tpu.memref_slice %arg4[%dma_start3A_96, %mul3A_95] : memref<64x640000xf32, #tpu.memory_space<hbm>> -> memref<64x128xf32, #tpu.memory_space<hbm>>
      %dma_start3A_98 = arith.constant 0 : i32
      %dma_start3A_99 = tpu.memref_slice %arg4[%dma_start3A_98, %mul3A_95] : memref<64x640000xf32, #tpu.memory_space<hbm>> -> memref<64x128xf32, #tpu.memory_space<hbm>>
      tpu.enqueue_dma source(%arg14 : memref<64x128xf32, #tpu.memory_space<vmem>>) target(%dma_start3A_99 : memref<64x128xf32, #tpu.memory_space<hbm>>) target_semaphore(%arg22 : memref<!tpu.dma_semaphore, #tpu.memory_space<semaphore_mem>>)
      %lt3A_100 = arith.constant 38 : i32
      %lt3A_101 = arith.cmpi slt, %scan3A_71, %lt3A_100 : i32
      %convert_element_type3A_102 = arith.extui %lt3A_101 : i1 to i32
      %cond3A_103 = arith.constant 0 : i32
      %cond3A_104 = arith.cmpi ne, %convert_element_type3A_102, %cond3A_103 : i32
      scf.if %cond3A_104 {
        %add3A_208 = arith.constant 4 : i32
        %add3A_209 = arith.addi %add3A_76, %add3A_208 : i32
        %mul3A_210 = arith.constant 32 : i32
        %mul3A_211 = arith.muli %add3A_209, %mul3A_210 : i32
        %add3A_212 = arith.addi %add3A, %mul3A_211 : i32
        %mul3A_213 = arith.constant 128 : i32
        %mul3A_214 = arith.muli %add3A_212, %mul3A_213 : i32
        %dma_start3A_215 = tpu.memref_slice %arg2[%mul3A_214] : memref<1280000xi32, #tpu.memory_space<hbm>> -> memref<128xi32, #tpu.memory_space<hbm>>
        %dma_start3A_216 = tpu.memref_slice %arg2[%mul3A_214] : memref<1280000xi32, #tpu.memory_space<hbm>> -> memref<128xi32, #tpu.memory_space<hbm>>
        tpu.enqueue_dma source(%dma_start3A_216 : memref<128xi32, #tpu.memory_space<hbm>>) target(%arg6 : memref<128xi32, #tpu.memory_space<vmem>>) target_semaphore(%arg18 : memref<!tpu.dma_semaphore, #tpu.memory_space<semaphore_mem>>)
        %add3A_217 = arith.constant 640000 : i32
        %add3A_218 = arith.addi %add3A_217, %mul3A_214 : i32
        %dma_start3A_219 = tpu.memref_slice %arg2[%add3A_218] : memref<1280000xi32, #tpu.memory_space<hbm>> -> memref<128xi32, #tpu.memory_space<hbm>>
        %dma_start3A_220 = tpu.memref_slice %arg2[%add3A_218] : memref<1280000xi32, #tpu.memory_space<hbm>> -> memref<128xi32, #tpu.memory_space<hbm>>
        tpu.enqueue_dma source(%dma_start3A_220 : memref<128xi32, #tpu.memory_space<hbm>>) target(%arg10 : memref<128xi32, #tpu.memory_space<vmem>>) target_semaphore(%arg18 : memref<!tpu.dma_semaphore, #tpu.memory_space<semaphore_mem>>)
      } else {
      }
      %mul3A_105 = arith.constant 4 : i32
      %mul3A_106 = arith.muli %scan3A_71, %mul3A_105 : i32
      %add3A_107 = arith.constant 1 : i32
      %add3A_108 = arith.addi %mul3A_106, %add3A_107 : i32
      %dma_wait3A_109 = arith.constant 0 : i32
      %dma_wait3A_110 = tpu.memref_slice %arg2[%dma_wait3A_109] : memref<1280000xi32, #tpu.memory_space<hbm>> -> memref<128xi32, #tpu.memory_space<hbm>>
      %dma_wait3A_111 = arith.constant 0 : i32
      %dma_wait3A_112 = tpu.memref_slice %arg2[%dma_wait3A_111] : memref<1280000xi32, #tpu.memory_space<hbm>> -> memref<128xi32, #tpu.memory_space<hbm>>
      tpu.wait_dma2 semaphore(%arg19 : memref<!tpu.dma_semaphore, #tpu.memory_space<semaphore_mem>>) src(%dma_wait3A_112 : memref<128xi32, #tpu.memory_space<hbm>>) dst(%arg7 : memref<128xi32, #tpu.memory_space<vmem>>)
      %dma_wait3A_113 = arith.constant 0 : i32
      %dma_wait3A_114 = tpu.memref_slice %arg2[%dma_wait3A_113] : memref<1280000xi32, #tpu.memory_space<hbm>> -> memref<128xi32, #tpu.memory_space<hbm>>
      %dma_wait3A_115 = arith.constant 0 : i32
      %dma_wait3A_116 = tpu.memref_slice %arg2[%dma_wait3A_115] : memref<1280000xi32, #tpu.memory_space<hbm>> -> memref<128xi32, #tpu.memory_space<hbm>>
      tpu.wait_dma2 semaphore(%arg19 : memref<!tpu.dma_semaphore, #tpu.memory_space<semaphore_mem>>) src(%dma_wait3A_116 : memref<128xi32, #tpu.memory_space<hbm>>) dst(%arg11 : memref<128xi32, #tpu.memory_space<vmem>>)
      %gt3A_117 = arith.constant 0 : i32
      %gt3A_118 = arith.cmpi sgt, %scan3A_71, %gt3A_117 : i32
      %convert_element_type3A_119 = arith.extui %gt3A_118 : i1 to i32
      %cond3A_120 = arith.constant 0 : i32
      %cond3A_121 = arith.cmpi ne, %convert_element_type3A_119, %cond3A_120 : i32
      scf.if %cond3A_121 {
        %dma_wait3A_208 = arith.constant 0 : i32
        %dma_wait3A_209 = arith.constant 0 : i32
        %dma_wait3A_210 = tpu.memref_slice %arg4[%dma_wait3A_208, %dma_wait3A_209] : memref<64x640000xf32, #tpu.memory_space<hbm>> -> memref<64x128xf32, #tpu.memory_space<hbm>>
        %dma_wait3A_211 = arith.constant 0 : i32
        %dma_wait3A_212 = arith.constant 0 : i32
        %dma_wait3A_213 = tpu.memref_slice %arg4[%dma_wait3A_211, %dma_wait3A_212] : memref<64x640000xf32, #tpu.memory_space<hbm>> -> memref<64x128xf32, #tpu.memory_space<hbm>>
        tpu.wait_dma2 semaphore(%arg23 : memref<!tpu.dma_semaphore, #tpu.memory_space<semaphore_mem>>) src(%arg15 : memref<64x128xf32, #tpu.memory_space<vmem>>) dst(%dma_wait3A_213 : memref<64x128xf32, #tpu.memory_space<hbm>>)
      } else {
      }
      %parallel_loop3A_122 = arith.constant 0 : i32
      %parallel_loop3A_123 = arith.constant 8 : i32
      %parallel_loop3A_124 = arith.constant 1 : i32
      scf.for %parallel_loop3A_208 = %parallel_loop3A_122 to %parallel_loop3A_123 step %parallel_loop3A_124  : i32 {
        %parallel_loop3A_209 = arith.constant 16 : i32
        %parallel_loop3A_210 = arith.muli %parallel_loop3A_208, %parallel_loop3A_209 : i32
        %parallel_loop3A_211 = arith.index_cast %parallel_loop3A_210 : i32 to index
        %parallel_loop3A_212 = tpu.vector_load %arg7[%parallel_loop3A_211] {strides = array<i32>} : memref<128xi32, #tpu.memory_space<vmem>>, vector<16xi32>,
        %parallel_loop3A_213 = arith.constant 8 : i32
        %parallel_loop3A_214 = vector.broadcast %parallel_loop3A_213 : i32 to vector<16xi32>
        %parallel_loop3A_215 = arith.muli %parallel_loop3A_212, %parallel_loop3A_214 : vector<16xi32>
        %parallel_loop3A_216 = arith.constant 16 : i32
        %parallel_loop3A_217 = arith.muli %parallel_loop3A_208, %parallel_loop3A_216 : i32
        %parallel_loop3A_218 = arith.index_cast %parallel_loop3A_217 : i32 to index
        %parallel_loop3A_219 = tpu.vector_load %arg11[%parallel_loop3A_218] {strides = array<i32>} : memref<128xi32, #tpu.memory_space<vmem>>, vector<16xi32>,
        %parallel_loop3A_220 = arith.constant 8 : i32
        %parallel_loop3A_221 = vector.broadcast %parallel_loop3A_220 : i32 to vector<16xi32>
        %parallel_loop3A_222 = arith.muli %parallel_loop3A_219, %parallel_loop3A_221 : vector<16xi32>
        %parallel_loop3A_223 = arith.constant 0 : i32
        %parallel_loop3A_224 = vector.broadcast %parallel_loop3A_223 : i32 to vector<16xi32>
        %parallel_loop3A_225 = arith.addi %parallel_loop3A_215, %parallel_loop3A_224 : vector<16xi32>
        %parallel_loop3A_226 = tpu.vector_load_idx %arg5[%parallel_loop3A_225] : memref<80000xf32, #tpu.memory_space<vmem>>[vector<16xi32>], vector<16xf32>,
        %parallel_loop3A_227 = arith.constant 1 : i32
        %parallel_loop3A_228 = vector.broadcast %parallel_loop3A_227 : i32 to vector<16xi32>
        %parallel_loop3A_229 = arith.addi %parallel_loop3A_215, %parallel_loop3A_228 : vector<16xi32>
        %parallel_loop3A_230 = tpu.vector_load_idx %arg5[%parallel_loop3A_229] : memref<80000xf32, #tpu.memory_space<vmem>>[vector<16xi32>], vector<16xf32>,
        %parallel_loop3A_231 = arith.constant 2 : i32
        %parallel_loop3A_232 = vector.broadcast %parallel_loop3A_231 : i32 to vector<16xi32>
        %parallel_loop3A_233 = arith.addi %parallel_loop3A_215, %parallel_loop3A_232 : vector<16xi32>
        %parallel_loop3A_234 = tpu.vector_load_idx %arg5[%parallel_loop3A_233] : memref<80000xf32, #tpu.memory_space<vmem>>[vector<16xi32>], vector<16xf32>,
        %parallel_loop3A_235 = arith.constant 3 : i32
        %parallel_loop3A_236 = vector.broadcast %parallel_loop3A_235 : i32 to vector<16xi32>
        %parallel_loop3A_237 = arith.addi %parallel_loop3A_215, %parallel_loop3A_236 : vector<16xi32>
        %parallel_loop3A_238 = tpu.vector_load_idx %arg5[%parallel_loop3A_237] : memref<80000xf32, #tpu.memory_space<vmem>>[vector<16xi32>], vector<16xf32>,
        %parallel_loop3A_239 = arith.constant 4 : i32
        %parallel_loop3A_240 = vector.broadcast %parallel_loop3A_239 : i32 to vector<16xi32>
        %parallel_loop3A_241 = arith.addi %parallel_loop3A_215, %parallel_loop3A_240 : vector<16xi32>
        %parallel_loop3A_242 = tpu.vector_load_idx %arg5[%parallel_loop3A_241] : memref<80000xf32, #tpu.memory_space<vmem>>[vector<16xi32>], vector<16xf32>,
        %parallel_loop3A_243 = arith.constant 5 : i32
        %parallel_loop3A_244 = vector.broadcast %parallel_loop3A_243 : i32 to vector<16xi32>
        %parallel_loop3A_245 = arith.addi %parallel_loop3A_215, %parallel_loop3A_244 : vector<16xi32>
        %parallel_loop3A_246 = tpu.vector_load_idx %arg5[%parallel_loop3A_245] : memref<80000xf32, #tpu.memory_space<vmem>>[vector<16xi32>], vector<16xf32>,
        %parallel_loop3A_247 = arith.constant 6 : i32
        %parallel_loop3A_248 = vector.broadcast %parallel_loop3A_247 : i32 to vector<16xi32>
        %parallel_loop3A_249 = arith.addi %parallel_loop3A_215, %parallel_loop3A_248 : vector<16xi32>
        %parallel_loop3A_250 = tpu.vector_load_idx %arg5[%parallel_loop3A_249] : memref<80000xf32, #tpu.memory_space<vmem>>[vector<16xi32>], vector<16xf32>,
        %parallel_loop3A_251 = arith.constant 7 : i32
        %parallel_loop3A_252 = vector.broadcast %parallel_loop3A_251 : i32 to vector<16xi32>
        %parallel_loop3A_253 = arith.addi %parallel_loop3A_215, %parallel_loop3A_252 : vector<16xi32>
        %parallel_loop3A_254 = tpu.vector_load_idx %arg5[%parallel_loop3A_253] : memref<80000xf32, #tpu.memory_space<vmem>>[vector<16xi32>], vector<16xf32>,
        %parallel_loop3A_255 = arith.constant 0 : i32
        %parallel_loop3A_256 = vector.broadcast %parallel_loop3A_255 : i32 to vector<16xi32>
        %parallel_loop3A_257 = arith.addi %parallel_loop3A_222, %parallel_loop3A_256 : vector<16xi32>
        %parallel_loop3A_258 = tpu.vector_load_idx %arg5[%parallel_loop3A_257] : memref<80000xf32, #tpu.memory_space<vmem>>[vector<16xi32>], vector<16xf32>,
        %parallel_loop3A_259 = arith.constant 1 : i32
        %parallel_loop3A_260 = vector.broadcast %parallel_loop3A_259 : i32 to vector<16xi32>
        %parallel_loop3A_261 = arith.addi %parallel_loop3A_222, %parallel_loop3A_260 : vector<16xi32>
        %parallel_loop3A_262 = tpu.vector_load_idx %arg5[%parallel_loop3A_261] : memref<80000xf32, #tpu.memory_space<vmem>>[vector<16xi32>], vector<16xf32>,
        %parallel_loop3A_263 = arith.constant 2 : i32
        %parallel_loop3A_264 = vector.broadcast %parallel_loop3A_263 : i32 to vector<16xi32>
        %parallel_loop3A_265 = arith.addi %parallel_loop3A_222, %parallel_loop3A_264 : vector<16xi32>
        %parallel_loop3A_266 = tpu.vector_load_idx %arg5[%parallel_loop3A_265] : memref<80000xf32, #tpu.memory_space<vmem>>[vector<16xi32>], vector<16xf32>,
        %parallel_loop3A_267 = arith.constant 3 : i32
        %parallel_loop3A_268 = vector.broadcast %parallel_loop3A_267 : i32 to vector<16xi32>
        %parallel_loop3A_269 = arith.addi %parallel_loop3A_222, %parallel_loop3A_268 : vector<16xi32>
        %parallel_loop3A_270 = tpu.vector_load_idx %arg5[%parallel_loop3A_269] : memref<80000xf32, #tpu.memory_space<vmem>>[vector<16xi32>], vector<16xf32>,
        %parallel_loop3A_271 = arith.constant 4 : i32
        %parallel_loop3A_272 = vector.broadcast %parallel_loop3A_271 : i32 to vector<16xi32>
        %parallel_loop3A_273 = arith.addi %parallel_loop3A_222, %parallel_loop3A_272 : vector<16xi32>
        %parallel_loop3A_274 = tpu.vector_load_idx %arg5[%parallel_loop3A_273] : memref<80000xf32, #tpu.memory_space<vmem>>[vector<16xi32>], vector<16xf32>,
        %parallel_loop3A_275 = arith.constant 5 : i32
        %parallel_loop3A_276 = vector.broadcast %parallel_loop3A_275 : i32 to vector<16xi32>
        %parallel_loop3A_277 = arith.addi %parallel_loop3A_222, %parallel_loop3A_276 : vector<16xi32>
        %parallel_loop3A_278 = tpu.vector_load_idx %arg5[%parallel_loop3A_277] : memref<80000xf32, #tpu.memory_space<vmem>>[vector<16xi32>], vector<16xf32>,
        %parallel_loop3A_279 = arith.constant 6 : i32
        %parallel_loop3A_280 = vector.broadcast %parallel_loop3A_279 : i32 to vector<16xi32>
        %parallel_loop3A_281 = arith.addi %parallel_loop3A_222, %parallel_loop3A_280 : vector<16xi32>
        %parallel_loop3A_282 = tpu.vector_load_idx %arg5[%parallel_loop3A_281] : memref<80000xf32, #tpu.memory_space<vmem>>[vector<16xi32>], vector<16xf32>,
        %parallel_loop3A_283 = arith.constant 7 : i32
        %parallel_loop3A_284 = vector.broadcast %parallel_loop3A_283 : i32 to vector<16xi32>
        %parallel_loop3A_285 = arith.addi %parallel_loop3A_222, %parallel_loop3A_284 : vector<16xi32>
        %parallel_loop3A_286 = tpu.vector_load_idx %arg5[%parallel_loop3A_285] : memref<80000xf32, #tpu.memory_space<vmem>>[vector<16xi32>], vector<16xf32>,
        %parallel_loop3A_287 = arith.mulf %parallel_loop3A_226, %parallel_loop3A_258 : vector<16xf32>
        %parallel_loop3A_288 = arith.constant 16 : i32
        %parallel_loop3A_289 = arith.muli %parallel_loop3A_208, %parallel_loop3A_288 : i32
        %parallel_loop3A_290 = arith.constant 0 : i32
        %parallel_loop3A_291 = arith.index_cast %parallel_loop3A_290 : i32 to index
        %parallel_loop3A_292 = arith.index_cast %parallel_loop3A_289 : i32 to index
        %parallel_loop3A_293 = tpu.vector_load %arg15[%parallel_loop3A_291, %parallel_loop3A_292] {strides = array<i32>} : memref<64x128xf32, #tpu.memory_space<vmem>>, vector<16xf32>,
        tpu.vector_store %arg15[%parallel_loop3A_291, %parallel_loop3A_292], %parallel_loop3A_287 {strides = array<i32>} : memref<64x128xf32, #tpu.memory_space<vmem>>, vector<16xf32>,
        %parallel_loop3A_294 = arith.mulf %parallel_loop3A_226, %parallel_loop3A_262 : vector<16xf32>
        %parallel_loop3A_295 = arith.constant 16 : i32
        %parallel_loop3A_296 = arith.muli %parallel_loop3A_208, %parallel_loop3A_295 : i32
        %parallel_loop3A_297 = arith.constant 1 : i32
        %parallel_loop3A_298 = arith.index_cast %parallel_loop3A_297 : i32 to index
        %parallel_loop3A_299 = arith.index_cast %parallel_loop3A_296 : i32 to index
        %parallel_loop3A_300 = tpu.vector_load %arg15[%parallel_loop3A_298, %parallel_loop3A_299] {strides = array<i32>} : memref<64x128xf32, #tpu.memory_space<vmem>>, vector<16xf32>,
        tpu.vector_store %arg15[%parallel_loop3A_298, %parallel_loop3A_299], %parallel_loop3A_294 {strides = array<i32>} : memref<64x128xf32, #tpu.memory_space<vmem>>, vector<16xf32>,
        %parallel_loop3A_301 = arith.mulf %parallel_loop3A_226, %parallel_loop3A_266 : vector<16xf32>
        %parallel_loop3A_302 = arith.constant 16 : i32
        %parallel_loop3A_303 = arith.muli %parallel_loop3A_208, %parallel_loop3A_302 : i32
        %parallel_loop3A_304 = arith.constant 2 : i32
        %parallel_loop3A_305 = arith.index_cast %parallel_loop3A_304 : i32 to index
        %parallel_loop3A_306 = arith.index_cast %parallel_loop3A_303 : i32 to index
        %parallel_loop3A_307 = tpu.vector_load %arg15[%parallel_loop3A_305, %parallel_loop3A_306] {strides = array<i32>} : memref<64x128xf32, #tpu.memory_space<vmem>>, vector<16xf32>,
        tpu.vector_store %arg15[%parallel_loop3A_305, %parallel_loop3A_306], %parallel_loop3A_301 {strides = array<i32>} : memref<64x128xf32, #tpu.memory_space<vmem>>, vector<16xf32>,
        %parallel_loop3A_308 = arith.mulf %parallel_loop3A_226, %parallel_loop3A_270 : vector<16xf32>
        %parallel_loop3A_309 = arith.constant 16 : i32
        %parallel_loop3A_310 = arith.muli %parallel_loop3A_208, %parallel_loop3A_309 : i32
        %parallel_loop3A_311 = arith.constant 3 : i32
        %parallel_loop3A_312 = arith.index_cast %parallel_loop3A_311 : i32 to index
        %parallel_loop3A_313 = arith.index_cast %parallel_loop3A_310 : i32 to index
        %parallel_loop3A_314 = tpu.vector_load %arg15[%parallel_loop3A_312, %parallel_loop3A_313] {strides = array<i32>} : memref<64x128xf32, #tpu.memory_space<vmem>>, vector<16xf32>,
        tpu.vector_store %arg15[%parallel_loop3A_312, %parallel_loop3A_313], %parallel_loop3A_308 {strides = array<i32>} : memref<64x128xf32, #tpu.memory_space<vmem>>, vector<16xf32>,
        %parallel_loop3A_315 = arith.mulf %parallel_loop3A_226, %parallel_loop3A_274 : vector<16xf32>
        %parallel_loop3A_316 = arith.constant 16 : i32
        %parallel_loop3A_317 = arith.muli %parallel_loop3A_208, %parallel_loop3A_316 : i32
        %parallel_loop3A_318 = arith.constant 4 : i32
        %parallel_loop3A_319 = arith.index_cast %parallel_loop3A_318 : i32 to index
        %parallel_loop3A_320 = arith.index_cast %parallel_loop3A_317 : i32 to index
        %parallel_loop3A_321 = tpu.vector_load %arg15[%parallel_loop3A_319, %parallel_loop3A_320] {strides = array<i32>} : memref<64x128xf32, #tpu.memory_space<vmem>>, vector<16xf32>,
        tpu.vector_store %arg15[%parallel_loop3A_319, %parallel_loop3A_320], %parallel_loop3A_315 {strides = array<i32>} : memref<64x128xf32, #tpu.memory_space<vmem>>, vector<16xf32>,
        %parallel_loop3A_322 = arith.mulf %parallel_loop3A_226, %parallel_loop3A_278 : vector<16xf32>
        %parallel_loop3A_323 = arith.constant 16 : i32
        %parallel_loop3A_324 = arith.muli %parallel_loop3A_208, %parallel_loop3A_323 : i32
        %parallel_loop3A_325 = arith.constant 5 : i32
        %parallel_loop3A_326 = arith.index_cast %parallel_loop3A_325 : i32 to index
        %parallel_loop3A_327 = arith.index_cast %parallel_loop3A_324 : i32 to index
        %parallel_loop3A_328 = tpu.vector_load %arg15[%parallel_loop3A_326, %parallel_loop3A_327] {strides = array<i32>} : memref<64x128xf32, #tpu.memory_space<vmem>>, vector<16xf32>,
        tpu.vector_store %arg15[%parallel_loop3A_326, %parallel_loop3A_327], %parallel_loop3A_322 {strides = array<i32>} : memref<64x128xf32, #tpu.memory_space<vmem>>, vector<16xf32>,
        %parallel_loop3A_329 = arith.mulf %parallel_loop3A_226, %parallel_loop3A_282 : vector<16xf32>
        %parallel_loop3A_330 = arith.constant 16 : i32
        %parallel_loop3A_331 = arith.muli %parallel_loop3A_208, %parallel_loop3A_330 : i32
        %parallel_loop3A_332 = arith.constant 6 : i32
        %parallel_loop3A_333 = arith.index_cast %parallel_loop3A_332 : i32 to index
        %parallel_loop3A_334 = arith.index_cast %parallel_loop3A_331 : i32 to index
        %parallel_loop3A_335 = tpu.vector_load %arg15[%parallel_loop3A_333, %parallel_loop3A_334] {strides = array<i32>} : memref<64x128xf32, #tpu.memory_space<vmem>>, vector<16xf32>,
        tpu.vector_store %arg15[%parallel_loop3A_333, %parallel_loop3A_334], %parallel_loop3A_329 {strides = array<i32>} : memref<64x128xf32, #tpu.memory_space<vmem>>, vector<16xf32>,
        %parallel_loop3A_336 = arith.mulf %parallel_loop3A_226, %parallel_loop3A_286 : vector<16xf32>
        %parallel_loop3A_337 = arith.constant 16 : i32
        %parallel_loop3A_338 = arith.muli %parallel_loop3A_208, %parallel_loop3A_337 : i32
        %parallel_loop3A_339 = arith.constant 7 : i32
        %parallel_loop3A_340 = arith.index_cast %parallel_loop3A_339 : i32 to index
        %parallel_loop3A_341 = arith.index_cast %parallel_loop3A_338 : i32 to index
        %parallel_loop3A_342 = tpu.vector_load %arg15[%parallel_loop3A_340, %parallel_loop3A_341] {strides = array<i32>} : memref<64x128xf32, #tpu.memory_space<vmem>>, vector<16xf32>,
        tpu.vector_store %arg15[%parallel_loop3A_340, %parallel_loop3A_341], %parallel_loop3A_336 {strides = array<i32>} : memref<64x128xf32, #tpu.memory_space<vmem>>, vector<16xf32>,
        %parallel_loop3A_343 = arith.mulf %parallel_loop3A_230, %parallel_loop3A_258 : vector<16xf32>
        %parallel_loop3A_344 = arith.constant 16 : i32
        %parallel_loop3A_345 = arith.muli %parallel_loop3A_208, %parallel_loop3A_344 : i32
        %parallel_loop3A_346 = arith.constant 8 : i32
        %parallel_loop3A_347 = arith.index_cast %parallel_loop3A_346 : i32 to index
        %parallel_loop3A_348 = arith.index_cast %parallel_loop3A_345 : i32 to index
        %parallel_loop3A_349 = tpu.vector_load %arg15[%parallel_loop3A_347, %parallel_loop3A_348] {strides = array<i32>} : memref<64x128xf32, #tpu.memory_space<vmem>>, vector<16xf32>,
        tpu.vector_store %arg15[%parallel_loop3A_347, %parallel_loop3A_348], %parallel_loop3A_343 {strides = array<i32>} : memref<64x128xf32, #tpu.memory_space<vmem>>, vector<16xf32>,
        %parallel_loop3A_350 = arith.mulf %parallel_loop3A_230, %parallel_loop3A_262 : vector<16xf32>
        %parallel_loop3A_351 = arith.constant 16 : i32
        %parallel_loop3A_352 = arith.muli %parallel_loop3A_208, %parallel_loop3A_351 : i32
        %parallel_loop3A_353 = arith.constant 9 : i32
        %parallel_loop3A_354 = arith.index_cast %parallel_loop3A_353 : i32 to index
        %parallel_loop3A_355 = arith.index_cast %parallel_loop3A_352 : i32 to index
        %parallel_loop3A_356 = tpu.vector_load %arg15[%parallel_loop3A_354, %parallel_loop3A_355] {strides = array<i32>} : memref<64x128xf32, #tpu.memory_space<vmem>>, vector<16xf32>,
        tpu.vector_store %arg15[%parallel_loop3A_354, %parallel_loop3A_355], %parallel_loop3A_350 {strides = array<i32>} : memref<64x128xf32, #tpu.memory_space<vmem>>, vector<16xf32>,
        %parallel_loop3A_357 = arith.mulf %parallel_loop3A_230, %parallel_loop3A_266 : vector<16xf32>
        %parallel_loop3A_358 = arith.constant 16 : i32
        %parallel_loop3A_359 = arith.muli %parallel_loop3A_208, %parallel_loop3A_358 : i32
        %parallel_loop3A_360 = arith.constant 10 : i32
        %parallel_loop3A_361 = arith.index_cast %parallel_loop3A_360 : i32 to index
        %parallel_loop3A_362 = arith.index_cast %parallel_loop3A_359 : i32 to index
        %parallel_loop3A_363 = tpu.vector_load %arg15[%parallel_loop3A_361, %parallel_loop3A_362] {strides = array<i32>} : memref<64x128xf32, #tpu.memory_space<vmem>>, vector<16xf32>,
        tpu.vector_store %arg15[%parallel_loop3A_361, %parallel_loop3A_362], %parallel_loop3A_357 {strides = array<i32>} : memref<64x128xf32, #tpu.memory_space<vmem>>, vector<16xf32>,
        %parallel_loop3A_364 = arith.mulf %parallel_loop3A_230, %parallel_loop3A_270 : vector<16xf32>
        %parallel_loop3A_365 = arith.constant 16 : i32
        %parallel_loop3A_366 = arith.muli %parallel_loop3A_208, %parallel_loop3A_365 : i32
        %parallel_loop3A_367 = arith.constant 11 : i32
        %parallel_loop3A_368 = arith.index_cast %parallel_loop3A_367 : i32 to index
        %parallel_loop3A_369 = arith.index_cast %parallel_loop3A_366 : i32 to index
        %parallel_loop3A_370 = tpu.vector_load %arg15[%parallel_loop3A_368, %parallel_loop3A_369] {strides = array<i32>} : memref<64x128xf32, #tpu.memory_space<vmem>>, vector<16xf32>,
        tpu.vector_store %arg15[%parallel_loop3A_368, %parallel_loop3A_369], %parallel_loop3A_364 {strides = array<i32>} : memref<64x128xf32, #tpu.memory_space<vmem>>, vector<16xf32>,
        %parallel_loop3A_371 = arith.mulf %parallel_loop3A_230, %parallel_loop3A_274 : vector<16xf32>
        %parallel_loop3A_372 = arith.constant 16 : i32
        %parallel_loop3A_373 = arith.muli %parallel_loop3A_208, %parallel_loop3A_372 : i32
        %parallel_loop3A_374 = arith.constant 12 : i32
        %parallel_loop3A_375 = arith.index_cast %parallel_loop3A_374 : i32 to index
        %parallel_loop3A_376 = arith.index_cast %parallel_loop3A_373 : i32 to index
        %parallel_loop3A_377 = tpu.vector_load %arg15[%parallel_loop3A_375, %parallel_loop3A_376] {strides = array<i32>} : memref<64x128xf32, #tpu.memory_space<vmem>>, vector<16xf32>,
        tpu.vector_store %arg15[%parallel_loop3A_375, %parallel_loop3A_376], %parallel_loop3A_371 {strides = array<i32>} : memref<64x128xf32, #tpu.memory_space<vmem>>, vector<16xf32>,
        %parallel_loop3A_378 = arith.mulf %parallel_loop3A_230, %parallel_loop3A_278 : vector<16xf32>
        %parallel_loop3A_379 = arith.constant 16 : i32
        %parallel_loop3A_380 = arith.muli %parallel_loop3A_208, %parallel_loop3A_379 : i32
        %parallel_loop3A_381 = arith.constant 13 : i32
        %parallel_loop3A_382 = arith.index_cast %parallel_loop3A_381 : i32 to index
        %parallel_loop3A_383 = arith.index_cast %parallel_loop3A_380 : i32 to index
        %parallel_loop3A_384 = tpu.vector_load %arg15[%parallel_loop3A_382, %parallel_loop3A_383] {strides = array<i32>} : memref<64x128xf32, #tpu.memory_space<vmem>>, vector<16xf32>,
        tpu.vector_store %arg15[%parallel_loop3A_382, %parallel_loop3A_383], %parallel_loop3A_378 {strides = array<i32>} : memref<64x128xf32, #tpu.memory_space<vmem>>, vector<16xf32>,
        %parallel_loop3A_385 = arith.mulf %parallel_loop3A_230, %parallel_loop3A_282 : vector<16xf32>
        %parallel_loop3A_386 = arith.constant 16 : i32
        %parallel_loop3A_387 = arith.muli %parallel_loop3A_208, %parallel_loop3A_386 : i32
        %parallel_loop3A_388 = arith.constant 14 : i32
        %parallel_loop3A_389 = arith.index_cast %parallel_loop3A_388 : i32 to index
        %parallel_loop3A_390 = arith.index_cast %parallel_loop3A_387 : i32 to index
        %parallel_loop3A_391 = tpu.vector_load %arg15[%parallel_loop3A_389, %parallel_loop3A_390] {strides = array<i32>} : memref<64x128xf32, #tpu.memory_space<vmem>>, vector<16xf32>,
        tpu.vector_store %arg15[%parallel_loop3A_389, %parallel_loop3A_390], %parallel_loop3A_385 {strides = array<i32>} : memref<64x128xf32, #tpu.memory_space<vmem>>, vector<16xf32>,
        %parallel_loop3A_392 = arith.mulf %parallel_loop3A_230, %parallel_loop3A_286 : vector<16xf32>
        %parallel_loop3A_393 = arith.constant 16 : i32
        %parallel_loop3A_394 = arith.muli %parallel_loop3A_208, %parallel_loop3A_393 : i32
        %parallel_loop3A_395 = arith.constant 15 : i32
        %parallel_loop3A_396 = arith.index_cast %parallel_loop3A_395 : i32 to index
        %parallel_loop3A_397 = arith.index_cast %parallel_loop3A_394 : i32 to index
        %parallel_loop3A_398 = tpu.vector_load %arg15[%parallel_loop3A_396, %parallel_loop3A_397] {strides = array<i32>} : memref<64x128xf32, #tpu.memory_space<vmem>>, vector<16xf32>,
        tpu.vector_store %arg15[%parallel_loop3A_396, %parallel_loop3A_397], %parallel_loop3A_392 {strides = array<i32>} : memref<64x128xf32, #tpu.memory_space<vmem>>, vector<16xf32>,
        %parallel_loop3A_399 = arith.mulf %parallel_loop3A_234, %parallel_loop3A_258 : vector<16xf32>
        %parallel_loop3A_400 = arith.constant 16 : i32
        %parallel_loop3A_401 = arith.muli %parallel_loop3A_208, %parallel_loop3A_400 : i32
        %parallel_loop3A_402 = arith.constant 16 : i32
        %parallel_loop3A_403 = arith.index_cast %parallel_loop3A_402 : i32 to index
        %parallel_loop3A_404 = arith.index_cast %parallel_loop3A_401 : i32 to index
        %parallel_loop3A_405 = tpu.vector_load %arg15[%parallel_loop3A_403, %parallel_loop3A_404] {strides = array<i32>} : memref<64x128xf32, #tpu.memory_space<vmem>>, vector<16xf32>,
        tpu.vector_store %arg15[%parallel_loop3A_403, %parallel_loop3A_404], %parallel_loop3A_399 {strides = array<i32>} : memref<64x128xf32, #tpu.memory_space<vmem>>, vector<16xf32>,
        %parallel_loop3A_406 = arith.mulf %parallel_loop3A_234, %parallel_loop3A_262 : vector<16xf32>
        %parallel_loop3A_407 = arith.constant 16 : i32
        %parallel_loop3A_408 = arith.muli %parallel_loop3A_208, %parallel_loop3A_407 : i32
        %parallel_loop3A_409 = arith.constant 17 : i32
        %parallel_loop3A_410 = arith.index_cast %parallel_loop3A_409 : i32 to index
        %parallel_loop3A_411 = arith.index_cast %parallel_loop3A_408 : i32 to index
        %parallel_loop3A_412 = tpu.vector_load %arg15[%parallel_loop3A_410, %parallel_loop3A_411] {strides = array<i32>} : memref<64x128xf32, #tpu.memory_space<vmem>>, vector<16xf32>,
        tpu.vector_store %arg15[%parallel_loop3A_410, %parallel_loop3A_411], %parallel_loop3A_406 {strides = array<i32>} : memref<64x128xf32, #tpu.memory_space<vmem>>, vector<16xf32>,
        %parallel_loop3A_413 = arith.mulf %parallel_loop3A_234, %parallel_loop3A_266 : vector<16xf32>
        %parallel_loop3A_414 = arith.constant 16 : i32
        %parallel_loop3A_415 = arith.muli %parallel_loop3A_208, %parallel_loop3A_414 : i32
        %parallel_loop3A_416 = arith.constant 18 : i32
        %parallel_loop3A_417 = arith.index_cast %parallel_loop3A_416 : i32 to index
        %parallel_loop3A_418 = arith.index_cast %parallel_loop3A_415 : i32 to index
        %parallel_loop3A_419 = tpu.vector_load %arg15[%parallel_loop3A_417, %parallel_loop3A_418] {strides = array<i32>} : memref<64x128xf32, #tpu.memory_space<vmem>>, vector<16xf32>,
        tpu.vector_store %arg15[%parallel_loop3A_417, %parallel_loop3A_418], %parallel_loop3A_413 {strides = array<i32>} : memref<64x128xf32, #tpu.memory_space<vmem>>, vector<16xf32>,
        %parallel_loop3A_420 = arith.mulf %parallel_loop3A_234, %parallel_loop3A_270 : vector<16xf32>
        %parallel_loop3A_421 = arith.constant 16 : i32
        %parallel_loop3A_422 = arith.muli %parallel_loop3A_208, %parallel_loop3A_421 : i32
        %parallel_loop3A_423 = arith.constant 19 : i32
        %parallel_loop3A_424 = arith.index_cast %parallel_loop3A_423 : i32 to index
        %parallel_loop3A_425 = arith.index_cast %parallel_loop3A_422 : i32 to index
        %parallel_loop3A_426 = tpu.vector_load %arg15[%parallel_loop3A_424, %parallel_loop3A_425] {strides = array<i32>} : memref<64x128xf32, #tpu.memory_space<vmem>>, vector<16xf32>,
        tpu.vector_store %arg15[%parallel_loop3A_424, %parallel_loop3A_425], %parallel_loop3A_420 {strides = array<i32>} : memref<64x128xf32, #tpu.memory_space<vmem>>, vector<16xf32>,
        %parallel_loop3A_427 = arith.mulf %parallel_loop3A_234, %parallel_loop3A_274 : vector<16xf32>
        %parallel_loop3A_428 = arith.constant 16 : i32
        %parallel_loop3A_429 = arith.muli %parallel_loop3A_208, %parallel_loop3A_428 : i32
        %parallel_loop3A_430 = arith.constant 20 : i32
        %parallel_loop3A_431 = arith.index_cast %parallel_loop3A_430 : i32 to index
        %parallel_loop3A_432 = arith.index_cast %parallel_loop3A_429 : i32 to index
        %parallel_loop3A_433 = tpu.vector_load %arg15[%parallel_loop3A_431, %parallel_loop3A_432] {strides = array<i32>} : memref<64x128xf32, #tpu.memory_space<vmem>>, vector<16xf32>,
        tpu.vector_store %arg15[%parallel_loop3A_431, %parallel_loop3A_432], %parallel_loop3A_427 {strides = array<i32>} : memref<64x128xf32, #tpu.memory_space<vmem>>, vector<16xf32>,
        %parallel_loop3A_434 = arith.mulf %parallel_loop3A_234, %parallel_loop3A_278 : vector<16xf32>
        %parallel_loop3A_435 = arith.constant 16 : i32
        %parallel_loop3A_436 = arith.muli %parallel_loop3A_208, %parallel_loop3A_435 : i32
        %parallel_loop3A_437 = arith.constant 21 : i32
        %parallel_loop3A_438 = arith.index_cast %parallel_loop3A_437 : i32 to index
        %parallel_loop3A_439 = arith.index_cast %parallel_loop3A_436 : i32 to index
        %parallel_loop3A_440 = tpu.vector_load %arg15[%parallel_loop3A_438, %parallel_loop3A_439] {strides = array<i32>} : memref<64x128xf32, #tpu.memory_space<vmem>>, vector<16xf32>,
        tpu.vector_store %arg15[%parallel_loop3A_438, %parallel_loop3A_439], %parallel_loop3A_434 {strides = array<i32>} : memref<64x128xf32, #tpu.memory_space<vmem>>, vector<16xf32>,
        %parallel_loop3A_441 = arith.mulf %parallel_loop3A_234, %parallel_loop3A_282 : vector<16xf32>
        %parallel_loop3A_442 = arith.constant 16 : i32
        %parallel_loop3A_443 = arith.muli %parallel_loop3A_208, %parallel_loop3A_442 : i32
        %parallel_loop3A_444 = arith.constant 22 : i32
        %parallel_loop3A_445 = arith.index_cast %parallel_loop3A_444 : i32 to index
        %parallel_loop3A_446 = arith.index_cast %parallel_loop3A_443 : i32 to index
        %parallel_loop3A_447 = tpu.vector_load %arg15[%parallel_loop3A_445, %parallel_loop3A_446] {strides = array<i32>} : memref<64x128xf32, #tpu.memory_space<vmem>>, vector<16xf32>,
        tpu.vector_store %arg15[%parallel_loop3A_445, %parallel_loop3A_446], %parallel_loop3A_441 {strides = array<i32>} : memref<64x128xf32, #tpu.memory_space<vmem>>, vector<16xf32>,
        %parallel_loop3A_448 = arith.mulf %parallel_loop3A_234, %parallel_loop3A_286 : vector<16xf32>
        %parallel_loop3A_449 = arith.constant 16 : i32
        %parallel_loop3A_450 = arith.muli %parallel_loop3A_208, %parallel_loop3A_449 : i32
        %parallel_loop3A_451 = arith.constant 23 : i32
        %parallel_loop3A_452 = arith.index_cast %parallel_loop3A_451 : i32 to index
        %parallel_loop3A_453 = arith.index_cast %parallel_loop3A_450 : i32 to index
        %parallel_loop3A_454 = tpu.vector_load %arg15[%parallel_loop3A_452, %parallel_loop3A_453] {strides = array<i32>} : memref<64x128xf32, #tpu.memory_space<vmem>>, vector<16xf32>,
        tpu.vector_store %arg15[%parallel_loop3A_452, %parallel_loop3A_453], %parallel_loop3A_448 {strides = array<i32>} : memref<64x128xf32, #tpu.memory_space<vmem>>, vector<16xf32>,
        %parallel_loop3A_455 = arith.mulf %parallel_loop3A_238, %parallel_loop3A_258 : vector<16xf32>
        %parallel_loop3A_456 = arith.constant 16 : i32
        %parallel_loop3A_457 = arith.muli %parallel_loop3A_208, %parallel_loop3A_456 : i32
        %parallel_loop3A_458 = arith.constant 24 : i32
        %parallel_loop3A_459 = arith.index_cast %parallel_loop3A_458 : i32 to index
        %parallel_loop3A_460 = arith.index_cast %parallel_loop3A_457 : i32 to index
        %parallel_loop3A_461 = tpu.vector_load %arg15[%parallel_loop3A_459, %parallel_loop3A_460] {strides = array<i32>} : memref<64x128xf32, #tpu.memory_space<vmem>>, vector<16xf32>,
        tpu.vector_store %arg15[%parallel_loop3A_459, %parallel_loop3A_460], %parallel_loop3A_455 {strides = array<i32>} : memref<64x128xf32, #tpu.memory_space<vmem>>, vector<16xf32>,
        %parallel_loop3A_462 = arith.mulf %parallel_loop3A_238, %parallel_loop3A_262 : vector<16xf32>
        %parallel_loop3A_463 = arith.constant 16 : i32
        %parallel_loop3A_464 = arith.muli %parallel_loop3A_208, %parallel_loop3A_463 : i32
        %parallel_loop3A_465 = arith.constant 25 : i32
        %parallel_loop3A_466 = arith.index_cast %parallel_loop3A_465 : i32 to index
        %parallel_loop3A_467 = arith.index_cast %parallel_loop3A_464 : i32 to index
        %parallel_loop3A_468 = tpu.vector_load %arg15[%parallel_loop3A_466, %parallel_loop3A_467] {strides = array<i32>} : memref<64x128xf32, #tpu.memory_space<vmem>>, vector<16xf32>,
        tpu.vector_store %arg15[%parallel_loop3A_466, %parallel_loop3A_467], %parallel_loop3A_462 {strides = array<i32>} : memref<64x128xf32, #tpu.memory_space<vmem>>, vector<16xf32>,
        %parallel_loop3A_469 = arith.mulf %parallel_loop3A_238, %parallel_loop3A_266 : vector<16xf32>
        %parallel_loop3A_470 = arith.constant 16 : i32
        %parallel_loop3A_471 = arith.muli %parallel_loop3A_208, %parallel_loop3A_470 : i32
        %parallel_loop3A_472 = arith.constant 26 : i32
        %parallel_loop3A_473 = arith.index_cast %parallel_loop3A_472 : i32 to index
        %parallel_loop3A_474 = arith.index_cast %parallel_loop3A_471 : i32 to index
        %parallel_loop3A_475 = tpu.vector_load %arg15[%parallel_loop3A_473, %parallel_loop3A_474] {strides = array<i32>} : memref<64x128xf32, #tpu.memory_space<vmem>>, vector<16xf32>,
        tpu.vector_store %arg15[%parallel_loop3A_473, %parallel_loop3A_474], %parallel_loop3A_469 {strides = array<i32>} : memref<64x128xf32, #tpu.memory_space<vmem>>, vector<16xf32>,
        %parallel_loop3A_476 = arith.mulf %parallel_loop3A_238, %parallel_loop3A_270 : vector<16xf32>
        %parallel_loop3A_477 = arith.constant 16 : i32
        %parallel_loop3A_478 = arith.muli %parallel_loop3A_208, %parallel_loop3A_477 : i32
        %parallel_loop3A_479 = arith.constant 27 : i32
        %parallel_loop3A_480 = arith.index_cast %parallel_loop3A_479 : i32 to index
        %parallel_loop3A_481 = arith.index_cast %parallel_loop3A_478 : i32 to index
        %parallel_loop3A_482 = tpu.vector_load %arg15[%parallel_loop3A_480, %parallel_loop3A_481] {strides = array<i32>} : memref<64x128xf32, #tpu.memory_space<vmem>>, vector<16xf32>,
        tpu.vector_store %arg15[%parallel_loop3A_480, %parallel_loop3A_481], %parallel_loop3A_476 {strides = array<i32>} : memref<64x128xf32, #tpu.memory_space<vmem>>, vector<16xf32>,
        %parallel_loop3A_483 = arith.mulf %parallel_loop3A_238, %parallel_loop3A_274 : vector<16xf32>
        %parallel_loop3A_484 = arith.constant 16 : i32
        %parallel_loop3A_485 = arith.muli %parallel_loop3A_208, %parallel_loop3A_484 : i32
        %parallel_loop3A_486 = arith.constant 28 : i32
        %parallel_loop3A_487 = arith.index_cast %parallel_loop3A_486 : i32 to index
        %parallel_loop3A_488 = arith.index_cast %parallel_loop3A_485 : i32 to index
        %parallel_loop3A_489 = tpu.vector_load %arg15[%parallel_loop3A_487, %parallel_loop3A_488] {strides = array<i32>} : memref<64x128xf32, #tpu.memory_space<vmem>>, vector<16xf32>,
        tpu.vector_store %arg15[%parallel_loop3A_487, %parallel_loop3A_488], %parallel_loop3A_483 {strides = array<i32>} : memref<64x128xf32, #tpu.memory_space<vmem>>, vector<16xf32>,
        %parallel_loop3A_490 = arith.mulf %parallel_loop3A_238, %parallel_loop3A_278 : vector<16xf32>
        %parallel_loop3A_491 = arith.constant 16 : i32
        %parallel_loop3A_492 = arith.muli %parallel_loop3A_208, %parallel_loop3A_491 : i32
        %parallel_loop3A_493 = arith.constant 29 : i32
        %parallel_loop3A_494 = arith.index_cast %parallel_loop3A_493 : i32 to index
        %parallel_loop3A_495 = arith.index_cast %parallel_loop3A_492 : i32 to index
        %parallel_loop3A_496 = tpu.vector_load %arg15[%parallel_loop3A_494, %parallel_loop3A_495] {strides = array<i32>} : memref<64x128xf32, #tpu.memory_space<vmem>>, vector<16xf32>,
        tpu.vector_store %arg15[%parallel_loop3A_494, %parallel_loop3A_495], %parallel_loop3A_490 {strides = array<i32>} : memref<64x128xf32, #tpu.memory_space<vmem>>, vector<16xf32>,
        %parallel_loop3A_497 = arith.mulf %parallel_loop3A_238, %parallel_loop3A_282 : vector<16xf32>
        %parallel_loop3A_498 = arith.constant 16 : i32
        %parallel_loop3A_499 = arith.muli %parallel_loop3A_208, %parallel_loop3A_498 : i32
        %parallel_loop3A_500 = arith.constant 30 : i32
        %parallel_loop3A_501 = arith.index_cast %parallel_loop3A_500 : i32 to index
        %parallel_loop3A_502 = arith.index_cast %parallel_loop3A_499 : i32 to index
        %parallel_loop3A_503 = tpu.vector_load %arg15[%parallel_loop3A_501, %parallel_loop3A_502] {strides = array<i32>} : memref<64x128xf32, #tpu.memory_space<vmem>>, vector<16xf32>,
        tpu.vector_store %arg15[%parallel_loop3A_501, %parallel_loop3A_502], %parallel_loop3A_497 {strides = array<i32>} : memref<64x128xf32, #tpu.memory_space<vmem>>, vector<16xf32>,
        %parallel_loop3A_504 = arith.mulf %parallel_loop3A_238, %parallel_loop3A_286 : vector<16xf32>
        %parallel_loop3A_505 = arith.constant 16 : i32
        %parallel_loop3A_506 = arith.muli %parallel_loop3A_208, %parallel_loop3A_505 : i32
        %parallel_loop3A_507 = arith.constant 31 : i32
        %parallel_loop3A_508 = arith.index_cast %parallel_loop3A_507 : i32 to index
        %parallel_loop3A_509 = arith.index_cast %parallel_loop3A_506 : i32 to index
        %parallel_loop3A_510 = tpu.vector_load %arg15[%parallel_loop3A_508, %parallel_loop3A_509] {strides = array<i32>} : memref<64x128xf32, #tpu.memory_space<vmem>>, vector<16xf32>,
        tpu.vector_store %arg15[%parallel_loop3A_508, %parallel_loop3A_509], %parallel_loop3A_504 {strides = array<i32>} : memref<64x128xf32, #tpu.memory_space<vmem>>, vector<16xf32>,
        %parallel_loop3A_511 = arith.mulf %parallel_loop3A_242, %parallel_loop3A_258 : vector<16xf32>
        %parallel_loop3A_512 = arith.constant 16 : i32
        %parallel_loop3A_513 = arith.muli %parallel_loop3A_208, %parallel_loop3A_512 : i32
        %parallel_loop3A_514 = arith.constant 32 : i32
        %parallel_loop3A_515 = arith.index_cast %parallel_loop3A_514 : i32 to index
        %parallel_loop3A_516 = arith.index_cast %parallel_loop3A_513 : i32 to index
        %parallel_loop3A_517 = tpu.vector_load %arg15[%parallel_loop3A_515, %parallel_loop3A_516] {strides = array<i32>} : memref<64x128xf32, #tpu.memory_space<vmem>>, vector<16xf32>,
        tpu.vector_store %arg15[%parallel_loop3A_515, %parallel_loop3A_516], %parallel_loop3A_511 {strides = array<i32>} : memref<64x128xf32, #tpu.memory_space<vmem>>, vector<16xf32>,
        %parallel_loop3A_518 = arith.mulf %parallel_loop3A_242, %parallel_loop3A_262 : vector<16xf32>
        %parallel_loop3A_519 = arith.constant 16 : i32
        %parallel_loop3A_520 = arith.muli %parallel_loop3A_208, %parallel_loop3A_519 : i32
        %parallel_loop3A_521 = arith.constant 33 : i32
        %parallel_loop3A_522 = arith.index_cast %parallel_loop3A_521 : i32 to index
        %parallel_loop3A_523 = arith.index_cast %parallel_loop3A_520 : i32 to index
        %parallel_loop3A_524 = tpu.vector_load %arg15[%parallel_loop3A_522, %parallel_loop3A_523] {strides = array<i32>} : memref<64x128xf32, #tpu.memory_space<vmem>>, vector<16xf32>,
        tpu.vector_store %arg15[%parallel_loop3A_522, %parallel_loop3A_523], %parallel_loop3A_518 {strides = array<i32>} : memref<64x128xf32, #tpu.memory_space<vmem>>, vector<16xf32>,
        %parallel_loop3A_525 = arith.mulf %parallel_loop3A_242, %parallel_loop3A_266 : vector<16xf32>
        %parallel_loop3A_526 = arith.constant 16 : i32
        %parallel_loop3A_527 = arith.muli %parallel_loop3A_208, %parallel_loop3A_526 : i32
        %parallel_loop3A_528 = arith.constant 34 : i32
        %parallel_loop3A_529 = arith.index_cast %parallel_loop3A_528 : i32 to index
        %parallel_loop3A_530 = arith.index_cast %parallel_loop3A_527 : i32 to index
        %parallel_loop3A_531 = tpu.vector_load %arg15[%parallel_loop3A_529, %parallel_loop3A_530] {strides = array<i32>} : memref<64x128xf32, #tpu.memory_space<vmem>>, vector<16xf32>,
        tpu.vector_store %arg15[%parallel_loop3A_529, %parallel_loop3A_530], %parallel_loop3A_525 {strides = array<i32>} : memref<64x128xf32, #tpu.memory_space<vmem>>, vector<16xf32>,
        %parallel_loop3A_532 = arith.mulf %parallel_loop3A_242, %parallel_loop3A_270 : vector<16xf32>
        %parallel_loop3A_533 = arith.constant 16 : i32
        %parallel_loop3A_534 = arith.muli %parallel_loop3A_208, %parallel_loop3A_533 : i32
        %parallel_loop3A_535 = arith.constant 35 : i32
        %parallel_loop3A_536 = arith.index_cast %parallel_loop3A_535 : i32 to index
        %parallel_loop3A_537 = arith.index_cast %parallel_loop3A_534 : i32 to index
        %parallel_loop3A_538 = tpu.vector_load %arg15[%parallel_loop3A_536, %parallel_loop3A_537] {strides = array<i32>} : memref<64x128xf32, #tpu.memory_space<vmem>>, vector<16xf32>,
        tpu.vector_store %arg15[%parallel_loop3A_536, %parallel_loop3A_537], %parallel_loop3A_532 {strides = array<i32>} : memref<64x128xf32, #tpu.memory_space<vmem>>, vector<16xf32>,
        %parallel_loop3A_539 = arith.mulf %parallel_loop3A_242, %parallel_loop3A_274 : vector<16xf32>
        %parallel_loop3A_540 = arith.constant 16 : i32
        %parallel_loop3A_541 = arith.muli %parallel_loop3A_208, %parallel_loop3A_540 : i32
        %parallel_loop3A_542 = arith.constant 36 : i32
        %parallel_loop3A_543 = arith.index_cast %parallel_loop3A_542 : i32 to index
        %parallel_loop3A_544 = arith.index_cast %parallel_loop3A_541 : i32 to index
        %parallel_loop3A_545 = tpu.vector_load %arg15[%parallel_loop3A_543, %parallel_loop3A_544] {strides = array<i32>} : memref<64x128xf32, #tpu.memory_space<vmem>>, vector<16xf32>,
        tpu.vector_store %arg15[%parallel_loop3A_543, %parallel_loop3A_544], %parallel_loop3A_539 {strides = array<i32>} : memref<64x128xf32, #tpu.memory_space<vmem>>, vector<16xf32>,
        %parallel_loop3A_546 = arith.mulf %parallel_loop3A_242, %parallel_loop3A_278 : vector<16xf32>
        %parallel_loop3A_547 = arith.constant 16 : i32
        %parallel_loop3A_548 = arith.muli %parallel_loop3A_208, %parallel_loop3A_547 : i32
        %parallel_loop3A_549 = arith.constant 37 : i32
        %parallel_loop3A_550 = arith.index_cast %parallel_loop3A_549 : i32 to index
        %parallel_loop3A_551 = arith.index_cast %parallel_loop3A_548 : i32 to index
        %parallel_loop3A_552 = tpu.vector_load %arg15[%parallel_loop3A_550, %parallel_loop3A_551] {strides = array<i32>} : memref<64x128xf32, #tpu.memory_space<vmem>>, vector<16xf32>,
        tpu.vector_store %arg15[%parallel_loop3A_550, %parallel_loop3A_551], %parallel_loop3A_546 {strides = array<i32>} : memref<64x128xf32, #tpu.memory_space<vmem>>, vector<16xf32>,
        %parallel_loop3A_553 = arith.mulf %parallel_loop3A_242, %parallel_loop3A_282 : vector<16xf32>
        %parallel_loop3A_554 = arith.constant 16 : i32
        %parallel_loop3A_555 = arith.muli %parallel_loop3A_208, %parallel_loop3A_554 : i32
        %parallel_loop3A_556 = arith.constant 38 : i32
        %parallel_loop3A_557 = arith.index_cast %parallel_loop3A_556 : i32 to index
        %parallel_loop3A_558 = arith.index_cast %parallel_loop3A_555 : i32 to index
        %parallel_loop3A_559 = tpu.vector_load %arg15[%parallel_loop3A_557, %parallel_loop3A_558] {strides = array<i32>} : memref<64x128xf32, #tpu.memory_space<vmem>>, vector<16xf32>,
        tpu.vector_store %arg15[%parallel_loop3A_557, %parallel_loop3A_558], %parallel_loop3A_553 {strides = array<i32>} : memref<64x128xf32, #tpu.memory_space<vmem>>, vector<16xf32>,
        %parallel_loop3A_560 = arith.mulf %parallel_loop3A_242, %parallel_loop3A_286 : vector<16xf32>
        %parallel_loop3A_561 = arith.constant 16 : i32
        %parallel_loop3A_562 = arith.muli %parallel_loop3A_208, %parallel_loop3A_561 : i32
        %parallel_loop3A_563 = arith.constant 39 : i32
        %parallel_loop3A_564 = arith.index_cast %parallel_loop3A_563 : i32 to index
        %parallel_loop3A_565 = arith.index_cast %parallel_loop3A_562 : i32 to index
        %parallel_loop3A_566 = tpu.vector_load %arg15[%parallel_loop3A_564, %parallel_loop3A_565] {strides = array<i32>} : memref<64x128xf32, #tpu.memory_space<vmem>>, vector<16xf32>,
        tpu.vector_store %arg15[%parallel_loop3A_564, %parallel_loop3A_565], %parallel_loop3A_560 {strides = array<i32>} : memref<64x128xf32, #tpu.memory_space<vmem>>, vector<16xf32>,
        %parallel_loop3A_567 = arith.mulf %parallel_loop3A_246, %parallel_loop3A_258 : vector<16xf32>
        %parallel_loop3A_568 = arith.constant 16 : i32
        %parallel_loop3A_569 = arith.muli %parallel_loop3A_208, %parallel_loop3A_568 : i32
        %parallel_loop3A_570 = arith.constant 40 : i32
        %parallel_loop3A_571 = arith.index_cast %parallel_loop3A_570 : i32 to index
        %parallel_loop3A_572 = arith.index_cast %parallel_loop3A_569 : i32 to index
        %parallel_loop3A_573 = tpu.vector_load %arg15[%parallel_loop3A_571, %parallel_loop3A_572] {strides = array<i32>} : memref<64x128xf32, #tpu.memory_space<vmem>>, vector<16xf32>,
        tpu.vector_store %arg15[%parallel_loop3A_571, %parallel_loop3A_572], %parallel_loop3A_567 {strides = array<i32>} : memref<64x128xf32, #tpu.memory_space<vmem>>, vector<16xf32>,
        %parallel_loop3A_574 = arith.mulf %parallel_loop3A_246, %parallel_loop3A_262 : vector<16xf32>
        %parallel_loop3A_575 = arith.constant 16 : i32
        %parallel_loop3A_576 = arith.muli %parallel_loop3A_208, %parallel_loop3A_575 : i32
        %parallel_loop3A_577 = arith.constant 41 : i32
        %parallel_loop3A_578 = arith.index_cast %parallel_loop3A_577 : i32 to index
        %parallel_loop3A_579 = arith.index_cast %parallel_loop3A_576 : i32 to index
        %parallel_loop3A_580 = tpu.vector_load %arg15[%parallel_loop3A_578, %parallel_loop3A_579] {strides = array<i32>} : memref<64x128xf32, #tpu.memory_space<vmem>>, vector<16xf32>,
        tpu.vector_store %arg15[%parallel_loop3A_578, %parallel_loop3A_579], %parallel_loop3A_574 {strides = array<i32>} : memref<64x128xf32, #tpu.memory_space<vmem>>, vector<16xf32>,
        %parallel_loop3A_581 = arith.mulf %parallel_loop3A_246, %parallel_loop3A_266 : vector<16xf32>
        %parallel_loop3A_582 = arith.constant 16 : i32
        %parallel_loop3A_583 = arith.muli %parallel_loop3A_208, %parallel_loop3A_582 : i32
        %parallel_loop3A_584 = arith.constant 42 : i32
        %parallel_loop3A_585 = arith.index_cast %parallel_loop3A_584 : i32 to index
        %parallel_loop3A_586 = arith.index_cast %parallel_loop3A_583 : i32 to index
        %parallel_loop3A_587 = tpu.vector_load %arg15[%parallel_loop3A_585, %parallel_loop3A_586] {strides = array<i32>} : memref<64x128xf32, #tpu.memory_space<vmem>>, vector<16xf32>,
        tpu.vector_store %arg15[%parallel_loop3A_585, %parallel_loop3A_586], %parallel_loop3A_581 {strides = array<i32>} : memref<64x128xf32, #tpu.memory_space<vmem>>, vector<16xf32>,
        %parallel_loop3A_588 = arith.mulf %parallel_loop3A_246, %parallel_loop3A_270 : vector<16xf32>
        %parallel_loop3A_589 = arith.constant 16 : i32
        %parallel_loop3A_590 = arith.muli %parallel_loop3A_208, %parallel_loop3A_589 : i32
        %parallel_loop3A_591 = arith.constant 43 : i32
        %parallel_loop3A_592 = arith.index_cast %parallel_loop3A_591 : i32 to index
        %parallel_loop3A_593 = arith.index_cast %parallel_loop3A_590 : i32 to index
        %parallel_loop3A_594 = tpu.vector_load %arg15[%parallel_loop3A_592, %parallel_loop3A_593] {strides = array<i32>} : memref<64x128xf32, #tpu.memory_space<vmem>>, vector<16xf32>,
        tpu.vector_store %arg15[%parallel_loop3A_592, %parallel_loop3A_593], %parallel_loop3A_588 {strides = array<i32>} : memref<64x128xf32, #tpu.memory_space<vmem>>, vector<16xf32>,
        %parallel_loop3A_595 = arith.mulf %parallel_loop3A_246, %parallel_loop3A_274 : vector<16xf32>
        %parallel_loop3A_596 = arith.constant 16 : i32
        %parallel_loop3A_597 = arith.muli %parallel_loop3A_208, %parallel_loop3A_596 : i32
        %parallel_loop3A_598 = arith.constant 44 : i32
        %parallel_loop3A_599 = arith.index_cast %parallel_loop3A_598 : i32 to index
        %parallel_loop3A_600 = arith.index_cast %parallel_loop3A_597 : i32 to index
        %parallel_loop3A_601 = tpu.vector_load %arg15[%parallel_loop3A_599, %parallel_loop3A_600] {strides = array<i32>} : memref<64x128xf32, #tpu.memory_space<vmem>>, vector<16xf32>,
        tpu.vector_store %arg15[%parallel_loop3A_599, %parallel_loop3A_600], %parallel_loop3A_595 {strides = array<i32>} : memref<64x128xf32, #tpu.memory_space<vmem>>, vector<16xf32>,
        %parallel_loop3A_602 = arith.mulf %parallel_loop3A_246, %parallel_loop3A_278 : vector<16xf32>
        %parallel_loop3A_603 = arith.constant 16 : i32
        %parallel_loop3A_604 = arith.muli %parallel_loop3A_208, %parallel_loop3A_603 : i32
        %parallel_loop3A_605 = arith.constant 45 : i32
        %parallel_loop3A_606 = arith.index_cast %parallel_loop3A_605 : i32 to index
        %parallel_loop3A_607 = arith.index_cast %parallel_loop3A_604 : i32 to index
        %parallel_loop3A_608 = tpu.vector_load %arg15[%parallel_loop3A_606, %parallel_loop3A_607] {strides = array<i32>} : memref<64x128xf32, #tpu.memory_space<vmem>>, vector<16xf32>,
        tpu.vector_store %arg15[%parallel_loop3A_606, %parallel_loop3A_607], %parallel_loop3A_602 {strides = array<i32>} : memref<64x128xf32, #tpu.memory_space<vmem>>, vector<16xf32>,
        %parallel_loop3A_609 = arith.mulf %parallel_loop3A_246, %parallel_loop3A_282 : vector<16xf32>
        %parallel_loop3A_610 = arith.constant 16 : i32
        %parallel_loop3A_611 = arith.muli %parallel_loop3A_208, %parallel_loop3A_610 : i32
        %parallel_loop3A_612 = arith.constant 46 : i32
        %parallel_loop3A_613 = arith.index_cast %parallel_loop3A_612 : i32 to index
        %parallel_loop3A_614 = arith.index_cast %parallel_loop3A_611 : i32 to index
        %parallel_loop3A_615 = tpu.vector_load %arg15[%parallel_loop3A_613, %parallel_loop3A_614] {strides = array<i32>} : memref<64x128xf32, #tpu.memory_space<vmem>>, vector<16xf32>,
        tpu.vector_store %arg15[%parallel_loop3A_613, %parallel_loop3A_614], %parallel_loop3A_609 {strides = array<i32>} : memref<64x128xf32, #tpu.memory_space<vmem>>, vector<16xf32>,
        %parallel_loop3A_616 = arith.mulf %parallel_loop3A_246, %parallel_loop3A_286 : vector<16xf32>
        %parallel_loop3A_617 = arith.constant 16 : i32
        %parallel_loop3A_618 = arith.muli %parallel_loop3A_208, %parallel_loop3A_617 : i32
        %parallel_loop3A_619 = arith.constant 47 : i32
        %parallel_loop3A_620 = arith.index_cast %parallel_loop3A_619 : i32 to index
        %parallel_loop3A_621 = arith.index_cast %parallel_loop3A_618 : i32 to index
        %parallel_loop3A_622 = tpu.vector_load %arg15[%parallel_loop3A_620, %parallel_loop3A_621] {strides = array<i32>} : memref<64x128xf32, #tpu.memory_space<vmem>>, vector<16xf32>,
        tpu.vector_store %arg15[%parallel_loop3A_620, %parallel_loop3A_621], %parallel_loop3A_616 {strides = array<i32>} : memref<64x128xf32, #tpu.memory_space<vmem>>, vector<16xf32>,
        %parallel_loop3A_623 = arith.mulf %parallel_loop3A_250, %parallel_loop3A_258 : vector<16xf32>
        %parallel_loop3A_624 = arith.constant 16 : i32
        %parallel_loop3A_625 = arith.muli %parallel_loop3A_208, %parallel_loop3A_624 : i32
        %parallel_loop3A_626 = arith.constant 48 : i32
        %parallel_loop3A_627 = arith.index_cast %parallel_loop3A_626 : i32 to index
        %parallel_loop3A_628 = arith.index_cast %parallel_loop3A_625 : i32 to index
        %parallel_loop3A_629 = tpu.vector_load %arg15[%parallel_loop3A_627, %parallel_loop3A_628] {strides = array<i32>} : memref<64x128xf32, #tpu.memory_space<vmem>>, vector<16xf32>,
        tpu.vector_store %arg15[%parallel_loop3A_627, %parallel_loop3A_628], %parallel_loop3A_623 {strides = array<i32>} : memref<64x128xf32, #tpu.memory_space<vmem>>, vector<16xf32>,
        %parallel_loop3A_630 = arith.mulf %parallel_loop3A_250, %parallel_loop3A_262 : vector<16xf32>
        %parallel_loop3A_631 = arith.constant 16 : i32
        %parallel_loop3A_632 = arith.muli %parallel_loop3A_208, %parallel_loop3A_631 : i32
        %parallel_loop3A_633 = arith.constant 49 : i32
        %parallel_loop3A_634 = arith.index_cast %parallel_loop3A_633 : i32 to index
        %parallel_loop3A_635 = arith.index_cast %parallel_loop3A_632 : i32 to index
        %parallel_loop3A_636 = tpu.vector_load %arg15[%parallel_loop3A_634, %parallel_loop3A_635] {strides = array<i32>} : memref<64x128xf32, #tpu.memory_space<vmem>>, vector<16xf32>,
        tpu.vector_store %arg15[%parallel_loop3A_634, %parallel_loop3A_635], %parallel_loop3A_630 {strides = array<i32>} : memref<64x128xf32, #tpu.memory_space<vmem>>, vector<16xf32>,
        %parallel_loop3A_637 = arith.mulf %parallel_loop3A_250, %parallel_loop3A_266 : vector<16xf32>
        %parallel_loop3A_638 = arith.constant 16 : i32
        %parallel_loop3A_639 = arith.muli %parallel_loop3A_208, %parallel_loop3A_638 : i32
        %parallel_loop3A_640 = arith.constant 50 : i32
        %parallel_loop3A_641 = arith.index_cast %parallel_loop3A_640 : i32 to index
        %parallel_loop3A_642 = arith.index_cast %parallel_loop3A_639 : i32 to index
        %parallel_loop3A_643 = tpu.vector_load %arg15[%parallel_loop3A_641, %parallel_loop3A_642] {strides = array<i32>} : memref<64x128xf32, #tpu.memory_space<vmem>>, vector<16xf32>,
        tpu.vector_store %arg15[%parallel_loop3A_641, %parallel_loop3A_642], %parallel_loop3A_637 {strides = array<i32>} : memref<64x128xf32, #tpu.memory_space<vmem>>, vector<16xf32>,
        %parallel_loop3A_644 = arith.mulf %parallel_loop3A_250, %parallel_loop3A_270 : vector<16xf32>
        %parallel_loop3A_645 = arith.constant 16 : i32
        %parallel_loop3A_646 = arith.muli %parallel_loop3A_208, %parallel_loop3A_645 : i32
        %parallel_loop3A_647 = arith.constant 51 : i32
        %parallel_loop3A_648 = arith.index_cast %parallel_loop3A_647 : i32 to index
        %parallel_loop3A_649 = arith.index_cast %parallel_loop3A_646 : i32 to index
        %parallel_loop3A_650 = tpu.vector_load %arg15[%parallel_loop3A_648, %parallel_loop3A_649] {strides = array<i32>} : memref<64x128xf32, #tpu.memory_space<vmem>>, vector<16xf32>,
        tpu.vector_store %arg15[%parallel_loop3A_648, %parallel_loop3A_649], %parallel_loop3A_644 {strides = array<i32>} : memref<64x128xf32, #tpu.memory_space<vmem>>, vector<16xf32>,
        %parallel_loop3A_651 = arith.mulf %parallel_loop3A_250, %parallel_loop3A_274 : vector<16xf32>
        %parallel_loop3A_652 = arith.constant 16 : i32
        %parallel_loop3A_653 = arith.muli %parallel_loop3A_208, %parallel_loop3A_652 : i32
        %parallel_loop3A_654 = arith.constant 52 : i32
        %parallel_loop3A_655 = arith.index_cast %parallel_loop3A_654 : i32 to index
        %parallel_loop3A_656 = arith.index_cast %parallel_loop3A_653 : i32 to index
        %parallel_loop3A_657 = tpu.vector_load %arg15[%parallel_loop3A_655, %parallel_loop3A_656] {strides = array<i32>} : memref<64x128xf32, #tpu.memory_space<vmem>>, vector<16xf32>,
        tpu.vector_store %arg15[%parallel_loop3A_655, %parallel_loop3A_656], %parallel_loop3A_651 {strides = array<i32>} : memref<64x128xf32, #tpu.memory_space<vmem>>, vector<16xf32>,
        %parallel_loop3A_658 = arith.mulf %parallel_loop3A_250, %parallel_loop3A_278 : vector<16xf32>
        %parallel_loop3A_659 = arith.constant 16 : i32
        %parallel_loop3A_660 = arith.muli %parallel_loop3A_208, %parallel_loop3A_659 : i32
        %parallel_loop3A_661 = arith.constant 53 : i32
        %parallel_loop3A_662 = arith.index_cast %parallel_loop3A_661 : i32 to index
        %parallel_loop3A_663 = arith.index_cast %parallel_loop3A_660 : i32 to index
        %parallel_loop3A_664 = tpu.vector_load %arg15[%parallel_loop3A_662, %parallel_loop3A_663] {strides = array<i32>} : memref<64x128xf32, #tpu.memory_space<vmem>>, vector<16xf32>,
        tpu.vector_store %arg15[%parallel_loop3A_662, %parallel_loop3A_663], %parallel_loop3A_658 {strides = array<i32>} : memref<64x128xf32, #tpu.memory_space<vmem>>, vector<16xf32>,
        %parallel_loop3A_665 = arith.mulf %parallel_loop3A_250, %parallel_loop3A_282 : vector<16xf32>
        %parallel_loop3A_666 = arith.constant 16 : i32
        %parallel_loop3A_667 = arith.muli %parallel_loop3A_208, %parallel_loop3A_666 : i32
        %parallel_loop3A_668 = arith.constant 54 : i32
        %parallel_loop3A_669 = arith.index_cast %parallel_loop3A_668 : i32 to index
        %parallel_loop3A_670 = arith.index_cast %parallel_loop3A_667 : i32 to index
        %parallel_loop3A_671 = tpu.vector_load %arg15[%parallel_loop3A_669, %parallel_loop3A_670] {strides = array<i32>} : memref<64x128xf32, #tpu.memory_space<vmem>>, vector<16xf32>,
        tpu.vector_store %arg15[%parallel_loop3A_669, %parallel_loop3A_670], %parallel_loop3A_665 {strides = array<i32>} : memref<64x128xf32, #tpu.memory_space<vmem>>, vector<16xf32>,
        %parallel_loop3A_672 = arith.mulf %parallel_loop3A_250, %parallel_loop3A_286 : vector<16xf32>
        %parallel_loop3A_673 = arith.constant 16 : i32
        %parallel_loop3A_674 = arith.muli %parallel_loop3A_208, %parallel_loop3A_673 : i32
        %parallel_loop3A_675 = arith.constant 55 : i32
        %parallel_loop3A_676 = arith.index_cast %parallel_loop3A_675 : i32 to index
        %parallel_loop3A_677 = arith.index_cast %parallel_loop3A_674 : i32 to index
        %parallel_loop3A_678 = tpu.vector_load %arg15[%parallel_loop3A_676, %parallel_loop3A_677] {strides = array<i32>} : memref<64x128xf32, #tpu.memory_space<vmem>>, vector<16xf32>,
        tpu.vector_store %arg15[%parallel_loop3A_676, %parallel_loop3A_677], %parallel_loop3A_672 {strides = array<i32>} : memref<64x128xf32, #tpu.memory_space<vmem>>, vector<16xf32>,
        %parallel_loop3A_679 = arith.mulf %parallel_loop3A_254, %parallel_loop3A_258 : vector<16xf32>
        %parallel_loop3A_680 = arith.constant 16 : i32
        %parallel_loop3A_681 = arith.muli %parallel_loop3A_208, %parallel_loop3A_680 : i32
        %parallel_loop3A_682 = arith.constant 56 : i32
        %parallel_loop3A_683 = arith.index_cast %parallel_loop3A_682 : i32 to index
        %parallel_loop3A_684 = arith.index_cast %parallel_loop3A_681 : i32 to index
        %parallel_loop3A_685 = tpu.vector_load %arg15[%parallel_loop3A_683, %parallel_loop3A_684] {strides = array<i32>} : memref<64x128xf32, #tpu.memory_space<vmem>>, vector<16xf32>,
        tpu.vector_store %arg15[%parallel_loop3A_683, %parallel_loop3A_684], %parallel_loop3A_679 {strides = array<i32>} : memref<64x128xf32, #tpu.memory_space<vmem>>, vector<16xf32>,
        %parallel_loop3A_686 = arith.mulf %parallel_loop3A_254, %parallel_loop3A_262 : vector<16xf32>
        %parallel_loop3A_687 = arith.constant 16 : i32
        %parallel_loop3A_688 = arith.muli %parallel_loop3A_208, %parallel_loop3A_687 : i32
        %parallel_loop3A_689 = arith.constant 57 : i32
        %parallel_loop3A_690 = arith.index_cast %parallel_loop3A_689 : i32 to index
        %parallel_loop3A_691 = arith.index_cast %parallel_loop3A_688 : i32 to index
        %parallel_loop3A_692 = tpu.vector_load %arg15[%parallel_loop3A_690, %parallel_loop3A_691] {strides = array<i32>} : memref<64x128xf32, #tpu.memory_space<vmem>>, vector<16xf32>,
        tpu.vector_store %arg15[%parallel_loop3A_690, %parallel_loop3A_691], %parallel_loop3A_686 {strides = array<i32>} : memref<64x128xf32, #tpu.memory_space<vmem>>, vector<16xf32>,
        %parallel_loop3A_693 = arith.mulf %parallel_loop3A_254, %parallel_loop3A_266 : vector<16xf32>
        %parallel_loop3A_694 = arith.constant 16 : i32
        %parallel_loop3A_695 = arith.muli %parallel_loop3A_208, %parallel_loop3A_694 : i32
        %parallel_loop3A_696 = arith.constant 58 : i32
        %parallel_loop3A_697 = arith.index_cast %parallel_loop3A_696 : i32 to index
        %parallel_loop3A_698 = arith.index_cast %parallel_loop3A_695 : i32 to index
        %parallel_loop3A_699 = tpu.vector_load %arg15[%parallel_loop3A_697, %parallel_loop3A_698] {strides = array<i32>} : memref<64x128xf32, #tpu.memory_space<vmem>>, vector<16xf32>,
        tpu.vector_store %arg15[%parallel_loop3A_697, %parallel_loop3A_698], %parallel_loop3A_693 {strides = array<i32>} : memref<64x128xf32, #tpu.memory_space<vmem>>, vector<16xf32>,
        %parallel_loop3A_700 = arith.mulf %parallel_loop3A_254, %parallel_loop3A_270 : vector<16xf32>
        %parallel_loop3A_701 = arith.constant 16 : i32
        %parallel_loop3A_702 = arith.muli %parallel_loop3A_208, %parallel_loop3A_701 : i32
        %parallel_loop3A_703 = arith.constant 59 : i32
        %parallel_loop3A_704 = arith.index_cast %parallel_loop3A_703 : i32 to index
        %parallel_loop3A_705 = arith.index_cast %parallel_loop3A_702 : i32 to index
        %parallel_loop3A_706 = tpu.vector_load %arg15[%parallel_loop3A_704, %parallel_loop3A_705] {strides = array<i32>} : memref<64x128xf32, #tpu.memory_space<vmem>>, vector<16xf32>,
        tpu.vector_store %arg15[%parallel_loop3A_704, %parallel_loop3A_705], %parallel_loop3A_700 {strides = array<i32>} : memref<64x128xf32, #tpu.memory_space<vmem>>, vector<16xf32>,
        %parallel_loop3A_707 = arith.mulf %parallel_loop3A_254, %parallel_loop3A_274 : vector<16xf32>
        %parallel_loop3A_708 = arith.constant 16 : i32
        %parallel_loop3A_709 = arith.muli %parallel_loop3A_208, %parallel_loop3A_708 : i32
        %parallel_loop3A_710 = arith.constant 60 : i32
        %parallel_loop3A_711 = arith.index_cast %parallel_loop3A_710 : i32 to index
        %parallel_loop3A_712 = arith.index_cast %parallel_loop3A_709 : i32 to index
        %parallel_loop3A_713 = tpu.vector_load %arg15[%parallel_loop3A_711, %parallel_loop3A_712] {strides = array<i32>} : memref<64x128xf32, #tpu.memory_space<vmem>>, vector<16xf32>,
        tpu.vector_store %arg15[%parallel_loop3A_711, %parallel_loop3A_712], %parallel_loop3A_707 {strides = array<i32>} : memref<64x128xf32, #tpu.memory_space<vmem>>, vector<16xf32>,
        %parallel_loop3A_714 = arith.mulf %parallel_loop3A_254, %parallel_loop3A_278 : vector<16xf32>
        %parallel_loop3A_715 = arith.constant 16 : i32
        %parallel_loop3A_716 = arith.muli %parallel_loop3A_208, %parallel_loop3A_715 : i32
        %parallel_loop3A_717 = arith.constant 61 : i32
        %parallel_loop3A_718 = arith.index_cast %parallel_loop3A_717 : i32 to index
        %parallel_loop3A_719 = arith.index_cast %parallel_loop3A_716 : i32 to index
        %parallel_loop3A_720 = tpu.vector_load %arg15[%parallel_loop3A_718, %parallel_loop3A_719] {strides = array<i32>} : memref<64x128xf32, #tpu.memory_space<vmem>>, vector<16xf32>,
        tpu.vector_store %arg15[%parallel_loop3A_718, %parallel_loop3A_719], %parallel_loop3A_714 {strides = array<i32>} : memref<64x128xf32, #tpu.memory_space<vmem>>, vector<16xf32>,
        %parallel_loop3A_721 = arith.mulf %parallel_loop3A_254, %parallel_loop3A_282 : vector<16xf32>
        %parallel_loop3A_722 = arith.constant 16 : i32
        %parallel_loop3A_723 = arith.muli %parallel_loop3A_208, %parallel_loop3A_722 : i32
        %parallel_loop3A_724 = arith.constant 62 : i32
        %parallel_loop3A_725 = arith.index_cast %parallel_loop3A_724 : i32 to index
        %parallel_loop3A_726 = arith.index_cast %parallel_loop3A_723 : i32 to index
        %parallel_loop3A_727 = tpu.vector_load %arg15[%parallel_loop3A_725, %parallel_loop3A_726] {strides = array<i32>} : memref<64x128xf32, #tpu.memory_space<vmem>>, vector<16xf32>,
        tpu.vector_store %arg15[%parallel_loop3A_725, %parallel_loop3A_726], %parallel_loop3A_721 {strides = array<i32>} : memref<64x128xf32, #tpu.memory_space<vmem>>, vector<16xf32>,
        %parallel_loop3A_728 = arith.mulf %parallel_loop3A_254, %parallel_loop3A_286 : vector<16xf32>
        %parallel_loop3A_729 = arith.constant 16 : i32
        %parallel_loop3A_730 = arith.muli %parallel_loop3A_208, %parallel_loop3A_729 : i32
        %parallel_loop3A_731 = arith.constant 63 : i32
        %parallel_loop3A_732 = arith.index_cast %parallel_loop3A_731 : i32 to index
        %parallel_loop3A_733 = arith.index_cast %parallel_loop3A_730 : i32 to index
        %parallel_loop3A_734 = tpu.vector_load %arg15[%parallel_loop3A_732, %parallel_loop3A_733] {strides = array<i32>} : memref<64x128xf32, #tpu.memory_space<vmem>>, vector<16xf32>,
        tpu.vector_store %arg15[%parallel_loop3A_732, %parallel_loop3A_733], %parallel_loop3A_728 {strides = array<i32>} : memref<64x128xf32, #tpu.memory_space<vmem>>, vector<16xf32>,
      } {sc.loop_unroll_factor = 1 : i64, sc.parallel_access}
      %mul3A_125 = arith.constant 32 : i32
      %mul3A_126 = arith.muli %add3A_108, %mul3A_125 : i32
      %add3A_127 = arith.addi %add3A, %mul3A_126 : i32
      %mul3A_128 = arith.constant 128 : i32
      %mul3A_129 = arith.muli %add3A_127, %mul3A_128 : i32
      %dma_start3A_130 = arith.constant 0 : i32
      %dma_start3A_131 = tpu.memref_slice %arg4[%dma_start3A_130, %mul3A_129] : memref<64x640000xf32, #tpu.memory_space<hbm>> -> memref<64x128xf32, #tpu.memory_space<hbm>>
      %dma_start3A_132 = arith.constant 0 : i32
      %dma_start3A_133 = tpu.memref_slice %arg4[%dma_start3A_132, %mul3A_129] : memref<64x640000xf32, #tpu.memory_space<hbm>> -> memref<64x128xf32, #tpu.memory_space<hbm>>
      tpu.enqueue_dma source(%arg15 : memref<64x128xf32, #tpu.memory_space<vmem>>) target(%dma_start3A_133 : memref<64x128xf32, #tpu.memory_space<hbm>>) target_semaphore(%arg23 : memref<!tpu.dma_semaphore, #tpu.memory_space<semaphore_mem>>)
      %lt3A_134 = arith.constant 38 : i32
      %lt3A_135 = arith.cmpi slt, %scan3A_71, %lt3A_134 : i32
      %convert_element_type3A_136 = arith.extui %lt3A_135 : i1 to i32
      %cond3A_137 = arith.constant 0 : i32
      %cond3A_138 = arith.cmpi ne, %convert_element_type3A_136, %cond3A_137 : i32
      scf.if %cond3A_138 {
        %add3A_208 = arith.constant 4 : i32
        %add3A_209 = arith.addi %add3A_108, %add3A_208 : i32
        %mul3A_210 = arith.constant 32 : i32
        %mul3A_211 = arith.muli %add3A_209, %mul3A_210 : i32
        %add3A_212 = arith.addi %add3A, %mul3A_211 : i32
        %mul3A_213 = arith.constant 128 : i32
        %mul3A_214 = arith.muli %add3A_212, %mul3A_213 : i32
        %dma_start3A_215 = tpu.memref_slice %arg2[%mul3A_214] : memref<1280000xi32, #tpu.memory_space<hbm>> -> memref<128xi32, #tpu.memory_space<hbm>>
        %dma_start3A_216 = tpu.memref_slice %arg2[%mul3A_214] : memref<1280000xi32, #tpu.memory_space<hbm>> -> memref<128xi32, #tpu.memory_space<hbm>>
        tpu.enqueue_dma source(%dma_start3A_216 : memref<128xi32, #tpu.memory_space<hbm>>) target(%arg7 : memref<128xi32, #tpu.memory_space<vmem>>) target_semaphore(%arg19 : memref<!tpu.dma_semaphore, #tpu.memory_space<semaphore_mem>>)
        %add3A_217 = arith.constant 640000 : i32
        %add3A_218 = arith.addi %add3A_217, %mul3A_214 : i32
        %dma_start3A_219 = tpu.memref_slice %arg2[%add3A_218] : memref<1280000xi32, #tpu.memory_space<hbm>> -> memref<128xi32, #tpu.memory_space<hbm>>
        %dma_start3A_220 = tpu.memref_slice %arg2[%add3A_218] : memref<1280000xi32, #tpu.memory_space<hbm>> -> memref<128xi32, #tpu.memory_space<hbm>>
        tpu.enqueue_dma source(%dma_start3A_220 : memref<128xi32, #tpu.memory_space<hbm>>) target(%arg11 : memref<128xi32, #tpu.memory_space<vmem>>) target_semaphore(%arg19 : memref<!tpu.dma_semaphore, #tpu.memory_space<semaphore_mem>>)
      } else {
      }
      %mul3A_139 = arith.constant 4 : i32
      %mul3A_140 = arith.muli %scan3A_71, %mul3A_139 : i32
      %add3A_141 = arith.constant 2 : i32
      %add3A_142 = arith.addi %mul3A_140, %add3A_141 : i32
      %dma_wait3A_143 = arith.constant 0 : i32
      %dma_wait3A_144 = tpu.memref_slice %arg2[%dma_wait3A_143] : memref<1280000xi32, #tpu.memory_space<hbm>> -> memref<128xi32, #tpu.memory_space<hbm>>
      %dma_wait3A_145 = arith.constant 0 : i32
      %dma_wait3A_146 = tpu.memref_slice %arg2[%dma_wait3A_145] : memref<1280000xi32, #tpu.memory_space<hbm>> -> memref<128xi32, #tpu.memory_space<hbm>>
      tpu.wait_dma2 semaphore(%arg20 : memref<!tpu.dma_semaphore, #tpu.memory_space<semaphore_mem>>) src(%dma_wait3A_146 : memref<128xi32, #tpu.memory_space<hbm>>) dst(%arg8 : memref<128xi32, #tpu.memory_space<vmem>>)
      %dma_wait3A_147 = arith.constant 0 : i32
      %dma_wait3A_148 = tpu.memref_slice %arg2[%dma_wait3A_147] : memref<1280000xi32, #tpu.memory_space<hbm>> -> memref<128xi32, #tpu.memory_space<hbm>>
      %dma_wait3A_149 = arith.constant 0 : i32
      %dma_wait3A_150 = tpu.memref_slice %arg2[%dma_wait3A_149] : memref<1280000xi32, #tpu.memory_space<hbm>> -> memref<128xi32, #tpu.memory_space<hbm>>
      tpu.wait_dma2 semaphore(%arg20 : memref<!tpu.dma_semaphore, #tpu.memory_space<semaphore_mem>>) src(%dma_wait3A_150 : memref<128xi32, #tpu.memory_space<hbm>>) dst(%arg12 : memref<128xi32, #tpu.memory_space<vmem>>)
      %gt3A_151 = arith.constant 0 : i32
      %gt3A_152 = arith.cmpi sgt, %scan3A_71, %gt3A_151 : i32
      %convert_element_type3A_153 = arith.extui %gt3A_152 : i1 to i32
      %cond3A_154 = arith.constant 0 : i32
      %cond3A_155 = arith.cmpi ne, %convert_element_type3A_153, %cond3A_154 : i32
      scf.if %cond3A_155 {
        %dma_wait3A_208 = arith.constant 0 : i32
        %dma_wait3A_209 = arith.constant 0 : i32
        %dma_wait3A_210 = tpu.memref_slice %arg4[%dma_wait3A_208, %dma_wait3A_209] : memref<64x640000xf32, #tpu.memory_space<hbm>> -> memref<64x128xf32, #tpu.memory_space<hbm>>
        %dma_wait3A_211 = arith.constant 0 : i32
        %dma_wait3A_212 = arith.constant 0 : i32
        %dma_wait3A_213 = tpu.memref_slice %arg4[%dma_wait3A_211, %dma_wait3A_212] : memref<64x640000xf32, #tpu.memory_space<hbm>> -> memref<64x128xf32, #tpu.memory_space<hbm>>
        tpu.wait_dma2 semaphore(%arg24 : memref<!tpu.dma_semaphore, #tpu.memory_space<semaphore_mem>>) src(%arg16 : memref<64x128xf32, #tpu.memory_space<vmem>>) dst(%dma_wait3A_213 : memref<64x128xf32, #tpu.memory_space<hbm>>)
      } else {
      }
      %parallel_loop3A_156 = arith.constant 0 : i32
      %parallel_loop3A_157 = arith.constant 8 : i32
      %parallel_loop3A_158 = arith.constant 1 : i32
      scf.for %parallel_loop3A_208 = %parallel_loop3A_156 to %parallel_loop3A_157 step %parallel_loop3A_158  : i32 {
        %parallel_loop3A_209 = arith.constant 16 : i32
        %parallel_loop3A_210 = arith.muli %parallel_loop3A_208, %parallel_loop3A_209 : i32
        %parallel_loop3A_211 = arith.index_cast %parallel_loop3A_210 : i32 to index
        %parallel_loop3A_212 = tpu.vector_load %arg8[%parallel_loop3A_211] {strides = array<i32>} : memref<128xi32, #tpu.memory_space<vmem>>, vector<16xi32>,
        %parallel_loop3A_213 = arith.constant 8 : i32
        %parallel_loop3A_214 = vector.broadcast %parallel_loop3A_213 : i32 to vector<16xi32>
        %parallel_loop3A_215 = arith.muli %parallel_loop3A_212, %parallel_loop3A_214 : vector<16xi32>
        %parallel_loop3A_216 = arith.constant 16 : i32
        %parallel_loop3A_217 = arith.muli %parallel_loop3A_208, %parallel_loop3A_216 : i32
        %parallel_loop3A_218 = arith.index_cast %parallel_loop3A_217 : i32 to index
        %parallel_loop3A_219 = tpu.vector_load %arg12[%parallel_loop3A_218] {strides = array<i32>} : memref<128xi32, #tpu.memory_space<vmem>>, vector<16xi32>,
        %parallel_loop3A_220 = arith.constant 8 : i32
        %parallel_loop3A_221 = vector.broadcast %parallel_loop3A_220 : i32 to vector<16xi32>
        %parallel_loop3A_222 = arith.muli %parallel_loop3A_219, %parallel_loop3A_221 : vector<16xi32>
        %parallel_loop3A_223 = arith.constant 0 : i32
        %parallel_loop3A_224 = vector.broadcast %parallel_loop3A_223 : i32 to vector<16xi32>
        %parallel_loop3A_225 = arith.addi %parallel_loop3A_215, %parallel_loop3A_224 : vector<16xi32>
        %parallel_loop3A_226 = tpu.vector_load_idx %arg5[%parallel_loop3A_225] : memref<80000xf32, #tpu.memory_space<vmem>>[vector<16xi32>], vector<16xf32>,
        %parallel_loop3A_227 = arith.constant 1 : i32
        %parallel_loop3A_228 = vector.broadcast %parallel_loop3A_227 : i32 to vector<16xi32>
        %parallel_loop3A_229 = arith.addi %parallel_loop3A_215, %parallel_loop3A_228 : vector<16xi32>
        %parallel_loop3A_230 = tpu.vector_load_idx %arg5[%parallel_loop3A_229] : memref<80000xf32, #tpu.memory_space<vmem>>[vector<16xi32>], vector<16xf32>,
        %parallel_loop3A_231 = arith.constant 2 : i32
        %parallel_loop3A_232 = vector.broadcast %parallel_loop3A_231 : i32 to vector<16xi32>
        %parallel_loop3A_233 = arith.addi %parallel_loop3A_215, %parallel_loop3A_232 : vector<16xi32>
        %parallel_loop3A_234 = tpu.vector_load_idx %arg5[%parallel_loop3A_233] : memref<80000xf32, #tpu.memory_space<vmem>>[vector<16xi32>], vector<16xf32>,
        %parallel_loop3A_235 = arith.constant 3 : i32
        %parallel_loop3A_236 = vector.broadcast %parallel_loop3A_235 : i32 to vector<16xi32>
        %parallel_loop3A_237 = arith.addi %parallel_loop3A_215, %parallel_loop3A_236 : vector<16xi32>
        %parallel_loop3A_238 = tpu.vector_load_idx %arg5[%parallel_loop3A_237] : memref<80000xf32, #tpu.memory_space<vmem>>[vector<16xi32>], vector<16xf32>,
        %parallel_loop3A_239 = arith.constant 4 : i32
        %parallel_loop3A_240 = vector.broadcast %parallel_loop3A_239 : i32 to vector<16xi32>
        %parallel_loop3A_241 = arith.addi %parallel_loop3A_215, %parallel_loop3A_240 : vector<16xi32>
        %parallel_loop3A_242 = tpu.vector_load_idx %arg5[%parallel_loop3A_241] : memref<80000xf32, #tpu.memory_space<vmem>>[vector<16xi32>], vector<16xf32>,
        %parallel_loop3A_243 = arith.constant 5 : i32
        %parallel_loop3A_244 = vector.broadcast %parallel_loop3A_243 : i32 to vector<16xi32>
        %parallel_loop3A_245 = arith.addi %parallel_loop3A_215, %parallel_loop3A_244 : vector<16xi32>
        %parallel_loop3A_246 = tpu.vector_load_idx %arg5[%parallel_loop3A_245] : memref<80000xf32, #tpu.memory_space<vmem>>[vector<16xi32>], vector<16xf32>,
        %parallel_loop3A_247 = arith.constant 6 : i32
        %parallel_loop3A_248 = vector.broadcast %parallel_loop3A_247 : i32 to vector<16xi32>
        %parallel_loop3A_249 = arith.addi %parallel_loop3A_215, %parallel_loop3A_248 : vector<16xi32>
        %parallel_loop3A_250 = tpu.vector_load_idx %arg5[%parallel_loop3A_249] : memref<80000xf32, #tpu.memory_space<vmem>>[vector<16xi32>], vector<16xf32>,
        %parallel_loop3A_251 = arith.constant 7 : i32
        %parallel_loop3A_252 = vector.broadcast %parallel_loop3A_251 : i32 to vector<16xi32>
        %parallel_loop3A_253 = arith.addi %parallel_loop3A_215, %parallel_loop3A_252 : vector<16xi32>
        %parallel_loop3A_254 = tpu.vector_load_idx %arg5[%parallel_loop3A_253] : memref<80000xf32, #tpu.memory_space<vmem>>[vector<16xi32>], vector<16xf32>,
        %parallel_loop3A_255 = arith.constant 0 : i32
        %parallel_loop3A_256 = vector.broadcast %parallel_loop3A_255 : i32 to vector<16xi32>
        %parallel_loop3A_257 = arith.addi %parallel_loop3A_222, %parallel_loop3A_256 : vector<16xi32>
        %parallel_loop3A_258 = tpu.vector_load_idx %arg5[%parallel_loop3A_257] : memref<80000xf32, #tpu.memory_space<vmem>>[vector<16xi32>], vector<16xf32>,
        %parallel_loop3A_259 = arith.constant 1 : i32
        %parallel_loop3A_260 = vector.broadcast %parallel_loop3A_259 : i32 to vector<16xi32>
        %parallel_loop3A_261 = arith.addi %parallel_loop3A_222, %parallel_loop3A_260 : vector<16xi32>
        %parallel_loop3A_262 = tpu.vector_load_idx %arg5[%parallel_loop3A_261] : memref<80000xf32, #tpu.memory_space<vmem>>[vector<16xi32>], vector<16xf32>,
        %parallel_loop3A_263 = arith.constant 2 : i32
        %parallel_loop3A_264 = vector.broadcast %parallel_loop3A_263 : i32 to vector<16xi32>
        %parallel_loop3A_265 = arith.addi %parallel_loop3A_222, %parallel_loop3A_264 : vector<16xi32>
        %parallel_loop3A_266 = tpu.vector_load_idx %arg5[%parallel_loop3A_265] : memref<80000xf32, #tpu.memory_space<vmem>>[vector<16xi32>], vector<16xf32>,
        %parallel_loop3A_267 = arith.constant 3 : i32
        %parallel_loop3A_268 = vector.broadcast %parallel_loop3A_267 : i32 to vector<16xi32>
        %parallel_loop3A_269 = arith.addi %parallel_loop3A_222, %parallel_loop3A_268 : vector<16xi32>
        %parallel_loop3A_270 = tpu.vector_load_idx %arg5[%parallel_loop3A_269] : memref<80000xf32, #tpu.memory_space<vmem>>[vector<16xi32>], vector<16xf32>,
        %parallel_loop3A_271 = arith.constant 4 : i32
        %parallel_loop3A_272 = vector.broadcast %parallel_loop3A_271 : i32 to vector<16xi32>
        %parallel_loop3A_273 = arith.addi %parallel_loop3A_222, %parallel_loop3A_272 : vector<16xi32>
        %parallel_loop3A_274 = tpu.vector_load_idx %arg5[%parallel_loop3A_273] : memref<80000xf32, #tpu.memory_space<vmem>>[vector<16xi32>], vector<16xf32>,
        %parallel_loop3A_275 = arith.constant 5 : i32
        %parallel_loop3A_276 = vector.broadcast %parallel_loop3A_275 : i32 to vector<16xi32>
        %parallel_loop3A_277 = arith.addi %parallel_loop3A_222, %parallel_loop3A_276 : vector<16xi32>
        %parallel_loop3A_278 = tpu.vector_load_idx %arg5[%parallel_loop3A_277] : memref<80000xf32, #tpu.memory_space<vmem>>[vector<16xi32>], vector<16xf32>,
        %parallel_loop3A_279 = arith.constant 6 : i32
        %parallel_loop3A_280 = vector.broadcast %parallel_loop3A_279 : i32 to vector<16xi32>
        %parallel_loop3A_281 = arith.addi %parallel_loop3A_222, %parallel_loop3A_280 : vector<16xi32>
        %parallel_loop3A_282 = tpu.vector_load_idx %arg5[%parallel_loop3A_281] : memref<80000xf32, #tpu.memory_space<vmem>>[vector<16xi32>], vector<16xf32>,
        %parallel_loop3A_283 = arith.constant 7 : i32
        %parallel_loop3A_284 = vector.broadcast %parallel_loop3A_283 : i32 to vector<16xi32>
        %parallel_loop3A_285 = arith.addi %parallel_loop3A_222, %parallel_loop3A_284 : vector<16xi32>
        %parallel_loop3A_286 = tpu.vector_load_idx %arg5[%parallel_loop3A_285] : memref<80000xf32, #tpu.memory_space<vmem>>[vector<16xi32>], vector<16xf32>,
        %parallel_loop3A_287 = arith.mulf %parallel_loop3A_226, %parallel_loop3A_258 : vector<16xf32>
        %parallel_loop3A_288 = arith.constant 16 : i32
        %parallel_loop3A_289 = arith.muli %parallel_loop3A_208, %parallel_loop3A_288 : i32
        %parallel_loop3A_290 = arith.constant 0 : i32
        %parallel_loop3A_291 = arith.index_cast %parallel_loop3A_290 : i32 to index
        %parallel_loop3A_292 = arith.index_cast %parallel_loop3A_289 : i32 to index
        %parallel_loop3A_293 = tpu.vector_load %arg16[%parallel_loop3A_291, %parallel_loop3A_292] {strides = array<i32>} : memref<64x128xf32, #tpu.memory_space<vmem>>, vector<16xf32>,
        tpu.vector_store %arg16[%parallel_loop3A_291, %parallel_loop3A_292], %parallel_loop3A_287 {strides = array<i32>} : memref<64x128xf32, #tpu.memory_space<vmem>>, vector<16xf32>,
        %parallel_loop3A_294 = arith.mulf %parallel_loop3A_226, %parallel_loop3A_262 : vector<16xf32>
        %parallel_loop3A_295 = arith.constant 16 : i32
        %parallel_loop3A_296 = arith.muli %parallel_loop3A_208, %parallel_loop3A_295 : i32
        %parallel_loop3A_297 = arith.constant 1 : i32
        %parallel_loop3A_298 = arith.index_cast %parallel_loop3A_297 : i32 to index
        %parallel_loop3A_299 = arith.index_cast %parallel_loop3A_296 : i32 to index
        %parallel_loop3A_300 = tpu.vector_load %arg16[%parallel_loop3A_298, %parallel_loop3A_299] {strides = array<i32>} : memref<64x128xf32, #tpu.memory_space<vmem>>, vector<16xf32>,
        tpu.vector_store %arg16[%parallel_loop3A_298, %parallel_loop3A_299], %parallel_loop3A_294 {strides = array<i32>} : memref<64x128xf32, #tpu.memory_space<vmem>>, vector<16xf32>,
        %parallel_loop3A_301 = arith.mulf %parallel_loop3A_226, %parallel_loop3A_266 : vector<16xf32>
        %parallel_loop3A_302 = arith.constant 16 : i32
        %parallel_loop3A_303 = arith.muli %parallel_loop3A_208, %parallel_loop3A_302 : i32
        %parallel_loop3A_304 = arith.constant 2 : i32
        %parallel_loop3A_305 = arith.index_cast %parallel_loop3A_304 : i32 to index
        %parallel_loop3A_306 = arith.index_cast %parallel_loop3A_303 : i32 to index
        %parallel_loop3A_307 = tpu.vector_load %arg16[%parallel_loop3A_305, %parallel_loop3A_306] {strides = array<i32>} : memref<64x128xf32, #tpu.memory_space<vmem>>, vector<16xf32>,
        tpu.vector_store %arg16[%parallel_loop3A_305, %parallel_loop3A_306], %parallel_loop3A_301 {strides = array<i32>} : memref<64x128xf32, #tpu.memory_space<vmem>>, vector<16xf32>,
        %parallel_loop3A_308 = arith.mulf %parallel_loop3A_226, %parallel_loop3A_270 : vector<16xf32>
        %parallel_loop3A_309 = arith.constant 16 : i32
        %parallel_loop3A_310 = arith.muli %parallel_loop3A_208, %parallel_loop3A_309 : i32
        %parallel_loop3A_311 = arith.constant 3 : i32
        %parallel_loop3A_312 = arith.index_cast %parallel_loop3A_311 : i32 to index
        %parallel_loop3A_313 = arith.index_cast %parallel_loop3A_310 : i32 to index
        %parallel_loop3A_314 = tpu.vector_load %arg16[%parallel_loop3A_312, %parallel_loop3A_313] {strides = array<i32>} : memref<64x128xf32, #tpu.memory_space<vmem>>, vector<16xf32>,
        tpu.vector_store %arg16[%parallel_loop3A_312, %parallel_loop3A_313], %parallel_loop3A_308 {strides = array<i32>} : memref<64x128xf32, #tpu.memory_space<vmem>>, vector<16xf32>,
        %parallel_loop3A_315 = arith.mulf %parallel_loop3A_226, %parallel_loop3A_274 : vector<16xf32>
        %parallel_loop3A_316 = arith.constant 16 : i32
        %parallel_loop3A_317 = arith.muli %parallel_loop3A_208, %parallel_loop3A_316 : i32
        %parallel_loop3A_318 = arith.constant 4 : i32
        %parallel_loop3A_319 = arith.index_cast %parallel_loop3A_318 : i32 to index
        %parallel_loop3A_320 = arith.index_cast %parallel_loop3A_317 : i32 to index
        %parallel_loop3A_321 = tpu.vector_load %arg16[%parallel_loop3A_319, %parallel_loop3A_320] {strides = array<i32>} : memref<64x128xf32, #tpu.memory_space<vmem>>, vector<16xf32>,
        tpu.vector_store %arg16[%parallel_loop3A_319, %parallel_loop3A_320], %parallel_loop3A_315 {strides = array<i32>} : memref<64x128xf32, #tpu.memory_space<vmem>>, vector<16xf32>,
        %parallel_loop3A_322 = arith.mulf %parallel_loop3A_226, %parallel_loop3A_278 : vector<16xf32>
        %parallel_loop3A_323 = arith.constant 16 : i32
        %parallel_loop3A_324 = arith.muli %parallel_loop3A_208, %parallel_loop3A_323 : i32
        %parallel_loop3A_325 = arith.constant 5 : i32
        %parallel_loop3A_326 = arith.index_cast %parallel_loop3A_325 : i32 to index
        %parallel_loop3A_327 = arith.index_cast %parallel_loop3A_324 : i32 to index
        %parallel_loop3A_328 = tpu.vector_load %arg16[%parallel_loop3A_326, %parallel_loop3A_327] {strides = array<i32>} : memref<64x128xf32, #tpu.memory_space<vmem>>, vector<16xf32>,
        tpu.vector_store %arg16[%parallel_loop3A_326, %parallel_loop3A_327], %parallel_loop3A_322 {strides = array<i32>} : memref<64x128xf32, #tpu.memory_space<vmem>>, vector<16xf32>,
        %parallel_loop3A_329 = arith.mulf %parallel_loop3A_226, %parallel_loop3A_282 : vector<16xf32>
        %parallel_loop3A_330 = arith.constant 16 : i32
        %parallel_loop3A_331 = arith.muli %parallel_loop3A_208, %parallel_loop3A_330 : i32
        %parallel_loop3A_332 = arith.constant 6 : i32
        %parallel_loop3A_333 = arith.index_cast %parallel_loop3A_332 : i32 to index
        %parallel_loop3A_334 = arith.index_cast %parallel_loop3A_331 : i32 to index
        %parallel_loop3A_335 = tpu.vector_load %arg16[%parallel_loop3A_333, %parallel_loop3A_334] {strides = array<i32>} : memref<64x128xf32, #tpu.memory_space<vmem>>, vector<16xf32>,
        tpu.vector_store %arg16[%parallel_loop3A_333, %parallel_loop3A_334], %parallel_loop3A_329 {strides = array<i32>} : memref<64x128xf32, #tpu.memory_space<vmem>>, vector<16xf32>,
        %parallel_loop3A_336 = arith.mulf %parallel_loop3A_226, %parallel_loop3A_286 : vector<16xf32>
        %parallel_loop3A_337 = arith.constant 16 : i32
        %parallel_loop3A_338 = arith.muli %parallel_loop3A_208, %parallel_loop3A_337 : i32
        %parallel_loop3A_339 = arith.constant 7 : i32
        %parallel_loop3A_340 = arith.index_cast %parallel_loop3A_339 : i32 to index
        %parallel_loop3A_341 = arith.index_cast %parallel_loop3A_338 : i32 to index
        %parallel_loop3A_342 = tpu.vector_load %arg16[%parallel_loop3A_340, %parallel_loop3A_341] {strides = array<i32>} : memref<64x128xf32, #tpu.memory_space<vmem>>, vector<16xf32>,
        tpu.vector_store %arg16[%parallel_loop3A_340, %parallel_loop3A_341], %parallel_loop3A_336 {strides = array<i32>} : memref<64x128xf32, #tpu.memory_space<vmem>>, vector<16xf32>,
        %parallel_loop3A_343 = arith.mulf %parallel_loop3A_230, %parallel_loop3A_258 : vector<16xf32>
        %parallel_loop3A_344 = arith.constant 16 : i32
        %parallel_loop3A_345 = arith.muli %parallel_loop3A_208, %parallel_loop3A_344 : i32
        %parallel_loop3A_346 = arith.constant 8 : i32
        %parallel_loop3A_347 = arith.index_cast %parallel_loop3A_346 : i32 to index
        %parallel_loop3A_348 = arith.index_cast %parallel_loop3A_345 : i32 to index
        %parallel_loop3A_349 = tpu.vector_load %arg16[%parallel_loop3A_347, %parallel_loop3A_348] {strides = array<i32>} : memref<64x128xf32, #tpu.memory_space<vmem>>, vector<16xf32>,
        tpu.vector_store %arg16[%parallel_loop3A_347, %parallel_loop3A_348], %parallel_loop3A_343 {strides = array<i32>} : memref<64x128xf32, #tpu.memory_space<vmem>>, vector<16xf32>,
        %parallel_loop3A_350 = arith.mulf %parallel_loop3A_230, %parallel_loop3A_262 : vector<16xf32>
        %parallel_loop3A_351 = arith.constant 16 : i32
        %parallel_loop3A_352 = arith.muli %parallel_loop3A_208, %parallel_loop3A_351 : i32
        %parallel_loop3A_353 = arith.constant 9 : i32
        %parallel_loop3A_354 = arith.index_cast %parallel_loop3A_353 : i32 to index
        %parallel_loop3A_355 = arith.index_cast %parallel_loop3A_352 : i32 to index
        %parallel_loop3A_356 = tpu.vector_load %arg16[%parallel_loop3A_354, %parallel_loop3A_355] {strides = array<i32>} : memref<64x128xf32, #tpu.memory_space<vmem>>, vector<16xf32>,
        tpu.vector_store %arg16[%parallel_loop3A_354, %parallel_loop3A_355], %parallel_loop3A_350 {strides = array<i32>} : memref<64x128xf32, #tpu.memory_space<vmem>>, vector<16xf32>,
        %parallel_loop3A_357 = arith.mulf %parallel_loop3A_230, %parallel_loop3A_266 : vector<16xf32>
        %parallel_loop3A_358 = arith.constant 16 : i32
        %parallel_loop3A_359 = arith.muli %parallel_loop3A_208, %parallel_loop3A_358 : i32
        %parallel_loop3A_360 = arith.constant 10 : i32
        %parallel_loop3A_361 = arith.index_cast %parallel_loop3A_360 : i32 to index
        %parallel_loop3A_362 = arith.index_cast %parallel_loop3A_359 : i32 to index
        %parallel_loop3A_363 = tpu.vector_load %arg16[%parallel_loop3A_361, %parallel_loop3A_362] {strides = array<i32>} : memref<64x128xf32, #tpu.memory_space<vmem>>, vector<16xf32>,
        tpu.vector_store %arg16[%parallel_loop3A_361, %parallel_loop3A_362], %parallel_loop3A_357 {strides = array<i32>} : memref<64x128xf32, #tpu.memory_space<vmem>>, vector<16xf32>,
        %parallel_loop3A_364 = arith.mulf %parallel_loop3A_230, %parallel_loop3A_270 : vector<16xf32>
        %parallel_loop3A_365 = arith.constant 16 : i32
        %parallel_loop3A_366 = arith.muli %parallel_loop3A_208, %parallel_loop3A_365 : i32
        %parallel_loop3A_367 = arith.constant 11 : i32
        %parallel_loop3A_368 = arith.index_cast %parallel_loop3A_367 : i32 to index
        %parallel_loop3A_369 = arith.index_cast %parallel_loop3A_366 : i32 to index
        %parallel_loop3A_370 = tpu.vector_load %arg16[%parallel_loop3A_368, %parallel_loop3A_369] {strides = array<i32>} : memref<64x128xf32, #tpu.memory_space<vmem>>, vector<16xf32>,
        tpu.vector_store %arg16[%parallel_loop3A_368, %parallel_loop3A_369], %parallel_loop3A_364 {strides = array<i32>} : memref<64x128xf32, #tpu.memory_space<vmem>>, vector<16xf32>,
        %parallel_loop3A_371 = arith.mulf %parallel_loop3A_230, %parallel_loop3A_274 : vector<16xf32>
        %parallel_loop3A_372 = arith.constant 16 : i32
        %parallel_loop3A_373 = arith.muli %parallel_loop3A_208, %parallel_loop3A_372 : i32
        %parallel_loop3A_374 = arith.constant 12 : i32
        %parallel_loop3A_375 = arith.index_cast %parallel_loop3A_374 : i32 to index
        %parallel_loop3A_376 = arith.index_cast %parallel_loop3A_373 : i32 to index
        %parallel_loop3A_377 = tpu.vector_load %arg16[%parallel_loop3A_375, %parallel_loop3A_376] {strides = array<i32>} : memref<64x128xf32, #tpu.memory_space<vmem>>, vector<16xf32>,
        tpu.vector_store %arg16[%parallel_loop3A_375, %parallel_loop3A_376], %parallel_loop3A_371 {strides = array<i32>} : memref<64x128xf32, #tpu.memory_space<vmem>>, vector<16xf32>,
        %parallel_loop3A_378 = arith.mulf %parallel_loop3A_230, %parallel_loop3A_278 : vector<16xf32>
        %parallel_loop3A_379 = arith.constant 16 : i32
        %parallel_loop3A_380 = arith.muli %parallel_loop3A_208, %parallel_loop3A_379 : i32
        %parallel_loop3A_381 = arith.constant 13 : i32
        %parallel_loop3A_382 = arith.index_cast %parallel_loop3A_381 : i32 to index
        %parallel_loop3A_383 = arith.index_cast %parallel_loop3A_380 : i32 to index
        %parallel_loop3A_384 = tpu.vector_load %arg16[%parallel_loop3A_382, %parallel_loop3A_383] {strides = array<i32>} : memref<64x128xf32, #tpu.memory_space<vmem>>, vector<16xf32>,
        tpu.vector_store %arg16[%parallel_loop3A_382, %parallel_loop3A_383], %parallel_loop3A_378 {strides = array<i32>} : memref<64x128xf32, #tpu.memory_space<vmem>>, vector<16xf32>,
        %parallel_loop3A_385 = arith.mulf %parallel_loop3A_230, %parallel_loop3A_282 : vector<16xf32>
        %parallel_loop3A_386 = arith.constant 16 : i32
        %parallel_loop3A_387 = arith.muli %parallel_loop3A_208, %parallel_loop3A_386 : i32
        %parallel_loop3A_388 = arith.constant 14 : i32
        %parallel_loop3A_389 = arith.index_cast %parallel_loop3A_388 : i32 to index
        %parallel_loop3A_390 = arith.index_cast %parallel_loop3A_387 : i32 to index
        %parallel_loop3A_391 = tpu.vector_load %arg16[%parallel_loop3A_389, %parallel_loop3A_390] {strides = array<i32>} : memref<64x128xf32, #tpu.memory_space<vmem>>, vector<16xf32>,
        tpu.vector_store %arg16[%parallel_loop3A_389, %parallel_loop3A_390], %parallel_loop3A_385 {strides = array<i32>} : memref<64x128xf32, #tpu.memory_space<vmem>>, vector<16xf32>,
        %parallel_loop3A_392 = arith.mulf %parallel_loop3A_230, %parallel_loop3A_286 : vector<16xf32>
        %parallel_loop3A_393 = arith.constant 16 : i32
        %parallel_loop3A_394 = arith.muli %parallel_loop3A_208, %parallel_loop3A_393 : i32
        %parallel_loop3A_395 = arith.constant 15 : i32
        %parallel_loop3A_396 = arith.index_cast %parallel_loop3A_395 : i32 to index
        %parallel_loop3A_397 = arith.index_cast %parallel_loop3A_394 : i32 to index
        %parallel_loop3A_398 = tpu.vector_load %arg16[%parallel_loop3A_396, %parallel_loop3A_397] {strides = array<i32>} : memref<64x128xf32, #tpu.memory_space<vmem>>, vector<16xf32>,
        tpu.vector_store %arg16[%parallel_loop3A_396, %parallel_loop3A_397], %parallel_loop3A_392 {strides = array<i32>} : memref<64x128xf32, #tpu.memory_space<vmem>>, vector<16xf32>,
        %parallel_loop3A_399 = arith.mulf %parallel_loop3A_234, %parallel_loop3A_258 : vector<16xf32>
        %parallel_loop3A_400 = arith.constant 16 : i32
        %parallel_loop3A_401 = arith.muli %parallel_loop3A_208, %parallel_loop3A_400 : i32
        %parallel_loop3A_402 = arith.constant 16 : i32
        %parallel_loop3A_403 = arith.index_cast %parallel_loop3A_402 : i32 to index
        %parallel_loop3A_404 = arith.index_cast %parallel_loop3A_401 : i32 to index
        %parallel_loop3A_405 = tpu.vector_load %arg16[%parallel_loop3A_403, %parallel_loop3A_404] {strides = array<i32>} : memref<64x128xf32, #tpu.memory_space<vmem>>, vector<16xf32>,
        tpu.vector_store %arg16[%parallel_loop3A_403, %parallel_loop3A_404], %parallel_loop3A_399 {strides = array<i32>} : memref<64x128xf32, #tpu.memory_space<vmem>>, vector<16xf32>,
        %parallel_loop3A_406 = arith.mulf %parallel_loop3A_234, %parallel_loop3A_262 : vector<16xf32>
        %parallel_loop3A_407 = arith.constant 16 : i32
        %parallel_loop3A_408 = arith.muli %parallel_loop3A_208, %parallel_loop3A_407 : i32
        %parallel_loop3A_409 = arith.constant 17 : i32
        %parallel_loop3A_410 = arith.index_cast %parallel_loop3A_409 : i32 to index
        %parallel_loop3A_411 = arith.index_cast %parallel_loop3A_408 : i32 to index
        %parallel_loop3A_412 = tpu.vector_load %arg16[%parallel_loop3A_410, %parallel_loop3A_411] {strides = array<i32>} : memref<64x128xf32, #tpu.memory_space<vmem>>, vector<16xf32>,
        tpu.vector_store %arg16[%parallel_loop3A_410, %parallel_loop3A_411], %parallel_loop3A_406 {strides = array<i32>} : memref<64x128xf32, #tpu.memory_space<vmem>>, vector<16xf32>,
        %parallel_loop3A_413 = arith.mulf %parallel_loop3A_234, %parallel_loop3A_266 : vector<16xf32>
        %parallel_loop3A_414 = arith.constant 16 : i32
        %parallel_loop3A_415 = arith.muli %parallel_loop3A_208, %parallel_loop3A_414 : i32
        %parallel_loop3A_416 = arith.constant 18 : i32
        %parallel_loop3A_417 = arith.index_cast %parallel_loop3A_416 : i32 to index
        %parallel_loop3A_418 = arith.index_cast %parallel_loop3A_415 : i32 to index
        %parallel_loop3A_419 = tpu.vector_load %arg16[%parallel_loop3A_417, %parallel_loop3A_418] {strides = array<i32>} : memref<64x128xf32, #tpu.memory_space<vmem>>, vector<16xf32>,
        tpu.vector_store %arg16[%parallel_loop3A_417, %parallel_loop3A_418], %parallel_loop3A_413 {strides = array<i32>} : memref<64x128xf32, #tpu.memory_space<vmem>>, vector<16xf32>,
        %parallel_loop3A_420 = arith.mulf %parallel_loop3A_234, %parallel_loop3A_270 : vector<16xf32>
        %parallel_loop3A_421 = arith.constant 16 : i32
        %parallel_loop3A_422 = arith.muli %parallel_loop3A_208, %parallel_loop3A_421 : i32
        %parallel_loop3A_423 = arith.constant 19 : i32
        %parallel_loop3A_424 = arith.index_cast %parallel_loop3A_423 : i32 to index
        %parallel_loop3A_425 = arith.index_cast %parallel_loop3A_422 : i32 to index
        %parallel_loop3A_426 = tpu.vector_load %arg16[%parallel_loop3A_424, %parallel_loop3A_425] {strides = array<i32>} : memref<64x128xf32, #tpu.memory_space<vmem>>, vector<16xf32>,
        tpu.vector_store %arg16[%parallel_loop3A_424, %parallel_loop3A_425], %parallel_loop3A_420 {strides = array<i32>} : memref<64x128xf32, #tpu.memory_space<vmem>>, vector<16xf32>,
        %parallel_loop3A_427 = arith.mulf %parallel_loop3A_234, %parallel_loop3A_274 : vector<16xf32>
        %parallel_loop3A_428 = arith.constant 16 : i32
        %parallel_loop3A_429 = arith.muli %parallel_loop3A_208, %parallel_loop3A_428 : i32
        %parallel_loop3A_430 = arith.constant 20 : i32
        %parallel_loop3A_431 = arith.index_cast %parallel_loop3A_430 : i32 to index
        %parallel_loop3A_432 = arith.index_cast %parallel_loop3A_429 : i32 to index
        %parallel_loop3A_433 = tpu.vector_load %arg16[%parallel_loop3A_431, %parallel_loop3A_432] {strides = array<i32>} : memref<64x128xf32, #tpu.memory_space<vmem>>, vector<16xf32>,
        tpu.vector_store %arg16[%parallel_loop3A_431, %parallel_loop3A_432], %parallel_loop3A_427 {strides = array<i32>} : memref<64x128xf32, #tpu.memory_space<vmem>>, vector<16xf32>,
        %parallel_loop3A_434 = arith.mulf %parallel_loop3A_234, %parallel_loop3A_278 : vector<16xf32>
        %parallel_loop3A_435 = arith.constant 16 : i32
        %parallel_loop3A_436 = arith.muli %parallel_loop3A_208, %parallel_loop3A_435 : i32
        %parallel_loop3A_437 = arith.constant 21 : i32
        %parallel_loop3A_438 = arith.index_cast %parallel_loop3A_437 : i32 to index
        %parallel_loop3A_439 = arith.index_cast %parallel_loop3A_436 : i32 to index
        %parallel_loop3A_440 = tpu.vector_load %arg16[%parallel_loop3A_438, %parallel_loop3A_439] {strides = array<i32>} : memref<64x128xf32, #tpu.memory_space<vmem>>, vector<16xf32>,
        tpu.vector_store %arg16[%parallel_loop3A_438, %parallel_loop3A_439], %parallel_loop3A_434 {strides = array<i32>} : memref<64x128xf32, #tpu.memory_space<vmem>>, vector<16xf32>,
        %parallel_loop3A_441 = arith.mulf %parallel_loop3A_234, %parallel_loop3A_282 : vector<16xf32>
        %parallel_loop3A_442 = arith.constant 16 : i32
        %parallel_loop3A_443 = arith.muli %parallel_loop3A_208, %parallel_loop3A_442 : i32
        %parallel_loop3A_444 = arith.constant 22 : i32
        %parallel_loop3A_445 = arith.index_cast %parallel_loop3A_444 : i32 to index
        %parallel_loop3A_446 = arith.index_cast %parallel_loop3A_443 : i32 to index
        %parallel_loop3A_447 = tpu.vector_load %arg16[%parallel_loop3A_445, %parallel_loop3A_446] {strides = array<i32>} : memref<64x128xf32, #tpu.memory_space<vmem>>, vector<16xf32>,
        tpu.vector_store %arg16[%parallel_loop3A_445, %parallel_loop3A_446], %parallel_loop3A_441 {strides = array<i32>} : memref<64x128xf32, #tpu.memory_space<vmem>>, vector<16xf32>,
        %parallel_loop3A_448 = arith.mulf %parallel_loop3A_234, %parallel_loop3A_286 : vector<16xf32>
        %parallel_loop3A_449 = arith.constant 16 : i32
        %parallel_loop3A_450 = arith.muli %parallel_loop3A_208, %parallel_loop3A_449 : i32
        %parallel_loop3A_451 = arith.constant 23 : i32
        %parallel_loop3A_452 = arith.index_cast %parallel_loop3A_451 : i32 to index
        %parallel_loop3A_453 = arith.index_cast %parallel_loop3A_450 : i32 to index
        %parallel_loop3A_454 = tpu.vector_load %arg16[%parallel_loop3A_452, %parallel_loop3A_453] {strides = array<i32>} : memref<64x128xf32, #tpu.memory_space<vmem>>, vector<16xf32>,
        tpu.vector_store %arg16[%parallel_loop3A_452, %parallel_loop3A_453], %parallel_loop3A_448 {strides = array<i32>} : memref<64x128xf32, #tpu.memory_space<vmem>>, vector<16xf32>,
        %parallel_loop3A_455 = arith.mulf %parallel_loop3A_238, %parallel_loop3A_258 : vector<16xf32>
        %parallel_loop3A_456 = arith.constant 16 : i32
        %parallel_loop3A_457 = arith.muli %parallel_loop3A_208, %parallel_loop3A_456 : i32
        %parallel_loop3A_458 = arith.constant 24 : i32
        %parallel_loop3A_459 = arith.index_cast %parallel_loop3A_458 : i32 to index
        %parallel_loop3A_460 = arith.index_cast %parallel_loop3A_457 : i32 to index
        %parallel_loop3A_461 = tpu.vector_load %arg16[%parallel_loop3A_459, %parallel_loop3A_460] {strides = array<i32>} : memref<64x128xf32, #tpu.memory_space<vmem>>, vector<16xf32>,
        tpu.vector_store %arg16[%parallel_loop3A_459, %parallel_loop3A_460], %parallel_loop3A_455 {strides = array<i32>} : memref<64x128xf32, #tpu.memory_space<vmem>>, vector<16xf32>,
        %parallel_loop3A_462 = arith.mulf %parallel_loop3A_238, %parallel_loop3A_262 : vector<16xf32>
        %parallel_loop3A_463 = arith.constant 16 : i32
        %parallel_loop3A_464 = arith.muli %parallel_loop3A_208, %parallel_loop3A_463 : i32
        %parallel_loop3A_465 = arith.constant 25 : i32
        %parallel_loop3A_466 = arith.index_cast %parallel_loop3A_465 : i32 to index
        %parallel_loop3A_467 = arith.index_cast %parallel_loop3A_464 : i32 to index
        %parallel_loop3A_468 = tpu.vector_load %arg16[%parallel_loop3A_466, %parallel_loop3A_467] {strides = array<i32>} : memref<64x128xf32, #tpu.memory_space<vmem>>, vector<16xf32>,
        tpu.vector_store %arg16[%parallel_loop3A_466, %parallel_loop3A_467], %parallel_loop3A_462 {strides = array<i32>} : memref<64x128xf32, #tpu.memory_space<vmem>>, vector<16xf32>,
        %parallel_loop3A_469 = arith.mulf %parallel_loop3A_238, %parallel_loop3A_266 : vector<16xf32>
        %parallel_loop3A_470 = arith.constant 16 : i32
        %parallel_loop3A_471 = arith.muli %parallel_loop3A_208, %parallel_loop3A_470 : i32
        %parallel_loop3A_472 = arith.constant 26 : i32
        %parallel_loop3A_473 = arith.index_cast %parallel_loop3A_472 : i32 to index
        %parallel_loop3A_474 = arith.index_cast %parallel_loop3A_471 : i32 to index
        %parallel_loop3A_475 = tpu.vector_load %arg16[%parallel_loop3A_473, %parallel_loop3A_474] {strides = array<i32>} : memref<64x128xf32, #tpu.memory_space<vmem>>, vector<16xf32>,
        tpu.vector_store %arg16[%parallel_loop3A_473, %parallel_loop3A_474], %parallel_loop3A_469 {strides = array<i32>} : memref<64x128xf32, #tpu.memory_space<vmem>>, vector<16xf32>,
        %parallel_loop3A_476 = arith.mulf %parallel_loop3A_238, %parallel_loop3A_270 : vector<16xf32>
        %parallel_loop3A_477 = arith.constant 16 : i32
        %parallel_loop3A_478 = arith.muli %parallel_loop3A_208, %parallel_loop3A_477 : i32
        %parallel_loop3A_479 = arith.constant 27 : i32
        %parallel_loop3A_480 = arith.index_cast %parallel_loop3A_479 : i32 to index
        %parallel_loop3A_481 = arith.index_cast %parallel_loop3A_478 : i32 to index
        %parallel_loop3A_482 = tpu.vector_load %arg16[%parallel_loop3A_480, %parallel_loop3A_481] {strides = array<i32>} : memref<64x128xf32, #tpu.memory_space<vmem>>, vector<16xf32>,
        tpu.vector_store %arg16[%parallel_loop3A_480, %parallel_loop3A_481], %parallel_loop3A_476 {strides = array<i32>} : memref<64x128xf32, #tpu.memory_space<vmem>>, vector<16xf32>,
        %parallel_loop3A_483 = arith.mulf %parallel_loop3A_238, %parallel_loop3A_274 : vector<16xf32>
        %parallel_loop3A_484 = arith.constant 16 : i32
        %parallel_loop3A_485 = arith.muli %parallel_loop3A_208, %parallel_loop3A_484 : i32
        %parallel_loop3A_486 = arith.constant 28 : i32
        %parallel_loop3A_487 = arith.index_cast %parallel_loop3A_486 : i32 to index
        %parallel_loop3A_488 = arith.index_cast %parallel_loop3A_485 : i32 to index
        %parallel_loop3A_489 = tpu.vector_load %arg16[%parallel_loop3A_487, %parallel_loop3A_488] {strides = array<i32>} : memref<64x128xf32, #tpu.memory_space<vmem>>, vector<16xf32>,
        tpu.vector_store %arg16[%parallel_loop3A_487, %parallel_loop3A_488], %parallel_loop3A_483 {strides = array<i32>} : memref<64x128xf32, #tpu.memory_space<vmem>>, vector<16xf32>,
        %parallel_loop3A_490 = arith.mulf %parallel_loop3A_238, %parallel_loop3A_278 : vector<16xf32>
        %parallel_loop3A_491 = arith.constant 16 : i32
        %parallel_loop3A_492 = arith.muli %parallel_loop3A_208, %parallel_loop3A_491 : i32
        %parallel_loop3A_493 = arith.constant 29 : i32
        %parallel_loop3A_494 = arith.index_cast %parallel_loop3A_493 : i32 to index
        %parallel_loop3A_495 = arith.index_cast %parallel_loop3A_492 : i32 to index
        %parallel_loop3A_496 = tpu.vector_load %arg16[%parallel_loop3A_494, %parallel_loop3A_495] {strides = array<i32>} : memref<64x128xf32, #tpu.memory_space<vmem>>, vector<16xf32>,
        tpu.vector_store %arg16[%parallel_loop3A_494, %parallel_loop3A_495], %parallel_loop3A_490 {strides = array<i32>} : memref<64x128xf32, #tpu.memory_space<vmem>>, vector<16xf32>,
        %parallel_loop3A_497 = arith.mulf %parallel_loop3A_238, %parallel_loop3A_282 : vector<16xf32>
        %parallel_loop3A_498 = arith.constant 16 : i32
        %parallel_loop3A_499 = arith.muli %parallel_loop3A_208, %parallel_loop3A_498 : i32
        %parallel_loop3A_500 = arith.constant 30 : i32
        %parallel_loop3A_501 = arith.index_cast %parallel_loop3A_500 : i32 to index
        %parallel_loop3A_502 = arith.index_cast %parallel_loop3A_499 : i32 to index
        %parallel_loop3A_503 = tpu.vector_load %arg16[%parallel_loop3A_501, %parallel_loop3A_502] {strides = array<i32>} : memref<64x128xf32, #tpu.memory_space<vmem>>, vector<16xf32>,
        tpu.vector_store %arg16[%parallel_loop3A_501, %parallel_loop3A_502], %parallel_loop3A_497 {strides = array<i32>} : memref<64x128xf32, #tpu.memory_space<vmem>>, vector<16xf32>,
        %parallel_loop3A_504 = arith.mulf %parallel_loop3A_238, %parallel_loop3A_286 : vector<16xf32>
        %parallel_loop3A_505 = arith.constant 16 : i32
        %parallel_loop3A_506 = arith.muli %parallel_loop3A_208, %parallel_loop3A_505 : i32
        %parallel_loop3A_507 = arith.constant 31 : i32
        %parallel_loop3A_508 = arith.index_cast %parallel_loop3A_507 : i32 to index
        %parallel_loop3A_509 = arith.index_cast %parallel_loop3A_506 : i32 to index
        %parallel_loop3A_510 = tpu.vector_load %arg16[%parallel_loop3A_508, %parallel_loop3A_509] {strides = array<i32>} : memref<64x128xf32, #tpu.memory_space<vmem>>, vector<16xf32>,
        tpu.vector_store %arg16[%parallel_loop3A_508, %parallel_loop3A_509], %parallel_loop3A_504 {strides = array<i32>} : memref<64x128xf32, #tpu.memory_space<vmem>>, vector<16xf32>,
        %parallel_loop3A_511 = arith.mulf %parallel_loop3A_242, %parallel_loop3A_258 : vector<16xf32>
        %parallel_loop3A_512 = arith.constant 16 : i32
        %parallel_loop3A_513 = arith.muli %parallel_loop3A_208, %parallel_loop3A_512 : i32
        %parallel_loop3A_514 = arith.constant 32 : i32
        %parallel_loop3A_515 = arith.index_cast %parallel_loop3A_514 : i32 to index
        %parallel_loop3A_516 = arith.index_cast %parallel_loop3A_513 : i32 to index
        %parallel_loop3A_517 = tpu.vector_load %arg16[%parallel_loop3A_515, %parallel_loop3A_516] {strides = array<i32>} : memref<64x128xf32, #tpu.memory_space<vmem>>, vector<16xf32>,
        tpu.vector_store %arg16[%parallel_loop3A_515, %parallel_loop3A_516], %parallel_loop3A_511 {strides = array<i32>} : memref<64x128xf32, #tpu.memory_space<vmem>>, vector<16xf32>,
        %parallel_loop3A_518 = arith.mulf %parallel_loop3A_242, %parallel_loop3A_262 : vector<16xf32>
        %parallel_loop3A_519 = arith.constant 16 : i32
        %parallel_loop3A_520 = arith.muli %parallel_loop3A_208, %parallel_loop3A_519 : i32
        %parallel_loop3A_521 = arith.constant 33 : i32
        %parallel_loop3A_522 = arith.index_cast %parallel_loop3A_521 : i32 to index
        %parallel_loop3A_523 = arith.index_cast %parallel_loop3A_520 : i32 to index
        %parallel_loop3A_524 = tpu.vector_load %arg16[%parallel_loop3A_522, %parallel_loop3A_523] {strides = array<i32>} : memref<64x128xf32, #tpu.memory_space<vmem>>, vector<16xf32>,
        tpu.vector_store %arg16[%parallel_loop3A_522, %parallel_loop3A_523], %parallel_loop3A_518 {strides = array<i32>} : memref<64x128xf32, #tpu.memory_space<vmem>>, vector<16xf32>,
        %parallel_loop3A_525 = arith.mulf %parallel_loop3A_242, %parallel_loop3A_266 : vector<16xf32>
        %parallel_loop3A_526 = arith.constant 16 : i32
        %parallel_loop3A_527 = arith.muli %parallel_loop3A_208, %parallel_loop3A_526 : i32
        %parallel_loop3A_528 = arith.constant 34 : i32
        %parallel_loop3A_529 = arith.index_cast %parallel_loop3A_528 : i32 to index
        %parallel_loop3A_530 = arith.index_cast %parallel_loop3A_527 : i32 to index
        %parallel_loop3A_531 = tpu.vector_load %arg16[%parallel_loop3A_529, %parallel_loop3A_530] {strides = array<i32>} : memref<64x128xf32, #tpu.memory_space<vmem>>, vector<16xf32>,
        tpu.vector_store %arg16[%parallel_loop3A_529, %parallel_loop3A_530], %parallel_loop3A_525 {strides = array<i32>} : memref<64x128xf32, #tpu.memory_space<vmem>>, vector<16xf32>,
        %parallel_loop3A_532 = arith.mulf %parallel_loop3A_242, %parallel_loop3A_270 : vector<16xf32>
        %parallel_loop3A_533 = arith.constant 16 : i32
        %parallel_loop3A_534 = arith.muli %parallel_loop3A_208, %parallel_loop3A_533 : i32
        %parallel_loop3A_535 = arith.constant 35 : i32
        %parallel_loop3A_536 = arith.index_cast %parallel_loop3A_535 : i32 to index
        %parallel_loop3A_537 = arith.index_cast %parallel_loop3A_534 : i32 to index
        %parallel_loop3A_538 = tpu.vector_load %arg16[%parallel_loop3A_536, %parallel_loop3A_537] {strides = array<i32>} : memref<64x128xf32, #tpu.memory_space<vmem>>, vector<16xf32>,
        tpu.vector_store %arg16[%parallel_loop3A_536, %parallel_loop3A_537], %parallel_loop3A_532 {strides = array<i32>} : memref<64x128xf32, #tpu.memory_space<vmem>>, vector<16xf32>,
        %parallel_loop3A_539 = arith.mulf %parallel_loop3A_242, %parallel_loop3A_274 : vector<16xf32>
        %parallel_loop3A_540 = arith.constant 16 : i32
        %parallel_loop3A_541 = arith.muli %parallel_loop3A_208, %parallel_loop3A_540 : i32
        %parallel_loop3A_542 = arith.constant 36 : i32
        %parallel_loop3A_543 = arith.index_cast %parallel_loop3A_542 : i32 to index
        %parallel_loop3A_544 = arith.index_cast %parallel_loop3A_541 : i32 to index
        %parallel_loop3A_545 = tpu.vector_load %arg16[%parallel_loop3A_543, %parallel_loop3A_544] {strides = array<i32>} : memref<64x128xf32, #tpu.memory_space<vmem>>, vector<16xf32>,
        tpu.vector_store %arg16[%parallel_loop3A_543, %parallel_loop3A_544], %parallel_loop3A_539 {strides = array<i32>} : memref<64x128xf32, #tpu.memory_space<vmem>>, vector<16xf32>,
        %parallel_loop3A_546 = arith.mulf %parallel_loop3A_242, %parallel_loop3A_278 : vector<16xf32>
        %parallel_loop3A_547 = arith.constant 16 : i32
        %parallel_loop3A_548 = arith.muli %parallel_loop3A_208, %parallel_loop3A_547 : i32
        %parallel_loop3A_549 = arith.constant 37 : i32
        %parallel_loop3A_550 = arith.index_cast %parallel_loop3A_549 : i32 to index
        %parallel_loop3A_551 = arith.index_cast %parallel_loop3A_548 : i32 to index
        %parallel_loop3A_552 = tpu.vector_load %arg16[%parallel_loop3A_550, %parallel_loop3A_551] {strides = array<i32>} : memref<64x128xf32, #tpu.memory_space<vmem>>, vector<16xf32>,
        tpu.vector_store %arg16[%parallel_loop3A_550, %parallel_loop3A_551], %parallel_loop3A_546 {strides = array<i32>} : memref<64x128xf32, #tpu.memory_space<vmem>>, vector<16xf32>,
        %parallel_loop3A_553 = arith.mulf %parallel_loop3A_242, %parallel_loop3A_282 : vector<16xf32>
        %parallel_loop3A_554 = arith.constant 16 : i32
        %parallel_loop3A_555 = arith.muli %parallel_loop3A_208, %parallel_loop3A_554 : i32
        %parallel_loop3A_556 = arith.constant 38 : i32
        %parallel_loop3A_557 = arith.index_cast %parallel_loop3A_556 : i32 to index
        %parallel_loop3A_558 = arith.index_cast %parallel_loop3A_555 : i32 to index
        %parallel_loop3A_559 = tpu.vector_load %arg16[%parallel_loop3A_557, %parallel_loop3A_558] {strides = array<i32>} : memref<64x128xf32, #tpu.memory_space<vmem>>, vector<16xf32>,
        tpu.vector_store %arg16[%parallel_loop3A_557, %parallel_loop3A_558], %parallel_loop3A_553 {strides = array<i32>} : memref<64x128xf32, #tpu.memory_space<vmem>>, vector<16xf32>,
        %parallel_loop3A_560 = arith.mulf %parallel_loop3A_242, %parallel_loop3A_286 : vector<16xf32>
        %parallel_loop3A_561 = arith.constant 16 : i32
        %parallel_loop3A_562 = arith.muli %parallel_loop3A_208, %parallel_loop3A_561 : i32
        %parallel_loop3A_563 = arith.constant 39 : i32
        %parallel_loop3A_564 = arith.index_cast %parallel_loop3A_563 : i32 to index
        %parallel_loop3A_565 = arith.index_cast %parallel_loop3A_562 : i32 to index
        %parallel_loop3A_566 = tpu.vector_load %arg16[%parallel_loop3A_564, %parallel_loop3A_565] {strides = array<i32>} : memref<64x128xf32, #tpu.memory_space<vmem>>, vector<16xf32>,
        tpu.vector_store %arg16[%parallel_loop3A_564, %parallel_loop3A_565], %parallel_loop3A_560 {strides = array<i32>} : memref<64x128xf32, #tpu.memory_space<vmem>>, vector<16xf32>,
        %parallel_loop3A_567 = arith.mulf %parallel_loop3A_246, %parallel_loop3A_258 : vector<16xf32>
        %parallel_loop3A_568 = arith.constant 16 : i32
        %parallel_loop3A_569 = arith.muli %parallel_loop3A_208, %parallel_loop3A_568 : i32
        %parallel_loop3A_570 = arith.constant 40 : i32
        %parallel_loop3A_571 = arith.index_cast %parallel_loop3A_570 : i32 to index
        %parallel_loop3A_572 = arith.index_cast %parallel_loop3A_569 : i32 to index
        %parallel_loop3A_573 = tpu.vector_load %arg16[%parallel_loop3A_571, %parallel_loop3A_572] {strides = array<i32>} : memref<64x128xf32, #tpu.memory_space<vmem>>, vector<16xf32>,
        tpu.vector_store %arg16[%parallel_loop3A_571, %parallel_loop3A_572], %parallel_loop3A_567 {strides = array<i32>} : memref<64x128xf32, #tpu.memory_space<vmem>>, vector<16xf32>,
        %parallel_loop3A_574 = arith.mulf %parallel_loop3A_246, %parallel_loop3A_262 : vector<16xf32>
        %parallel_loop3A_575 = arith.constant 16 : i32
        %parallel_loop3A_576 = arith.muli %parallel_loop3A_208, %parallel_loop3A_575 : i32
        %parallel_loop3A_577 = arith.constant 41 : i32
        %parallel_loop3A_578 = arith.index_cast %parallel_loop3A_577 : i32 to index
        %parallel_loop3A_579 = arith.index_cast %parallel_loop3A_576 : i32 to index
        %parallel_loop3A_580 = tpu.vector_load %arg16[%parallel_loop3A_578, %parallel_loop3A_579] {strides = array<i32>} : memref<64x128xf32, #tpu.memory_space<vmem>>, vector<16xf32>,
        tpu.vector_store %arg16[%parallel_loop3A_578, %parallel_loop3A_579], %parallel_loop3A_574 {strides = array<i32>} : memref<64x128xf32, #tpu.memory_space<vmem>>, vector<16xf32>,
        %parallel_loop3A_581 = arith.mulf %parallel_loop3A_246, %parallel_loop3A_266 : vector<16xf32>
        %parallel_loop3A_582 = arith.constant 16 : i32
        %parallel_loop3A_583 = arith.muli %parallel_loop3A_208, %parallel_loop3A_582 : i32
        %parallel_loop3A_584 = arith.constant 42 : i32
        %parallel_loop3A_585 = arith.index_cast %parallel_loop3A_584 : i32 to index
        %parallel_loop3A_586 = arith.index_cast %parallel_loop3A_583 : i32 to index
        %parallel_loop3A_587 = tpu.vector_load %arg16[%parallel_loop3A_585, %parallel_loop3A_586] {strides = array<i32>} : memref<64x128xf32, #tpu.memory_space<vmem>>, vector<16xf32>,
        tpu.vector_store %arg16[%parallel_loop3A_585, %parallel_loop3A_586], %parallel_loop3A_581 {strides = array<i32>} : memref<64x128xf32, #tpu.memory_space<vmem>>, vector<16xf32>,
        %parallel_loop3A_588 = arith.mulf %parallel_loop3A_246, %parallel_loop3A_270 : vector<16xf32>
        %parallel_loop3A_589 = arith.constant 16 : i32
        %parallel_loop3A_590 = arith.muli %parallel_loop3A_208, %parallel_loop3A_589 : i32
        %parallel_loop3A_591 = arith.constant 43 : i32
        %parallel_loop3A_592 = arith.index_cast %parallel_loop3A_591 : i32 to index
        %parallel_loop3A_593 = arith.index_cast %parallel_loop3A_590 : i32 to index
        %parallel_loop3A_594 = tpu.vector_load %arg16[%parallel_loop3A_592, %parallel_loop3A_593] {strides = array<i32>} : memref<64x128xf32, #tpu.memory_space<vmem>>, vector<16xf32>,
        tpu.vector_store %arg16[%parallel_loop3A_592, %parallel_loop3A_593], %parallel_loop3A_588 {strides = array<i32>} : memref<64x128xf32, #tpu.memory_space<vmem>>, vector<16xf32>,
        %parallel_loop3A_595 = arith.mulf %parallel_loop3A_246, %parallel_loop3A_274 : vector<16xf32>
        %parallel_loop3A_596 = arith.constant 16 : i32
        %parallel_loop3A_597 = arith.muli %parallel_loop3A_208, %parallel_loop3A_596 : i32
        %parallel_loop3A_598 = arith.constant 44 : i32
        %parallel_loop3A_599 = arith.index_cast %parallel_loop3A_598 : i32 to index
        %parallel_loop3A_600 = arith.index_cast %parallel_loop3A_597 : i32 to index
        %parallel_loop3A_601 = tpu.vector_load %arg16[%parallel_loop3A_599, %parallel_loop3A_600] {strides = array<i32>} : memref<64x128xf32, #tpu.memory_space<vmem>>, vector<16xf32>,
        tpu.vector_store %arg16[%parallel_loop3A_599, %parallel_loop3A_600], %parallel_loop3A_595 {strides = array<i32>} : memref<64x128xf32, #tpu.memory_space<vmem>>, vector<16xf32>,
        %parallel_loop3A_602 = arith.mulf %parallel_loop3A_246, %parallel_loop3A_278 : vector<16xf32>
        %parallel_loop3A_603 = arith.constant 16 : i32
        %parallel_loop3A_604 = arith.muli %parallel_loop3A_208, %parallel_loop3A_603 : i32
        %parallel_loop3A_605 = arith.constant 45 : i32
        %parallel_loop3A_606 = arith.index_cast %parallel_loop3A_605 : i32 to index
        %parallel_loop3A_607 = arith.index_cast %parallel_loop3A_604 : i32 to index
        %parallel_loop3A_608 = tpu.vector_load %arg16[%parallel_loop3A_606, %parallel_loop3A_607] {strides = array<i32>} : memref<64x128xf32, #tpu.memory_space<vmem>>, vector<16xf32>,
        tpu.vector_store %arg16[%parallel_loop3A_606, %parallel_loop3A_607], %parallel_loop3A_602 {strides = array<i32>} : memref<64x128xf32, #tpu.memory_space<vmem>>, vector<16xf32>,
        %parallel_loop3A_609 = arith.mulf %parallel_loop3A_246, %parallel_loop3A_282 : vector<16xf32>
        %parallel_loop3A_610 = arith.constant 16 : i32
        %parallel_loop3A_611 = arith.muli %parallel_loop3A_208, %parallel_loop3A_610 : i32
        %parallel_loop3A_612 = arith.constant 46 : i32
        %parallel_loop3A_613 = arith.index_cast %parallel_loop3A_612 : i32 to index
        %parallel_loop3A_614 = arith.index_cast %parallel_loop3A_611 : i32 to index
        %parallel_loop3A_615 = tpu.vector_load %arg16[%parallel_loop3A_613, %parallel_loop3A_614] {strides = array<i32>} : memref<64x128xf32, #tpu.memory_space<vmem>>, vector<16xf32>,
        tpu.vector_store %arg16[%parallel_loop3A_613, %parallel_loop3A_614], %parallel_loop3A_609 {strides = array<i32>} : memref<64x128xf32, #tpu.memory_space<vmem>>, vector<16xf32>,
        %parallel_loop3A_616 = arith.mulf %parallel_loop3A_246, %parallel_loop3A_286 : vector<16xf32>
        %parallel_loop3A_617 = arith.constant 16 : i32
        %parallel_loop3A_618 = arith.muli %parallel_loop3A_208, %parallel_loop3A_617 : i32
        %parallel_loop3A_619 = arith.constant 47 : i32
        %parallel_loop3A_620 = arith.index_cast %parallel_loop3A_619 : i32 to index
        %parallel_loop3A_621 = arith.index_cast %parallel_loop3A_618 : i32 to index
        %parallel_loop3A_622 = tpu.vector_load %arg16[%parallel_loop3A_620, %parallel_loop3A_621] {strides = array<i32>} : memref<64x128xf32, #tpu.memory_space<vmem>>, vector<16xf32>,
        tpu.vector_store %arg16[%parallel_loop3A_620, %parallel_loop3A_621], %parallel_loop3A_616 {strides = array<i32>} : memref<64x128xf32, #tpu.memory_space<vmem>>, vector<16xf32>,
        %parallel_loop3A_623 = arith.mulf %parallel_loop3A_250, %parallel_loop3A_258 : vector<16xf32>
        %parallel_loop3A_624 = arith.constant 16 : i32
        %parallel_loop3A_625 = arith.muli %parallel_loop3A_208, %parallel_loop3A_624 : i32
        %parallel_loop3A_626 = arith.constant 48 : i32
        %parallel_loop3A_627 = arith.index_cast %parallel_loop3A_626 : i32 to index
        %parallel_loop3A_628 = arith.index_cast %parallel_loop3A_625 : i32 to index
        %parallel_loop3A_629 = tpu.vector_load %arg16[%parallel_loop3A_627, %parallel_loop3A_628] {strides = array<i32>} : memref<64x128xf32, #tpu.memory_space<vmem>>, vector<16xf32>,
        tpu.vector_store %arg16[%parallel_loop3A_627, %parallel_loop3A_628], %parallel_loop3A_623 {strides = array<i32>} : memref<64x128xf32, #tpu.memory_space<vmem>>, vector<16xf32>,
        %parallel_loop3A_630 = arith.mulf %parallel_loop3A_250, %parallel_loop3A_262 : vector<16xf32>
        %parallel_loop3A_631 = arith.constant 16 : i32
        %parallel_loop3A_632 = arith.muli %parallel_loop3A_208, %parallel_loop3A_631 : i32
        %parallel_loop3A_633 = arith.constant 49 : i32
        %parallel_loop3A_634 = arith.index_cast %parallel_loop3A_633 : i32 to index
        %parallel_loop3A_635 = arith.index_cast %parallel_loop3A_632 : i32 to index
        %parallel_loop3A_636 = tpu.vector_load %arg16[%parallel_loop3A_634, %parallel_loop3A_635] {strides = array<i32>} : memref<64x128xf32, #tpu.memory_space<vmem>>, vector<16xf32>,
        tpu.vector_store %arg16[%parallel_loop3A_634, %parallel_loop3A_635], %parallel_loop3A_630 {strides = array<i32>} : memref<64x128xf32, #tpu.memory_space<vmem>>, vector<16xf32>,
        %parallel_loop3A_637 = arith.mulf %parallel_loop3A_250, %parallel_loop3A_266 : vector<16xf32>
        %parallel_loop3A_638 = arith.constant 16 : i32
        %parallel_loop3A_639 = arith.muli %parallel_loop3A_208, %parallel_loop3A_638 : i32
        %parallel_loop3A_640 = arith.constant 50 : i32
        %parallel_loop3A_641 = arith.index_cast %parallel_loop3A_640 : i32 to index
        %parallel_loop3A_642 = arith.index_cast %parallel_loop3A_639 : i32 to index
        %parallel_loop3A_643 = tpu.vector_load %arg16[%parallel_loop3A_641, %parallel_loop3A_642] {strides = array<i32>} : memref<64x128xf32, #tpu.memory_space<vmem>>, vector<16xf32>,
        tpu.vector_store %arg16[%parallel_loop3A_641, %parallel_loop3A_642], %parallel_loop3A_637 {strides = array<i32>} : memref<64x128xf32, #tpu.memory_space<vmem>>, vector<16xf32>,
        %parallel_loop3A_644 = arith.mulf %parallel_loop3A_250, %parallel_loop3A_270 : vector<16xf32>
        %parallel_loop3A_645 = arith.constant 16 : i32
        %parallel_loop3A_646 = arith.muli %parallel_loop3A_208, %parallel_loop3A_645 : i32
        %parallel_loop3A_647 = arith.constant 51 : i32
        %parallel_loop3A_648 = arith.index_cast %parallel_loop3A_647 : i32 to index
        %parallel_loop3A_649 = arith.index_cast %parallel_loop3A_646 : i32 to index
        %parallel_loop3A_650 = tpu.vector_load %arg16[%parallel_loop3A_648, %parallel_loop3A_649] {strides = array<i32>} : memref<64x128xf32, #tpu.memory_space<vmem>>, vector<16xf32>,
        tpu.vector_store %arg16[%parallel_loop3A_648, %parallel_loop3A_649], %parallel_loop3A_644 {strides = array<i32>} : memref<64x128xf32, #tpu.memory_space<vmem>>, vector<16xf32>,
        %parallel_loop3A_651 = arith.mulf %parallel_loop3A_250, %parallel_loop3A_274 : vector<16xf32>
        %parallel_loop3A_652 = arith.constant 16 : i32
        %parallel_loop3A_653 = arith.muli %parallel_loop3A_208, %parallel_loop3A_652 : i32
        %parallel_loop3A_654 = arith.constant 52 : i32
        %parallel_loop3A_655 = arith.index_cast %parallel_loop3A_654 : i32 to index
        %parallel_loop3A_656 = arith.index_cast %parallel_loop3A_653 : i32 to index
        %parallel_loop3A_657 = tpu.vector_load %arg16[%parallel_loop3A_655, %parallel_loop3A_656] {strides = array<i32>} : memref<64x128xf32, #tpu.memory_space<vmem>>, vector<16xf32>,
        tpu.vector_store %arg16[%parallel_loop3A_655, %parallel_loop3A_656], %parallel_loop3A_651 {strides = array<i32>} : memref<64x128xf32, #tpu.memory_space<vmem>>, vector<16xf32>,
        %parallel_loop3A_658 = arith.mulf %parallel_loop3A_250, %parallel_loop3A_278 : vector<16xf32>
        %parallel_loop3A_659 = arith.constant 16 : i32
        %parallel_loop3A_660 = arith.muli %parallel_loop3A_208, %parallel_loop3A_659 : i32
        %parallel_loop3A_661 = arith.constant 53 : i32
        %parallel_loop3A_662 = arith.index_cast %parallel_loop3A_661 : i32 to index
        %parallel_loop3A_663 = arith.index_cast %parallel_loop3A_660 : i32 to index
        %parallel_loop3A_664 = tpu.vector_load %arg16[%parallel_loop3A_662, %parallel_loop3A_663] {strides = array<i32>} : memref<64x128xf32, #tpu.memory_space<vmem>>, vector<16xf32>,
        tpu.vector_store %arg16[%parallel_loop3A_662, %parallel_loop3A_663], %parallel_loop3A_658 {strides = array<i32>} : memref<64x128xf32, #tpu.memory_space<vmem>>, vector<16xf32>,
        %parallel_loop3A_665 = arith.mulf %parallel_loop3A_250, %parallel_loop3A_282 : vector<16xf32>
        %parallel_loop3A_666 = arith.constant 16 : i32
        %parallel_loop3A_667 = arith.muli %parallel_loop3A_208, %parallel_loop3A_666 : i32
        %parallel_loop3A_668 = arith.constant 54 : i32
        %parallel_loop3A_669 = arith.index_cast %parallel_loop3A_668 : i32 to index
        %parallel_loop3A_670 = arith.index_cast %parallel_loop3A_667 : i32 to index
        %parallel_loop3A_671 = tpu.vector_load %arg16[%parallel_loop3A_669, %parallel_loop3A_670] {strides = array<i32>} : memref<64x128xf32, #tpu.memory_space<vmem>>, vector<16xf32>,
        tpu.vector_store %arg16[%parallel_loop3A_669, %parallel_loop3A_670], %parallel_loop3A_665 {strides = array<i32>} : memref<64x128xf32, #tpu.memory_space<vmem>>, vector<16xf32>,
        %parallel_loop3A_672 = arith.mulf %parallel_loop3A_250, %parallel_loop3A_286 : vector<16xf32>
        %parallel_loop3A_673 = arith.constant 16 : i32
        %parallel_loop3A_674 = arith.muli %parallel_loop3A_208, %parallel_loop3A_673 : i32
        %parallel_loop3A_675 = arith.constant 55 : i32
        %parallel_loop3A_676 = arith.index_cast %parallel_loop3A_675 : i32 to index
        %parallel_loop3A_677 = arith.index_cast %parallel_loop3A_674 : i32 to index
        %parallel_loop3A_678 = tpu.vector_load %arg16[%parallel_loop3A_676, %parallel_loop3A_677] {strides = array<i32>} : memref<64x128xf32, #tpu.memory_space<vmem>>, vector<16xf32>,
        tpu.vector_store %arg16[%parallel_loop3A_676, %parallel_loop3A_677], %parallel_loop3A_672 {strides = array<i32>} : memref<64x128xf32, #tpu.memory_space<vmem>>, vector<16xf32>,
        %parallel_loop3A_679 = arith.mulf %parallel_loop3A_254, %parallel_loop3A_258 : vector<16xf32>
        %parallel_loop3A_680 = arith.constant 16 : i32
        %parallel_loop3A_681 = arith.muli %parallel_loop3A_208, %parallel_loop3A_680 : i32
        %parallel_loop3A_682 = arith.constant 56 : i32
        %parallel_loop3A_683 = arith.index_cast %parallel_loop3A_682 : i32 to index
        %parallel_loop3A_684 = arith.index_cast %parallel_loop3A_681 : i32 to index
        %parallel_loop3A_685 = tpu.vector_load %arg16[%parallel_loop3A_683, %parallel_loop3A_684] {strides = array<i32>} : memref<64x128xf32, #tpu.memory_space<vmem>>, vector<16xf32>,
        tpu.vector_store %arg16[%parallel_loop3A_683, %parallel_loop3A_684], %parallel_loop3A_679 {strides = array<i32>} : memref<64x128xf32, #tpu.memory_space<vmem>>, vector<16xf32>,
        %parallel_loop3A_686 = arith.mulf %parallel_loop3A_254, %parallel_loop3A_262 : vector<16xf32>
        %parallel_loop3A_687 = arith.constant 16 : i32
        %parallel_loop3A_688 = arith.muli %parallel_loop3A_208, %parallel_loop3A_687 : i32
        %parallel_loop3A_689 = arith.constant 57 : i32
        %parallel_loop3A_690 = arith.index_cast %parallel_loop3A_689 : i32 to index
        %parallel_loop3A_691 = arith.index_cast %parallel_loop3A_688 : i32 to index
        %parallel_loop3A_692 = tpu.vector_load %arg16[%parallel_loop3A_690, %parallel_loop3A_691] {strides = array<i32>} : memref<64x128xf32, #tpu.memory_space<vmem>>, vector<16xf32>,
        tpu.vector_store %arg16[%parallel_loop3A_690, %parallel_loop3A_691], %parallel_loop3A_686 {strides = array<i32>} : memref<64x128xf32, #tpu.memory_space<vmem>>, vector<16xf32>,
        %parallel_loop3A_693 = arith.mulf %parallel_loop3A_254, %parallel_loop3A_266 : vector<16xf32>
        %parallel_loop3A_694 = arith.constant 16 : i32
        %parallel_loop3A_695 = arith.muli %parallel_loop3A_208, %parallel_loop3A_694 : i32
        %parallel_loop3A_696 = arith.constant 58 : i32
        %parallel_loop3A_697 = arith.index_cast %parallel_loop3A_696 : i32 to index
        %parallel_loop3A_698 = arith.index_cast %parallel_loop3A_695 : i32 to index
        %parallel_loop3A_699 = tpu.vector_load %arg16[%parallel_loop3A_697, %parallel_loop3A_698] {strides = array<i32>} : memref<64x128xf32, #tpu.memory_space<vmem>>, vector<16xf32>,
        tpu.vector_store %arg16[%parallel_loop3A_697, %parallel_loop3A_698], %parallel_loop3A_693 {strides = array<i32>} : memref<64x128xf32, #tpu.memory_space<vmem>>, vector<16xf32>,
        %parallel_loop3A_700 = arith.mulf %parallel_loop3A_254, %parallel_loop3A_270 : vector<16xf32>
        %parallel_loop3A_701 = arith.constant 16 : i32
        %parallel_loop3A_702 = arith.muli %parallel_loop3A_208, %parallel_loop3A_701 : i32
        %parallel_loop3A_703 = arith.constant 59 : i32
        %parallel_loop3A_704 = arith.index_cast %parallel_loop3A_703 : i32 to index
        %parallel_loop3A_705 = arith.index_cast %parallel_loop3A_702 : i32 to index
        %parallel_loop3A_706 = tpu.vector_load %arg16[%parallel_loop3A_704, %parallel_loop3A_705] {strides = array<i32>} : memref<64x128xf32, #tpu.memory_space<vmem>>, vector<16xf32>,
        tpu.vector_store %arg16[%parallel_loop3A_704, %parallel_loop3A_705], %parallel_loop3A_700 {strides = array<i32>} : memref<64x128xf32, #tpu.memory_space<vmem>>, vector<16xf32>,
        %parallel_loop3A_707 = arith.mulf %parallel_loop3A_254, %parallel_loop3A_274 : vector<16xf32>
        %parallel_loop3A_708 = arith.constant 16 : i32
        %parallel_loop3A_709 = arith.muli %parallel_loop3A_208, %parallel_loop3A_708 : i32
        %parallel_loop3A_710 = arith.constant 60 : i32
        %parallel_loop3A_711 = arith.index_cast %parallel_loop3A_710 : i32 to index
        %parallel_loop3A_712 = arith.index_cast %parallel_loop3A_709 : i32 to index
        %parallel_loop3A_713 = tpu.vector_load %arg16[%parallel_loop3A_711, %parallel_loop3A_712] {strides = array<i32>} : memref<64x128xf32, #tpu.memory_space<vmem>>, vector<16xf32>,
        tpu.vector_store %arg16[%parallel_loop3A_711, %parallel_loop3A_712], %parallel_loop3A_707 {strides = array<i32>} : memref<64x128xf32, #tpu.memory_space<vmem>>, vector<16xf32>,
        %parallel_loop3A_714 = arith.mulf %parallel_loop3A_254, %parallel_loop3A_278 : vector<16xf32>
        %parallel_loop3A_715 = arith.constant 16 : i32
        %parallel_loop3A_716 = arith.muli %parallel_loop3A_208, %parallel_loop3A_715 : i32
        %parallel_loop3A_717 = arith.constant 61 : i32
        %parallel_loop3A_718 = arith.index_cast %parallel_loop3A_717 : i32 to index
        %parallel_loop3A_719 = arith.index_cast %parallel_loop3A_716 : i32 to index
        %parallel_loop3A_720 = tpu.vector_load %arg16[%parallel_loop3A_718, %parallel_loop3A_719] {strides = array<i32>} : memref<64x128xf32, #tpu.memory_space<vmem>>, vector<16xf32>,
        tpu.vector_store %arg16[%parallel_loop3A_718, %parallel_loop3A_719], %parallel_loop3A_714 {strides = array<i32>} : memref<64x128xf32, #tpu.memory_space<vmem>>, vector<16xf32>,
        %parallel_loop3A_721 = arith.mulf %parallel_loop3A_254, %parallel_loop3A_282 : vector<16xf32>
        %parallel_loop3A_722 = arith.constant 16 : i32
        %parallel_loop3A_723 = arith.muli %parallel_loop3A_208, %parallel_loop3A_722 : i32
        %parallel_loop3A_724 = arith.constant 62 : i32
        %parallel_loop3A_725 = arith.index_cast %parallel_loop3A_724 : i32 to index
        %parallel_loop3A_726 = arith.index_cast %parallel_loop3A_723 : i32 to index
        %parallel_loop3A_727 = tpu.vector_load %arg16[%parallel_loop3A_725, %parallel_loop3A_726] {strides = array<i32>} : memref<64x128xf32, #tpu.memory_space<vmem>>, vector<16xf32>,
        tpu.vector_store %arg16[%parallel_loop3A_725, %parallel_loop3A_726], %parallel_loop3A_721 {strides = array<i32>} : memref<64x128xf32, #tpu.memory_space<vmem>>, vector<16xf32>,
        %parallel_loop3A_728 = arith.mulf %parallel_loop3A_254, %parallel_loop3A_286 : vector<16xf32>
        %parallel_loop3A_729 = arith.constant 16 : i32
        %parallel_loop3A_730 = arith.muli %parallel_loop3A_208, %parallel_loop3A_729 : i32
        %parallel_loop3A_731 = arith.constant 63 : i32
        %parallel_loop3A_732 = arith.index_cast %parallel_loop3A_731 : i32 to index
        %parallel_loop3A_733 = arith.index_cast %parallel_loop3A_730 : i32 to index
        %parallel_loop3A_734 = tpu.vector_load %arg16[%parallel_loop3A_732, %parallel_loop3A_733] {strides = array<i32>} : memref<64x128xf32, #tpu.memory_space<vmem>>, vector<16xf32>,
        tpu.vector_store %arg16[%parallel_loop3A_732, %parallel_loop3A_733], %parallel_loop3A_728 {strides = array<i32>} : memref<64x128xf32, #tpu.memory_space<vmem>>, vector<16xf32>,
      } {sc.loop_unroll_factor = 1 : i64, sc.parallel_access}
      %mul3A_159 = arith.constant 32 : i32
      %mul3A_160 = arith.muli %add3A_142, %mul3A_159 : i32
      %add3A_161 = arith.addi %add3A, %mul3A_160 : i32
      %mul3A_162 = arith.constant 128 : i32
      %mul3A_163 = arith.muli %add3A_161, %mul3A_162 : i32
      %dma_start3A_164 = arith.constant 0 : i32
      %dma_start3A_165 = tpu.memref_slice %arg4[%dma_start3A_164, %mul3A_163] : memref<64x640000xf32, #tpu.memory_space<hbm>> -> memref<64x128xf32, #tpu.memory_space<hbm>>
      %dma_start3A_166 = arith.constant 0 : i32
      %dma_start3A_167 = tpu.memref_slice %arg4[%dma_start3A_166, %mul3A_163] : memref<64x640000xf32, #tpu.memory_space<hbm>> -> memref<64x128xf32, #tpu.memory_space<hbm>>
      tpu.enqueue_dma source(%arg16 : memref<64x128xf32, #tpu.memory_space<vmem>>) target(%dma_start3A_167 : memref<64x128xf32, #tpu.memory_space<hbm>>) target_semaphore(%arg24 : memref<!tpu.dma_semaphore, #tpu.memory_space<semaphore_mem>>)
      %lt3A_168 = arith.constant 38 : i32
      %lt3A_169 = arith.cmpi slt, %scan3A_71, %lt3A_168 : i32
      %convert_element_type3A_170 = arith.extui %lt3A_169 : i1 to i32
      %cond3A_171 = arith.constant 0 : i32
      %cond3A_172 = arith.cmpi ne, %convert_element_type3A_170, %cond3A_171 : i32
      scf.if %cond3A_172 {
        %add3A_208 = arith.constant 4 : i32
        %add3A_209 = arith.addi %add3A_142, %add3A_208 : i32
        %mul3A_210 = arith.constant 32 : i32
        %mul3A_211 = arith.muli %add3A_209, %mul3A_210 : i32
        %add3A_212 = arith.addi %add3A, %mul3A_211 : i32
        %mul3A_213 = arith.constant 128 : i32
        %mul3A_214 = arith.muli %add3A_212, %mul3A_213 : i32
        %dma_start3A_215 = tpu.memref_slice %arg2[%mul3A_214] : memref<1280000xi32, #tpu.memory_space<hbm>> -> memref<128xi32, #tpu.memory_space<hbm>>
        %dma_start3A_216 = tpu.memref_slice %arg2[%mul3A_214] : memref<1280000xi32, #tpu.memory_space<hbm>> -> memref<128xi32, #tpu.memory_space<hbm>>
        tpu.enqueue_dma source(%dma_start3A_216 : memref<128xi32, #tpu.memory_space<hbm>>) target(%arg8 : memref<128xi32, #tpu.memory_space<vmem>>) target_semaphore(%arg20 : memref<!tpu.dma_semaphore, #tpu.memory_space<semaphore_mem>>)
        %add3A_217 = arith.constant 640000 : i32
        %add3A_218 = arith.addi %add3A_217, %mul3A_214 : i32
        %dma_start3A_219 = tpu.memref_slice %arg2[%add3A_218] : memref<1280000xi32, #tpu.memory_space<hbm>> -> memref<128xi32, #tpu.memory_space<hbm>>
        %dma_start3A_220 = tpu.memref_slice %arg2[%add3A_218] : memref<1280000xi32, #tpu.memory_space<hbm>> -> memref<128xi32, #tpu.memory_space<hbm>>
        tpu.enqueue_dma source(%dma_start3A_220 : memref<128xi32, #tpu.memory_space<hbm>>) target(%arg12 : memref<128xi32, #tpu.memory_space<vmem>>) target_semaphore(%arg20 : memref<!tpu.dma_semaphore, #tpu.memory_space<semaphore_mem>>)
      } else {
      }
      %mul3A_173 = arith.constant 4 : i32
      %mul3A_174 = arith.muli %scan3A_71, %mul3A_173 : i32
      %add3A_175 = arith.constant 3 : i32
      %add3A_176 = arith.addi %mul3A_174, %add3A_175 : i32
      %dma_wait3A_177 = arith.constant 0 : i32
      %dma_wait3A_178 = tpu.memref_slice %arg2[%dma_wait3A_177] : memref<1280000xi32, #tpu.memory_space<hbm>> -> memref<128xi32, #tpu.memory_space<hbm>>
      %dma_wait3A_179 = arith.constant 0 : i32
      %dma_wait3A_180 = tpu.memref_slice %arg2[%dma_wait3A_179] : memref<1280000xi32, #tpu.memory_space<hbm>> -> memref<128xi32, #tpu.memory_space<hbm>>
      tpu.wait_dma2 semaphore(%arg21 : memref<!tpu.dma_semaphore, #tpu.memory_space<semaphore_mem>>) src(%dma_wait3A_180 : memref<128xi32, #tpu.memory_space<hbm>>) dst(%arg9 : memref<128xi32, #tpu.memory_space<vmem>>)
      %dma_wait3A_181 = arith.constant 0 : i32
      %dma_wait3A_182 = tpu.memref_slice %arg2[%dma_wait3A_181] : memref<1280000xi32, #tpu.memory_space<hbm>> -> memref<128xi32, #tpu.memory_space<hbm>>
      %dma_wait3A_183 = arith.constant 0 : i32
      %dma_wait3A_184 = tpu.memref_slice %arg2[%dma_wait3A_183] : memref<1280000xi32, #tpu.memory_space<hbm>> -> memref<128xi32, #tpu.memory_space<hbm>>
      tpu.wait_dma2 semaphore(%arg21 : memref<!tpu.dma_semaphore, #tpu.memory_space<semaphore_mem>>) src(%dma_wait3A_184 : memref<128xi32, #tpu.memory_space<hbm>>) dst(%arg13 : memref<128xi32, #tpu.memory_space<vmem>>)
      %gt3A_185 = arith.constant 0 : i32
      %gt3A_186 = arith.cmpi sgt, %scan3A_71, %gt3A_185 : i32
      %convert_element_type3A_187 = arith.extui %gt3A_186 : i1 to i32
      %cond3A_188 = arith.constant 0 : i32
      %cond3A_189 = arith.cmpi ne, %convert_element_type3A_187, %cond3A_188 : i32
      scf.if %cond3A_189 {
        %dma_wait3A_208 = arith.constant 0 : i32
        %dma_wait3A_209 = arith.constant 0 : i32
        %dma_wait3A_210 = tpu.memref_slice %arg4[%dma_wait3A_208, %dma_wait3A_209] : memref<64x640000xf32, #tpu.memory_space<hbm>> -> memref<64x128xf32, #tpu.memory_space<hbm>>
        %dma_wait3A_211 = arith.constant 0 : i32
        %dma_wait3A_212 = arith.constant 0 : i32
        %dma_wait3A_213 = tpu.memref_slice %arg4[%dma_wait3A_211, %dma_wait3A_212] : memref<64x640000xf32, #tpu.memory_space<hbm>> -> memref<64x128xf32, #tpu.memory_space<hbm>>
        tpu.wait_dma2 semaphore(%arg25 : memref<!tpu.dma_semaphore, #tpu.memory_space<semaphore_mem>>) src(%arg17 : memref<64x128xf32, #tpu.memory_space<vmem>>) dst(%dma_wait3A_213 : memref<64x128xf32, #tpu.memory_space<hbm>>)
      } else {
      }
      %parallel_loop3A_190 = arith.constant 0 : i32
      %parallel_loop3A_191 = arith.constant 8 : i32
      %parallel_loop3A_192 = arith.constant 1 : i32
      scf.for %parallel_loop3A_208 = %parallel_loop3A_190 to %parallel_loop3A_191 step %parallel_loop3A_192  : i32 {
        %parallel_loop3A_209 = arith.constant 16 : i32
        %parallel_loop3A_210 = arith.muli %parallel_loop3A_208, %parallel_loop3A_209 : i32
        %parallel_loop3A_211 = arith.index_cast %parallel_loop3A_210 : i32 to index
        %parallel_loop3A_212 = tpu.vector_load %arg9[%parallel_loop3A_211] {strides = array<i32>} : memref<128xi32, #tpu.memory_space<vmem>>, vector<16xi32>,
        %parallel_loop3A_213 = arith.constant 8 : i32
        %parallel_loop3A_214 = vector.broadcast %parallel_loop3A_213 : i32 to vector<16xi32>
        %parallel_loop3A_215 = arith.muli %parallel_loop3A_212, %parallel_loop3A_214 : vector<16xi32>
        %parallel_loop3A_216 = arith.constant 16 : i32
        %parallel_loop3A_217 = arith.muli %parallel_loop3A_208, %parallel_loop3A_216 : i32
        %parallel_loop3A_218 = arith.index_cast %parallel_loop3A_217 : i32 to index
        %parallel_loop3A_219 = tpu.vector_load %arg13[%parallel_loop3A_218] {strides = array<i32>} : memref<128xi32, #tpu.memory_space<vmem>>, vector<16xi32>,
        %parallel_loop3A_220 = arith.constant 8 : i32
        %parallel_loop3A_221 = vector.broadcast %parallel_loop3A_220 : i32 to vector<16xi32>
        %parallel_loop3A_222 = arith.muli %parallel_loop3A_219, %parallel_loop3A_221 : vector<16xi32>
        %parallel_loop3A_223 = arith.constant 0 : i32
        %parallel_loop3A_224 = vector.broadcast %parallel_loop3A_223 : i32 to vector<16xi32>
        %parallel_loop3A_225 = arith.addi %parallel_loop3A_215, %parallel_loop3A_224 : vector<16xi32>
        %parallel_loop3A_226 = tpu.vector_load_idx %arg5[%parallel_loop3A_225] : memref<80000xf32, #tpu.memory_space<vmem>>[vector<16xi32>], vector<16xf32>,
        %parallel_loop3A_227 = arith.constant 1 : i32
        %parallel_loop3A_228 = vector.broadcast %parallel_loop3A_227 : i32 to vector<16xi32>
        %parallel_loop3A_229 = arith.addi %parallel_loop3A_215, %parallel_loop3A_228 : vector<16xi32>
        %parallel_loop3A_230 = tpu.vector_load_idx %arg5[%parallel_loop3A_229] : memref<80000xf32, #tpu.memory_space<vmem>>[vector<16xi32>], vector<16xf32>,
        %parallel_loop3A_231 = arith.constant 2 : i32
        %parallel_loop3A_232 = vector.broadcast %parallel_loop3A_231 : i32 to vector<16xi32>
        %parallel_loop3A_233 = arith.addi %parallel_loop3A_215, %parallel_loop3A_232 : vector<16xi32>
        %parallel_loop3A_234 = tpu.vector_load_idx %arg5[%parallel_loop3A_233] : memref<80000xf32, #tpu.memory_space<vmem>>[vector<16xi32>], vector<16xf32>,
        %parallel_loop3A_235 = arith.constant 3 : i32
        %parallel_loop3A_236 = vector.broadcast %parallel_loop3A_235 : i32 to vector<16xi32>
        %parallel_loop3A_237 = arith.addi %parallel_loop3A_215, %parallel_loop3A_236 : vector<16xi32>
        %parallel_loop3A_238 = tpu.vector_load_idx %arg5[%parallel_loop3A_237] : memref<80000xf32, #tpu.memory_space<vmem>>[vector<16xi32>], vector<16xf32>,
        %parallel_loop3A_239 = arith.constant 4 : i32
        %parallel_loop3A_240 = vector.broadcast %parallel_loop3A_239 : i32 to vector<16xi32>
        %parallel_loop3A_241 = arith.addi %parallel_loop3A_215, %parallel_loop3A_240 : vector<16xi32>
        %parallel_loop3A_242 = tpu.vector_load_idx %arg5[%parallel_loop3A_241] : memref<80000xf32, #tpu.memory_space<vmem>>[vector<16xi32>], vector<16xf32>,
        %parallel_loop3A_243 = arith.constant 5 : i32
        %parallel_loop3A_244 = vector.broadcast %parallel_loop3A_243 : i32 to vector<16xi32>
        %parallel_loop3A_245 = arith.addi %parallel_loop3A_215, %parallel_loop3A_244 : vector<16xi32>
        %parallel_loop3A_246 = tpu.vector_load_idx %arg5[%parallel_loop3A_245] : memref<80000xf32, #tpu.memory_space<vmem>>[vector<16xi32>], vector<16xf32>,
        %parallel_loop3A_247 = arith.constant 6 : i32
        %parallel_loop3A_248 = vector.broadcast %parallel_loop3A_247 : i32 to vector<16xi32>
        %parallel_loop3A_249 = arith.addi %parallel_loop3A_215, %parallel_loop3A_248 : vector<16xi32>
        %parallel_loop3A_250 = tpu.vector_load_idx %arg5[%parallel_loop3A_249] : memref<80000xf32, #tpu.memory_space<vmem>>[vector<16xi32>], vector<16xf32>,
        %parallel_loop3A_251 = arith.constant 7 : i32
        %parallel_loop3A_252 = vector.broadcast %parallel_loop3A_251 : i32 to vector<16xi32>
        %parallel_loop3A_253 = arith.addi %parallel_loop3A_215, %parallel_loop3A_252 : vector<16xi32>
        %parallel_loop3A_254 = tpu.vector_load_idx %arg5[%parallel_loop3A_253] : memref<80000xf32, #tpu.memory_space<vmem>>[vector<16xi32>], vector<16xf32>,
        %parallel_loop3A_255 = arith.constant 0 : i32
        %parallel_loop3A_256 = vector.broadcast %parallel_loop3A_255 : i32 to vector<16xi32>
        %parallel_loop3A_257 = arith.addi %parallel_loop3A_222, %parallel_loop3A_256 : vector<16xi32>
        %parallel_loop3A_258 = tpu.vector_load_idx %arg5[%parallel_loop3A_257] : memref<80000xf32, #tpu.memory_space<vmem>>[vector<16xi32>], vector<16xf32>,
        %parallel_loop3A_259 = arith.constant 1 : i32
        %parallel_loop3A_260 = vector.broadcast %parallel_loop3A_259 : i32 to vector<16xi32>
        %parallel_loop3A_261 = arith.addi %parallel_loop3A_222, %parallel_loop3A_260 : vector<16xi32>
        %parallel_loop3A_262 = tpu.vector_load_idx %arg5[%parallel_loop3A_261] : memref<80000xf32, #tpu.memory_space<vmem>>[vector<16xi32>], vector<16xf32>,
        %parallel_loop3A_263 = arith.constant 2 : i32
        %parallel_loop3A_264 = vector.broadcast %parallel_loop3A_263 : i32 to vector<16xi32>
        %parallel_loop3A_265 = arith.addi %parallel_loop3A_222, %parallel_loop3A_264 : vector<16xi32>
        %parallel_loop3A_266 = tpu.vector_load_idx %arg5[%parallel_loop3A_265] : memref<80000xf32, #tpu.memory_space<vmem>>[vector<16xi32>], vector<16xf32>,
        %parallel_loop3A_267 = arith.constant 3 : i32
        %parallel_loop3A_268 = vector.broadcast %parallel_loop3A_267 : i32 to vector<16xi32>
        %parallel_loop3A_269 = arith.addi %parallel_loop3A_222, %parallel_loop3A_268 : vector<16xi32>
        %parallel_loop3A_270 = tpu.vector_load_idx %arg5[%parallel_loop3A_269] : memref<80000xf32, #tpu.memory_space<vmem>>[vector<16xi32>], vector<16xf32>,
        %parallel_loop3A_271 = arith.constant 4 : i32
        %parallel_loop3A_272 = vector.broadcast %parallel_loop3A_271 : i32 to vector<16xi32>
        %parallel_loop3A_273 = arith.addi %parallel_loop3A_222, %parallel_loop3A_272 : vector<16xi32>
        %parallel_loop3A_274 = tpu.vector_load_idx %arg5[%parallel_loop3A_273] : memref<80000xf32, #tpu.memory_space<vmem>>[vector<16xi32>], vector<16xf32>,
        %parallel_loop3A_275 = arith.constant 5 : i32
        %parallel_loop3A_276 = vector.broadcast %parallel_loop3A_275 : i32 to vector<16xi32>
        %parallel_loop3A_277 = arith.addi %parallel_loop3A_222, %parallel_loop3A_276 : vector<16xi32>
        %parallel_loop3A_278 = tpu.vector_load_idx %arg5[%parallel_loop3A_277] : memref<80000xf32, #tpu.memory_space<vmem>>[vector<16xi32>], vector<16xf32>,
        %parallel_loop3A_279 = arith.constant 6 : i32
        %parallel_loop3A_280 = vector.broadcast %parallel_loop3A_279 : i32 to vector<16xi32>
        %parallel_loop3A_281 = arith.addi %parallel_loop3A_222, %parallel_loop3A_280 : vector<16xi32>
        %parallel_loop3A_282 = tpu.vector_load_idx %arg5[%parallel_loop3A_281] : memref<80000xf32, #tpu.memory_space<vmem>>[vector<16xi32>], vector<16xf32>,
        %parallel_loop3A_283 = arith.constant 7 : i32
        %parallel_loop3A_284 = vector.broadcast %parallel_loop3A_283 : i32 to vector<16xi32>
        %parallel_loop3A_285 = arith.addi %parallel_loop3A_222, %parallel_loop3A_284 : vector<16xi32>
        %parallel_loop3A_286 = tpu.vector_load_idx %arg5[%parallel_loop3A_285] : memref<80000xf32, #tpu.memory_space<vmem>>[vector<16xi32>], vector<16xf32>,
        %parallel_loop3A_287 = arith.mulf %parallel_loop3A_226, %parallel_loop3A_258 : vector<16xf32>
        %parallel_loop3A_288 = arith.constant 16 : i32
        %parallel_loop3A_289 = arith.muli %parallel_loop3A_208, %parallel_loop3A_288 : i32
        %parallel_loop3A_290 = arith.constant 0 : i32
        %parallel_loop3A_291 = arith.index_cast %parallel_loop3A_290 : i32 to index
        %parallel_loop3A_292 = arith.index_cast %parallel_loop3A_289 : i32 to index
        %parallel_loop3A_293 = tpu.vector_load %arg17[%parallel_loop3A_291, %parallel_loop3A_292] {strides = array<i32>} : memref<64x128xf32, #tpu.memory_space<vmem>>, vector<16xf32>,
        tpu.vector_store %arg17[%parallel_loop3A_291, %parallel_loop3A_292], %parallel_loop3A_287 {strides = array<i32>} : memref<64x128xf32, #tpu.memory_space<vmem>>, vector<16xf32>,
        %parallel_loop3A_294 = arith.mulf %parallel_loop3A_226, %parallel_loop3A_262 : vector<16xf32>
        %parallel_loop3A_295 = arith.constant 16 : i32
        %parallel_loop3A_296 = arith.muli %parallel_loop3A_208, %parallel_loop3A_295 : i32
        %parallel_loop3A_297 = arith.constant 1 : i32
        %parallel_loop3A_298 = arith.index_cast %parallel_loop3A_297 : i32 to index
        %parallel_loop3A_299 = arith.index_cast %parallel_loop3A_296 : i32 to index
        %parallel_loop3A_300 = tpu.vector_load %arg17[%parallel_loop3A_298, %parallel_loop3A_299] {strides = array<i32>} : memref<64x128xf32, #tpu.memory_space<vmem>>, vector<16xf32>,
        tpu.vector_store %arg17[%parallel_loop3A_298, %parallel_loop3A_299], %parallel_loop3A_294 {strides = array<i32>} : memref<64x128xf32, #tpu.memory_space<vmem>>, vector<16xf32>,
        %parallel_loop3A_301 = arith.mulf %parallel_loop3A_226, %parallel_loop3A_266 : vector<16xf32>
        %parallel_loop3A_302 = arith.constant 16 : i32
        %parallel_loop3A_303 = arith.muli %parallel_loop3A_208, %parallel_loop3A_302 : i32
        %parallel_loop3A_304 = arith.constant 2 : i32
        %parallel_loop3A_305 = arith.index_cast %parallel_loop3A_304 : i32 to index
        %parallel_loop3A_306 = arith.index_cast %parallel_loop3A_303 : i32 to index
        %parallel_loop3A_307 = tpu.vector_load %arg17[%parallel_loop3A_305, %parallel_loop3A_306] {strides = array<i32>} : memref<64x128xf32, #tpu.memory_space<vmem>>, vector<16xf32>,
        tpu.vector_store %arg17[%parallel_loop3A_305, %parallel_loop3A_306], %parallel_loop3A_301 {strides = array<i32>} : memref<64x128xf32, #tpu.memory_space<vmem>>, vector<16xf32>,
        %parallel_loop3A_308 = arith.mulf %parallel_loop3A_226, %parallel_loop3A_270 : vector<16xf32>
        %parallel_loop3A_309 = arith.constant 16 : i32
        %parallel_loop3A_310 = arith.muli %parallel_loop3A_208, %parallel_loop3A_309 : i32
        %parallel_loop3A_311 = arith.constant 3 : i32
        %parallel_loop3A_312 = arith.index_cast %parallel_loop3A_311 : i32 to index
        %parallel_loop3A_313 = arith.index_cast %parallel_loop3A_310 : i32 to index
        %parallel_loop3A_314 = tpu.vector_load %arg17[%parallel_loop3A_312, %parallel_loop3A_313] {strides = array<i32>} : memref<64x128xf32, #tpu.memory_space<vmem>>, vector<16xf32>,
        tpu.vector_store %arg17[%parallel_loop3A_312, %parallel_loop3A_313], %parallel_loop3A_308 {strides = array<i32>} : memref<64x128xf32, #tpu.memory_space<vmem>>, vector<16xf32>,
        %parallel_loop3A_315 = arith.mulf %parallel_loop3A_226, %parallel_loop3A_274 : vector<16xf32>
        %parallel_loop3A_316 = arith.constant 16 : i32
        %parallel_loop3A_317 = arith.muli %parallel_loop3A_208, %parallel_loop3A_316 : i32
        %parallel_loop3A_318 = arith.constant 4 : i32
        %parallel_loop3A_319 = arith.index_cast %parallel_loop3A_318 : i32 to index
        %parallel_loop3A_320 = arith.index_cast %parallel_loop3A_317 : i32 to index
        %parallel_loop3A_321 = tpu.vector_load %arg17[%parallel_loop3A_319, %parallel_loop3A_320] {strides = array<i32>} : memref<64x128xf32, #tpu.memory_space<vmem>>, vector<16xf32>,
        tpu.vector_store %arg17[%parallel_loop3A_319, %parallel_loop3A_320], %parallel_loop3A_315 {strides = array<i32>} : memref<64x128xf32, #tpu.memory_space<vmem>>, vector<16xf32>,
        %parallel_loop3A_322 = arith.mulf %parallel_loop3A_226, %parallel_loop3A_278 : vector<16xf32>
        %parallel_loop3A_323 = arith.constant 16 : i32
        %parallel_loop3A_324 = arith.muli %parallel_loop3A_208, %parallel_loop3A_323 : i32
        %parallel_loop3A_325 = arith.constant 5 : i32
        %parallel_loop3A_326 = arith.index_cast %parallel_loop3A_325 : i32 to index
        %parallel_loop3A_327 = arith.index_cast %parallel_loop3A_324 : i32 to index
        %parallel_loop3A_328 = tpu.vector_load %arg17[%parallel_loop3A_326, %parallel_loop3A_327] {strides = array<i32>} : memref<64x128xf32, #tpu.memory_space<vmem>>, vector<16xf32>,
        tpu.vector_store %arg17[%parallel_loop3A_326, %parallel_loop3A_327], %parallel_loop3A_322 {strides = array<i32>} : memref<64x128xf32, #tpu.memory_space<vmem>>, vector<16xf32>,
        %parallel_loop3A_329 = arith.mulf %parallel_loop3A_226, %parallel_loop3A_282 : vector<16xf32>
        %parallel_loop3A_330 = arith.constant 16 : i32
        %parallel_loop3A_331 = arith.muli %parallel_loop3A_208, %parallel_loop3A_330 : i32
        %parallel_loop3A_332 = arith.constant 6 : i32
        %parallel_loop3A_333 = arith.index_cast %parallel_loop3A_332 : i32 to index
        %parallel_loop3A_334 = arith.index_cast %parallel_loop3A_331 : i32 to index
        %parallel_loop3A_335 = tpu.vector_load %arg17[%parallel_loop3A_333, %parallel_loop3A_334] {strides = array<i32>} : memref<64x128xf32, #tpu.memory_space<vmem>>, vector<16xf32>,
        tpu.vector_store %arg17[%parallel_loop3A_333, %parallel_loop3A_334], %parallel_loop3A_329 {strides = array<i32>} : memref<64x128xf32, #tpu.memory_space<vmem>>, vector<16xf32>,
        %parallel_loop3A_336 = arith.mulf %parallel_loop3A_226, %parallel_loop3A_286 : vector<16xf32>
        %parallel_loop3A_337 = arith.constant 16 : i32
        %parallel_loop3A_338 = arith.muli %parallel_loop3A_208, %parallel_loop3A_337 : i32
        %parallel_loop3A_339 = arith.constant 7 : i32
        %parallel_loop3A_340 = arith.index_cast %parallel_loop3A_339 : i32 to index
        %parallel_loop3A_341 = arith.index_cast %parallel_loop3A_338 : i32 to index
        %parallel_loop3A_342 = tpu.vector_load %arg17[%parallel_loop3A_340, %parallel_loop3A_341] {strides = array<i32>} : memref<64x128xf32, #tpu.memory_space<vmem>>, vector<16xf32>,
        tpu.vector_store %arg17[%parallel_loop3A_340, %parallel_loop3A_341], %parallel_loop3A_336 {strides = array<i32>} : memref<64x128xf32, #tpu.memory_space<vmem>>, vector<16xf32>,
        %parallel_loop3A_343 = arith.mulf %parallel_loop3A_230, %parallel_loop3A_258 : vector<16xf32>
        %parallel_loop3A_344 = arith.constant 16 : i32
        %parallel_loop3A_345 = arith.muli %parallel_loop3A_208, %parallel_loop3A_344 : i32
        %parallel_loop3A_346 = arith.constant 8 : i32
        %parallel_loop3A_347 = arith.index_cast %parallel_loop3A_346 : i32 to index
        %parallel_loop3A_348 = arith.index_cast %parallel_loop3A_345 : i32 to index
        %parallel_loop3A_349 = tpu.vector_load %arg17[%parallel_loop3A_347, %parallel_loop3A_348] {strides = array<i32>} : memref<64x128xf32, #tpu.memory_space<vmem>>, vector<16xf32>,
        tpu.vector_store %arg17[%parallel_loop3A_347, %parallel_loop3A_348], %parallel_loop3A_343 {strides = array<i32>} : memref<64x128xf32, #tpu.memory_space<vmem>>, vector<16xf32>,
        %parallel_loop3A_350 = arith.mulf %parallel_loop3A_230, %parallel_loop3A_262 : vector<16xf32>
        %parallel_loop3A_351 = arith.constant 16 : i32
        %parallel_loop3A_352 = arith.muli %parallel_loop3A_208, %parallel_loop3A_351 : i32
        %parallel_loop3A_353 = arith.constant 9 : i32
        %parallel_loop3A_354 = arith.index_cast %parallel_loop3A_353 : i32 to index
        %parallel_loop3A_355 = arith.index_cast %parallel_loop3A_352 : i32 to index
        %parallel_loop3A_356 = tpu.vector_load %arg17[%parallel_loop3A_354, %parallel_loop3A_355] {strides = array<i32>} : memref<64x128xf32, #tpu.memory_space<vmem>>, vector<16xf32>,
        tpu.vector_store %arg17[%parallel_loop3A_354, %parallel_loop3A_355], %parallel_loop3A_350 {strides = array<i32>} : memref<64x128xf32, #tpu.memory_space<vmem>>, vector<16xf32>,
        %parallel_loop3A_357 = arith.mulf %parallel_loop3A_230, %parallel_loop3A_266 : vector<16xf32>
        %parallel_loop3A_358 = arith.constant 16 : i32
        %parallel_loop3A_359 = arith.muli %parallel_loop3A_208, %parallel_loop3A_358 : i32
        %parallel_loop3A_360 = arith.constant 10 : i32
        %parallel_loop3A_361 = arith.index_cast %parallel_loop3A_360 : i32 to index
        %parallel_loop3A_362 = arith.index_cast %parallel_loop3A_359 : i32 to index
        %parallel_loop3A_363 = tpu.vector_load %arg17[%parallel_loop3A_361, %parallel_loop3A_362] {strides = array<i32>} : memref<64x128xf32, #tpu.memory_space<vmem>>, vector<16xf32>,
        tpu.vector_store %arg17[%parallel_loop3A_361, %parallel_loop3A_362], %parallel_loop3A_357 {strides = array<i32>} : memref<64x128xf32, #tpu.memory_space<vmem>>, vector<16xf32>,
        %parallel_loop3A_364 = arith.mulf %parallel_loop3A_230, %parallel_loop3A_270 : vector<16xf32>
        %parallel_loop3A_365 = arith.constant 16 : i32
        %parallel_loop3A_366 = arith.muli %parallel_loop3A_208, %parallel_loop3A_365 : i32
        %parallel_loop3A_367 = arith.constant 11 : i32
        %parallel_loop3A_368 = arith.index_cast %parallel_loop3A_367 : i32 to index
        %parallel_loop3A_369 = arith.index_cast %parallel_loop3A_366 : i32 to index
        %parallel_loop3A_370 = tpu.vector_load %arg17[%parallel_loop3A_368, %parallel_loop3A_369] {strides = array<i32>} : memref<64x128xf32, #tpu.memory_space<vmem>>, vector<16xf32>,
        tpu.vector_store %arg17[%parallel_loop3A_368, %parallel_loop3A_369], %parallel_loop3A_364 {strides = array<i32>} : memref<64x128xf32, #tpu.memory_space<vmem>>, vector<16xf32>,
        %parallel_loop3A_371 = arith.mulf %parallel_loop3A_230, %parallel_loop3A_274 : vector<16xf32>
        %parallel_loop3A_372 = arith.constant 16 : i32
        %parallel_loop3A_373 = arith.muli %parallel_loop3A_208, %parallel_loop3A_372 : i32
        %parallel_loop3A_374 = arith.constant 12 : i32
        %parallel_loop3A_375 = arith.index_cast %parallel_loop3A_374 : i32 to index
        %parallel_loop3A_376 = arith.index_cast %parallel_loop3A_373 : i32 to index
        %parallel_loop3A_377 = tpu.vector_load %arg17[%parallel_loop3A_375, %parallel_loop3A_376] {strides = array<i32>} : memref<64x128xf32, #tpu.memory_space<vmem>>, vector<16xf32>,
        tpu.vector_store %arg17[%parallel_loop3A_375, %parallel_loop3A_376], %parallel_loop3A_371 {strides = array<i32>} : memref<64x128xf32, #tpu.memory_space<vmem>>, vector<16xf32>,
        %parallel_loop3A_378 = arith.mulf %parallel_loop3A_230, %parallel_loop3A_278 : vector<16xf32>
        %parallel_loop3A_379 = arith.constant 16 : i32
        %parallel_loop3A_380 = arith.muli %parallel_loop3A_208, %parallel_loop3A_379 : i32
        %parallel_loop3A_381 = arith.constant 13 : i32
        %parallel_loop3A_382 = arith.index_cast %parallel_loop3A_381 : i32 to index
        %parallel_loop3A_383 = arith.index_cast %parallel_loop3A_380 : i32 to index
        %parallel_loop3A_384 = tpu.vector_load %arg17[%parallel_loop3A_382, %parallel_loop3A_383] {strides = array<i32>} : memref<64x128xf32, #tpu.memory_space<vmem>>, vector<16xf32>,
        tpu.vector_store %arg17[%parallel_loop3A_382, %parallel_loop3A_383], %parallel_loop3A_378 {strides = array<i32>} : memref<64x128xf32, #tpu.memory_space<vmem>>, vector<16xf32>,
        %parallel_loop3A_385 = arith.mulf %parallel_loop3A_230, %parallel_loop3A_282 : vector<16xf32>
        %parallel_loop3A_386 = arith.constant 16 : i32
        %parallel_loop3A_387 = arith.muli %parallel_loop3A_208, %parallel_loop3A_386 : i32
        %parallel_loop3A_388 = arith.constant 14 : i32
        %parallel_loop3A_389 = arith.index_cast %parallel_loop3A_388 : i32 to index
        %parallel_loop3A_390 = arith.index_cast %parallel_loop3A_387 : i32 to index
        %parallel_loop3A_391 = tpu.vector_load %arg17[%parallel_loop3A_389, %parallel_loop3A_390] {strides = array<i32>} : memref<64x128xf32, #tpu.memory_space<vmem>>, vector<16xf32>,
        tpu.vector_store %arg17[%parallel_loop3A_389, %parallel_loop3A_390], %parallel_loop3A_385 {strides = array<i32>} : memref<64x128xf32, #tpu.memory_space<vmem>>, vector<16xf32>,
        %parallel_loop3A_392 = arith.mulf %parallel_loop3A_230, %parallel_loop3A_286 : vector<16xf32>
        %parallel_loop3A_393 = arith.constant 16 : i32
        %parallel_loop3A_394 = arith.muli %parallel_loop3A_208, %parallel_loop3A_393 : i32
        %parallel_loop3A_395 = arith.constant 15 : i32
        %parallel_loop3A_396 = arith.index_cast %parallel_loop3A_395 : i32 to index
        %parallel_loop3A_397 = arith.index_cast %parallel_loop3A_394 : i32 to index
        %parallel_loop3A_398 = tpu.vector_load %arg17[%parallel_loop3A_396, %parallel_loop3A_397] {strides = array<i32>} : memref<64x128xf32, #tpu.memory_space<vmem>>, vector<16xf32>,
        tpu.vector_store %arg17[%parallel_loop3A_396, %parallel_loop3A_397], %parallel_loop3A_392 {strides = array<i32>} : memref<64x128xf32, #tpu.memory_space<vmem>>, vector<16xf32>,
        %parallel_loop3A_399 = arith.mulf %parallel_loop3A_234, %parallel_loop3A_258 : vector<16xf32>
        %parallel_loop3A_400 = arith.constant 16 : i32
        %parallel_loop3A_401 = arith.muli %parallel_loop3A_208, %parallel_loop3A_400 : i32
        %parallel_loop3A_402 = arith.constant 16 : i32
        %parallel_loop3A_403 = arith.index_cast %parallel_loop3A_402 : i32 to index
        %parallel_loop3A_404 = arith.index_cast %parallel_loop3A_401 : i32 to index
        %parallel_loop3A_405 = tpu.vector_load %arg17[%parallel_loop3A_403, %parallel_loop3A_404] {strides = array<i32>} : memref<64x128xf32, #tpu.memory_space<vmem>>, vector<16xf32>,
        tpu.vector_store %arg17[%parallel_loop3A_403, %parallel_loop3A_404], %parallel_loop3A_399 {strides = array<i32>} : memref<64x128xf32, #tpu.memory_space<vmem>>, vector<16xf32>,
        %parallel_loop3A_406 = arith.mulf %parallel_loop3A_234, %parallel_loop3A_262 : vector<16xf32>
        %parallel_loop3A_407 = arith.constant 16 : i32
        %parallel_loop3A_408 = arith.muli %parallel_loop3A_208, %parallel_loop3A_407 : i32
        %parallel_loop3A_409 = arith.constant 17 : i32
        %parallel_loop3A_410 = arith.index_cast %parallel_loop3A_409 : i32 to index
        %parallel_loop3A_411 = arith.index_cast %parallel_loop3A_408 : i32 to index
        %parallel_loop3A_412 = tpu.vector_load %arg17[%parallel_loop3A_410, %parallel_loop3A_411] {strides = array<i32>} : memref<64x128xf32, #tpu.memory_space<vmem>>, vector<16xf32>,
        tpu.vector_store %arg17[%parallel_loop3A_410, %parallel_loop3A_411], %parallel_loop3A_406 {strides = array<i32>} : memref<64x128xf32, #tpu.memory_space<vmem>>, vector<16xf32>,
        %parallel_loop3A_413 = arith.mulf %parallel_loop3A_234, %parallel_loop3A_266 : vector<16xf32>
        %parallel_loop3A_414 = arith.constant 16 : i32
        %parallel_loop3A_415 = arith.muli %parallel_loop3A_208, %parallel_loop3A_414 : i32
        %parallel_loop3A_416 = arith.constant 18 : i32
        %parallel_loop3A_417 = arith.index_cast %parallel_loop3A_416 : i32 to index
        %parallel_loop3A_418 = arith.index_cast %parallel_loop3A_415 : i32 to index
        %parallel_loop3A_419 = tpu.vector_load %arg17[%parallel_loop3A_417, %parallel_loop3A_418] {strides = array<i32>} : memref<64x128xf32, #tpu.memory_space<vmem>>, vector<16xf32>,
        tpu.vector_store %arg17[%parallel_loop3A_417, %parallel_loop3A_418], %parallel_loop3A_413 {strides = array<i32>} : memref<64x128xf32, #tpu.memory_space<vmem>>, vector<16xf32>,
        %parallel_loop3A_420 = arith.mulf %parallel_loop3A_234, %parallel_loop3A_270 : vector<16xf32>
        %parallel_loop3A_421 = arith.constant 16 : i32
        %parallel_loop3A_422 = arith.muli %parallel_loop3A_208, %parallel_loop3A_421 : i32
        %parallel_loop3A_423 = arith.constant 19 : i32
        %parallel_loop3A_424 = arith.index_cast %parallel_loop3A_423 : i32 to index
        %parallel_loop3A_425 = arith.index_cast %parallel_loop3A_422 : i32 to index
        %parallel_loop3A_426 = tpu.vector_load %arg17[%parallel_loop3A_424, %parallel_loop3A_425] {strides = array<i32>} : memref<64x128xf32, #tpu.memory_space<vmem>>, vector<16xf32>,
        tpu.vector_store %arg17[%parallel_loop3A_424, %parallel_loop3A_425], %parallel_loop3A_420 {strides = array<i32>} : memref<64x128xf32, #tpu.memory_space<vmem>>, vector<16xf32>,
        %parallel_loop3A_427 = arith.mulf %parallel_loop3A_234, %parallel_loop3A_274 : vector<16xf32>
        %parallel_loop3A_428 = arith.constant 16 : i32
        %parallel_loop3A_429 = arith.muli %parallel_loop3A_208, %parallel_loop3A_428 : i32
        %parallel_loop3A_430 = arith.constant 20 : i32
        %parallel_loop3A_431 = arith.index_cast %parallel_loop3A_430 : i32 to index
        %parallel_loop3A_432 = arith.index_cast %parallel_loop3A_429 : i32 to index
        %parallel_loop3A_433 = tpu.vector_load %arg17[%parallel_loop3A_431, %parallel_loop3A_432] {strides = array<i32>} : memref<64x128xf32, #tpu.memory_space<vmem>>, vector<16xf32>,
        tpu.vector_store %arg17[%parallel_loop3A_431, %parallel_loop3A_432], %parallel_loop3A_427 {strides = array<i32>} : memref<64x128xf32, #tpu.memory_space<vmem>>, vector<16xf32>,
        %parallel_loop3A_434 = arith.mulf %parallel_loop3A_234, %parallel_loop3A_278 : vector<16xf32>
        %parallel_loop3A_435 = arith.constant 16 : i32
        %parallel_loop3A_436 = arith.muli %parallel_loop3A_208, %parallel_loop3A_435 : i32
        %parallel_loop3A_437 = arith.constant 21 : i32
        %parallel_loop3A_438 = arith.index_cast %parallel_loop3A_437 : i32 to index
        %parallel_loop3A_439 = arith.index_cast %parallel_loop3A_436 : i32 to index
        %parallel_loop3A_440 = tpu.vector_load %arg17[%parallel_loop3A_438, %parallel_loop3A_439] {strides = array<i32>} : memref<64x128xf32, #tpu.memory_space<vmem>>, vector<16xf32>,
        tpu.vector_store %arg17[%parallel_loop3A_438, %parallel_loop3A_439], %parallel_loop3A_434 {strides = array<i32>} : memref<64x128xf32, #tpu.memory_space<vmem>>, vector<16xf32>,
        %parallel_loop3A_441 = arith.mulf %parallel_loop3A_234, %parallel_loop3A_282 : vector<16xf32>
        %parallel_loop3A_442 = arith.constant 16 : i32
        %parallel_loop3A_443 = arith.muli %parallel_loop3A_208, %parallel_loop3A_442 : i32
        %parallel_loop3A_444 = arith.constant 22 : i32
        %parallel_loop3A_445 = arith.index_cast %parallel_loop3A_444 : i32 to index
        %parallel_loop3A_446 = arith.index_cast %parallel_loop3A_443 : i32 to index
        %parallel_loop3A_447 = tpu.vector_load %arg17[%parallel_loop3A_445, %parallel_loop3A_446] {strides = array<i32>} : memref<64x128xf32, #tpu.memory_space<vmem>>, vector<16xf32>,
        tpu.vector_store %arg17[%parallel_loop3A_445, %parallel_loop3A_446], %parallel_loop3A_441 {strides = array<i32>} : memref<64x128xf32, #tpu.memory_space<vmem>>, vector<16xf32>,
        %parallel_loop3A_448 = arith.mulf %parallel_loop3A_234, %parallel_loop3A_286 : vector<16xf32>
        %parallel_loop3A_449 = arith.constant 16 : i32
        %parallel_loop3A_450 = arith.muli %parallel_loop3A_208, %parallel_loop3A_449 : i32
        %parallel_loop3A_451 = arith.constant 23 : i32
        %parallel_loop3A_452 = arith.index_cast %parallel_loop3A_451 : i32 to index
        %parallel_loop3A_453 = arith.index_cast %parallel_loop3A_450 : i32 to index
        %parallel_loop3A_454 = tpu.vector_load %arg17[%parallel_loop3A_452, %parallel_loop3A_453] {strides = array<i32>} : memref<64x128xf32, #tpu.memory_space<vmem>>, vector<16xf32>,
        tpu.vector_store %arg17[%parallel_loop3A_452, %parallel_loop3A_453], %parallel_loop3A_448 {strides = array<i32>} : memref<64x128xf32, #tpu.memory_space<vmem>>, vector<16xf32>,
        %parallel_loop3A_455 = arith.mulf %parallel_loop3A_238, %parallel_loop3A_258 : vector<16xf32>
        %parallel_loop3A_456 = arith.constant 16 : i32
        %parallel_loop3A_457 = arith.muli %parallel_loop3A_208, %parallel_loop3A_456 : i32
        %parallel_loop3A_458 = arith.constant 24 : i32
        %parallel_loop3A_459 = arith.index_cast %parallel_loop3A_458 : i32 to index
        %parallel_loop3A_460 = arith.index_cast %parallel_loop3A_457 : i32 to index
        %parallel_loop3A_461 = tpu.vector_load %arg17[%parallel_loop3A_459, %parallel_loop3A_460] {strides = array<i32>} : memref<64x128xf32, #tpu.memory_space<vmem>>, vector<16xf32>,
        tpu.vector_store %arg17[%parallel_loop3A_459, %parallel_loop3A_460], %parallel_loop3A_455 {strides = array<i32>} : memref<64x128xf32, #tpu.memory_space<vmem>>, vector<16xf32>,
        %parallel_loop3A_462 = arith.mulf %parallel_loop3A_238, %parallel_loop3A_262 : vector<16xf32>
        %parallel_loop3A_463 = arith.constant 16 : i32
        %parallel_loop3A_464 = arith.muli %parallel_loop3A_208, %parallel_loop3A_463 : i32
        %parallel_loop3A_465 = arith.constant 25 : i32
        %parallel_loop3A_466 = arith.index_cast %parallel_loop3A_465 : i32 to index
        %parallel_loop3A_467 = arith.index_cast %parallel_loop3A_464 : i32 to index
        %parallel_loop3A_468 = tpu.vector_load %arg17[%parallel_loop3A_466, %parallel_loop3A_467] {strides = array<i32>} : memref<64x128xf32, #tpu.memory_space<vmem>>, vector<16xf32>,
        tpu.vector_store %arg17[%parallel_loop3A_466, %parallel_loop3A_467], %parallel_loop3A_462 {strides = array<i32>} : memref<64x128xf32, #tpu.memory_space<vmem>>, vector<16xf32>,
        %parallel_loop3A_469 = arith.mulf %parallel_loop3A_238, %parallel_loop3A_266 : vector<16xf32>
        %parallel_loop3A_470 = arith.constant 16 : i32
        %parallel_loop3A_471 = arith.muli %parallel_loop3A_208, %parallel_loop3A_470 : i32
        %parallel_loop3A_472 = arith.constant 26 : i32
        %parallel_loop3A_473 = arith.index_cast %parallel_loop3A_472 : i32 to index
        %parallel_loop3A_474 = arith.index_cast %parallel_loop3A_471 : i32 to index
        %parallel_loop3A_475 = tpu.vector_load %arg17[%parallel_loop3A_473, %parallel_loop3A_474] {strides = array<i32>} : memref<64x128xf32, #tpu.memory_space<vmem>>, vector<16xf32>,
        tpu.vector_store %arg17[%parallel_loop3A_473, %parallel_loop3A_474], %parallel_loop3A_469 {strides = array<i32>} : memref<64x128xf32, #tpu.memory_space<vmem>>, vector<16xf32>,
        %parallel_loop3A_476 = arith.mulf %parallel_loop3A_238, %parallel_loop3A_270 : vector<16xf32>
        %parallel_loop3A_477 = arith.constant 16 : i32
        %parallel_loop3A_478 = arith.muli %parallel_loop3A_208, %parallel_loop3A_477 : i32
        %parallel_loop3A_479 = arith.constant 27 : i32
        %parallel_loop3A_480 = arith.index_cast %parallel_loop3A_479 : i32 to index
        %parallel_loop3A_481 = arith.index_cast %parallel_loop3A_478 : i32 to index
        %parallel_loop3A_482 = tpu.vector_load %arg17[%parallel_loop3A_480, %parallel_loop3A_481] {strides = array<i32>} : memref<64x128xf32, #tpu.memory_space<vmem>>, vector<16xf32>,
        tpu.vector_store %arg17[%parallel_loop3A_480, %parallel_loop3A_481], %parallel_loop3A_476 {strides = array<i32>} : memref<64x128xf32, #tpu.memory_space<vmem>>, vector<16xf32>,
        %parallel_loop3A_483 = arith.mulf %parallel_loop3A_238, %parallel_loop3A_274 : vector<16xf32>
        %parallel_loop3A_484 = arith.constant 16 : i32
        %parallel_loop3A_485 = arith.muli %parallel_loop3A_208, %parallel_loop3A_484 : i32
        %parallel_loop3A_486 = arith.constant 28 : i32
        %parallel_loop3A_487 = arith.index_cast %parallel_loop3A_486 : i32 to index
        %parallel_loop3A_488 = arith.index_cast %parallel_loop3A_485 : i32 to index
        %parallel_loop3A_489 = tpu.vector_load %arg17[%parallel_loop3A_487, %parallel_loop3A_488] {strides = array<i32>} : memref<64x128xf32, #tpu.memory_space<vmem>>, vector<16xf32>,
        tpu.vector_store %arg17[%parallel_loop3A_487, %parallel_loop3A_488], %parallel_loop3A_483 {strides = array<i32>} : memref<64x128xf32, #tpu.memory_space<vmem>>, vector<16xf32>,
        %parallel_loop3A_490 = arith.mulf %parallel_loop3A_238, %parallel_loop3A_278 : vector<16xf32>
        %parallel_loop3A_491 = arith.constant 16 : i32
        %parallel_loop3A_492 = arith.muli %parallel_loop3A_208, %parallel_loop3A_491 : i32
        %parallel_loop3A_493 = arith.constant 29 : i32
        %parallel_loop3A_494 = arith.index_cast %parallel_loop3A_493 : i32 to index
        %parallel_loop3A_495 = arith.index_cast %parallel_loop3A_492 : i32 to index
        %parallel_loop3A_496 = tpu.vector_load %arg17[%parallel_loop3A_494, %parallel_loop3A_495] {strides = array<i32>} : memref<64x128xf32, #tpu.memory_space<vmem>>, vector<16xf32>,
        tpu.vector_store %arg17[%parallel_loop3A_494, %parallel_loop3A_495], %parallel_loop3A_490 {strides = array<i32>} : memref<64x128xf32, #tpu.memory_space<vmem>>, vector<16xf32>,
        %parallel_loop3A_497 = arith.mulf %parallel_loop3A_238, %parallel_loop3A_282 : vector<16xf32>
        %parallel_loop3A_498 = arith.constant 16 : i32
        %parallel_loop3A_499 = arith.muli %parallel_loop3A_208, %parallel_loop3A_498 : i32
        %parallel_loop3A_500 = arith.constant 30 : i32
        %parallel_loop3A_501 = arith.index_cast %parallel_loop3A_500 : i32 to index
        %parallel_loop3A_502 = arith.index_cast %parallel_loop3A_499 : i32 to index
        %parallel_loop3A_503 = tpu.vector_load %arg17[%parallel_loop3A_501, %parallel_loop3A_502] {strides = array<i32>} : memref<64x128xf32, #tpu.memory_space<vmem>>, vector<16xf32>,
        tpu.vector_store %arg17[%parallel_loop3A_501, %parallel_loop3A_502], %parallel_loop3A_497 {strides = array<i32>} : memref<64x128xf32, #tpu.memory_space<vmem>>, vector<16xf32>,
        %parallel_loop3A_504 = arith.mulf %parallel_loop3A_238, %parallel_loop3A_286 : vector<16xf32>
        %parallel_loop3A_505 = arith.constant 16 : i32
        %parallel_loop3A_506 = arith.muli %parallel_loop3A_208, %parallel_loop3A_505 : i32
        %parallel_loop3A_507 = arith.constant 31 : i32
        %parallel_loop3A_508 = arith.index_cast %parallel_loop3A_507 : i32 to index
        %parallel_loop3A_509 = arith.index_cast %parallel_loop3A_506 : i32 to index
        %parallel_loop3A_510 = tpu.vector_load %arg17[%parallel_loop3A_508, %parallel_loop3A_509] {strides = array<i32>} : memref<64x128xf32, #tpu.memory_space<vmem>>, vector<16xf32>,
        tpu.vector_store %arg17[%parallel_loop3A_508, %parallel_loop3A_509], %parallel_loop3A_504 {strides = array<i32>} : memref<64x128xf32, #tpu.memory_space<vmem>>, vector<16xf32>,
        %parallel_loop3A_511 = arith.mulf %parallel_loop3A_242, %parallel_loop3A_258 : vector<16xf32>
        %parallel_loop3A_512 = arith.constant 16 : i32
        %parallel_loop3A_513 = arith.muli %parallel_loop3A_208, %parallel_loop3A_512 : i32
        %parallel_loop3A_514 = arith.constant 32 : i32
        %parallel_loop3A_515 = arith.index_cast %parallel_loop3A_514 : i32 to index
        %parallel_loop3A_516 = arith.index_cast %parallel_loop3A_513 : i32 to index
        %parallel_loop3A_517 = tpu.vector_load %arg17[%parallel_loop3A_515, %parallel_loop3A_516] {strides = array<i32>} : memref<64x128xf32, #tpu.memory_space<vmem>>, vector<16xf32>,
        tpu.vector_store %arg17[%parallel_loop3A_515, %parallel_loop3A_516], %parallel_loop3A_511 {strides = array<i32>} : memref<64x128xf32, #tpu.memory_space<vmem>>, vector<16xf32>,
        %parallel_loop3A_518 = arith.mulf %parallel_loop3A_242, %parallel_loop3A_262 : vector<16xf32>
        %parallel_loop3A_519 = arith.constant 16 : i32
        %parallel_loop3A_520 = arith.muli %parallel_loop3A_208, %parallel_loop3A_519 : i32
        %parallel_loop3A_521 = arith.constant 33 : i32
        %parallel_loop3A_522 = arith.index_cast %parallel_loop3A_521 : i32 to index
        %parallel_loop3A_523 = arith.index_cast %parallel_loop3A_520 : i32 to index
        %parallel_loop3A_524 = tpu.vector_load %arg17[%parallel_loop3A_522, %parallel_loop3A_523] {strides = array<i32>} : memref<64x128xf32, #tpu.memory_space<vmem>>, vector<16xf32>,
        tpu.vector_store %arg17[%parallel_loop3A_522, %parallel_loop3A_523], %parallel_loop3A_518 {strides = array<i32>} : memref<64x128xf32, #tpu.memory_space<vmem>>, vector<16xf32>,
        %parallel_loop3A_525 = arith.mulf %parallel_loop3A_242, %parallel_loop3A_266 : vector<16xf32>
        %parallel_loop3A_526 = arith.constant 16 : i32
        %parallel_loop3A_527 = arith.muli %parallel_loop3A_208, %parallel_loop3A_526 : i32
        %parallel_loop3A_528 = arith.constant 34 : i32
        %parallel_loop3A_529 = arith.index_cast %parallel_loop3A_528 : i32 to index
        %parallel_loop3A_530 = arith.index_cast %parallel_loop3A_527 : i32 to index
        %parallel_loop3A_531 = tpu.vector_load %arg17[%parallel_loop3A_529, %parallel_loop3A_530] {strides = array<i32>} : memref<64x128xf32, #tpu.memory_space<vmem>>, vector<16xf32>,
        tpu.vector_store %arg17[%parallel_loop3A_529, %parallel_loop3A_530], %parallel_loop3A_525 {strides = array<i32>} : memref<64x128xf32, #tpu.memory_space<vmem>>, vector<16xf32>,
        %parallel_loop3A_532 = arith.mulf %parallel_loop3A_242, %parallel_loop3A_270 : vector<16xf32>
        %parallel_loop3A_533 = arith.constant 16 : i32
        %parallel_loop3A_534 = arith.muli %parallel_loop3A_208, %parallel_loop3A_533 : i32
        %parallel_loop3A_535 = arith.constant 35 : i32
        %parallel_loop3A_536 = arith.index_cast %parallel_loop3A_535 : i32 to index
        %parallel_loop3A_537 = arith.index_cast %parallel_loop3A_534 : i32 to index
        %parallel_loop3A_538 = tpu.vector_load %arg17[%parallel_loop3A_536, %parallel_loop3A_537] {strides = array<i32>} : memref<64x128xf32, #tpu.memory_space<vmem>>, vector<16xf32>,
        tpu.vector_store %arg17[%parallel_loop3A_536, %parallel_loop3A_537], %parallel_loop3A_532 {strides = array<i32>} : memref<64x128xf32, #tpu.memory_space<vmem>>, vector<16xf32>,
        %parallel_loop3A_539 = arith.mulf %parallel_loop3A_242, %parallel_loop3A_274 : vector<16xf32>
        %parallel_loop3A_540 = arith.constant 16 : i32
        %parallel_loop3A_541 = arith.muli %parallel_loop3A_208, %parallel_loop3A_540 : i32
        %parallel_loop3A_542 = arith.constant 36 : i32
        %parallel_loop3A_543 = arith.index_cast %parallel_loop3A_542 : i32 to index
        %parallel_loop3A_544 = arith.index_cast %parallel_loop3A_541 : i32 to index
        %parallel_loop3A_545 = tpu.vector_load %arg17[%parallel_loop3A_543, %parallel_loop3A_544] {strides = array<i32>} : memref<64x128xf32, #tpu.memory_space<vmem>>, vector<16xf32>,
        tpu.vector_store %arg17[%parallel_loop3A_543, %parallel_loop3A_544], %parallel_loop3A_539 {strides = array<i32>} : memref<64x128xf32, #tpu.memory_space<vmem>>, vector<16xf32>,
        %parallel_loop3A_546 = arith.mulf %parallel_loop3A_242, %parallel_loop3A_278 : vector<16xf32>
        %parallel_loop3A_547 = arith.constant 16 : i32
        %parallel_loop3A_548 = arith.muli %parallel_loop3A_208, %parallel_loop3A_547 : i32
        %parallel_loop3A_549 = arith.constant 37 : i32
        %parallel_loop3A_550 = arith.index_cast %parallel_loop3A_549 : i32 to index
        %parallel_loop3A_551 = arith.index_cast %parallel_loop3A_548 : i32 to index
        %parallel_loop3A_552 = tpu.vector_load %arg17[%parallel_loop3A_550, %parallel_loop3A_551] {strides = array<i32>} : memref<64x128xf32, #tpu.memory_space<vmem>>, vector<16xf32>,
        tpu.vector_store %arg17[%parallel_loop3A_550, %parallel_loop3A_551], %parallel_loop3A_546 {strides = array<i32>} : memref<64x128xf32, #tpu.memory_space<vmem>>, vector<16xf32>,
        %parallel_loop3A_553 = arith.mulf %parallel_loop3A_242, %parallel_loop3A_282 : vector<16xf32>
        %parallel_loop3A_554 = arith.constant 16 : i32
        %parallel_loop3A_555 = arith.muli %parallel_loop3A_208, %parallel_loop3A_554 : i32
        %parallel_loop3A_556 = arith.constant 38 : i32
        %parallel_loop3A_557 = arith.index_cast %parallel_loop3A_556 : i32 to index
        %parallel_loop3A_558 = arith.index_cast %parallel_loop3A_555 : i32 to index
        %parallel_loop3A_559 = tpu.vector_load %arg17[%parallel_loop3A_557, %parallel_loop3A_558] {strides = array<i32>} : memref<64x128xf32, #tpu.memory_space<vmem>>, vector<16xf32>,
        tpu.vector_store %arg17[%parallel_loop3A_557, %parallel_loop3A_558], %parallel_loop3A_553 {strides = array<i32>} : memref<64x128xf32, #tpu.memory_space<vmem>>, vector<16xf32>,
        %parallel_loop3A_560 = arith.mulf %parallel_loop3A_242, %parallel_loop3A_286 : vector<16xf32>
        %parallel_loop3A_561 = arith.constant 16 : i32
        %parallel_loop3A_562 = arith.muli %parallel_loop3A_208, %parallel_loop3A_561 : i32
        %parallel_loop3A_563 = arith.constant 39 : i32
        %parallel_loop3A_564 = arith.index_cast %parallel_loop3A_563 : i32 to index
        %parallel_loop3A_565 = arith.index_cast %parallel_loop3A_562 : i32 to index
        %parallel_loop3A_566 = tpu.vector_load %arg17[%parallel_loop3A_564, %parallel_loop3A_565] {strides = array<i32>} : memref<64x128xf32, #tpu.memory_space<vmem>>, vector<16xf32>,
        tpu.vector_store %arg17[%parallel_loop3A_564, %parallel_loop3A_565], %parallel_loop3A_560 {strides = array<i32>} : memref<64x128xf32, #tpu.memory_space<vmem>>, vector<16xf32>,
        %parallel_loop3A_567 = arith.mulf %parallel_loop3A_246, %parallel_loop3A_258 : vector<16xf32>
        %parallel_loop3A_568 = arith.constant 16 : i32
        %parallel_loop3A_569 = arith.muli %parallel_loop3A_208, %parallel_loop3A_568 : i32
        %parallel_loop3A_570 = arith.constant 40 : i32
        %parallel_loop3A_571 = arith.index_cast %parallel_loop3A_570 : i32 to index
        %parallel_loop3A_572 = arith.index_cast %parallel_loop3A_569 : i32 to index
        %parallel_loop3A_573 = tpu.vector_load %arg17[%parallel_loop3A_571, %parallel_loop3A_572] {strides = array<i32>} : memref<64x128xf32, #tpu.memory_space<vmem>>, vector<16xf32>,
        tpu.vector_store %arg17[%parallel_loop3A_571, %parallel_loop3A_572], %parallel_loop3A_567 {strides = array<i32>} : memref<64x128xf32, #tpu.memory_space<vmem>>, vector<16xf32>,
        %parallel_loop3A_574 = arith.mulf %parallel_loop3A_246, %parallel_loop3A_262 : vector<16xf32>
        %parallel_loop3A_575 = arith.constant 16 : i32
        %parallel_loop3A_576 = arith.muli %parallel_loop3A_208, %parallel_loop3A_575 : i32
        %parallel_loop3A_577 = arith.constant 41 : i32
        %parallel_loop3A_578 = arith.index_cast %parallel_loop3A_577 : i32 to index
        %parallel_loop3A_579 = arith.index_cast %parallel_loop3A_576 : i32 to index
        %parallel_loop3A_580 = tpu.vector_load %arg17[%parallel_loop3A_578, %parallel_loop3A_579] {strides = array<i32>} : memref<64x128xf32, #tpu.memory_space<vmem>>, vector<16xf32>,
        tpu.vector_store %arg17[%parallel_loop3A_578, %parallel_loop3A_579], %parallel_loop3A_574 {strides = array<i32>} : memref<64x128xf32, #tpu.memory_space<vmem>>, vector<16xf32>,
        %parallel_loop3A_581 = arith.mulf %parallel_loop3A_246, %parallel_loop3A_266 : vector<16xf32>
        %parallel_loop3A_582 = arith.constant 16 : i32
        %parallel_loop3A_583 = arith.muli %parallel_loop3A_208, %parallel_loop3A_582 : i32
        %parallel_loop3A_584 = arith.constant 42 : i32
        %parallel_loop3A_585 = arith.index_cast %parallel_loop3A_584 : i32 to index
        %parallel_loop3A_586 = arith.index_cast %parallel_loop3A_583 : i32 to index
        %parallel_loop3A_587 = tpu.vector_load %arg17[%parallel_loop3A_585, %parallel_loop3A_586] {strides = array<i32>} : memref<64x128xf32, #tpu.memory_space<vmem>>, vector<16xf32>,
        tpu.vector_store %arg17[%parallel_loop3A_585, %parallel_loop3A_586], %parallel_loop3A_581 {strides = array<i32>} : memref<64x128xf32, #tpu.memory_space<vmem>>, vector<16xf32>,
        %parallel_loop3A_588 = arith.mulf %parallel_loop3A_246, %parallel_loop3A_270 : vector<16xf32>
        %parallel_loop3A_589 = arith.constant 16 : i32
        %parallel_loop3A_590 = arith.muli %parallel_loop3A_208, %parallel_loop3A_589 : i32
        %parallel_loop3A_591 = arith.constant 43 : i32
        %parallel_loop3A_592 = arith.index_cast %parallel_loop3A_591 : i32 to index
        %parallel_loop3A_593 = arith.index_cast %parallel_loop3A_590 : i32 to index
        %parallel_loop3A_594 = tpu.vector_load %arg17[%parallel_loop3A_592, %parallel_loop3A_593] {strides = array<i32>} : memref<64x128xf32, #tpu.memory_space<vmem>>, vector<16xf32>,
        tpu.vector_store %arg17[%parallel_loop3A_592, %parallel_loop3A_593], %parallel_loop3A_588 {strides = array<i32>} : memref<64x128xf32, #tpu.memory_space<vmem>>, vector<16xf32>,
        %parallel_loop3A_595 = arith.mulf %parallel_loop3A_246, %parallel_loop3A_274 : vector<16xf32>
        %parallel_loop3A_596 = arith.constant 16 : i32
        %parallel_loop3A_597 = arith.muli %parallel_loop3A_208, %parallel_loop3A_596 : i32
        %parallel_loop3A_598 = arith.constant 44 : i32
        %parallel_loop3A_599 = arith.index_cast %parallel_loop3A_598 : i32 to index
        %parallel_loop3A_600 = arith.index_cast %parallel_loop3A_597 : i32 to index
        %parallel_loop3A_601 = tpu.vector_load %arg17[%parallel_loop3A_599, %parallel_loop3A_600] {strides = array<i32>} : memref<64x128xf32, #tpu.memory_space<vmem>>, vector<16xf32>,
        tpu.vector_store %arg17[%parallel_loop3A_599, %parallel_loop3A_600], %parallel_loop3A_595 {strides = array<i32>} : memref<64x128xf32, #tpu.memory_space<vmem>>, vector<16xf32>,
        %parallel_loop3A_602 = arith.mulf %parallel_loop3A_246, %parallel_loop3A_278 : vector<16xf32>
        %parallel_loop3A_603 = arith.constant 16 : i32
        %parallel_loop3A_604 = arith.muli %parallel_loop3A_208, %parallel_loop3A_603 : i32
        %parallel_loop3A_605 = arith.constant 45 : i32
        %parallel_loop3A_606 = arith.index_cast %parallel_loop3A_605 : i32 to index
        %parallel_loop3A_607 = arith.index_cast %parallel_loop3A_604 : i32 to index
        %parallel_loop3A_608 = tpu.vector_load %arg17[%parallel_loop3A_606, %parallel_loop3A_607] {strides = array<i32>} : memref<64x128xf32, #tpu.memory_space<vmem>>, vector<16xf32>,
        tpu.vector_store %arg17[%parallel_loop3A_606, %parallel_loop3A_607], %parallel_loop3A_602 {strides = array<i32>} : memref<64x128xf32, #tpu.memory_space<vmem>>, vector<16xf32>,
        %parallel_loop3A_609 = arith.mulf %parallel_loop3A_246, %parallel_loop3A_282 : vector<16xf32>
        %parallel_loop3A_610 = arith.constant 16 : i32
        %parallel_loop3A_611 = arith.muli %parallel_loop3A_208, %parallel_loop3A_610 : i32
        %parallel_loop3A_612 = arith.constant 46 : i32
        %parallel_loop3A_613 = arith.index_cast %parallel_loop3A_612 : i32 to index
        %parallel_loop3A_614 = arith.index_cast %parallel_loop3A_611 : i32 to index
        %parallel_loop3A_615 = tpu.vector_load %arg17[%parallel_loop3A_613, %parallel_loop3A_614] {strides = array<i32>} : memref<64x128xf32, #tpu.memory_space<vmem>>, vector<16xf32>,
        tpu.vector_store %arg17[%parallel_loop3A_613, %parallel_loop3A_614], %parallel_loop3A_609 {strides = array<i32>} : memref<64x128xf32, #tpu.memory_space<vmem>>, vector<16xf32>,
        %parallel_loop3A_616 = arith.mulf %parallel_loop3A_246, %parallel_loop3A_286 : vector<16xf32>
        %parallel_loop3A_617 = arith.constant 16 : i32
        %parallel_loop3A_618 = arith.muli %parallel_loop3A_208, %parallel_loop3A_617 : i32
        %parallel_loop3A_619 = arith.constant 47 : i32
        %parallel_loop3A_620 = arith.index_cast %parallel_loop3A_619 : i32 to index
        %parallel_loop3A_621 = arith.index_cast %parallel_loop3A_618 : i32 to index
        %parallel_loop3A_622 = tpu.vector_load %arg17[%parallel_loop3A_620, %parallel_loop3A_621] {strides = array<i32>} : memref<64x128xf32, #tpu.memory_space<vmem>>, vector<16xf32>,
        tpu.vector_store %arg17[%parallel_loop3A_620, %parallel_loop3A_621], %parallel_loop3A_616 {strides = array<i32>} : memref<64x128xf32, #tpu.memory_space<vmem>>, vector<16xf32>,
        %parallel_loop3A_623 = arith.mulf %parallel_loop3A_250, %parallel_loop3A_258 : vector<16xf32>
        %parallel_loop3A_624 = arith.constant 16 : i32
        %parallel_loop3A_625 = arith.muli %parallel_loop3A_208, %parallel_loop3A_624 : i32
        %parallel_loop3A_626 = arith.constant 48 : i32
        %parallel_loop3A_627 = arith.index_cast %parallel_loop3A_626 : i32 to index
        %parallel_loop3A_628 = arith.index_cast %parallel_loop3A_625 : i32 to index
        %parallel_loop3A_629 = tpu.vector_load %arg17[%parallel_loop3A_627, %parallel_loop3A_628] {strides = array<i32>} : memref<64x128xf32, #tpu.memory_space<vmem>>, vector<16xf32>,
        tpu.vector_store %arg17[%parallel_loop3A_627, %parallel_loop3A_628], %parallel_loop3A_623 {strides = array<i32>} : memref<64x128xf32, #tpu.memory_space<vmem>>, vector<16xf32>,
        %parallel_loop3A_630 = arith.mulf %parallel_loop3A_250, %parallel_loop3A_262 : vector<16xf32>
        %parallel_loop3A_631 = arith.constant 16 : i32
        %parallel_loop3A_632 = arith.muli %parallel_loop3A_208, %parallel_loop3A_631 : i32
        %parallel_loop3A_633 = arith.constant 49 : i32
        %parallel_loop3A_634 = arith.index_cast %parallel_loop3A_633 : i32 to index
        %parallel_loop3A_635 = arith.index_cast %parallel_loop3A_632 : i32 to index
        %parallel_loop3A_636 = tpu.vector_load %arg17[%parallel_loop3A_634, %parallel_loop3A_635] {strides = array<i32>} : memref<64x128xf32, #tpu.memory_space<vmem>>, vector<16xf32>,
        tpu.vector_store %arg17[%parallel_loop3A_634, %parallel_loop3A_635], %parallel_loop3A_630 {strides = array<i32>} : memref<64x128xf32, #tpu.memory_space<vmem>>, vector<16xf32>,
        %parallel_loop3A_637 = arith.mulf %parallel_loop3A_250, %parallel_loop3A_266 : vector<16xf32>
        %parallel_loop3A_638 = arith.constant 16 : i32
        %parallel_loop3A_639 = arith.muli %parallel_loop3A_208, %parallel_loop3A_638 : i32
        %parallel_loop3A_640 = arith.constant 50 : i32
        %parallel_loop3A_641 = arith.index_cast %parallel_loop3A_640 : i32 to index
        %parallel_loop3A_642 = arith.index_cast %parallel_loop3A_639 : i32 to index
        %parallel_loop3A_643 = tpu.vector_load %arg17[%parallel_loop3A_641, %parallel_loop3A_642] {strides = array<i32>} : memref<64x128xf32, #tpu.memory_space<vmem>>, vector<16xf32>,
        tpu.vector_store %arg17[%parallel_loop3A_641, %parallel_loop3A_642], %parallel_loop3A_637 {strides = array<i32>} : memref<64x128xf32, #tpu.memory_space<vmem>>, vector<16xf32>,
        %parallel_loop3A_644 = arith.mulf %parallel_loop3A_250, %parallel_loop3A_270 : vector<16xf32>
        %parallel_loop3A_645 = arith.constant 16 : i32
        %parallel_loop3A_646 = arith.muli %parallel_loop3A_208, %parallel_loop3A_645 : i32
        %parallel_loop3A_647 = arith.constant 51 : i32
        %parallel_loop3A_648 = arith.index_cast %parallel_loop3A_647 : i32 to index
        %parallel_loop3A_649 = arith.index_cast %parallel_loop3A_646 : i32 to index
        %parallel_loop3A_650 = tpu.vector_load %arg17[%parallel_loop3A_648, %parallel_loop3A_649] {strides = array<i32>} : memref<64x128xf32, #tpu.memory_space<vmem>>, vector<16xf32>,
        tpu.vector_store %arg17[%parallel_loop3A_648, %parallel_loop3A_649], %parallel_loop3A_644 {strides = array<i32>} : memref<64x128xf32, #tpu.memory_space<vmem>>, vector<16xf32>,
        %parallel_loop3A_651 = arith.mulf %parallel_loop3A_250, %parallel_loop3A_274 : vector<16xf32>
        %parallel_loop3A_652 = arith.constant 16 : i32
        %parallel_loop3A_653 = arith.muli %parallel_loop3A_208, %parallel_loop3A_652 : i32
        %parallel_loop3A_654 = arith.constant 52 : i32
        %parallel_loop3A_655 = arith.index_cast %parallel_loop3A_654 : i32 to index
        %parallel_loop3A_656 = arith.index_cast %parallel_loop3A_653 : i32 to index
        %parallel_loop3A_657 = tpu.vector_load %arg17[%parallel_loop3A_655, %parallel_loop3A_656] {strides = array<i32>} : memref<64x128xf32, #tpu.memory_space<vmem>>, vector<16xf32>,
        tpu.vector_store %arg17[%parallel_loop3A_655, %parallel_loop3A_656], %parallel_loop3A_651 {strides = array<i32>} : memref<64x128xf32, #tpu.memory_space<vmem>>, vector<16xf32>,
        %parallel_loop3A_658 = arith.mulf %parallel_loop3A_250, %parallel_loop3A_278 : vector<16xf32>
        %parallel_loop3A_659 = arith.constant 16 : i32
        %parallel_loop3A_660 = arith.muli %parallel_loop3A_208, %parallel_loop3A_659 : i32
        %parallel_loop3A_661 = arith.constant 53 : i32
        %parallel_loop3A_662 = arith.index_cast %parallel_loop3A_661 : i32 to index
        %parallel_loop3A_663 = arith.index_cast %parallel_loop3A_660 : i32 to index
        %parallel_loop3A_664 = tpu.vector_load %arg17[%parallel_loop3A_662, %parallel_loop3A_663] {strides = array<i32>} : memref<64x128xf32, #tpu.memory_space<vmem>>, vector<16xf32>,
        tpu.vector_store %arg17[%parallel_loop3A_662, %parallel_loop3A_663], %parallel_loop3A_658 {strides = array<i32>} : memref<64x128xf32, #tpu.memory_space<vmem>>, vector<16xf32>,
        %parallel_loop3A_665 = arith.mulf %parallel_loop3A_250, %parallel_loop3A_282 : vector<16xf32>
        %parallel_loop3A_666 = arith.constant 16 : i32
        %parallel_loop3A_667 = arith.muli %parallel_loop3A_208, %parallel_loop3A_666 : i32
        %parallel_loop3A_668 = arith.constant 54 : i32
        %parallel_loop3A_669 = arith.index_cast %parallel_loop3A_668 : i32 to index
        %parallel_loop3A_670 = arith.index_cast %parallel_loop3A_667 : i32 to index
        %parallel_loop3A_671 = tpu.vector_load %arg17[%parallel_loop3A_669, %parallel_loop3A_670] {strides = array<i32>} : memref<64x128xf32, #tpu.memory_space<vmem>>, vector<16xf32>,
        tpu.vector_store %arg17[%parallel_loop3A_669, %parallel_loop3A_670], %parallel_loop3A_665 {strides = array<i32>} : memref<64x128xf32, #tpu.memory_space<vmem>>, vector<16xf32>,
        %parallel_loop3A_672 = arith.mulf %parallel_loop3A_250, %parallel_loop3A_286 : vector<16xf32>
        %parallel_loop3A_673 = arith.constant 16 : i32
        %parallel_loop3A_674 = arith.muli %parallel_loop3A_208, %parallel_loop3A_673 : i32
        %parallel_loop3A_675 = arith.constant 55 : i32
        %parallel_loop3A_676 = arith.index_cast %parallel_loop3A_675 : i32 to index
        %parallel_loop3A_677 = arith.index_cast %parallel_loop3A_674 : i32 to index
        %parallel_loop3A_678 = tpu.vector_load %arg17[%parallel_loop3A_676, %parallel_loop3A_677] {strides = array<i32>} : memref<64x128xf32, #tpu.memory_space<vmem>>, vector<16xf32>,
        tpu.vector_store %arg17[%parallel_loop3A_676, %parallel_loop3A_677], %parallel_loop3A_672 {strides = array<i32>} : memref<64x128xf32, #tpu.memory_space<vmem>>, vector<16xf32>,
        %parallel_loop3A_679 = arith.mulf %parallel_loop3A_254, %parallel_loop3A_258 : vector<16xf32>
        %parallel_loop3A_680 = arith.constant 16 : i32
        %parallel_loop3A_681 = arith.muli %parallel_loop3A_208, %parallel_loop3A_680 : i32
        %parallel_loop3A_682 = arith.constant 56 : i32
        %parallel_loop3A_683 = arith.index_cast %parallel_loop3A_682 : i32 to index
        %parallel_loop3A_684 = arith.index_cast %parallel_loop3A_681 : i32 to index
        %parallel_loop3A_685 = tpu.vector_load %arg17[%parallel_loop3A_683, %parallel_loop3A_684] {strides = array<i32>} : memref<64x128xf32, #tpu.memory_space<vmem>>, vector<16xf32>,
        tpu.vector_store %arg17[%parallel_loop3A_683, %parallel_loop3A_684], %parallel_loop3A_679 {strides = array<i32>} : memref<64x128xf32, #tpu.memory_space<vmem>>, vector<16xf32>,
        %parallel_loop3A_686 = arith.mulf %parallel_loop3A_254, %parallel_loop3A_262 : vector<16xf32>
        %parallel_loop3A_687 = arith.constant 16 : i32
        %parallel_loop3A_688 = arith.muli %parallel_loop3A_208, %parallel_loop3A_687 : i32
        %parallel_loop3A_689 = arith.constant 57 : i32
        %parallel_loop3A_690 = arith.index_cast %parallel_loop3A_689 : i32 to index
        %parallel_loop3A_691 = arith.index_cast %parallel_loop3A_688 : i32 to index
        %parallel_loop3A_692 = tpu.vector_load %arg17[%parallel_loop3A_690, %parallel_loop3A_691] {strides = array<i32>} : memref<64x128xf32, #tpu.memory_space<vmem>>, vector<16xf32>,
        tpu.vector_store %arg17[%parallel_loop3A_690, %parallel_loop3A_691], %parallel_loop3A_686 {strides = array<i32>} : memref<64x128xf32, #tpu.memory_space<vmem>>, vector<16xf32>,
        %parallel_loop3A_693 = arith.mulf %parallel_loop3A_254, %parallel_loop3A_266 : vector<16xf32>
        %parallel_loop3A_694 = arith.constant 16 : i32
        %parallel_loop3A_695 = arith.muli %parallel_loop3A_208, %parallel_loop3A_694 : i32
        %parallel_loop3A_696 = arith.constant 58 : i32
        %parallel_loop3A_697 = arith.index_cast %parallel_loop3A_696 : i32 to index
        %parallel_loop3A_698 = arith.index_cast %parallel_loop3A_695 : i32 to index
        %parallel_loop3A_699 = tpu.vector_load %arg17[%parallel_loop3A_697, %parallel_loop3A_698] {strides = array<i32>} : memref<64x128xf32, #tpu.memory_space<vmem>>, vector<16xf32>,
        tpu.vector_store %arg17[%parallel_loop3A_697, %parallel_loop3A_698], %parallel_loop3A_693 {strides = array<i32>} : memref<64x128xf32, #tpu.memory_space<vmem>>, vector<16xf32>,
        %parallel_loop3A_700 = arith.mulf %parallel_loop3A_254, %parallel_loop3A_270 : vector<16xf32>
        %parallel_loop3A_701 = arith.constant 16 : i32
        %parallel_loop3A_702 = arith.muli %parallel_loop3A_208, %parallel_loop3A_701 : i32
        %parallel_loop3A_703 = arith.constant 59 : i32
        %parallel_loop3A_704 = arith.index_cast %parallel_loop3A_703 : i32 to index
        %parallel_loop3A_705 = arith.index_cast %parallel_loop3A_702 : i32 to index
        %parallel_loop3A_706 = tpu.vector_load %arg17[%parallel_loop3A_704, %parallel_loop3A_705] {strides = array<i32>} : memref<64x128xf32, #tpu.memory_space<vmem>>, vector<16xf32>,
        tpu.vector_store %arg17[%parallel_loop3A_704, %parallel_loop3A_705], %parallel_loop3A_700 {strides = array<i32>} : memref<64x128xf32, #tpu.memory_space<vmem>>, vector<16xf32>,
        %parallel_loop3A_707 = arith.mulf %parallel_loop3A_254, %parallel_loop3A_274 : vector<16xf32>
        %parallel_loop3A_708 = arith.constant 16 : i32
        %parallel_loop3A_709 = arith.muli %parallel_loop3A_208, %parallel_loop3A_708 : i32
        %parallel_loop3A_710 = arith.constant 60 : i32
        %parallel_loop3A_711 = arith.index_cast %parallel_loop3A_710 : i32 to index
        %parallel_loop3A_712 = arith.index_cast %parallel_loop3A_709 : i32 to index
        %parallel_loop3A_713 = tpu.vector_load %arg17[%parallel_loop3A_711, %parallel_loop3A_712] {strides = array<i32>} : memref<64x128xf32, #tpu.memory_space<vmem>>, vector<16xf32>,
        tpu.vector_store %arg17[%parallel_loop3A_711, %parallel_loop3A_712], %parallel_loop3A_707 {strides = array<i32>} : memref<64x128xf32, #tpu.memory_space<vmem>>, vector<16xf32>,
        %parallel_loop3A_714 = arith.mulf %parallel_loop3A_254, %parallel_loop3A_278 : vector<16xf32>
        %parallel_loop3A_715 = arith.constant 16 : i32
        %parallel_loop3A_716 = arith.muli %parallel_loop3A_208, %parallel_loop3A_715 : i32
        %parallel_loop3A_717 = arith.constant 61 : i32
        %parallel_loop3A_718 = arith.index_cast %parallel_loop3A_717 : i32 to index
        %parallel_loop3A_719 = arith.index_cast %parallel_loop3A_716 : i32 to index
        %parallel_loop3A_720 = tpu.vector_load %arg17[%parallel_loop3A_718, %parallel_loop3A_719] {strides = array<i32>} : memref<64x128xf32, #tpu.memory_space<vmem>>, vector<16xf32>,
        tpu.vector_store %arg17[%parallel_loop3A_718, %parallel_loop3A_719], %parallel_loop3A_714 {strides = array<i32>} : memref<64x128xf32, #tpu.memory_space<vmem>>, vector<16xf32>,
        %parallel_loop3A_721 = arith.mulf %parallel_loop3A_254, %parallel_loop3A_282 : vector<16xf32>
        %parallel_loop3A_722 = arith.constant 16 : i32
        %parallel_loop3A_723 = arith.muli %parallel_loop3A_208, %parallel_loop3A_722 : i32
        %parallel_loop3A_724 = arith.constant 62 : i32
        %parallel_loop3A_725 = arith.index_cast %parallel_loop3A_724 : i32 to index
        %parallel_loop3A_726 = arith.index_cast %parallel_loop3A_723 : i32 to index
        %parallel_loop3A_727 = tpu.vector_load %arg17[%parallel_loop3A_725, %parallel_loop3A_726] {strides = array<i32>} : memref<64x128xf32, #tpu.memory_space<vmem>>, vector<16xf32>,
        tpu.vector_store %arg17[%parallel_loop3A_725, %parallel_loop3A_726], %parallel_loop3A_721 {strides = array<i32>} : memref<64x128xf32, #tpu.memory_space<vmem>>, vector<16xf32>,
        %parallel_loop3A_728 = arith.mulf %parallel_loop3A_254, %parallel_loop3A_286 : vector<16xf32>
        %parallel_loop3A_729 = arith.constant 16 : i32
        %parallel_loop3A_730 = arith.muli %parallel_loop3A_208, %parallel_loop3A_729 : i32
        %parallel_loop3A_731 = arith.constant 63 : i32
        %parallel_loop3A_732 = arith.index_cast %parallel_loop3A_731 : i32 to index
        %parallel_loop3A_733 = arith.index_cast %parallel_loop3A_730 : i32 to index
        %parallel_loop3A_734 = tpu.vector_load %arg17[%parallel_loop3A_732, %parallel_loop3A_733] {strides = array<i32>} : memref<64x128xf32, #tpu.memory_space<vmem>>, vector<16xf32>,
        tpu.vector_store %arg17[%parallel_loop3A_732, %parallel_loop3A_733], %parallel_loop3A_728 {strides = array<i32>} : memref<64x128xf32, #tpu.memory_space<vmem>>, vector<16xf32>,
      } {sc.loop_unroll_factor = 1 : i64, sc.parallel_access}
      %mul3A_193 = arith.constant 32 : i32
      %mul3A_194 = arith.muli %add3A_176, %mul3A_193 : i32
      %add3A_195 = arith.addi %add3A, %mul3A_194 : i32
      %mul3A_196 = arith.constant 128 : i32
      %mul3A_197 = arith.muli %add3A_195, %mul3A_196 : i32
      %dma_start3A_198 = arith.constant 0 : i32
      %dma_start3A_199 = tpu.memref_slice %arg4[%dma_start3A_198, %mul3A_197] : memref<64x640000xf32, #tpu.memory_space<hbm>> -> memref<64x128xf32, #tpu.memory_space<hbm>>
      %dma_start3A_200 = arith.constant 0 : i32
      %dma_start3A_201 = tpu.memref_slice %arg4[%dma_start3A_200, %mul3A_197] : memref<64x640000xf32, #tpu.memory_space<hbm>> -> memref<64x128xf32, #tpu.memory_space<hbm>>
      tpu.enqueue_dma source(%arg17 : memref<64x128xf32, #tpu.memory_space<vmem>>) target(%dma_start3A_201 : memref<64x128xf32, #tpu.memory_space<hbm>>) target_semaphore(%arg25 : memref<!tpu.dma_semaphore, #tpu.memory_space<semaphore_mem>>)
      %lt3A_202 = arith.constant 38 : i32
      %lt3A_203 = arith.cmpi slt, %scan3A_71, %lt3A_202 : i32
      %convert_element_type3A_204 = arith.extui %lt3A_203 : i1 to i32
      %cond3A_205 = arith.constant 0 : i32
      %cond3A_206 = arith.cmpi ne, %convert_element_type3A_204, %cond3A_205 : i32
      scf.if %cond3A_206 {
        %add3A_208 = arith.constant 4 : i32
        %add3A_209 = arith.addi %add3A_176, %add3A_208 : i32
        %mul3A_210 = arith.constant 32 : i32
        %mul3A_211 = arith.muli %add3A_209, %mul3A_210 : i32
        %add3A_212 = arith.addi %add3A, %mul3A_211 : i32
        %mul3A_213 = arith.constant 128 : i32
        %mul3A_214 = arith.muli %add3A_212, %mul3A_213 : i32
        %dma_start3A_215 = tpu.memref_slice %arg2[%mul3A_214] : memref<1280000xi32, #tpu.memory_space<hbm>> -> memref<128xi32, #tpu.memory_space<hbm>>
        %dma_start3A_216 = tpu.memref_slice %arg2[%mul3A_214] : memref<1280000xi32, #tpu.memory_space<hbm>> -> memref<128xi32, #tpu.memory_space<hbm>>
        tpu.enqueue_dma source(%dma_start3A_216 : memref<128xi32, #tpu.memory_space<hbm>>) target(%arg9 : memref<128xi32, #tpu.memory_space<vmem>>) target_semaphore(%arg21 : memref<!tpu.dma_semaphore, #tpu.memory_space<semaphore_mem>>)
        %add3A_217 = arith.constant 640000 : i32
        %add3A_218 = arith.addi %add3A_217, %mul3A_214 : i32
        %dma_start3A_219 = tpu.memref_slice %arg2[%add3A_218] : memref<1280000xi32, #tpu.memory_space<hbm>> -> memref<128xi32, #tpu.memory_space<hbm>>
        %dma_start3A_220 = tpu.memref_slice %arg2[%add3A_218] : memref<1280000xi32, #tpu.memory_space<hbm>> -> memref<128xi32, #tpu.memory_space<hbm>>
        tpu.enqueue_dma source(%dma_start3A_220 : memref<128xi32, #tpu.memory_space<hbm>>) target(%arg13 : memref<128xi32, #tpu.memory_space<vmem>>) target_semaphore(%arg21 : memref<!tpu.dma_semaphore, #tpu.memory_space<semaphore_mem>>)
      } else {
      }
      %scan3A_207 = arith.constant 0 : i32
      scf.yield %scan3A_207 : i32
    }
    %scan3A_45 = arith.constant 39 : i32
    %dma_wait3A = arith.constant 0 : i32
    %dma_wait3A_46 = arith.constant 0 : i32
    %dma_wait3A_47 = tpu.memref_slice %arg4[%dma_wait3A, %dma_wait3A_46] : memref<64x640000xf32, #tpu.memory_space<hbm>> -> memref<64x128xf32, #tpu.memory_space<hbm>>
    %dma_wait3A_48 = arith.constant 0 : i32
    %dma_wait3A_49 = arith.constant 0 : i32
    %dma_wait3A_50 = tpu.memref_slice %arg4[%dma_wait3A_48, %dma_wait3A_49] : memref<64x640000xf32, #tpu.memory_space<hbm>> -> memref<64x128xf32, #tpu.memory_space<hbm>>
    tpu.wait_dma2 semaphore(%arg22 : memref<!tpu.dma_semaphore, #tpu.memory_space<semaphore_mem>>) src(%arg14 : memref<64x128xf32, #tpu.memory_space<vmem>>) dst(%dma_wait3A_50 : memref<64x128xf32, #tpu.memory_space<hbm>>)
    %dma_wait3A_51 = arith.constant 0 : i32
    %dma_wait3A_52 = arith.constant 0 : i32
    %dma_wait3A_53 = tpu.memref_slice %arg4[%dma_wait3A_51, %dma_wait3A_52] : memref<64x640000xf32, #tpu.memory_space<hbm>> -> memref<64x128xf32, #tpu.memory_space<hbm>>
    %dma_wait3A_54 = arith.constant 0 : i32
    %dma_wait3A_55 = arith.constant 0 : i32
    %dma_wait3A_56 = tpu.memref_slice %arg4[%dma_wait3A_54, %dma_wait3A_55] : memref<64x640000xf32, #tpu.memory_space<hbm>> -> memref<64x128xf32, #tpu.memory_space<hbm>>
    tpu.wait_dma2 semaphore(%arg23 : memref<!tpu.dma_semaphore, #tpu.memory_space<semaphore_mem>>) src(%arg15 : memref<64x128xf32, #tpu.memory_space<vmem>>) dst(%dma_wait3A_56 : memref<64x128xf32, #tpu.memory_space<hbm>>)
    %dma_wait3A_57 = arith.constant 0 : i32
    %dma_wait3A_58 = arith.constant 0 : i32
    %dma_wait3A_59 = tpu.memref_slice %arg4[%dma_wait3A_57, %dma_wait3A_58] : memref<64x640000xf32, #tpu.memory_space<hbm>> -> memref<64x128xf32, #tpu.memory_space<hbm>>
    %dma_wait3A_60 = arith.constant 0 : i32
    %dma_wait3A_61 = arith.constant 0 : i32
    %dma_wait3A_62 = tpu.memref_slice %arg4[%dma_wait3A_60, %dma_wait3A_61] : memref<64x640000xf32, #tpu.memory_space<hbm>> -> memref<64x128xf32, #tpu.memory_space<hbm>>
    tpu.wait_dma2 semaphore(%arg24 : memref<!tpu.dma_semaphore, #tpu.memory_space<semaphore_mem>>) src(%arg16 : memref<64x128xf32, #tpu.memory_space<vmem>>) dst(%dma_wait3A_62 : memref<64x128xf32, #tpu.memory_space<hbm>>)
    %dma_wait3A_63 = arith.constant 0 : i32
    %dma_wait3A_64 = arith.constant 0 : i32
    %dma_wait3A_65 = tpu.memref_slice %arg4[%dma_wait3A_63, %dma_wait3A_64] : memref<64x640000xf32, #tpu.memory_space<hbm>> -> memref<64x128xf32, #tpu.memory_space<hbm>>
    %dma_wait3A_66 = arith.constant 0 : i32
    %dma_wait3A_67 = arith.constant 0 : i32
    %dma_wait3A_68 = tpu.memref_slice %arg4[%dma_wait3A_66, %dma_wait3A_67] : memref<64x640000xf32, #tpu.memory_space<hbm>> -> memref<64x128xf32, #tpu.memory_space<hbm>>
    tpu.wait_dma2 semaphore(%arg25 : memref<!tpu.dma_semaphore, #tpu.memory_space<semaphore_mem>>) src(%arg17 : memref<64x128xf32, #tpu.memory_space<vmem>>) dst(%dma_wait3A_68 : memref<64x128xf32, #tpu.memory_space<hbm>>)
    %lt3A = arith.constant 8 : i32
    %lt3A_69 = arith.cmpi slt, %add3A, %lt3A : i32
    %convert_element_type3A = arith.extui %lt3A_69 : i1 to i32
    %cond3A = arith.constant 0 : i32
    %cond3A_70 = arith.cmpi ne, %convert_element_type3A, %cond3A : i32
    scf.if %cond3A_70 {
      %add3A_71 = arith.constant 4992 : i32
      %add3A_72 = arith.addi %add3A_71, %add3A : i32
      %mul3A_73 = arith.constant 128 : i32
      %mul3A_74 = arith.muli %add3A_72, %mul3A_73 : i32
      "tpu.region"() ({
        %run_scoped3A = tpu.sem_alloc : memref<!tpu.dma_semaphore, #tpu.memory_space<semaphore_mem>>
        %dma_start3A_79 = tpu.memref_slice %arg2[%mul3A_74] : memref<1280000xi32, #tpu.memory_space<hbm>> -> memref<128xi32, #tpu.memory_space<hbm>>
        %dma_start3A_80 = tpu.memref_slice %arg2[%mul3A_74] : memref<1280000xi32, #tpu.memory_space<hbm>> -> memref<128xi32, #tpu.memory_space<hbm>>
        tpu.enqueue_dma source(%dma_start3A_80 : memref<128xi32, #tpu.memory_space<hbm>>) target(%arg6 : memref<128xi32, #tpu.memory_space<vmem>>) target_semaphore(%run_scoped3A : memref<!tpu.dma_semaphore, #tpu.memory_space<semaphore_mem>>)
        %dma_wait3A_81 = tpu.memref_slice %arg2[%mul3A_74] : memref<1280000xi32, #tpu.memory_space<hbm>> -> memref<128xi32, #tpu.memory_space<hbm>>
        %dma_wait3A_82 = tpu.memref_slice %arg2[%mul3A_74] : memref<1280000xi32, #tpu.memory_space<hbm>> -> memref<128xi32, #tpu.memory_space<hbm>>
        tpu.wait_dma2 semaphore(%run_scoped3A : memref<!tpu.dma_semaphore, #tpu.memory_space<semaphore_mem>>) src(%dma_wait3A_82 : memref<128xi32, #tpu.memory_space<hbm>>) dst(%arg6 : memref<128xi32, #tpu.memory_space<vmem>>)
        tpu.yield
      }) : () -> ()
      %add3A_75 = arith.constant 640000 : i32
      %add3A_76 = arith.addi %add3A_75, %mul3A_74 : i32
      "tpu.region"() ({
        %run_scoped3A = tpu.sem_alloc : memref<!tpu.dma_semaphore, #tpu.memory_space<semaphore_mem>>
        %dma_start3A_79 = tpu.memref_slice %arg2[%add3A_76] : memref<1280000xi32, #tpu.memory_space<hbm>> -> memref<128xi32, #tpu.memory_space<hbm>>
        %dma_start3A_80 = tpu.memref_slice %arg2[%add3A_76] : memref<1280000xi32, #tpu.memory_space<hbm>> -> memref<128xi32, #tpu.memory_space<hbm>>
        tpu.enqueue_dma source(%dma_start3A_80 : memref<128xi32, #tpu.memory_space<hbm>>) target(%arg10 : memref<128xi32, #tpu.memory_space<vmem>>) target_semaphore(%run_scoped3A : memref<!tpu.dma_semaphore, #tpu.memory_space<semaphore_mem>>)
        %dma_wait3A_81 = tpu.memref_slice %arg2[%add3A_76] : memref<1280000xi32, #tpu.memory_space<hbm>> -> memref<128xi32, #tpu.memory_space<hbm>>
        %dma_wait3A_82 = tpu.memref_slice %arg2[%add3A_76] : memref<1280000xi32, #tpu.memory_space<hbm>> -> memref<128xi32, #tpu.memory_space<hbm>>
        tpu.wait_dma2 semaphore(%run_scoped3A : memref<!tpu.dma_semaphore, #tpu.memory_space<semaphore_mem>>) src(%dma_wait3A_82 : memref<128xi32, #tpu.memory_space<hbm>>) dst(%arg10 : memref<128xi32, #tpu.memory_space<vmem>>)
        tpu.yield
      }) : () -> ()
      %parallel_loop3A = arith.constant 0 : i32
      %parallel_loop3A_77 = arith.constant 8 : i32
      %parallel_loop3A_78 = arith.constant 1 : i32
      scf.for %parallel_loop3A_79 = %parallel_loop3A to %parallel_loop3A_77 step %parallel_loop3A_78  : i32 {
        %parallel_loop3A_80 = arith.constant 16 : i32
        %parallel_loop3A_81 = arith.muli %parallel_loop3A_79, %parallel_loop3A_80 : i32
        %parallel_loop3A_82 = arith.index_cast %parallel_loop3A_81 : i32 to index
        %parallel_loop3A_83 = tpu.vector_load %arg6[%parallel_loop3A_82] {strides = array<i32>} : memref<128xi32, #tpu.memory_space<vmem>>, vector<16xi32>,
        %parallel_loop3A_84 = arith.constant 8 : i32
        %parallel_loop3A_85 = vector.broadcast %parallel_loop3A_84 : i32 to vector<16xi32>
        %parallel_loop3A_86 = arith.muli %parallel_loop3A_83, %parallel_loop3A_85 : vector<16xi32>
        %parallel_loop3A_87 = arith.constant 16 : i32
        %parallel_loop3A_88 = arith.muli %parallel_loop3A_79, %parallel_loop3A_87 : i32
        %parallel_loop3A_89 = arith.index_cast %parallel_loop3A_88 : i32 to index
        %parallel_loop3A_90 = tpu.vector_load %arg10[%parallel_loop3A_89] {strides = array<i32>} : memref<128xi32, #tpu.memory_space<vmem>>, vector<16xi32>,
        %parallel_loop3A_91 = arith.constant 8 : i32
        %parallel_loop3A_92 = vector.broadcast %parallel_loop3A_91 : i32 to vector<16xi32>
        %parallel_loop3A_93 = arith.muli %parallel_loop3A_90, %parallel_loop3A_92 : vector<16xi32>
        %parallel_loop3A_94 = arith.constant 0 : i32
        %parallel_loop3A_95 = vector.broadcast %parallel_loop3A_94 : i32 to vector<16xi32>
        %parallel_loop3A_96 = arith.addi %parallel_loop3A_86, %parallel_loop3A_95 : vector<16xi32>
        %parallel_loop3A_97 = tpu.vector_load_idx %arg5[%parallel_loop3A_96] : memref<80000xf32, #tpu.memory_space<vmem>>[vector<16xi32>], vector<16xf32>,
        %parallel_loop3A_98 = arith.constant 1 : i32
        %parallel_loop3A_99 = vector.broadcast %parallel_loop3A_98 : i32 to vector<16xi32>
        %parallel_loop3A_100 = arith.addi %parallel_loop3A_86, %parallel_loop3A_99 : vector<16xi32>
        %parallel_loop3A_101 = tpu.vector_load_idx %arg5[%parallel_loop3A_100] : memref<80000xf32, #tpu.memory_space<vmem>>[vector<16xi32>], vector<16xf32>,
        %parallel_loop3A_102 = arith.constant 2 : i32
        %parallel_loop3A_103 = vector.broadcast %parallel_loop3A_102 : i32 to vector<16xi32>
        %parallel_loop3A_104 = arith.addi %parallel_loop3A_86, %parallel_loop3A_103 : vector<16xi32>
        %parallel_loop3A_105 = tpu.vector_load_idx %arg5[%parallel_loop3A_104] : memref<80000xf32, #tpu.memory_space<vmem>>[vector<16xi32>], vector<16xf32>,
        %parallel_loop3A_106 = arith.constant 3 : i32
        %parallel_loop3A_107 = vector.broadcast %parallel_loop3A_106 : i32 to vector<16xi32>
        %parallel_loop3A_108 = arith.addi %parallel_loop3A_86, %parallel_loop3A_107 : vector<16xi32>
        %parallel_loop3A_109 = tpu.vector_load_idx %arg5[%parallel_loop3A_108] : memref<80000xf32, #tpu.memory_space<vmem>>[vector<16xi32>], vector<16xf32>,
        %parallel_loop3A_110 = arith.constant 4 : i32
        %parallel_loop3A_111 = vector.broadcast %parallel_loop3A_110 : i32 to vector<16xi32>
        %parallel_loop3A_112 = arith.addi %parallel_loop3A_86, %parallel_loop3A_111 : vector<16xi32>
        %parallel_loop3A_113 = tpu.vector_load_idx %arg5[%parallel_loop3A_112] : memref<80000xf32, #tpu.memory_space<vmem>>[vector<16xi32>], vector<16xf32>,
        %parallel_loop3A_114 = arith.constant 5 : i32
        %parallel_loop3A_115 = vector.broadcast %parallel_loop3A_114 : i32 to vector<16xi32>
        %parallel_loop3A_116 = arith.addi %parallel_loop3A_86, %parallel_loop3A_115 : vector<16xi32>
        %parallel_loop3A_117 = tpu.vector_load_idx %arg5[%parallel_loop3A_116] : memref<80000xf32, #tpu.memory_space<vmem>>[vector<16xi32>], vector<16xf32>,
        %parallel_loop3A_118 = arith.constant 6 : i32
        %parallel_loop3A_119 = vector.broadcast %parallel_loop3A_118 : i32 to vector<16xi32>
        %parallel_loop3A_120 = arith.addi %parallel_loop3A_86, %parallel_loop3A_119 : vector<16xi32>
        %parallel_loop3A_121 = tpu.vector_load_idx %arg5[%parallel_loop3A_120] : memref<80000xf32, #tpu.memory_space<vmem>>[vector<16xi32>], vector<16xf32>,
        %parallel_loop3A_122 = arith.constant 7 : i32
        %parallel_loop3A_123 = vector.broadcast %parallel_loop3A_122 : i32 to vector<16xi32>
        %parallel_loop3A_124 = arith.addi %parallel_loop3A_86, %parallel_loop3A_123 : vector<16xi32>
        %parallel_loop3A_125 = tpu.vector_load_idx %arg5[%parallel_loop3A_124] : memref<80000xf32, #tpu.memory_space<vmem>>[vector<16xi32>], vector<16xf32>,
        %parallel_loop3A_126 = arith.constant 0 : i32
        %parallel_loop3A_127 = vector.broadcast %parallel_loop3A_126 : i32 to vector<16xi32>
        %parallel_loop3A_128 = arith.addi %parallel_loop3A_93, %parallel_loop3A_127 : vector<16xi32>
        %parallel_loop3A_129 = tpu.vector_load_idx %arg5[%parallel_loop3A_128] : memref<80000xf32, #tpu.memory_space<vmem>>[vector<16xi32>], vector<16xf32>,
        %parallel_loop3A_130 = arith.constant 1 : i32
        %parallel_loop3A_131 = vector.broadcast %parallel_loop3A_130 : i32 to vector<16xi32>
        %parallel_loop3A_132 = arith.addi %parallel_loop3A_93, %parallel_loop3A_131 : vector<16xi32>
        %parallel_loop3A_133 = tpu.vector_load_idx %arg5[%parallel_loop3A_132] : memref<80000xf32, #tpu.memory_space<vmem>>[vector<16xi32>], vector<16xf32>,
        %parallel_loop3A_134 = arith.constant 2 : i32
        %parallel_loop3A_135 = vector.broadcast %parallel_loop3A_134 : i32 to vector<16xi32>
        %parallel_loop3A_136 = arith.addi %parallel_loop3A_93, %parallel_loop3A_135 : vector<16xi32>
        %parallel_loop3A_137 = tpu.vector_load_idx %arg5[%parallel_loop3A_136] : memref<80000xf32, #tpu.memory_space<vmem>>[vector<16xi32>], vector<16xf32>,
        %parallel_loop3A_138 = arith.constant 3 : i32
        %parallel_loop3A_139 = vector.broadcast %parallel_loop3A_138 : i32 to vector<16xi32>
        %parallel_loop3A_140 = arith.addi %parallel_loop3A_93, %parallel_loop3A_139 : vector<16xi32>
        %parallel_loop3A_141 = tpu.vector_load_idx %arg5[%parallel_loop3A_140] : memref<80000xf32, #tpu.memory_space<vmem>>[vector<16xi32>], vector<16xf32>,
        %parallel_loop3A_142 = arith.constant 4 : i32
        %parallel_loop3A_143 = vector.broadcast %parallel_loop3A_142 : i32 to vector<16xi32>
        %parallel_loop3A_144 = arith.addi %parallel_loop3A_93, %parallel_loop3A_143 : vector<16xi32>
        %parallel_loop3A_145 = tpu.vector_load_idx %arg5[%parallel_loop3A_144] : memref<80000xf32, #tpu.memory_space<vmem>>[vector<16xi32>], vector<16xf32>,
        %parallel_loop3A_146 = arith.constant 5 : i32
        %parallel_loop3A_147 = vector.broadcast %parallel_loop3A_146 : i32 to vector<16xi32>
        %parallel_loop3A_148 = arith.addi %parallel_loop3A_93, %parallel_loop3A_147 : vector<16xi32>
        %parallel_loop3A_149 = tpu.vector_load_idx %arg5[%parallel_loop3A_148] : memref<80000xf32, #tpu.memory_space<vmem>>[vector<16xi32>], vector<16xf32>,
        %parallel_loop3A_150 = arith.constant 6 : i32
        %parallel_loop3A_151 = vector.broadcast %parallel_loop3A_150 : i32 to vector<16xi32>
        %parallel_loop3A_152 = arith.addi %parallel_loop3A_93, %parallel_loop3A_151 : vector<16xi32>
        %parallel_loop3A_153 = tpu.vector_load_idx %arg5[%parallel_loop3A_152] : memref<80000xf32, #tpu.memory_space<vmem>>[vector<16xi32>], vector<16xf32>,
        %parallel_loop3A_154 = arith.constant 7 : i32
        %parallel_loop3A_155 = vector.broadcast %parallel_loop3A_154 : i32 to vector<16xi32>
        %parallel_loop3A_156 = arith.addi %parallel_loop3A_93, %parallel_loop3A_155 : vector<16xi32>
        %parallel_loop3A_157 = tpu.vector_load_idx %arg5[%parallel_loop3A_156] : memref<80000xf32, #tpu.memory_space<vmem>>[vector<16xi32>], vector<16xf32>,
        %parallel_loop3A_158 = arith.mulf %parallel_loop3A_97, %parallel_loop3A_129 : vector<16xf32>
        %parallel_loop3A_159 = arith.constant 16 : i32
        %parallel_loop3A_160 = arith.muli %parallel_loop3A_79, %parallel_loop3A_159 : i32
        %parallel_loop3A_161 = arith.constant 0 : i32
        %parallel_loop3A_162 = arith.index_cast %parallel_loop3A_161 : i32 to index
        %parallel_loop3A_163 = arith.index_cast %parallel_loop3A_160 : i32 to index
        %parallel_loop3A_164 = tpu.vector_load %arg14[%parallel_loop3A_162, %parallel_loop3A_163] {strides = array<i32>} : memref<64x128xf32, #tpu.memory_space<vmem>>, vector<16xf32>,
        tpu.vector_store %arg14[%parallel_loop3A_162, %parallel_loop3A_163], %parallel_loop3A_158 {strides = array<i32>} : memref<64x128xf32, #tpu.memory_space<vmem>>, vector<16xf32>,
        %parallel_loop3A_165 = arith.mulf %parallel_loop3A_97, %parallel_loop3A_133 : vector<16xf32>
        %parallel_loop3A_166 = arith.constant 16 : i32
        %parallel_loop3A_167 = arith.muli %parallel_loop3A_79, %parallel_loop3A_166 : i32
        %parallel_loop3A_168 = arith.constant 1 : i32
        %parallel_loop3A_169 = arith.index_cast %parallel_loop3A_168 : i32 to index
        %parallel_loop3A_170 = arith.index_cast %parallel_loop3A_167 : i32 to index
        %parallel_loop3A_171 = tpu.vector_load %arg14[%parallel_loop3A_169, %parallel_loop3A_170] {strides = array<i32>} : memref<64x128xf32, #tpu.memory_space<vmem>>, vector<16xf32>,
        tpu.vector_store %arg14[%parallel_loop3A_169, %parallel_loop3A_170], %parallel_loop3A_165 {strides = array<i32>} : memref<64x128xf32, #tpu.memory_space<vmem>>, vector<16xf32>,
        %parallel_loop3A_172 = arith.mulf %parallel_loop3A_97, %parallel_loop3A_137 : vector<16xf32>
        %parallel_loop3A_173 = arith.constant 16 : i32
        %parallel_loop3A_174 = arith.muli %parallel_loop3A_79, %parallel_loop3A_173 : i32
        %parallel_loop3A_175 = arith.constant 2 : i32
        %parallel_loop3A_176 = arith.index_cast %parallel_loop3A_175 : i32 to index
        %parallel_loop3A_177 = arith.index_cast %parallel_loop3A_174 : i32 to index
        %parallel_loop3A_178 = tpu.vector_load %arg14[%parallel_loop3A_176, %parallel_loop3A_177] {strides = array<i32>} : memref<64x128xf32, #tpu.memory_space<vmem>>, vector<16xf32>,
        tpu.vector_store %arg14[%parallel_loop3A_176, %parallel_loop3A_177], %parallel_loop3A_172 {strides = array<i32>} : memref<64x128xf32, #tpu.memory_space<vmem>>, vector<16xf32>,
        %parallel_loop3A_179 = arith.mulf %parallel_loop3A_97, %parallel_loop3A_141 : vector<16xf32>
        %parallel_loop3A_180 = arith.constant 16 : i32
        %parallel_loop3A_181 = arith.muli %parallel_loop3A_79, %parallel_loop3A_180 : i32
        %parallel_loop3A_182 = arith.constant 3 : i32
        %parallel_loop3A_183 = arith.index_cast %parallel_loop3A_182 : i32 to index
        %parallel_loop3A_184 = arith.index_cast %parallel_loop3A_181 : i32 to index
        %parallel_loop3A_185 = tpu.vector_load %arg14[%parallel_loop3A_183, %parallel_loop3A_184] {strides = array<i32>} : memref<64x128xf32, #tpu.memory_space<vmem>>, vector<16xf32>,
        tpu.vector_store %arg14[%parallel_loop3A_183, %parallel_loop3A_184], %parallel_loop3A_179 {strides = array<i32>} : memref<64x128xf32, #tpu.memory_space<vmem>>, vector<16xf32>,
        %parallel_loop3A_186 = arith.mulf %parallel_loop3A_97, %parallel_loop3A_145 : vector<16xf32>
        %parallel_loop3A_187 = arith.constant 16 : i32
        %parallel_loop3A_188 = arith.muli %parallel_loop3A_79, %parallel_loop3A_187 : i32
        %parallel_loop3A_189 = arith.constant 4 : i32
        %parallel_loop3A_190 = arith.index_cast %parallel_loop3A_189 : i32 to index
        %parallel_loop3A_191 = arith.index_cast %parallel_loop3A_188 : i32 to index
        %parallel_loop3A_192 = tpu.vector_load %arg14[%parallel_loop3A_190, %parallel_loop3A_191] {strides = array<i32>} : memref<64x128xf32, #tpu.memory_space<vmem>>, vector<16xf32>,
        tpu.vector_store %arg14[%parallel_loop3A_190, %parallel_loop3A_191], %parallel_loop3A_186 {strides = array<i32>} : memref<64x128xf32, #tpu.memory_space<vmem>>, vector<16xf32>,
        %parallel_loop3A_193 = arith.mulf %parallel_loop3A_97, %parallel_loop3A_149 : vector<16xf32>
        %parallel_loop3A_194 = arith.constant 16 : i32
        %parallel_loop3A_195 = arith.muli %parallel_loop3A_79, %parallel_loop3A_194 : i32
        %parallel_loop3A_196 = arith.constant 5 : i32
        %parallel_loop3A_197 = arith.index_cast %parallel_loop3A_196 : i32 to index
        %parallel_loop3A_198 = arith.index_cast %parallel_loop3A_195 : i32 to index
        %parallel_loop3A_199 = tpu.vector_load %arg14[%parallel_loop3A_197, %parallel_loop3A_198] {strides = array<i32>} : memref<64x128xf32, #tpu.memory_space<vmem>>, vector<16xf32>,
        tpu.vector_store %arg14[%parallel_loop3A_197, %parallel_loop3A_198], %parallel_loop3A_193 {strides = array<i32>} : memref<64x128xf32, #tpu.memory_space<vmem>>, vector<16xf32>,
        %parallel_loop3A_200 = arith.mulf %parallel_loop3A_97, %parallel_loop3A_153 : vector<16xf32>
        %parallel_loop3A_201 = arith.constant 16 : i32
        %parallel_loop3A_202 = arith.muli %parallel_loop3A_79, %parallel_loop3A_201 : i32
        %parallel_loop3A_203 = arith.constant 6 : i32
        %parallel_loop3A_204 = arith.index_cast %parallel_loop3A_203 : i32 to index
        %parallel_loop3A_205 = arith.index_cast %parallel_loop3A_202 : i32 to index
        %parallel_loop3A_206 = tpu.vector_load %arg14[%parallel_loop3A_204, %parallel_loop3A_205] {strides = array<i32>} : memref<64x128xf32, #tpu.memory_space<vmem>>, vector<16xf32>,
        tpu.vector_store %arg14[%parallel_loop3A_204, %parallel_loop3A_205], %parallel_loop3A_200 {strides = array<i32>} : memref<64x128xf32, #tpu.memory_space<vmem>>, vector<16xf32>,
        %parallel_loop3A_207 = arith.mulf %parallel_loop3A_97, %parallel_loop3A_157 : vector<16xf32>
        %parallel_loop3A_208 = arith.constant 16 : i32
        %parallel_loop3A_209 = arith.muli %parallel_loop3A_79, %parallel_loop3A_208 : i32
        %parallel_loop3A_210 = arith.constant 7 : i32
        %parallel_loop3A_211 = arith.index_cast %parallel_loop3A_210 : i32 to index
        %parallel_loop3A_212 = arith.index_cast %parallel_loop3A_209 : i32 to index
        %parallel_loop3A_213 = tpu.vector_load %arg14[%parallel_loop3A_211, %parallel_loop3A_212] {strides = array<i32>} : memref<64x128xf32, #tpu.memory_space<vmem>>, vector<16xf32>,
        tpu.vector_store %arg14[%parallel_loop3A_211, %parallel_loop3A_212], %parallel_loop3A_207 {strides = array<i32>} : memref<64x128xf32, #tpu.memory_space<vmem>>, vector<16xf32>,
        %parallel_loop3A_214 = arith.mulf %parallel_loop3A_101, %parallel_loop3A_129 : vector<16xf32>
        %parallel_loop3A_215 = arith.constant 16 : i32
        %parallel_loop3A_216 = arith.muli %parallel_loop3A_79, %parallel_loop3A_215 : i32
        %parallel_loop3A_217 = arith.constant 8 : i32
        %parallel_loop3A_218 = arith.index_cast %parallel_loop3A_217 : i32 to index
        %parallel_loop3A_219 = arith.index_cast %parallel_loop3A_216 : i32 to index
        %parallel_loop3A_220 = tpu.vector_load %arg14[%parallel_loop3A_218, %parallel_loop3A_219] {strides = array<i32>} : memref<64x128xf32, #tpu.memory_space<vmem>>, vector<16xf32>,
        tpu.vector_store %arg14[%parallel_loop3A_218, %parallel_loop3A_219], %parallel_loop3A_214 {strides = array<i32>} : memref<64x128xf32, #tpu.memory_space<vmem>>, vector<16xf32>,
        %parallel_loop3A_221 = arith.mulf %parallel_loop3A_101, %parallel_loop3A_133 : vector<16xf32>
        %parallel_loop3A_222 = arith.constant 16 : i32
        %parallel_loop3A_223 = arith.muli %parallel_loop3A_79, %parallel_loop3A_222 : i32
        %parallel_loop3A_224 = arith.constant 9 : i32
        %parallel_loop3A_225 = arith.index_cast %parallel_loop3A_224 : i32 to index
        %parallel_loop3A_226 = arith.index_cast %parallel_loop3A_223 : i32 to index
        %parallel_loop3A_227 = tpu.vector_load %arg14[%parallel_loop3A_225, %parallel_loop3A_226] {strides = array<i32>} : memref<64x128xf32, #tpu.memory_space<vmem>>, vector<16xf32>,
        tpu.vector_store %arg14[%parallel_loop3A_225, %parallel_loop3A_226], %parallel_loop3A_221 {strides = array<i32>} : memref<64x128xf32, #tpu.memory_space<vmem>>, vector<16xf32>,
        %parallel_loop3A_228 = arith.mulf %parallel_loop3A_101, %parallel_loop3A_137 : vector<16xf32>
        %parallel_loop3A_229 = arith.constant 16 : i32
        %parallel_loop3A_230 = arith.muli %parallel_loop3A_79, %parallel_loop3A_229 : i32
        %parallel_loop3A_231 = arith.constant 10 : i32
        %parallel_loop3A_232 = arith.index_cast %parallel_loop3A_231 : i32 to index
        %parallel_loop3A_233 = arith.index_cast %parallel_loop3A_230 : i32 to index
        %parallel_loop3A_234 = tpu.vector_load %arg14[%parallel_loop3A_232, %parallel_loop3A_233] {strides = array<i32>} : memref<64x128xf32, #tpu.memory_space<vmem>>, vector<16xf32>,
        tpu.vector_store %arg14[%parallel_loop3A_232, %parallel_loop3A_233], %parallel_loop3A_228 {strides = array<i32>} : memref<64x128xf32, #tpu.memory_space<vmem>>, vector<16xf32>,
        %parallel_loop3A_235 = arith.mulf %parallel_loop3A_101, %parallel_loop3A_141 : vector<16xf32>
        %parallel_loop3A_236 = arith.constant 16 : i32
        %parallel_loop3A_237 = arith.muli %parallel_loop3A_79, %parallel_loop3A_236 : i32
        %parallel_loop3A_238 = arith.constant 11 : i32
        %parallel_loop3A_239 = arith.index_cast %parallel_loop3A_238 : i32 to index
        %parallel_loop3A_240 = arith.index_cast %parallel_loop3A_237 : i32 to index
        %parallel_loop3A_241 = tpu.vector_load %arg14[%parallel_loop3A_239, %parallel_loop3A_240] {strides = array<i32>} : memref<64x128xf32, #tpu.memory_space<vmem>>, vector<16xf32>,
        tpu.vector_store %arg14[%parallel_loop3A_239, %parallel_loop3A_240], %parallel_loop3A_235 {strides = array<i32>} : memref<64x128xf32, #tpu.memory_space<vmem>>, vector<16xf32>,
        %parallel_loop3A_242 = arith.mulf %parallel_loop3A_101, %parallel_loop3A_145 : vector<16xf32>
        %parallel_loop3A_243 = arith.constant 16 : i32
        %parallel_loop3A_244 = arith.muli %parallel_loop3A_79, %parallel_loop3A_243 : i32
        %parallel_loop3A_245 = arith.constant 12 : i32
        %parallel_loop3A_246 = arith.index_cast %parallel_loop3A_245 : i32 to index
        %parallel_loop3A_247 = arith.index_cast %parallel_loop3A_244 : i32 to index
        %parallel_loop3A_248 = tpu.vector_load %arg14[%parallel_loop3A_246, %parallel_loop3A_247] {strides = array<i32>} : memref<64x128xf32, #tpu.memory_space<vmem>>, vector<16xf32>,
        tpu.vector_store %arg14[%parallel_loop3A_246, %parallel_loop3A_247], %parallel_loop3A_242 {strides = array<i32>} : memref<64x128xf32, #tpu.memory_space<vmem>>, vector<16xf32>,
        %parallel_loop3A_249 = arith.mulf %parallel_loop3A_101, %parallel_loop3A_149 : vector<16xf32>
        %parallel_loop3A_250 = arith.constant 16 : i32
        %parallel_loop3A_251 = arith.muli %parallel_loop3A_79, %parallel_loop3A_250 : i32
        %parallel_loop3A_252 = arith.constant 13 : i32
        %parallel_loop3A_253 = arith.index_cast %parallel_loop3A_252 : i32 to index
        %parallel_loop3A_254 = arith.index_cast %parallel_loop3A_251 : i32 to index
        %parallel_loop3A_255 = tpu.vector_load %arg14[%parallel_loop3A_253, %parallel_loop3A_254] {strides = array<i32>} : memref<64x128xf32, #tpu.memory_space<vmem>>, vector<16xf32>,
        tpu.vector_store %arg14[%parallel_loop3A_253, %parallel_loop3A_254], %parallel_loop3A_249 {strides = array<i32>} : memref<64x128xf32, #tpu.memory_space<vmem>>, vector<16xf32>,
        %parallel_loop3A_256 = arith.mulf %parallel_loop3A_101, %parallel_loop3A_153 : vector<16xf32>
        %parallel_loop3A_257 = arith.constant 16 : i32
        %parallel_loop3A_258 = arith.muli %parallel_loop3A_79, %parallel_loop3A_257 : i32
        %parallel_loop3A_259 = arith.constant 14 : i32
        %parallel_loop3A_260 = arith.index_cast %parallel_loop3A_259 : i32 to index
        %parallel_loop3A_261 = arith.index_cast %parallel_loop3A_258 : i32 to index
        %parallel_loop3A_262 = tpu.vector_load %arg14[%parallel_loop3A_260, %parallel_loop3A_261] {strides = array<i32>} : memref<64x128xf32, #tpu.memory_space<vmem>>, vector<16xf32>,
        tpu.vector_store %arg14[%parallel_loop3A_260, %parallel_loop3A_261], %parallel_loop3A_256 {strides = array<i32>} : memref<64x128xf32, #tpu.memory_space<vmem>>, vector<16xf32>,
        %parallel_loop3A_263 = arith.mulf %parallel_loop3A_101, %parallel_loop3A_157 : vector<16xf32>
        %parallel_loop3A_264 = arith.constant 16 : i32
        %parallel_loop3A_265 = arith.muli %parallel_loop3A_79, %parallel_loop3A_264 : i32
        %parallel_loop3A_266 = arith.constant 15 : i32
        %parallel_loop3A_267 = arith.index_cast %parallel_loop3A_266 : i32 to index
        %parallel_loop3A_268 = arith.index_cast %parallel_loop3A_265 : i32 to index
        %parallel_loop3A_269 = tpu.vector_load %arg14[%parallel_loop3A_267, %parallel_loop3A_268] {strides = array<i32>} : memref<64x128xf32, #tpu.memory_space<vmem>>, vector<16xf32>,
        tpu.vector_store %arg14[%parallel_loop3A_267, %parallel_loop3A_268], %parallel_loop3A_263 {strides = array<i32>} : memref<64x128xf32, #tpu.memory_space<vmem>>, vector<16xf32>,
        %parallel_loop3A_270 = arith.mulf %parallel_loop3A_105, %parallel_loop3A_129 : vector<16xf32>
        %parallel_loop3A_271 = arith.constant 16 : i32
        %parallel_loop3A_272 = arith.muli %parallel_loop3A_79, %parallel_loop3A_271 : i32
        %parallel_loop3A_273 = arith.constant 16 : i32
        %parallel_loop3A_274 = arith.index_cast %parallel_loop3A_273 : i32 to index
        %parallel_loop3A_275 = arith.index_cast %parallel_loop3A_272 : i32 to index
        %parallel_loop3A_276 = tpu.vector_load %arg14[%parallel_loop3A_274, %parallel_loop3A_275] {strides = array<i32>} : memref<64x128xf32, #tpu.memory_space<vmem>>, vector<16xf32>,
        tpu.vector_store %arg14[%parallel_loop3A_274, %parallel_loop3A_275], %parallel_loop3A_270 {strides = array<i32>} : memref<64x128xf32, #tpu.memory_space<vmem>>, vector<16xf32>,
        %parallel_loop3A_277 = arith.mulf %parallel_loop3A_105, %parallel_loop3A_133 : vector<16xf32>
        %parallel_loop3A_278 = arith.constant 16 : i32
        %parallel_loop3A_279 = arith.muli %parallel_loop3A_79, %parallel_loop3A_278 : i32
        %parallel_loop3A_280 = arith.constant 17 : i32
        %parallel_loop3A_281 = arith.index_cast %parallel_loop3A_280 : i32 to index
        %parallel_loop3A_282 = arith.index_cast %parallel_loop3A_279 : i32 to index
        %parallel_loop3A_283 = tpu.vector_load %arg14[%parallel_loop3A_281, %parallel_loop3A_282] {strides = array<i32>} : memref<64x128xf32, #tpu.memory_space<vmem>>, vector<16xf32>,
        tpu.vector_store %arg14[%parallel_loop3A_281, %parallel_loop3A_282], %parallel_loop3A_277 {strides = array<i32>} : memref<64x128xf32, #tpu.memory_space<vmem>>, vector<16xf32>,
        %parallel_loop3A_284 = arith.mulf %parallel_loop3A_105, %parallel_loop3A_137 : vector<16xf32>
        %parallel_loop3A_285 = arith.constant 16 : i32
        %parallel_loop3A_286 = arith.muli %parallel_loop3A_79, %parallel_loop3A_285 : i32
        %parallel_loop3A_287 = arith.constant 18 : i32
        %parallel_loop3A_288 = arith.index_cast %parallel_loop3A_287 : i32 to index
        %parallel_loop3A_289 = arith.index_cast %parallel_loop3A_286 : i32 to index
        %parallel_loop3A_290 = tpu.vector_load %arg14[%parallel_loop3A_288, %parallel_loop3A_289] {strides = array<i32>} : memref<64x128xf32, #tpu.memory_space<vmem>>, vector<16xf32>,
        tpu.vector_store %arg14[%parallel_loop3A_288, %parallel_loop3A_289], %parallel_loop3A_284 {strides = array<i32>} : memref<64x128xf32, #tpu.memory_space<vmem>>, vector<16xf32>,
        %parallel_loop3A_291 = arith.mulf %parallel_loop3A_105, %parallel_loop3A_141 : vector<16xf32>
        %parallel_loop3A_292 = arith.constant 16 : i32
        %parallel_loop3A_293 = arith.muli %parallel_loop3A_79, %parallel_loop3A_292 : i32
        %parallel_loop3A_294 = arith.constant 19 : i32
        %parallel_loop3A_295 = arith.index_cast %parallel_loop3A_294 : i32 to index
        %parallel_loop3A_296 = arith.index_cast %parallel_loop3A_293 : i32 to index
        %parallel_loop3A_297 = tpu.vector_load %arg14[%parallel_loop3A_295, %parallel_loop3A_296] {strides = array<i32>} : memref<64x128xf32, #tpu.memory_space<vmem>>, vector<16xf32>,
        tpu.vector_store %arg14[%parallel_loop3A_295, %parallel_loop3A_296], %parallel_loop3A_291 {strides = array<i32>} : memref<64x128xf32, #tpu.memory_space<vmem>>, vector<16xf32>,
        %parallel_loop3A_298 = arith.mulf %parallel_loop3A_105, %parallel_loop3A_145 : vector<16xf32>
        %parallel_loop3A_299 = arith.constant 16 : i32
        %parallel_loop3A_300 = arith.muli %parallel_loop3A_79, %parallel_loop3A_299 : i32
        %parallel_loop3A_301 = arith.constant 20 : i32
        %parallel_loop3A_302 = arith.index_cast %parallel_loop3A_301 : i32 to index
        %parallel_loop3A_303 = arith.index_cast %parallel_loop3A_300 : i32 to index
        %parallel_loop3A_304 = tpu.vector_load %arg14[%parallel_loop3A_302, %parallel_loop3A_303] {strides = array<i32>} : memref<64x128xf32, #tpu.memory_space<vmem>>, vector<16xf32>,
        tpu.vector_store %arg14[%parallel_loop3A_302, %parallel_loop3A_303], %parallel_loop3A_298 {strides = array<i32>} : memref<64x128xf32, #tpu.memory_space<vmem>>, vector<16xf32>,
        %parallel_loop3A_305 = arith.mulf %parallel_loop3A_105, %parallel_loop3A_149 : vector<16xf32>
        %parallel_loop3A_306 = arith.constant 16 : i32
        %parallel_loop3A_307 = arith.muli %parallel_loop3A_79, %parallel_loop3A_306 : i32
        %parallel_loop3A_308 = arith.constant 21 : i32
        %parallel_loop3A_309 = arith.index_cast %parallel_loop3A_308 : i32 to index
        %parallel_loop3A_310 = arith.index_cast %parallel_loop3A_307 : i32 to index
        %parallel_loop3A_311 = tpu.vector_load %arg14[%parallel_loop3A_309, %parallel_loop3A_310] {strides = array<i32>} : memref<64x128xf32, #tpu.memory_space<vmem>>, vector<16xf32>,
        tpu.vector_store %arg14[%parallel_loop3A_309, %parallel_loop3A_310], %parallel_loop3A_305 {strides = array<i32>} : memref<64x128xf32, #tpu.memory_space<vmem>>, vector<16xf32>,
        %parallel_loop3A_312 = arith.mulf %parallel_loop3A_105, %parallel_loop3A_153 : vector<16xf32>
        %parallel_loop3A_313 = arith.constant 16 : i32
        %parallel_loop3A_314 = arith.muli %parallel_loop3A_79, %parallel_loop3A_313 : i32
        %parallel_loop3A_315 = arith.constant 22 : i32
        %parallel_loop3A_316 = arith.index_cast %parallel_loop3A_315 : i32 to index
        %parallel_loop3A_317 = arith.index_cast %parallel_loop3A_314 : i32 to index
        %parallel_loop3A_318 = tpu.vector_load %arg14[%parallel_loop3A_316, %parallel_loop3A_317] {strides = array<i32>} : memref<64x128xf32, #tpu.memory_space<vmem>>, vector<16xf32>,
        tpu.vector_store %arg14[%parallel_loop3A_316, %parallel_loop3A_317], %parallel_loop3A_312 {strides = array<i32>} : memref<64x128xf32, #tpu.memory_space<vmem>>, vector<16xf32>,
        %parallel_loop3A_319 = arith.mulf %parallel_loop3A_105, %parallel_loop3A_157 : vector<16xf32>
        %parallel_loop3A_320 = arith.constant 16 : i32
        %parallel_loop3A_321 = arith.muli %parallel_loop3A_79, %parallel_loop3A_320 : i32
        %parallel_loop3A_322 = arith.constant 23 : i32
        %parallel_loop3A_323 = arith.index_cast %parallel_loop3A_322 : i32 to index
        %parallel_loop3A_324 = arith.index_cast %parallel_loop3A_321 : i32 to index
        %parallel_loop3A_325 = tpu.vector_load %arg14[%parallel_loop3A_323, %parallel_loop3A_324] {strides = array<i32>} : memref<64x128xf32, #tpu.memory_space<vmem>>, vector<16xf32>,
        tpu.vector_store %arg14[%parallel_loop3A_323, %parallel_loop3A_324], %parallel_loop3A_319 {strides = array<i32>} : memref<64x128xf32, #tpu.memory_space<vmem>>, vector<16xf32>,
        %parallel_loop3A_326 = arith.mulf %parallel_loop3A_109, %parallel_loop3A_129 : vector<16xf32>
        %parallel_loop3A_327 = arith.constant 16 : i32
        %parallel_loop3A_328 = arith.muli %parallel_loop3A_79, %parallel_loop3A_327 : i32
        %parallel_loop3A_329 = arith.constant 24 : i32
        %parallel_loop3A_330 = arith.index_cast %parallel_loop3A_329 : i32 to index
        %parallel_loop3A_331 = arith.index_cast %parallel_loop3A_328 : i32 to index
        %parallel_loop3A_332 = tpu.vector_load %arg14[%parallel_loop3A_330, %parallel_loop3A_331] {strides = array<i32>} : memref<64x128xf32, #tpu.memory_space<vmem>>, vector<16xf32>,
        tpu.vector_store %arg14[%parallel_loop3A_330, %parallel_loop3A_331], %parallel_loop3A_326 {strides = array<i32>} : memref<64x128xf32, #tpu.memory_space<vmem>>, vector<16xf32>,
        %parallel_loop3A_333 = arith.mulf %parallel_loop3A_109, %parallel_loop3A_133 : vector<16xf32>
        %parallel_loop3A_334 = arith.constant 16 : i32
        %parallel_loop3A_335 = arith.muli %parallel_loop3A_79, %parallel_loop3A_334 : i32
        %parallel_loop3A_336 = arith.constant 25 : i32
        %parallel_loop3A_337 = arith.index_cast %parallel_loop3A_336 : i32 to index
        %parallel_loop3A_338 = arith.index_cast %parallel_loop3A_335 : i32 to index
        %parallel_loop3A_339 = tpu.vector_load %arg14[%parallel_loop3A_337, %parallel_loop3A_338] {strides = array<i32>} : memref<64x128xf32, #tpu.memory_space<vmem>>, vector<16xf32>,
        tpu.vector_store %arg14[%parallel_loop3A_337, %parallel_loop3A_338], %parallel_loop3A_333 {strides = array<i32>} : memref<64x128xf32, #tpu.memory_space<vmem>>, vector<16xf32>,
        %parallel_loop3A_340 = arith.mulf %parallel_loop3A_109, %parallel_loop3A_137 : vector<16xf32>
        %parallel_loop3A_341 = arith.constant 16 : i32
        %parallel_loop3A_342 = arith.muli %parallel_loop3A_79, %parallel_loop3A_341 : i32
        %parallel_loop3A_343 = arith.constant 26 : i32
        %parallel_loop3A_344 = arith.index_cast %parallel_loop3A_343 : i32 to index
        %parallel_loop3A_345 = arith.index_cast %parallel_loop3A_342 : i32 to index
        %parallel_loop3A_346 = tpu.vector_load %arg14[%parallel_loop3A_344, %parallel_loop3A_345] {strides = array<i32>} : memref<64x128xf32, #tpu.memory_space<vmem>>, vector<16xf32>,
        tpu.vector_store %arg14[%parallel_loop3A_344, %parallel_loop3A_345], %parallel_loop3A_340 {strides = array<i32>} : memref<64x128xf32, #tpu.memory_space<vmem>>, vector<16xf32>,
        %parallel_loop3A_347 = arith.mulf %parallel_loop3A_109, %parallel_loop3A_141 : vector<16xf32>
        %parallel_loop3A_348 = arith.constant 16 : i32
        %parallel_loop3A_349 = arith.muli %parallel_loop3A_79, %parallel_loop3A_348 : i32
        %parallel_loop3A_350 = arith.constant 27 : i32
        %parallel_loop3A_351 = arith.index_cast %parallel_loop3A_350 : i32 to index
        %parallel_loop3A_352 = arith.index_cast %parallel_loop3A_349 : i32 to index
        %parallel_loop3A_353 = tpu.vector_load %arg14[%parallel_loop3A_351, %parallel_loop3A_352] {strides = array<i32>} : memref<64x128xf32, #tpu.memory_space<vmem>>, vector<16xf32>,
        tpu.vector_store %arg14[%parallel_loop3A_351, %parallel_loop3A_352], %parallel_loop3A_347 {strides = array<i32>} : memref<64x128xf32, #tpu.memory_space<vmem>>, vector<16xf32>,
        %parallel_loop3A_354 = arith.mulf %parallel_loop3A_109, %parallel_loop3A_145 : vector<16xf32>
        %parallel_loop3A_355 = arith.constant 16 : i32
        %parallel_loop3A_356 = arith.muli %parallel_loop3A_79, %parallel_loop3A_355 : i32
        %parallel_loop3A_357 = arith.constant 28 : i32
        %parallel_loop3A_358 = arith.index_cast %parallel_loop3A_357 : i32 to index
        %parallel_loop3A_359 = arith.index_cast %parallel_loop3A_356 : i32 to index
        %parallel_loop3A_360 = tpu.vector_load %arg14[%parallel_loop3A_358, %parallel_loop3A_359] {strides = array<i32>} : memref<64x128xf32, #tpu.memory_space<vmem>>, vector<16xf32>,
        tpu.vector_store %arg14[%parallel_loop3A_358, %parallel_loop3A_359], %parallel_loop3A_354 {strides = array<i32>} : memref<64x128xf32, #tpu.memory_space<vmem>>, vector<16xf32>,
        %parallel_loop3A_361 = arith.mulf %parallel_loop3A_109, %parallel_loop3A_149 : vector<16xf32>
        %parallel_loop3A_362 = arith.constant 16 : i32
        %parallel_loop3A_363 = arith.muli %parallel_loop3A_79, %parallel_loop3A_362 : i32
        %parallel_loop3A_364 = arith.constant 29 : i32
        %parallel_loop3A_365 = arith.index_cast %parallel_loop3A_364 : i32 to index
        %parallel_loop3A_366 = arith.index_cast %parallel_loop3A_363 : i32 to index
        %parallel_loop3A_367 = tpu.vector_load %arg14[%parallel_loop3A_365, %parallel_loop3A_366] {strides = array<i32>} : memref<64x128xf32, #tpu.memory_space<vmem>>, vector<16xf32>,
        tpu.vector_store %arg14[%parallel_loop3A_365, %parallel_loop3A_366], %parallel_loop3A_361 {strides = array<i32>} : memref<64x128xf32, #tpu.memory_space<vmem>>, vector<16xf32>,
        %parallel_loop3A_368 = arith.mulf %parallel_loop3A_109, %parallel_loop3A_153 : vector<16xf32>
        %parallel_loop3A_369 = arith.constant 16 : i32
        %parallel_loop3A_370 = arith.muli %parallel_loop3A_79, %parallel_loop3A_369 : i32
        %parallel_loop3A_371 = arith.constant 30 : i32
        %parallel_loop3A_372 = arith.index_cast %parallel_loop3A_371 : i32 to index
        %parallel_loop3A_373 = arith.index_cast %parallel_loop3A_370 : i32 to index
        %parallel_loop3A_374 = tpu.vector_load %arg14[%parallel_loop3A_372, %parallel_loop3A_373] {strides = array<i32>} : memref<64x128xf32, #tpu.memory_space<vmem>>, vector<16xf32>,
        tpu.vector_store %arg14[%parallel_loop3A_372, %parallel_loop3A_373], %parallel_loop3A_368 {strides = array<i32>} : memref<64x128xf32, #tpu.memory_space<vmem>>, vector<16xf32>,
        %parallel_loop3A_375 = arith.mulf %parallel_loop3A_109, %parallel_loop3A_157 : vector<16xf32>
        %parallel_loop3A_376 = arith.constant 16 : i32
        %parallel_loop3A_377 = arith.muli %parallel_loop3A_79, %parallel_loop3A_376 : i32
        %parallel_loop3A_378 = arith.constant 31 : i32
        %parallel_loop3A_379 = arith.index_cast %parallel_loop3A_378 : i32 to index
        %parallel_loop3A_380 = arith.index_cast %parallel_loop3A_377 : i32 to index
        %parallel_loop3A_381 = tpu.vector_load %arg14[%parallel_loop3A_379, %parallel_loop3A_380] {strides = array<i32>} : memref<64x128xf32, #tpu.memory_space<vmem>>, vector<16xf32>,
        tpu.vector_store %arg14[%parallel_loop3A_379, %parallel_loop3A_380], %parallel_loop3A_375 {strides = array<i32>} : memref<64x128xf32, #tpu.memory_space<vmem>>, vector<16xf32>,
        %parallel_loop3A_382 = arith.mulf %parallel_loop3A_113, %parallel_loop3A_129 : vector<16xf32>
        %parallel_loop3A_383 = arith.constant 16 : i32
        %parallel_loop3A_384 = arith.muli %parallel_loop3A_79, %parallel_loop3A_383 : i32
        %parallel_loop3A_385 = arith.constant 32 : i32
        %parallel_loop3A_386 = arith.index_cast %parallel_loop3A_385 : i32 to index
        %parallel_loop3A_387 = arith.index_cast %parallel_loop3A_384 : i32 to index
        %parallel_loop3A_388 = tpu.vector_load %arg14[%parallel_loop3A_386, %parallel_loop3A_387] {strides = array<i32>} : memref<64x128xf32, #tpu.memory_space<vmem>>, vector<16xf32>,
        tpu.vector_store %arg14[%parallel_loop3A_386, %parallel_loop3A_387], %parallel_loop3A_382 {strides = array<i32>} : memref<64x128xf32, #tpu.memory_space<vmem>>, vector<16xf32>,
        %parallel_loop3A_389 = arith.mulf %parallel_loop3A_113, %parallel_loop3A_133 : vector<16xf32>
        %parallel_loop3A_390 = arith.constant 16 : i32
        %parallel_loop3A_391 = arith.muli %parallel_loop3A_79, %parallel_loop3A_390 : i32
        %parallel_loop3A_392 = arith.constant 33 : i32
        %parallel_loop3A_393 = arith.index_cast %parallel_loop3A_392 : i32 to index
        %parallel_loop3A_394 = arith.index_cast %parallel_loop3A_391 : i32 to index
        %parallel_loop3A_395 = tpu.vector_load %arg14[%parallel_loop3A_393, %parallel_loop3A_394] {strides = array<i32>} : memref<64x128xf32, #tpu.memory_space<vmem>>, vector<16xf32>,
        tpu.vector_store %arg14[%parallel_loop3A_393, %parallel_loop3A_394], %parallel_loop3A_389 {strides = array<i32>} : memref<64x128xf32, #tpu.memory_space<vmem>>, vector<16xf32>,
        %parallel_loop3A_396 = arith.mulf %parallel_loop3A_113, %parallel_loop3A_137 : vector<16xf32>
        %parallel_loop3A_397 = arith.constant 16 : i32
        %parallel_loop3A_398 = arith.muli %parallel_loop3A_79, %parallel_loop3A_397 : i32
        %parallel_loop3A_399 = arith.constant 34 : i32
        %parallel_loop3A_400 = arith.index_cast %parallel_loop3A_399 : i32 to index
        %parallel_loop3A_401 = arith.index_cast %parallel_loop3A_398 : i32 to index
        %parallel_loop3A_402 = tpu.vector_load %arg14[%parallel_loop3A_400, %parallel_loop3A_401] {strides = array<i32>} : memref<64x128xf32, #tpu.memory_space<vmem>>, vector<16xf32>,
        tpu.vector_store %arg14[%parallel_loop3A_400, %parallel_loop3A_401], %parallel_loop3A_396 {strides = array<i32>} : memref<64x128xf32, #tpu.memory_space<vmem>>, vector<16xf32>,
        %parallel_loop3A_403 = arith.mulf %parallel_loop3A_113, %parallel_loop3A_141 : vector<16xf32>
        %parallel_loop3A_404 = arith.constant 16 : i32
        %parallel_loop3A_405 = arith.muli %parallel_loop3A_79, %parallel_loop3A_404 : i32
        %parallel_loop3A_406 = arith.constant 35 : i32
        %parallel_loop3A_407 = arith.index_cast %parallel_loop3A_406 : i32 to index
        %parallel_loop3A_408 = arith.index_cast %parallel_loop3A_405 : i32 to index
        %parallel_loop3A_409 = tpu.vector_load %arg14[%parallel_loop3A_407, %parallel_loop3A_408] {strides = array<i32>} : memref<64x128xf32, #tpu.memory_space<vmem>>, vector<16xf32>,
        tpu.vector_store %arg14[%parallel_loop3A_407, %parallel_loop3A_408], %parallel_loop3A_403 {strides = array<i32>} : memref<64x128xf32, #tpu.memory_space<vmem>>, vector<16xf32>,
        %parallel_loop3A_410 = arith.mulf %parallel_loop3A_113, %parallel_loop3A_145 : vector<16xf32>
        %parallel_loop3A_411 = arith.constant 16 : i32
        %parallel_loop3A_412 = arith.muli %parallel_loop3A_79, %parallel_loop3A_411 : i32
        %parallel_loop3A_413 = arith.constant 36 : i32
        %parallel_loop3A_414 = arith.index_cast %parallel_loop3A_413 : i32 to index
        %parallel_loop3A_415 = arith.index_cast %parallel_loop3A_412 : i32 to index
        %parallel_loop3A_416 = tpu.vector_load %arg14[%parallel_loop3A_414, %parallel_loop3A_415] {strides = array<i32>} : memref<64x128xf32, #tpu.memory_space<vmem>>, vector<16xf32>,
        tpu.vector_store %arg14[%parallel_loop3A_414, %parallel_loop3A_415], %parallel_loop3A_410 {strides = array<i32>} : memref<64x128xf32, #tpu.memory_space<vmem>>, vector<16xf32>,
        %parallel_loop3A_417 = arith.mulf %parallel_loop3A_113, %parallel_loop3A_149 : vector<16xf32>
        %parallel_loop3A_418 = arith.constant 16 : i32
        %parallel_loop3A_419 = arith.muli %parallel_loop3A_79, %parallel_loop3A_418 : i32
        %parallel_loop3A_420 = arith.constant 37 : i32
        %parallel_loop3A_421 = arith.index_cast %parallel_loop3A_420 : i32 to index
        %parallel_loop3A_422 = arith.index_cast %parallel_loop3A_419 : i32 to index
        %parallel_loop3A_423 = tpu.vector_load %arg14[%parallel_loop3A_421, %parallel_loop3A_422] {strides = array<i32>} : memref<64x128xf32, #tpu.memory_space<vmem>>, vector<16xf32>,
        tpu.vector_store %arg14[%parallel_loop3A_421, %parallel_loop3A_422], %parallel_loop3A_417 {strides = array<i32>} : memref<64x128xf32, #tpu.memory_space<vmem>>, vector<16xf32>,
        %parallel_loop3A_424 = arith.mulf %parallel_loop3A_113, %parallel_loop3A_153 : vector<16xf32>
        %parallel_loop3A_425 = arith.constant 16 : i32
        %parallel_loop3A_426 = arith.muli %parallel_loop3A_79, %parallel_loop3A_425 : i32
        %parallel_loop3A_427 = arith.constant 38 : i32
        %parallel_loop3A_428 = arith.index_cast %parallel_loop3A_427 : i32 to index
        %parallel_loop3A_429 = arith.index_cast %parallel_loop3A_426 : i32 to index
        %parallel_loop3A_430 = tpu.vector_load %arg14[%parallel_loop3A_428, %parallel_loop3A_429] {strides = array<i32>} : memref<64x128xf32, #tpu.memory_space<vmem>>, vector<16xf32>,
        tpu.vector_store %arg14[%parallel_loop3A_428, %parallel_loop3A_429], %parallel_loop3A_424 {strides = array<i32>} : memref<64x128xf32, #tpu.memory_space<vmem>>, vector<16xf32>,
        %parallel_loop3A_431 = arith.mulf %parallel_loop3A_113, %parallel_loop3A_157 : vector<16xf32>
        %parallel_loop3A_432 = arith.constant 16 : i32
        %parallel_loop3A_433 = arith.muli %parallel_loop3A_79, %parallel_loop3A_432 : i32
        %parallel_loop3A_434 = arith.constant 39 : i32
        %parallel_loop3A_435 = arith.index_cast %parallel_loop3A_434 : i32 to index
        %parallel_loop3A_436 = arith.index_cast %parallel_loop3A_433 : i32 to index
        %parallel_loop3A_437 = tpu.vector_load %arg14[%parallel_loop3A_435, %parallel_loop3A_436] {strides = array<i32>} : memref<64x128xf32, #tpu.memory_space<vmem>>, vector<16xf32>,
        tpu.vector_store %arg14[%parallel_loop3A_435, %parallel_loop3A_436], %parallel_loop3A_431 {strides = array<i32>} : memref<64x128xf32, #tpu.memory_space<vmem>>, vector<16xf32>,
        %parallel_loop3A_438 = arith.mulf %parallel_loop3A_117, %parallel_loop3A_129 : vector<16xf32>
        %parallel_loop3A_439 = arith.constant 16 : i32
        %parallel_loop3A_440 = arith.muli %parallel_loop3A_79, %parallel_loop3A_439 : i32
        %parallel_loop3A_441 = arith.constant 40 : i32
        %parallel_loop3A_442 = arith.index_cast %parallel_loop3A_441 : i32 to index
        %parallel_loop3A_443 = arith.index_cast %parallel_loop3A_440 : i32 to index
        %parallel_loop3A_444 = tpu.vector_load %arg14[%parallel_loop3A_442, %parallel_loop3A_443] {strides = array<i32>} : memref<64x128xf32, #tpu.memory_space<vmem>>, vector<16xf32>,
        tpu.vector_store %arg14[%parallel_loop3A_442, %parallel_loop3A_443], %parallel_loop3A_438 {strides = array<i32>} : memref<64x128xf32, #tpu.memory_space<vmem>>, vector<16xf32>,
        %parallel_loop3A_445 = arith.mulf %parallel_loop3A_117, %parallel_loop3A_133 : vector<16xf32>
        %parallel_loop3A_446 = arith.constant 16 : i32
        %parallel_loop3A_447 = arith.muli %parallel_loop3A_79, %parallel_loop3A_446 : i32
        %parallel_loop3A_448 = arith.constant 41 : i32
        %parallel_loop3A_449 = arith.index_cast %parallel_loop3A_448 : i32 to index
        %parallel_loop3A_450 = arith.index_cast %parallel_loop3A_447 : i32 to index
        %parallel_loop3A_451 = tpu.vector_load %arg14[%parallel_loop3A_449, %parallel_loop3A_450] {strides = array<i32>} : memref<64x128xf32, #tpu.memory_space<vmem>>, vector<16xf32>,
        tpu.vector_store %arg14[%parallel_loop3A_449, %parallel_loop3A_450], %parallel_loop3A_445 {strides = array<i32>} : memref<64x128xf32, #tpu.memory_space<vmem>>, vector<16xf32>,
        %parallel_loop3A_452 = arith.mulf %parallel_loop3A_117, %parallel_loop3A_137 : vector<16xf32>
        %parallel_loop3A_453 = arith.constant 16 : i32
        %parallel_loop3A_454 = arith.muli %parallel_loop3A_79, %parallel_loop3A_453 : i32
        %parallel_loop3A_455 = arith.constant 42 : i32
        %parallel_loop3A_456 = arith.index_cast %parallel_loop3A_455 : i32 to index
        %parallel_loop3A_457 = arith.index_cast %parallel_loop3A_454 : i32 to index
        %parallel_loop3A_458 = tpu.vector_load %arg14[%parallel_loop3A_456, %parallel_loop3A_457] {strides = array<i32>} : memref<64x128xf32, #tpu.memory_space<vmem>>, vector<16xf32>,
        tpu.vector_store %arg14[%parallel_loop3A_456, %parallel_loop3A_457], %parallel_loop3A_452 {strides = array<i32>} : memref<64x128xf32, #tpu.memory_space<vmem>>, vector<16xf32>,
        %parallel_loop3A_459 = arith.mulf %parallel_loop3A_117, %parallel_loop3A_141 : vector<16xf32>
        %parallel_loop3A_460 = arith.constant 16 : i32
        %parallel_loop3A_461 = arith.muli %parallel_loop3A_79, %parallel_loop3A_460 : i32
        %parallel_loop3A_462 = arith.constant 43 : i32
        %parallel_loop3A_463 = arith.index_cast %parallel_loop3A_462 : i32 to index
        %parallel_loop3A_464 = arith.index_cast %parallel_loop3A_461 : i32 to index
        %parallel_loop3A_465 = tpu.vector_load %arg14[%parallel_loop3A_463, %parallel_loop3A_464] {strides = array<i32>} : memref<64x128xf32, #tpu.memory_space<vmem>>, vector<16xf32>,
        tpu.vector_store %arg14[%parallel_loop3A_463, %parallel_loop3A_464], %parallel_loop3A_459 {strides = array<i32>} : memref<64x128xf32, #tpu.memory_space<vmem>>, vector<16xf32>,
        %parallel_loop3A_466 = arith.mulf %parallel_loop3A_117, %parallel_loop3A_145 : vector<16xf32>
        %parallel_loop3A_467 = arith.constant 16 : i32
        %parallel_loop3A_468 = arith.muli %parallel_loop3A_79, %parallel_loop3A_467 : i32
        %parallel_loop3A_469 = arith.constant 44 : i32
        %parallel_loop3A_470 = arith.index_cast %parallel_loop3A_469 : i32 to index
        %parallel_loop3A_471 = arith.index_cast %parallel_loop3A_468 : i32 to index
        %parallel_loop3A_472 = tpu.vector_load %arg14[%parallel_loop3A_470, %parallel_loop3A_471] {strides = array<i32>} : memref<64x128xf32, #tpu.memory_space<vmem>>, vector<16xf32>,
        tpu.vector_store %arg14[%parallel_loop3A_470, %parallel_loop3A_471], %parallel_loop3A_466 {strides = array<i32>} : memref<64x128xf32, #tpu.memory_space<vmem>>, vector<16xf32>,
        %parallel_loop3A_473 = arith.mulf %parallel_loop3A_117, %parallel_loop3A_149 : vector<16xf32>
        %parallel_loop3A_474 = arith.constant 16 : i32
        %parallel_loop3A_475 = arith.muli %parallel_loop3A_79, %parallel_loop3A_474 : i32
        %parallel_loop3A_476 = arith.constant 45 : i32
        %parallel_loop3A_477 = arith.index_cast %parallel_loop3A_476 : i32 to index
        %parallel_loop3A_478 = arith.index_cast %parallel_loop3A_475 : i32 to index
        %parallel_loop3A_479 = tpu.vector_load %arg14[%parallel_loop3A_477, %parallel_loop3A_478] {strides = array<i32>} : memref<64x128xf32, #tpu.memory_space<vmem>>, vector<16xf32>,
        tpu.vector_store %arg14[%parallel_loop3A_477, %parallel_loop3A_478], %parallel_loop3A_473 {strides = array<i32>} : memref<64x128xf32, #tpu.memory_space<vmem>>, vector<16xf32>,
        %parallel_loop3A_480 = arith.mulf %parallel_loop3A_117, %parallel_loop3A_153 : vector<16xf32>
        %parallel_loop3A_481 = arith.constant 16 : i32
        %parallel_loop3A_482 = arith.muli %parallel_loop3A_79, %parallel_loop3A_481 : i32
        %parallel_loop3A_483 = arith.constant 46 : i32
        %parallel_loop3A_484 = arith.index_cast %parallel_loop3A_483 : i32 to index
        %parallel_loop3A_485 = arith.index_cast %parallel_loop3A_482 : i32 to index
        %parallel_loop3A_486 = tpu.vector_load %arg14[%parallel_loop3A_484, %parallel_loop3A_485] {strides = array<i32>} : memref<64x128xf32, #tpu.memory_space<vmem>>, vector<16xf32>,
        tpu.vector_store %arg14[%parallel_loop3A_484, %parallel_loop3A_485], %parallel_loop3A_480 {strides = array<i32>} : memref<64x128xf32, #tpu.memory_space<vmem>>, vector<16xf32>,
        %parallel_loop3A_487 = arith.mulf %parallel_loop3A_117, %parallel_loop3A_157 : vector<16xf32>
        %parallel_loop3A_488 = arith.constant 16 : i32
        %parallel_loop3A_489 = arith.muli %parallel_loop3A_79, %parallel_loop3A_488 : i32
        %parallel_loop3A_490 = arith.constant 47 : i32
        %parallel_loop3A_491 = arith.index_cast %parallel_loop3A_490 : i32 to index
        %parallel_loop3A_492 = arith.index_cast %parallel_loop3A_489 : i32 to index
        %parallel_loop3A_493 = tpu.vector_load %arg14[%parallel_loop3A_491, %parallel_loop3A_492] {strides = array<i32>} : memref<64x128xf32, #tpu.memory_space<vmem>>, vector<16xf32>,
        tpu.vector_store %arg14[%parallel_loop3A_491, %parallel_loop3A_492], %parallel_loop3A_487 {strides = array<i32>} : memref<64x128xf32, #tpu.memory_space<vmem>>, vector<16xf32>,
        %parallel_loop3A_494 = arith.mulf %parallel_loop3A_121, %parallel_loop3A_129 : vector<16xf32>
        %parallel_loop3A_495 = arith.constant 16 : i32
        %parallel_loop3A_496 = arith.muli %parallel_loop3A_79, %parallel_loop3A_495 : i32
        %parallel_loop3A_497 = arith.constant 48 : i32
        %parallel_loop3A_498 = arith.index_cast %parallel_loop3A_497 : i32 to index
        %parallel_loop3A_499 = arith.index_cast %parallel_loop3A_496 : i32 to index
        %parallel_loop3A_500 = tpu.vector_load %arg14[%parallel_loop3A_498, %parallel_loop3A_499] {strides = array<i32>} : memref<64x128xf32, #tpu.memory_space<vmem>>, vector<16xf32>,
        tpu.vector_store %arg14[%parallel_loop3A_498, %parallel_loop3A_499], %parallel_loop3A_494 {strides = array<i32>} : memref<64x128xf32, #tpu.memory_space<vmem>>, vector<16xf32>,
        %parallel_loop3A_501 = arith.mulf %parallel_loop3A_121, %parallel_loop3A_133 : vector<16xf32>
        %parallel_loop3A_502 = arith.constant 16 : i32
        %parallel_loop3A_503 = arith.muli %parallel_loop3A_79, %parallel_loop3A_502 : i32
        %parallel_loop3A_504 = arith.constant 49 : i32
        %parallel_loop3A_505 = arith.index_cast %parallel_loop3A_504 : i32 to index
        %parallel_loop3A_506 = arith.index_cast %parallel_loop3A_503 : i32 to index
        %parallel_loop3A_507 = tpu.vector_load %arg14[%parallel_loop3A_505, %parallel_loop3A_506] {strides = array<i32>} : memref<64x128xf32, #tpu.memory_space<vmem>>, vector<16xf32>,
        tpu.vector_store %arg14[%parallel_loop3A_505, %parallel_loop3A_506], %parallel_loop3A_501 {strides = array<i32>} : memref<64x128xf32, #tpu.memory_space<vmem>>, vector<16xf32>,
        %parallel_loop3A_508 = arith.mulf %parallel_loop3A_121, %parallel_loop3A_137 : vector<16xf32>
        %parallel_loop3A_509 = arith.constant 16 : i32
        %parallel_loop3A_510 = arith.muli %parallel_loop3A_79, %parallel_loop3A_509 : i32
        %parallel_loop3A_511 = arith.constant 50 : i32
        %parallel_loop3A_512 = arith.index_cast %parallel_loop3A_511 : i32 to index
        %parallel_loop3A_513 = arith.index_cast %parallel_loop3A_510 : i32 to index
        %parallel_loop3A_514 = tpu.vector_load %arg14[%parallel_loop3A_512, %parallel_loop3A_513] {strides = array<i32>} : memref<64x128xf32, #tpu.memory_space<vmem>>, vector<16xf32>,
        tpu.vector_store %arg14[%parallel_loop3A_512, %parallel_loop3A_513], %parallel_loop3A_508 {strides = array<i32>} : memref<64x128xf32, #tpu.memory_space<vmem>>, vector<16xf32>,
        %parallel_loop3A_515 = arith.mulf %parallel_loop3A_121, %parallel_loop3A_141 : vector<16xf32>
        %parallel_loop3A_516 = arith.constant 16 : i32
        %parallel_loop3A_517 = arith.muli %parallel_loop3A_79, %parallel_loop3A_516 : i32
        %parallel_loop3A_518 = arith.constant 51 : i32
        %parallel_loop3A_519 = arith.index_cast %parallel_loop3A_518 : i32 to index
        %parallel_loop3A_520 = arith.index_cast %parallel_loop3A_517 : i32 to index
        %parallel_loop3A_521 = tpu.vector_load %arg14[%parallel_loop3A_519, %parallel_loop3A_520] {strides = array<i32>} : memref<64x128xf32, #tpu.memory_space<vmem>>, vector<16xf32>,
        tpu.vector_store %arg14[%parallel_loop3A_519, %parallel_loop3A_520], %parallel_loop3A_515 {strides = array<i32>} : memref<64x128xf32, #tpu.memory_space<vmem>>, vector<16xf32>,
        %parallel_loop3A_522 = arith.mulf %parallel_loop3A_121, %parallel_loop3A_145 : vector<16xf32>
        %parallel_loop3A_523 = arith.constant 16 : i32
        %parallel_loop3A_524 = arith.muli %parallel_loop3A_79, %parallel_loop3A_523 : i32
        %parallel_loop3A_525 = arith.constant 52 : i32
        %parallel_loop3A_526 = arith.index_cast %parallel_loop3A_525 : i32 to index
        %parallel_loop3A_527 = arith.index_cast %parallel_loop3A_524 : i32 to index
        %parallel_loop3A_528 = tpu.vector_load %arg14[%parallel_loop3A_526, %parallel_loop3A_527] {strides = array<i32>} : memref<64x128xf32, #tpu.memory_space<vmem>>, vector<16xf32>,
        tpu.vector_store %arg14[%parallel_loop3A_526, %parallel_loop3A_527], %parallel_loop3A_522 {strides = array<i32>} : memref<64x128xf32, #tpu.memory_space<vmem>>, vector<16xf32>,
        %parallel_loop3A_529 = arith.mulf %parallel_loop3A_121, %parallel_loop3A_149 : vector<16xf32>
        %parallel_loop3A_530 = arith.constant 16 : i32
        %parallel_loop3A_531 = arith.muli %parallel_loop3A_79, %parallel_loop3A_530 : i32
        %parallel_loop3A_532 = arith.constant 53 : i32
        %parallel_loop3A_533 = arith.index_cast %parallel_loop3A_532 : i32 to index
        %parallel_loop3A_534 = arith.index_cast %parallel_loop3A_531 : i32 to index
        %parallel_loop3A_535 = tpu.vector_load %arg14[%parallel_loop3A_533, %parallel_loop3A_534] {strides = array<i32>} : memref<64x128xf32, #tpu.memory_space<vmem>>, vector<16xf32>,
        tpu.vector_store %arg14[%parallel_loop3A_533, %parallel_loop3A_534], %parallel_loop3A_529 {strides = array<i32>} : memref<64x128xf32, #tpu.memory_space<vmem>>, vector<16xf32>,
        %parallel_loop3A_536 = arith.mulf %parallel_loop3A_121, %parallel_loop3A_153 : vector<16xf32>
        %parallel_loop3A_537 = arith.constant 16 : i32
        %parallel_loop3A_538 = arith.muli %parallel_loop3A_79, %parallel_loop3A_537 : i32
        %parallel_loop3A_539 = arith.constant 54 : i32
        %parallel_loop3A_540 = arith.index_cast %parallel_loop3A_539 : i32 to index
        %parallel_loop3A_541 = arith.index_cast %parallel_loop3A_538 : i32 to index
        %parallel_loop3A_542 = tpu.vector_load %arg14[%parallel_loop3A_540, %parallel_loop3A_541] {strides = array<i32>} : memref<64x128xf32, #tpu.memory_space<vmem>>, vector<16xf32>,
        tpu.vector_store %arg14[%parallel_loop3A_540, %parallel_loop3A_541], %parallel_loop3A_536 {strides = array<i32>} : memref<64x128xf32, #tpu.memory_space<vmem>>, vector<16xf32>,
        %parallel_loop3A_543 = arith.mulf %parallel_loop3A_121, %parallel_loop3A_157 : vector<16xf32>
        %parallel_loop3A_544 = arith.constant 16 : i32
        %parallel_loop3A_545 = arith.muli %parallel_loop3A_79, %parallel_loop3A_544 : i32
        %parallel_loop3A_546 = arith.constant 55 : i32
        %parallel_loop3A_547 = arith.index_cast %parallel_loop3A_546 : i32 to index
        %parallel_loop3A_548 = arith.index_cast %parallel_loop3A_545 : i32 to index
        %parallel_loop3A_549 = tpu.vector_load %arg14[%parallel_loop3A_547, %parallel_loop3A_548] {strides = array<i32>} : memref<64x128xf32, #tpu.memory_space<vmem>>, vector<16xf32>,
        tpu.vector_store %arg14[%parallel_loop3A_547, %parallel_loop3A_548], %parallel_loop3A_543 {strides = array<i32>} : memref<64x128xf32, #tpu.memory_space<vmem>>, vector<16xf32>,
        %parallel_loop3A_550 = arith.mulf %parallel_loop3A_125, %parallel_loop3A_129 : vector<16xf32>
        %parallel_loop3A_551 = arith.constant 16 : i32
        %parallel_loop3A_552 = arith.muli %parallel_loop3A_79, %parallel_loop3A_551 : i32
        %parallel_loop3A_553 = arith.constant 56 : i32
        %parallel_loop3A_554 = arith.index_cast %parallel_loop3A_553 : i32 to index
        %parallel_loop3A_555 = arith.index_cast %parallel_loop3A_552 : i32 to index
        %parallel_loop3A_556 = tpu.vector_load %arg14[%parallel_loop3A_554, %parallel_loop3A_555] {strides = array<i32>} : memref<64x128xf32, #tpu.memory_space<vmem>>, vector<16xf32>,
        tpu.vector_store %arg14[%parallel_loop3A_554, %parallel_loop3A_555], %parallel_loop3A_550 {strides = array<i32>} : memref<64x128xf32, #tpu.memory_space<vmem>>, vector<16xf32>,
        %parallel_loop3A_557 = arith.mulf %parallel_loop3A_125, %parallel_loop3A_133 : vector<16xf32>
        %parallel_loop3A_558 = arith.constant 16 : i32
        %parallel_loop3A_559 = arith.muli %parallel_loop3A_79, %parallel_loop3A_558 : i32
        %parallel_loop3A_560 = arith.constant 57 : i32
        %parallel_loop3A_561 = arith.index_cast %parallel_loop3A_560 : i32 to index
        %parallel_loop3A_562 = arith.index_cast %parallel_loop3A_559 : i32 to index
        %parallel_loop3A_563 = tpu.vector_load %arg14[%parallel_loop3A_561, %parallel_loop3A_562] {strides = array<i32>} : memref<64x128xf32, #tpu.memory_space<vmem>>, vector<16xf32>,
        tpu.vector_store %arg14[%parallel_loop3A_561, %parallel_loop3A_562], %parallel_loop3A_557 {strides = array<i32>} : memref<64x128xf32, #tpu.memory_space<vmem>>, vector<16xf32>,
        %parallel_loop3A_564 = arith.mulf %parallel_loop3A_125, %parallel_loop3A_137 : vector<16xf32>
        %parallel_loop3A_565 = arith.constant 16 : i32
        %parallel_loop3A_566 = arith.muli %parallel_loop3A_79, %parallel_loop3A_565 : i32
        %parallel_loop3A_567 = arith.constant 58 : i32
        %parallel_loop3A_568 = arith.index_cast %parallel_loop3A_567 : i32 to index
        %parallel_loop3A_569 = arith.index_cast %parallel_loop3A_566 : i32 to index
        %parallel_loop3A_570 = tpu.vector_load %arg14[%parallel_loop3A_568, %parallel_loop3A_569] {strides = array<i32>} : memref<64x128xf32, #tpu.memory_space<vmem>>, vector<16xf32>,
        tpu.vector_store %arg14[%parallel_loop3A_568, %parallel_loop3A_569], %parallel_loop3A_564 {strides = array<i32>} : memref<64x128xf32, #tpu.memory_space<vmem>>, vector<16xf32>,
        %parallel_loop3A_571 = arith.mulf %parallel_loop3A_125, %parallel_loop3A_141 : vector<16xf32>
        %parallel_loop3A_572 = arith.constant 16 : i32
        %parallel_loop3A_573 = arith.muli %parallel_loop3A_79, %parallel_loop3A_572 : i32
        %parallel_loop3A_574 = arith.constant 59 : i32
        %parallel_loop3A_575 = arith.index_cast %parallel_loop3A_574 : i32 to index
        %parallel_loop3A_576 = arith.index_cast %parallel_loop3A_573 : i32 to index
        %parallel_loop3A_577 = tpu.vector_load %arg14[%parallel_loop3A_575, %parallel_loop3A_576] {strides = array<i32>} : memref<64x128xf32, #tpu.memory_space<vmem>>, vector<16xf32>,
        tpu.vector_store %arg14[%parallel_loop3A_575, %parallel_loop3A_576], %parallel_loop3A_571 {strides = array<i32>} : memref<64x128xf32, #tpu.memory_space<vmem>>, vector<16xf32>,
        %parallel_loop3A_578 = arith.mulf %parallel_loop3A_125, %parallel_loop3A_145 : vector<16xf32>
        %parallel_loop3A_579 = arith.constant 16 : i32
        %parallel_loop3A_580 = arith.muli %parallel_loop3A_79, %parallel_loop3A_579 : i32
        %parallel_loop3A_581 = arith.constant 60 : i32
        %parallel_loop3A_582 = arith.index_cast %parallel_loop3A_581 : i32 to index
        %parallel_loop3A_583 = arith.index_cast %parallel_loop3A_580 : i32 to index
        %parallel_loop3A_584 = tpu.vector_load %arg14[%parallel_loop3A_582, %parallel_loop3A_583] {strides = array<i32>} : memref<64x128xf32, #tpu.memory_space<vmem>>, vector<16xf32>,
        tpu.vector_store %arg14[%parallel_loop3A_582, %parallel_loop3A_583], %parallel_loop3A_578 {strides = array<i32>} : memref<64x128xf32, #tpu.memory_space<vmem>>, vector<16xf32>,
        %parallel_loop3A_585 = arith.mulf %parallel_loop3A_125, %parallel_loop3A_149 : vector<16xf32>
        %parallel_loop3A_586 = arith.constant 16 : i32
        %parallel_loop3A_587 = arith.muli %parallel_loop3A_79, %parallel_loop3A_586 : i32
        %parallel_loop3A_588 = arith.constant 61 : i32
        %parallel_loop3A_589 = arith.index_cast %parallel_loop3A_588 : i32 to index
        %parallel_loop3A_590 = arith.index_cast %parallel_loop3A_587 : i32 to index
        %parallel_loop3A_591 = tpu.vector_load %arg14[%parallel_loop3A_589, %parallel_loop3A_590] {strides = array<i32>} : memref<64x128xf32, #tpu.memory_space<vmem>>, vector<16xf32>,
        tpu.vector_store %arg14[%parallel_loop3A_589, %parallel_loop3A_590], %parallel_loop3A_585 {strides = array<i32>} : memref<64x128xf32, #tpu.memory_space<vmem>>, vector<16xf32>,
        %parallel_loop3A_592 = arith.mulf %parallel_loop3A_125, %parallel_loop3A_153 : vector<16xf32>
        %parallel_loop3A_593 = arith.constant 16 : i32
        %parallel_loop3A_594 = arith.muli %parallel_loop3A_79, %parallel_loop3A_593 : i32
        %parallel_loop3A_595 = arith.constant 62 : i32
        %parallel_loop3A_596 = arith.index_cast %parallel_loop3A_595 : i32 to index
        %parallel_loop3A_597 = arith.index_cast %parallel_loop3A_594 : i32 to index
        %parallel_loop3A_598 = tpu.vector_load %arg14[%parallel_loop3A_596, %parallel_loop3A_597] {strides = array<i32>} : memref<64x128xf32, #tpu.memory_space<vmem>>, vector<16xf32>,
        tpu.vector_store %arg14[%parallel_loop3A_596, %parallel_loop3A_597], %parallel_loop3A_592 {strides = array<i32>} : memref<64x128xf32, #tpu.memory_space<vmem>>, vector<16xf32>,
        %parallel_loop3A_599 = arith.mulf %parallel_loop3A_125, %parallel_loop3A_157 : vector<16xf32>
        %parallel_loop3A_600 = arith.constant 16 : i32
        %parallel_loop3A_601 = arith.muli %parallel_loop3A_79, %parallel_loop3A_600 : i32
        %parallel_loop3A_602 = arith.constant 63 : i32
        %parallel_loop3A_603 = arith.index_cast %parallel_loop3A_602 : i32 to index
        %parallel_loop3A_604 = arith.index_cast %parallel_loop3A_601 : i32 to index
        %parallel_loop3A_605 = tpu.vector_load %arg14[%parallel_loop3A_603, %parallel_loop3A_604] {strides = array<i32>} : memref<64x128xf32, #tpu.memory_space<vmem>>, vector<16xf32>,
        tpu.vector_store %arg14[%parallel_loop3A_603, %parallel_loop3A_604], %parallel_loop3A_599 {strides = array<i32>} : memref<64x128xf32, #tpu.memory_space<vmem>>, vector<16xf32>,
      } {sc.loop_unroll_factor = 1 : i64, sc.parallel_access}
      "tpu.region"() ({
        %run_scoped3A = tpu.sem_alloc : memref<!tpu.dma_semaphore, #tpu.memory_space<semaphore_mem>>
        %dma_start3A_79 = arith.constant 0 : i32
        %dma_start3A_80 = tpu.memref_slice %arg4[%dma_start3A_79, %mul3A_74] : memref<64x640000xf32, #tpu.memory_space<hbm>> -> memref<64x128xf32, #tpu.memory_space<hbm>>
        %dma_start3A_81 = arith.constant 0 : i32
        %dma_start3A_82 = tpu.memref_slice %arg4[%dma_start3A_81, %mul3A_74] : memref<64x640000xf32, #tpu.memory_space<hbm>> -> memref<64x128xf32, #tpu.memory_space<hbm>>
        tpu.enqueue_dma source(%arg14 : memref<64x128xf32, #tpu.memory_space<vmem>>) target(%dma_start3A_82 : memref<64x128xf32, #tpu.memory_space<hbm>>) target_semaphore(%run_scoped3A : memref<!tpu.dma_semaphore, #tpu.memory_space<semaphore_mem>>)
        %dma_wait3A_83 = arith.constant 0 : i32
        %dma_wait3A_84 = tpu.memref_slice %arg4[%dma_wait3A_83, %mul3A_74] : memref<64x640000xf32, #tpu.memory_space<hbm>> -> memref<64x128xf32, #tpu.memory_space<hbm>>
        %dma_wait3A_85 = arith.constant 0 : i32
        %dma_wait3A_86 = tpu.memref_slice %arg4[%dma_wait3A_85, %mul3A_74] : memref<64x640000xf32, #tpu.memory_space<hbm>> -> memref<64x128xf32, #tpu.memory_space<hbm>>
        tpu.wait_dma2 semaphore(%run_scoped3A : memref<!tpu.dma_semaphore, #tpu.memory_space<semaphore_mem>>) src(%arg14 : memref<64x128xf32, #tpu.memory_space<vmem>>) dst(%dma_wait3A_86 : memref<64x128xf32, #tpu.memory_space<hbm>>)
        tpu.yield
      }) : () -> ()
    } else {
    }
    return
  }
}

</mosaic_0001>

<sc_bundles>
// kernel: kernel.3.cloned.1.call-start
scs
__scs_entry_jumppad:
0x0: {  	(pc) =	sbr.rel $0x88, $3  }
0x1: {  	(tag) =	ssettag $0x0;
	lr =	simm.s32 $0x1  }
0x2: {  	[smem:$0x3F9F] =	sst lr;
	_ =	strace $0xD0000000  }
0x3: {  	_ = 	snop  }
0x4: {  	_ = 	snop  }
0x5: {  	_ = 	snop  }
0x6: {  	_ = 	snop  }
0x7: {  	_ = 	snop  }
__scs_overlays_trampoline_lowered:
0x8: {  	[smem:$0x3FAE] =	sst s0  }
0x9: {  	[smem:$0x3FAF] =	sst s1  }
0xa: {  	[smem:$0x3FB0] =	sst s2  }
0xb: {  	[smem:$0x3FB1] =	sst s3  }
0xc: {  	[smem:$0x3FB2] =	sst s4  }
0xd: {  	[smem:$0x3FB3] =	sst s5  }
0xe: {  	[smem:$0x3FB4] =	sst s6  }
0xf: {  	[smem:$0x3FB5] =	sst s7  }
0x10: {  	[smem:$0x3FB6] =	sst s8  }
0x11: {  	[smem:$0x3FB7] =	sst s9;
	s0 =	simm.s32 @!p0 $0x0  }
0x12: {  	s1 =	sld [smem:$0x3F9D];
	s0 =	simm.s32 @p0 $0x1  }
0x13: {  	[smem:$0x3FB8] =	sst s0;
	s0 =	simm.s32 @!p1 $0x0  }
0x14: {  	s2 =	sld [smem:$0x3F9C];
	s0 =	simm.s32 @p1 $0x1  }
0x15: {  	[smem:$0x3FB9] =	sst s0;
	s0 =	simm.s32 @!p2 $0x0  }
0x16: {  	s3 =	sld [smem:$0x3FDB];
	s0 =	simm.s32 @p2 $0x1  }
0x17: {  	s4 =	simm.s32 $0x1BF5;
	[smem:$0x3FBB] =	sst s0  }
0x18: {  	s0 =	sld [smem:$0x3F9E];
	_ =	swait.ge [sflag:s4], $0x0  }
0x19: {  	s7 =	sld [smem:$0x3F9F]  }
0x1a: {  	s8 =	sadd.s32 $0xFFFFE003, lr  }
0x1b: {  	s9 =	sadd.s32 $0xFFFFFEF7, lr;
	s5 =	simm.s32 $0xFFFFFFFF;
	p2 =	slt.u32 s8, $0xFFFFF086  }
0x1c: {  	p1 =	slt.u32 s9, $0xF7A;
	s5 =	simm.s32 @!p2 $0x0  }
0x1d: {  	s5 =	simm.s32 @p1 $0x1;
	p0 =	seq.s32 s7, s2  }
0x1e: {  	s7 =	smul.u32 @!p0 $0xF7A, s2;
	p2 =	seq.s32 @!p0 s5, $0x0  }
0x1f: {  	s9 =	smul.u32 $0xF7A, s1;
	s8 =	simm.s32 @!p0 $0x1BF5;
	p2 =	por !p2, p0  }
0x20: {  	[sflag:s8] =	ssyncset.s32 @!p0 $0xFFFFF086;
	s6 =	sadd.s32 @!p0 s3, s7;
	s7 =	simm.s32 @!p0 $0x108  }
0x21: {  	s3 =	sadd.s32 s3, s9;
	s6 =	sadd.s32 @!p0 $0x88, s6;
	s7 =	simm.s32 @p2 $0x1082  }
0x22: {  	[simem:s7], [sflag:s8] =	dma.local @!p0 [hbm:s6], $0xF7A  }
0x23: {  	s9 =	sor.u32 $0xD0000000, s2;
	s6 =	simm.s32 $0x108;
	_ =	swait.ge @!p0 [sflag:s8], $0x0  }
0x24: {  	s3 =	sadd.s32 $0x88, s3;
	s6 =	simm.s32 @!p1 $0x1082;
	[sflag:s4] =	ssyncset.s32 $0xFFFFF086  }
0x25: {  	[simem:s6], [sflag:s4] =	dma.local [hbm:s3], $0xF7A  }
0x26: {  	[smem:$0x3F9F] =	sst s1;
	(tag) =	ssettag s2;
	_ =	strace s9  }
0x27: {  	s1 =	sld [smem:$0x3FAF]  }
0x28: {  	s2 =	sld [smem:$0x3FB0]  }
0x29: {  	s4 =	sld [smem:$0x3FB2]  }
0x2a: {  	p0 =	seq.s32 s5, $0x0;
	s5 =	sld [smem:$0x3FB3]  }
0x2b: {  	s6 =	sld [smem:$0x3FB4]  }
0x2c: {  	s7 =	sld [smem:$0x3FB5]  }
0x2d: {  	s3 =	simm.s32 $0x108;
	s8 =	sld [smem:$0x3FB6]  }
0x2e: {  	s3 =	simm.s32 @!p0 $0x1082;
	s9 =	sld [smem:$0x3FB7]  }
0x2f: {  	lr =	sadd.s32 s0, s3;
	s0 =	sld [smem:$0x3FAE]  }
0x30: {  	s3 =	sld [smem:$0x3FB1]  }
0x31: {  	[smem:$0x3FBA] =	sst s10  }
0x32: {  	s10 =	sld [smem:$0x3FB8];
	_ =	sdelay $0x3  }
0x33: {  	p0 =	seq.s32 s10, $0x1;
	s10 =	sld [smem:$0x3FBA];
	_ =	sdelay $0x3  }
0x34: {  	[smem:$0x3FBA] =	sst s10  }
0x35: {  	s10 =	sld [smem:$0x3FB9];
	_ =	sdelay $0x3  }
0x36: {  	p1 =	seq.s32 s10, $0x1;
	s10 =	sld [smem:$0x3FBA];
	_ =	sdelay $0x3  }
0x37: {  	[smem:$0x3FBA] =	sst s10  }
0x38: {  	s10 =	sld [smem:$0x3FBB]  }
0x39: {  	_ = 	snop;
	(pc) =	sbr.ind lr, $3  }
0x3a: {  	_ = 	snop  }
0x3b: {  	_ = 	snop  }
0x3c: {  	p2 =	seq.s32 s10, $0x1;
	s10 =	sld [smem:$0x3FBA]  }
0x3d: {  	_ =	shalt  }
0x3e: {  	_ =	shalt  }
0x3f: {  	_ =	shalt  }
0x40: {  	_ =	shalt  }
0x41: {  	_ =	shalt  }
0x42: {  	_ =	shalt  }
0x43: {  	_ =	shalt  }
0x44: {  	_ =	shalt  }
0x45: {  	_ =	shalt  }
0x46: {  	_ =	shalt  }
0x47: {  	_ =	shalt  }
0x48: {  	_ =	shalt  }
0x49: {  	_ =	shalt  }
0x4a: {  	_ =	shalt  }
0x4b: {  	_ =	shalt  }
0x4c: {  	_ =	shalt  }
0x4d: {  	_ =	shalt  }
0x4e: {  	_ =	shalt  }
0x4f: {  	_ =	shalt  }
0x50: {  	_ =	shalt  }
0x51: {  	_ =	shalt  }
0x52: {  	_ =	shalt  }
0x53: {  	_ =	shalt  }
0x54: {  	_ =	shalt  }
0x55: {  	_ =	shalt  }
0x56: {  	_ =	shalt  }
0x57: {  	_ =	shalt  }
0x58: {  	_ =	shalt  }
0x59: {  	_ =	shalt  }
0x5a: {  	_ =	shalt  }
0x5b: {  	_ =	shalt  }
0x5c: {  	_ =	shalt  }
0x5d: {  	_ =	shalt  }
0x5e: {  	_ =	shalt  }
0x5f: {  	_ =	shalt  }
0x60: {  	_ =	shalt  }
0x61: {  	_ =	shalt  }
0x62: {  	_ =	shalt  }
0x63: {  	_ =	shalt  }
0x64: {  	_ =	shalt  }
0x65: {  	_ =	shalt  }
0x66: {  	_ =	shalt  }
0x67: {  	_ =	shalt  }
0x68: {  	_ =	shalt  }
0x69: {  	_ =	shalt  }
0x6a: {  	_ =	shalt  }
0x6b: {  	_ =	shalt  }
0x6c: {  	_ =	shalt  }
0x6d: {  	_ =	shalt  }
0x6e: {  	_ =	shalt  }
0x6f: {  	_ =	shalt  }
0x70: {  	_ =	shalt  }
0x71: {  	_ =	shalt  }
0x72: {  	_ =	shalt  }
0x73: {  	_ =	shalt  }
0x74: {  	_ =	shalt  }
0x75: {  	_ =	shalt  }
0x76: {  	_ =	shalt  }
0x77: {  	_ =	shalt  }
0x78: {  	_ =	shalt  }
0x79: {  	_ =	shalt  }
0x7a: {  	_ =	shalt  }
0x7b: {  	_ =	shalt  }
0x7c: {  	_ =	shalt  }
0x7d: {  	_ =	shalt  }
0x7e: {  	_ =	shalt  }
0x7f: {  	_ =	shalt  }
0x80: {  	_ =	shalt  }
0x81: {  	_ =	shalt  }
0x82: {  	_ =	shalt  }
0x83: {  	_ =	shalt  }
0x84: {  	_ =	shalt  }
0x85: {  	_ =	shalt  }
0x86: {  	_ =	shalt  }
0x87: {  	_ =	shalt  }
.Lfunc_end0:
.L_simem_size_0:
called_computation_lowered:
.L_overlay_start_0:
0x88: {  	s2 =	sld [smem:$0x3FD9]  }
0x89: {  	s3 =	sld [smem:$0x3FFE];
	_ =	sdelay $0x1  }
0x8a: {  	s1 =	srdreg.scid  }
0x8b: {  	s0 =	sand.u32 $0x1, s1  }
0x8c: {  	s17 =	sshll.u32 s0, $0xA;
	s2 =	sadd.s32 s3, s2  }
0x8d: {  	s2 =	sadd.s32 s2, s17  }
0x8e: {  	[smem:$0x3FC6] =	sst s2  }
0x8f: {  	_ = 	snop  }
0x90: {  	s2 =	sld [smem:$0x3FD0];
	(tm) =	ssettm $0x1  }
0x91: {  	s18 =	sld [smem:$0x3FFB];
	_ =	sdelay $0x3  }
0x92: {  	_ =	strace s18  }
0x93: {  	s3 =	sld [smem:$0x3FFC];
	_ =	sdelay $0x3  }
0x94: {  	_ =	strace s3  }
0x95: {  	s3 =	sld [smem:$0x3FFD];
	_ =	sdelay $0x3  }
0x96: {  	_ =	strace s3  }
0x97: {  	_ =	strace $0x8FFFFFFF  }
0x98: {  	s19 =	sld [smem:$0x3FDB];
	_ =	sdelay $0x1  }
0x99: {  	s4 =	simm.s32 $_scs_section_size  }
0x9a: {  	s5 =	simm.s32 $_size__tile_overlayer_lowered;
	s6 =	simm.s32 $_tile_overlayer_lowered  }
0x9b: {  	s22 =	simm.s32 $0x1BFF;
	s21 =	sshll.u32 s6, $0x1;
	s3 =	sadd.s32 s4, s19  }
0x9c: {  	s7 =	simm.s32 $0x0;
	s20 =	sshll.u32 s5, $0x1;
	s5 =	sadd.s32 s21, s3  }
0x9d: {  	[timem:s7], [sflag:s22] =	dma.local [hbm:s5], s20  }
0x9e: {  	_ =	swait.ge [sflag:s22], s20  }
0x9f: {  	s4 =	ssub.s32 $0x0, s20;
	[sflag:s22] =	ssyncset.done $0x0  }
0xa0: {  	[sflag:s22] =	ssyncadd.s32 s4;
	_ =	sdelay $0x1  }
0xa1: {  	s23 =	simm.s32 $0x1B8B  }
0xa2: {  	_ =	swait.ge [sflag:s23], $0x1  }
0xa3: {  	[sflag:s23] =	ssyncset.done $0x0  }
0xa4: {  	s25 =	simm.s32 $0x1B8E;
	s24 =	sld [smem:$0x3FFE];
	[sflag:s23] =	ssyncadd.s32 $0xFFFFFFFF  }
0xa5: {  	s26 =	simm.s32 $execute0_lowered;
	[smem:$0x3FD2] =	sst s25  }
0xa6: {  	s5 =	sshll.u32 s26, $0x1;
	_ =	strace $0x80000046;
	[dreg:$0x1] =	wrdreg $0xFFFFFFFF  }
0xa7: {  	s28 =	simm.s32 $_size_execute0_lowered;
	s3 =	sadd.s32 s3, s5;
	[dreg:$0x0] =	wrdreg $0x0  }
0xa8: {  	s5 =	sshll.u32 s28, $0x1;
	[dreg:$0x2] =	wrdreg s3  }
0xa9: {  	[dreg:$0x3] =	wrdreg s5  }
0xaa: {  	[dreg:$0x4] =	wrdreg $0xC0  }
0xab: {  	_ =	task [dreg:s7], $0x5FFFF  }
0xac: {  	[dreg:$0x1] =	wrdreg $0xFFFFFFFF  }
0xad: {  	[dreg:$0x0] =	wrdreg $0x60  }
0xae: {  	[dreg:$0x2] =	wrdreg s24  }
0xaf: {  	[dreg:$0x3] =	wrdreg s2  }
0xb0: {  	[dreg:$0x4] =	wrdreg $0x9  }
0xb1: {  	_ =	task.clear_ibuf [dreg:s7], $0x5FFFF;
	_ =	strace $0x90000046  }
0xb2: {  	s29 =	simm.s32 $0x9;
	_ =	strace $0x80000048  }
0xb3: {  	_ =	swait.ge [sflag:s29], $0x1  }
0xb4: {  	[sflag:s29] =	ssyncadd.s32 $0xFFFFFFFF  }
0xb5: {  	_ =	strace $0x90000048  }
0xb6: {  	_ =	sfence  }
0xb7: {  	s30 =	sld [smem:$0x0];
	_ =	sdelay $0x2  }
0xb8: {  	s31 =	sshll.u32 s1, $0xD;
	s1 =	sshrl.u32 s1, $0x2  }
0xb9: {  	s3 =	sand.u32 $0x4000, s31;
	s1 =	sadd.s32 s1, s30  }
0xba: {  	s0 =	sor.u32 s3, s0;
	s1 =	sshll.u32 s1, $0x11  }
0xbb: {  	s0 =	sor.u32 s1, s0  }
0xbc: {  	s0 =	sadd.s32 $0x8F2B, s0  }
0xbd: {  	[sflag:s0] =	ssyncadd.remote.s32 $0x1  }
0xbe: {  	_ =	sfence.sel $0xFFFF  }
0xbf: {  	[dreg:$0x0] =	wrdreg $0xFFFFFFFF;
	(pc) =	sbr.abs _section_cstart, $3  }
0xc0: {  	[dreg:$0x1] =	wrdreg $0xFFFFFFFF  }
0xc1: {  	_ =	task.clear_ibuf [dreg:s7], $0x2FFFF;
	_ =	strace $0x9FFFFFFF  }
0xc2: {  	(tm) =	ssettm $0x7FFFFFFF  }
0xc3: {  	_ =	shalt  }
tec
execute0_lowered:
.L_overlay_start_1:
0x0: {  	(tag) =	ssettag $0x1  }
0x1: {  	s0 =	rddreg [dreg:$0x0]  }
0x2: {  	s2 =	rddreg [dreg:$0x1]  }
0x3: {  	s3 =	simm.s32 $0x0;
	s1 =	srdreg.scid;
	s10 =	stileid.u32  }
0x4: {  	s29 =	simm.s32 $0x13C00;
	s30 =	simm.s32 $0x1;
	s31 =	simm.s32 $0x400  }
0x5: {  	s28 =	simm.s32 $0x17C80;
	s13 =	simm.s32 $0x0;
	[smem:$0x7FF] =	sst s3  }
0x6: {  	s1 =	sand.u32 $0x1, s1;
	s4 =	sshll.u32 s10, $0x1;
	s5 =	sadd.s32 $0x600, s0  }
0x7: {  	s6 =	sadd.s32 $0x27800, s0;
	p0 =	sgt.u32 s10, $0x3;
	_ =	strace $0x80000047  }
0x8: {  	s4 =	sor.u32 s1, s4;
	[dreg:$0x3] =	wrdreg s6;
	s1 =	ssub.s32 $0x2, s1  }
0x9: {  	s6 =	simm.s32 $0x4;
	s14 =	sshll.u32 s4, $0x7;
	s7 =	sshll.u32 s4, $0x4  }
0xa: {  	s9 =	sshrl.u32 s1, $0x1;
	s8 =	sshrl.u32 s14, $0x3;
	s11 =	sadd.s32 s5, s7  }
0xb: {  	s1 =	ssub.s32 s1, s9;
	s21 =	sor.u32 $0x9C000, s14;
	s15 =	sadd.s32 s5, s8  }
0xc: {  	s16 =	sadd.s32 $0x200, s11;
	s18 =	sadd.s32 $0x400, s11;
	s20 =	sadd.s32 $0x600, s11  }
0xd: {  	s22 =	sshrl.u32 s21, $0x3;
	[dreg:$0x4] =	wrdreg s11;
	s24 =	sadd.s32 $0x27080, s11  }
0xe: {  	s25 =	sadd.s32 s2, s21;
	s26 =	smax.u32 s1, $0x1;
	[dreg:$0x6] =	wrdreg s16  }
0xf: {  	s1 =	simm.s32 $0x13A00;
	s21 =	simm.s32 $0x13C80;
	[dreg:$0x8] =	wrdreg s18  }
0x10: {  	s8 =	sadd.s32 $0x13880, s15;
	s17 =	sadd.s32 $0x13A80, s15;
	[dreg:$0xa] =	wrdreg s20  }
0x11: {  	s19 =	sadd.s32 $0x13C80, s15;
	s7 =	sadd.s32 $0x13E80, s15;
	[dreg:$0xd] =	wrdreg s24  }
0x12: {  	s15 =	sor.u32 $0x80, s4;
	s16 =	sor.u32 $0xA0, s4;
	[dreg:$0xe] =	wrdreg s25  }
0x13: {  	s18 =	sor.u32 $0xE0, s4;
	s20 =	sadd.s32 $0x13E80, s0;
	[dreg:$0xf] =	wrdreg s26  }
.Ltmp0:
0x14: {  	s23 =	sadd.s32 s5, s22;
	[dreg:$0x5] =	wrdreg s8;
	(pc) =	sbr.rel .LBB2_1-.Ltmp0, $4  }
0x15: {  	s25 =	simm.s32 $0x9;
	s0 =	simm.s32 $0x4E2000;
	[dreg:$0x7] =	wrdreg s17  }
0x16: {  	s22 =	simm.s32 $0x2;
	s26 =	simm.s32 $0x3;
	[dreg:$0x9] =	wrdreg s19  }
0x17: {  	[dreg:$0xb] =	wrdreg s7;
	s17 =	sor.u32 $0xC0, s4;
	s19 =	sadd.s32 s2, s14  }
0x18: {  	[dreg:$0xc] =	wrdreg s23;
	s23 =	simm.s32 $0x15C80;
	s8 =	simm.s32 $0x19C80  }
.LBB2_16:
0x19: {  	s13 =	sadd.s32 $0x1, s13;
	s7 =	rddreg [dreg:$0xf]  }
0x1a: {  	p1 =	sne.s32 s13, s7  }
.Ltmp1:
0x1b: {  	_ = 	snop;
	(pc) =	sbr.rel @!p1 .LBB2_17-.Ltmp1, $1  }
0x1c: {  	_ =	sdelay $0x3  }
.LBB2_1:
0x1d: {  	s7 =	rddreg [dreg:$0x3]  }
0x1e: {  	[tilespmem:s3], [sflag:$0x9] =	stream.linear.gather [hbm4b:s7+s3], $0x13880, $0x38;
	[tilespmem:$0x1BC80] =	vst v63  }
0x1f: {  	_ =	swait.ge [sflag:s25], $0x13880  }
0x20: {  	[sflag:s25] =	ssyncset.done $0x0  }
0x21: {  	s9 =	simm.s32 $0x13880;
	s24 =	rddreg [dreg:$0x4];
	[sflag:s25] =	ssyncadd.s32 $0xFFFEC780  }
0x22: {  	[tilespmem:s9], [sflag:$0x1] =	stream.linear.gather [hbm4b:s24+s3], $0x80, $0x38;
	[tilespmem:$0x1BC80] =	vst v63  }
0x23: {  	s10 =	simm.s32 $0x13A80;
	s9 =	rddreg [dreg:$0x5]  }
0x24: {  	[tilespmem:s10], [sflag:$0x1] =	stream.linear.gather [hbm4b:s9+s3], $0x80, $0x38;
	[tilespmem:$0x1BC80] =	vst v63  }
0x25: {  	s12 =	simm.s32 $0x13900;
	s11 =	rddreg [dreg:$0x6]  }
0x26: {  	[tilespmem:s12], [sflag:$0x2] =	stream.linear.gather [hbm4b:s11+s3], $0x80, $0x38;
	[tilespmem:$0x1BC80] =	vst v63  }
0x27: {  	s14 =	rddreg [dreg:$0x7];
	s24 =	simm.s32 $0x13B00  }
0x28: {  	[tilespmem:s24], [sflag:$0x2] =	stream.linear.gather [hbm4b:s14+s3], $0x80, $0x38;
	[tilespmem:$0x1BC80] =	vst v63  }
0x29: {  	s9 =	rddreg [dreg:$0x8];
	s10 =	simm.s32 $0x13980  }
0x2a: {  	[tilespmem:s10], [sflag:$0x3] =	stream.linear.gather [hbm4b:s9+s3], $0x80, $0x38;
	[tilespmem:$0x1BC80] =	vst v63  }
0x2b: {  	s11 =	rddreg [dreg:$0x9];
	s12 =	simm.s32 $0x13B80  }
0x2c: {  	[tilespmem:s12], [sflag:$0x3] =	stream.linear.gather [hbm4b:s11+s3], $0x80, $0x38;
	[tilespmem:$0x1BC80] =	vst v63  }
0x2d: {  	s14 =	rddreg [dreg:$0xa]  }
0x2e: {  	[tilespmem:s1], [sflag:$0x4] =	stream.linear.gather [hbm4b:s14+s3], $0x80, $0x38;
	[tilespmem:$0x1BC80] =	vst v63  }
0x2f: {  	s24 =	rddreg [dreg:$0xb];
	s14 =	simm.s32 $0x0  }
0x30: {  	[tilespmem:s29], [sflag:$0x4] =	stream.linear.gather [hbm4b:s24+s3], $0x80, $0x38;
	[tilespmem:$0x1BC80] =	vst v63  }
.LBB2_2:
0x31: {  	_ =	swait.ge [sflag:s30], $0x80  }
0x32: {  	[sflag:s30] =	ssyncset.done $0x0  }
0x33: {  	[sflag:s30] =	ssyncadd.s32 $0xFFFFFF80  }
0x34: {  	_ =	swait.ge [sflag:s30], $0x80  }
0x35: {  	p1 =	seq.s32 s14, $0x0;
	[sflag:s30] =	ssyncset.done $0x0  }
0x36: {  	s7 =	simm.s32 @!p1 $0x5;
	[sflag:s30] =	ssyncadd.s32 $0xFFFFFF80  }
0x37: {  	_ =	swait.ge @!p1 [sflag:s7], $0x2000  }
0x38: {  	[sflag:s7] =	ssyncset.done @!p1 $0x0  }
0x39: {  	[sflag:s7] =	ssyncadd.s32 @!p1 $0xFFFFE000;
	s7 =	simm.s32 $0x0  }
0x3a: {  	v0 =	vld [tilespmem:s7+$0x13880]  }
0x3b: {  	v1 =	vld [tilespmem:s7+$0x13A80];
	_ =	sdelay $0x3  }
0x3c: {  	v0 =	vshll.u32 v0, $0x3  }
0x3d: {  	v1 =	vshll.u32 v1, $0x3  }
0x3e: {  	v2 =	vor.u32 $0x1, v0  }
0x3f: {  	v3 =	vor.u32 $0x2, v0  }
0x40: {  	v6 =	vor.u32 $0x4, v0  }
0x41: {  	v7 =	vor.u32 $0x7, v0;
	v5 =	vld.idx.msk [tilespmem:v0+s3+$0x0], $0xffff  }
0x42: {  	v9 =	vor.u32 $0x7, v1;
	v8 =	vld.idx.msk [tilespmem:v1+s3+$0x0], $0xffff  }
0x43: {  	v10 =	vor.u32 $0x5, v0;
	v2 =	vld.idx.msk [tilespmem:v2+s3+$0x0], $0xffff  }
0x44: {  	v13 =	vor.u32 $0x4, v1;
	v3 =	vld.idx.msk [tilespmem:v3+s3+$0x0], $0xffff  }
0x45: {  	v4 =	vor.u32 $0x3, v0;
	v0 =	vor.u32 $0x6, v0;
	v6 =	vld.idx.msk [tilespmem:v6+s3+$0x0], $0xffff  }
0x46: {  	v11 =	vor.u32 $0x1, v1;
	v14 =	vld.idx.msk [tilespmem:v7+s3+$0x0], $0xffff  }
0x47: {  	v12 =	vor.u32 $0x3, v1;
	v9 =	vld.idx.msk [tilespmem:v9+s3+$0x0], $0xffff  }
0x48: {  	v10 =	vld.idx.msk [tilespmem:v10+s3+$0x0], $0xffff  }
0x49: {  	v7 =	vor.u32 $0x2, v1;
	v25 =	vld.idx.msk [tilespmem:v13+s3+$0x0], $0xffff  }
0x4a: {  	v22 =	vld.idx.msk [tilespmem:v0+s3+$0x0], $0xffff;
	v0 =	vor.u32 $0x5, v1  }
0x4b: {  	v23 =	vld.idx.msk [tilespmem:v11+s3+$0x0], $0xffff;
	v1 =	vor.u32 $0x6, v1  }
0x4c: {  	v24 =	vld.idx.msk [tilespmem:v12+s3+$0x0], $0xffff  }
0x4d: {  	v4 =	vld.idx.msk [tilespmem:v4+s3+$0x0], $0xffff  }
0x4e: {  	v7 =	vld.idx.msk [tilespmem:v7+s3+$0x0], $0xffff;
	v11 =	vmul.f32 v9, v14  }
0x4f: {  	v12 =	vmul.f32 v25, v6;
	v26 =	vld.idx.msk [tilespmem:v0+s3+$0x0], $0xffff  }
0x50: {  	v28 =	vmul.f32 v23, v10;
	v27 =	vld.idx.msk [tilespmem:v1+s3+$0x0], $0xffff;
	[tilespmem:s7+$0x15C00] =	vst v11  }
0x51: {  	v30 =	vmul.f32 v24, v10;
	[tilespmem:s7+$0x14E80] =	vst v12  }
0x52: {  	v31 =	vmul.f32 v25, v10;
	[tilespmem:s7+$0x15100] =	vst v28  }
0x53: {  	v0 =	vmul.f32 v9, v5;
	[tilespmem:s7+$0x15200] =	vst v30  }
0x54: {  	v1 =	vmul.f32 v8, v2;
	[tilespmem:s7+$0x15280] =	vst v31  }
0x55: {  	v11 =	vmul.f32 v23, v5;
	[tilespmem:s7+$0x14000] =	vst v0  }
0x56: {  	v29 =	vmul.f32 v7, v10;
	[tilespmem:s7+$0x14080] =	vst v1  }
0x57: {  	v0 =	vmul.f32 v7, v5;
	[tilespmem:s7+$0x13D00] =	vst v11  }
0x58: {  	v1 =	vmul.f32 v24, v5;
	[tilespmem:s7+$0x15180] =	vst v29  }
0x59: {  	v11 =	vmul.f32 v23, v2;
	[tilespmem:s7+$0x13D80] =	vst v0  }
0x5a: {  	v0 =	vmul.f32 v25, v5;
	[tilespmem:s7+$0x13E00] =	vst v1  }
0x5b: {  	[tilespmem:s7+$0x14100] =	vst v11;
	v11 =	vmul.f32 v25, v2  }
0x5c: {  	v1 =	vmul.f32 v26, v5;
	[tilespmem:s7+$0x13E80] =	vst v0  }
0x5d: {  	v13 =	vmul.f32 v27, v6;
	[tilespmem:s7+$0x14280] =	vst v11  }
0x5e: {  	v0 =	vmul.f32 v27, v5;
	[tilespmem:s7+$0x13F00] =	vst v1  }
0x5f: {  	v11 =	vmul.f32 v7, v6;
	[tilespmem:s7+$0x14F80] =	vst v13  }
0x60: {  	v1 =	vmul.f32 v7, v2;
	[tilespmem:s7+$0x13F80] =	vst v0  }
0x61: {  	v0 =	vmul.f32 v24, v2;
	[tilespmem:s7+$0x14D80] =	vst v11  }
0x62: {  	[tilespmem:s7+$0x14180] =	vst v1;
	v1 =	vmul.f32 v26, v2  }
0x63: {  	[tilespmem:s7+$0x14200] =	vst v0;
	v0 =	vmul.f32 v27, v2  }
0x64: {  	v2 =	vmul.f32 v9, v2;
	[tilespmem:s7+$0x14300] =	vst v1  }
0x65: {  	v1 =	vmul.f32 v8, v3;
	[tilespmem:s7+$0x14380] =	vst v0  }
0x66: {  	v0 =	vmul.f32 v23, v3;
	[tilespmem:s7+$0x14400] =	vst v2  }
0x67: {  	v2 =	vmul.f32 v7, v3;
	[tilespmem:s7+$0x14480] =	vst v1  }
0x68: {  	v1 =	vmul.f32 v24, v3;
	[tilespmem:s7+$0x14500] =	vst v0  }
0x69: {  	v0 =	vmul.f32 v25, v3;
	[tilespmem:s7+$0x14580] =	vst v2  }
0x6a: {  	v2 =	vmul.f32 v26, v3;
	[tilespmem:s7+$0x14600] =	vst v1  }
0x6b: {  	v1 =	vmul.f32 v27, v3;
	[tilespmem:s7+$0x14680] =	vst v0  }
0x6c: {  	v18 =	vmul.f32 v9, v10;
	v0 =	vmul.f32 v9, v3;
	[tilespmem:s7+$0x14700] =	vst v2  }
0x6d: {  	v19 =	vmul.f32 v8, v22;
	v2 =	vmul.f32 v8, v4;
	[tilespmem:s7+$0x14780] =	vst v1  }
0x6e: {  	v16 =	vmul.f32 v24, v22;
	v3 =	vmul.f32 v26, v4;
	[tilespmem:s7+$0x14800] =	vst v0  }
0x6f: {  	v15 =	vmul.f32 v25, v22;
	v1 =	vmul.f32 v23, v4;
	[tilespmem:s7+$0x14880] =	vst v2  }
0x70: {  	v17 =	vmul.f32 v7, v22;
	v0 =	vmul.f32 v7, v4;
	[tilespmem:s7+$0x14B00] =	vst v3  }
0x71: {  	v20 =	vmul.f32 v26, v10;
	v2 =	vmul.f32 v24, v4;
	[tilespmem:s7+$0x14900] =	vst v1  }
0x72: {  	v21 =	vmul.f32 v27, v10;
	v3 =	vmul.f32 v9, v6;
	[tilespmem:s7+$0x14980] =	vst v0  }
0x73: {  	v12 =	vmul.f32 v27, v22;
	[tilespmem:s7+$0x14A00] =	vst v2;
	v2 =	vmul.f32 v27, v4  }
0x74: {  	v13 =	vmul.f32 v26, v22;
	v1 =	vmul.f32 v25, v4;
	[tilespmem:s7+$0x15000] =	vst v3  }
0x75: {  	v11 =	vmul.f32 v9, v22;
	[tilespmem:s7+$0x14B80] =	vst v2;
	v2 =	vmul.f32 v23, v6  }
0x76: {  	s9 =	simm.s32 $0x10;
	v0 =	vmul.f32 v8, v5;
	v4 =	vmul.f32 v9, v4;
	[tilespmem:s7+$0x14A80] =	vst v1  }
0x77: {  	v5 =	vmul.f32 v8, v6;
	[tilespmem:s7+$0x14D00] =	vst v2;
	v2 =	vmul.f32 v8, v10;
	v10 =	vld [tilespmem:s9+$0x13880]  }
0x78: {  	v9 =	vmul.f32 v23, v14;
	v3 =	vld [tilespmem:s9+$0x13A80];
	[tilespmem:s7+$0x14C00] =	vst v4;
	v4 =	vmul.f32 v24, v6  }
0x79: {  	v1 =	vmul.f32 v8, v14;
	[tilespmem:s7+$0x14C80] =	vst v5;
	v5 =	vmul.f32 v26, v6  }
0x7a: {  	v6 =	vmul.f32 v23, v22;
	[tilespmem:s7+$0x14E00] =	vst v4;
	v8 =	vmul.f32 v7, v14  }
0x7b: {  	[tilespmem:s7+$0x14F00] =	vst v5;
	v7 =	vmul.f32 v24, v14;
	v4 =	vmul.f32 v25, v14  }
0x7c: {  	s24 =	sshll.u32 s14, $0x7;
	s10 =	simm.s32 $0x80;
	v5 =	vmul.f32 v26, v14;
	[tilespmem:s7+$0x15080] =	vst v2;
	v2 =	vmul.f32 v27, v14;
	v10 =	vshll.u32 v10, $0x3  }
.LBB2_3:
0x7d: {  	p2 =	sne.s32 s10, $0x1C0;
	v14 =	vshll.u32 v3, $0x3;
	[tilespmem:s7+$0x15300] =	vst v20  }
0x7e: {  	v3 =	vor.u32 $0x1, v10;
	[tilespmem:s7+$0x15380] =	vst v21  }
0x7f: {  	v20 =	vor.u32 $0x2, v10;
	[tilespmem:s7+$0x15400] =	vst v18  }
0x80: {  	v18 =	vor.u32 $0x3, v10;
	[tilespmem:s7+$0x15480] =	vst v19  }
0x81: {  	v21 =	vor.u32 $0x4, v10;
	v19 =	vld.idx.msk [tilespmem:v10+s3+$0x0], $0xffff;
	[tilespmem:s7+$0x15500] =	vst v6  }
0x82: {  	v22 =	vor.u32 $0x7, v10;
	v6 =	vld.idx.msk [tilespmem:v14+s3+$0x0], $0xffff;
	[tilespmem:s7+$0x15580] =	vst v17  }
0x83: {  	v23 =	vor.u32 $0x7, v14;
	v17 =	vld.idx.msk [tilespmem:v3+s3+$0x0], $0xffff;
	[tilespmem:s7+$0x15600] =	vst v16  }
0x84: {  	v16 =	vld.idx.msk [tilespmem:v20+s3+$0x0], $0xffff;
	v20 =	vor.u32 $0x5, v10;
	[tilespmem:s7+$0x15680] =	vst v15  }
0x85: {  	v10 =	vor.u32 $0x6, v10;
	v15 =	vld.idx.msk [tilespmem:v18+s3+$0x0], $0xffff;
	[tilespmem:s7+$0x15700] =	vst v13  }
0x86: {  	v18 =	vor.u32 $0x1, v14;
	v13 =	vld.idx.msk [tilespmem:v21+s3+$0x0], $0xffff;
	[tilespmem:s7+$0x15780] =	vst v12  }
0x87: {  	v12 =	vor.u32 $0x2, v14;
	v3 =	vld.idx.msk [tilespmem:v22+s3+$0x0], $0xffff;
	[tilespmem:s7+$0x15800] =	vst v11  }
0x88: {  	v21 =	vor.u32 $0x3, v14;
	v22 =	vmul.f32 v6, v19;
	v11 =	vld.idx.msk [tilespmem:v23+s3+$0x0], $0xffff;
	[tilespmem:s7+$0x15880] =	vst v1  }
0x89: {  	v24 =	vmul.f32 v6, v17;
	v23 =	vld.idx.msk [tilespmem:v20+s3+$0x0], $0xffff;
	v20 =	vor.u32 $0x4, v14;
	[tilespmem:s7+$0x15900] =	vst v9  }
0x8a: {  	v25 =	vor.u32 $0x5, v14;
	v26 =	vmul.f32 v6, v16;
	v9 =	vld.idx.msk [tilespmem:v10+s3+$0x0], $0xffff;
	[tilespmem:s7+$0x15980] =	vst v8  }
0x8b: {  	v14 =	vor.u32 $0x6, v14;
	v27 =	vmul.f32 v6, v15;
	v8 =	vld.idx.msk [tilespmem:v18+s3+$0x0], $0xffff;
	[tilespmem:s7+$0x15A00] =	vst v7  }
0x8c: {  	v10 =	vmul.f32 v6, v13;
	v7 =	vld.idx.msk [tilespmem:v12+s3+$0x0], $0xffff;
	[tilespmem:s7+$0x15A80] =	vst v4  }
0x8d: {  	v1 =	vmul.f32 v6, v3;
	v4 =	vld.idx.msk [tilespmem:v21+s3+$0x0], $0xffff;
	[tilespmem:s7+$0x15B00] =	vst v5  }
0x8e: {  	v12 =	vmul.f32 v11, v19;
	v18 =	vmul.f32 v11, v3;
	v5 =	vld.idx.msk [tilespmem:v20+s3+$0x0], $0xffff;
	[tilespmem:s7+$0x15B80] =	vst v2  }
0x8f: {  	v20 =	vmul.f32 v11, v17;
	v2 =	vld.idx.msk [tilespmem:v25+s3+$0x0], $0xffff;
	v25 =	vmul.f32 v11, v16;
	[tilespmem:s7+$0x13C80] =	vst v0;
	v0 =	vmov v22;
	s7 =	smov.u32 s9  }
0x90: {  	v28 =	vmul.f32 v11, v15;
	v22 =	vld.idx.msk [tilespmem:v14+s3+$0x0], $0xffff;
	v14 =	vmul.f32 v11, v13;
	[tilespmem:s7+$0x15C00] =	vst v18  }
0x91: {  	v18 =	vmul.f32 v8, v19;
	[tilespmem:s7+$0x14000] =	vst v12;
	v12 =	vmul.f32 v8, v17  }
0x92: {  	v21 =	vmul.f32 v7, v19;
	[tilespmem:s7+$0x14080] =	vst v24;
	v24 =	vmul.f32 v7, v17  }
0x93: {  	v29 =	vmul.f32 v4, v17;
	[tilespmem:s7+$0x13D00] =	vst v18;
	v18 =	vmul.f32 v4, v19  }
0x94: {  	v30 =	vmul.f32 v5, v17;
	[tilespmem:s7+$0x13D80] =	vst v21;
	v21 =	vmul.f32 v5, v19  }
0x95: {  	v31 =	vmul.f32 v2, v17;
	[tilespmem:s7+$0x13E00] =	vst v18;
	v18 =	vmul.f32 v2, v19  }
0x96: {  	v19 =	vmul.f32 v22, v19;
	v17 =	vmul.f32 v22, v17;
	[tilespmem:s7+$0x13E80] =	vst v21  }
0x97: {  	v21 =	vmul.f32 v7, v16;
	[tilespmem:s7+$0x13F00] =	vst v18;
	v18 =	vmul.f32 v8, v16  }
0x98: {  	v32 =	vmul.f32 v5, v16;
	[tilespmem:s7+$0x13F80] =	vst v19;
	v19 =	vmul.f32 v4, v16  }
0x99: {  	v33 =	vmul.f32 v22, v16;
	[tilespmem:s7+$0x14100] =	vst v12;
	v12 =	vmul.f32 v2, v16  }
0x9a: {  	v34 =	vmul.f32 v7, v15;
	[tilespmem:s7+$0x14180] =	vst v24;
	v24 =	vmul.f32 v8, v15  }
0x9b: {  	v35 =	vmul.f32 v5, v15;
	[tilespmem:s7+$0x14200] =	vst v29;
	v29 =	vmul.f32 v4, v15  }
0x9c: {  	v36 =	vmul.f32 v22, v15;
	[tilespmem:s7+$0x14280] =	vst v30;
	v30 =	vmul.f32 v2, v15  }
0x9d: {  	v37 =	vmul.f32 v7, v13;
	[tilespmem:s7+$0x14300] =	vst v31;
	v31 =	vmul.f32 v8, v13  }
0x9e: {  	v38 =	vmul.f32 v4, v13;
	v39 =	vmul.f32 v5, v13;
	[tilespmem:s7+$0x14380] =	vst v17  }
0x9f: {  	v40 =	vmul.f32 v2, v13;
	v41 =	vmul.f32 v22, v13;
	[tilespmem:s7+$0x14400] =	vst v20  }
0xa0: {  	v42 =	vmul.f32 v8, v23;
	[tilespmem:s7+$0x14480] =	vst v26;
	v26 =	vmul.f32 v6, v23  }
0xa1: {  	v43 =	vmul.f32 v7, v23;
	v44 =	vmul.f32 v4, v23;
	[tilespmem:s7+$0x14500] =	vst v18  }
0xa2: {  	v45 =	vmul.f32 v5, v23;
	v20 =	vmul.f32 v2, v23;
	[tilespmem:s7+$0x14580] =	vst v21  }
0xa3: {  	v18 =	vmul.f32 v11, v23;
	v21 =	vmul.f32 v22, v23;
	[tilespmem:s7+$0x14600] =	vst v19  }
0xa4: {  	v19 =	vmul.f32 v6, v9;
	v6 =	vmul.f32 v8, v9;
	[tilespmem:s7+$0x14680] =	vst v32  }
0xa5: {  	v16 =	vmul.f32 v4, v9;
	v17 =	vmul.f32 v7, v9;
	[tilespmem:s7+$0x14700] =	vst v12  }
0xa6: {  	v15 =	vmul.f32 v5, v9;
	v13 =	vmul.f32 v2, v9;
	[tilespmem:s7+$0x14780] =	vst v33  }
0xa7: {  	v11 =	vmul.f32 v11, v9;
	v12 =	vmul.f32 v22, v9;
	[tilespmem:s7+$0x14800] =	vst v25  }
0xa8: {  	v9 =	vmul.f32 v8, v3;
	v8 =	vmul.f32 v7, v3;
	[tilespmem:s7+$0x14880] =	vst v27  }
0xa9: {  	v7 =	vmul.f32 v4, v3;
	v4 =	vmul.f32 v5, v3;
	[tilespmem:s7+$0x14900] =	vst v24  }
0xaa: {  	v5 =	vmul.f32 v2, v3;
	v2 =	vmul.f32 v22, v3;
	[tilespmem:s7+$0x14980] =	vst v34  }
0xab: {  	[tilespmem:s7+$0x14A00] =	vst v29  }
0xac: {  	[tilespmem:s7+$0x14A80] =	vst v35  }
0xad: {  	[tilespmem:s7+$0x14B00] =	vst v30  }
0xae: {  	[tilespmem:s7+$0x14B80] =	vst v36  }
0xaf: {  	[tilespmem:s7+$0x14C00] =	vst v28  }
0xb0: {  	[tilespmem:s7+$0x14C80] =	vst v10  }
0xb1: {  	[tilespmem:s7+$0x14D00] =	vst v31  }
0xb2: {  	[tilespmem:s7+$0x14D80] =	vst v37  }
0xb3: {  	[tilespmem:s7+$0x14E00] =	vst v38  }
0xb4: {  	[tilespmem:s7+$0x14E80] =	vst v39  }
0xb5: {  	[tilespmem:s7+$0x14F00] =	vst v40  }
0xb6: {  	s9 =	sshra.s32 s10, $0x2;
	[tilespmem:s7+$0x14F80] =	vst v41  }
0xb7: {  	v10 =	vld [tilespmem:s9+$0x13880];
	[tilespmem:s7+$0x15000] =	vst v14  }
.Ltmp2:
0xb8: {  	v3 =	vld [tilespmem:s9+$0x13A80];
	[tilespmem:s7+$0x15080] =	vst v26;
	(pc) =	sbr.rel @p2 .LBB2_3-.Ltmp2, $4  }
0xb9: {  	[tilespmem:s7+$0x15100] =	vst v42  }
0xba: {  	[tilespmem:s7+$0x15180] =	vst v43  }
0xbb: {  	[tilespmem:s7+$0x15200] =	vst v44  }
0xbc: {  	s10 =	sadd.s32 $0x40, s10;
	v10 =	vshll.u32 v10, $0x3;
	[tilespmem:s7+$0x15280] =	vst v45  }
0xbd: {  	v14 =	vshll.u32 v3, $0x3;
	[tilespmem:s7+$0x15300] =	vst v20  }
0xbe: {  	v20 =	vor.u32 $0x1, v10;
	[tilespmem:s7+$0x15380] =	vst v21  }
0xbf: {  	v21 =	vor.u32 $0x2, v10;
	[tilespmem:s7+$0x15400] =	vst v18  }
0xc0: {  	v18 =	vor.u32 $0x3, v10;
	[tilespmem:s7+$0x15480] =	vst v19  }
0xc1: {  	v3 =	vld.idx.msk [tilespmem:v10+s3+$0x0], $0xffff;
	v19 =	vor.u32 $0x4, v10;
	[tilespmem:s7+$0x15500] =	vst v6  }
0xc2: {  	v22 =	vor.u32 $0x7, v10;
	[tilespmem:s7+$0x15580] =	vst v17;
	v6 =	vld.idx.msk [tilespmem:v14+s3+$0x0], $0xffff  }
0xc3: {  	[tilespmem:s7+$0x15600] =	vst v16;
	v17 =	vld.idx.msk [tilespmem:v20+s3+$0x0], $0xffff;
	v20 =	vor.u32 $0x7, v14  }
0xc4: {  	[tilespmem:s7+$0x15680] =	vst v15;
	v16 =	vld.idx.msk [tilespmem:v21+s3+$0x0], $0xffff;
	v21 =	vor.u32 $0x5, v10  }
0xc5: {  	[tilespmem:s7+$0x15700] =	vst v13;
	v15 =	vld.idx.msk [tilespmem:v18+s3+$0x0], $0xffff;
	v18 =	vor.u32 $0x6, v10  }
0xc6: {  	[tilespmem:s7+$0x15780] =	vst v12;
	v12 =	vor.u32 $0x2, v14;
	v13 =	vld.idx.msk [tilespmem:v19+s3+$0x0], $0xffff  }
0xc7: {  	[tilespmem:s7+$0x15800] =	vst v11;
	v19 =	vor.u32 $0x1, v14;
	v10 =	vld.idx.msk [tilespmem:v22+s3+$0x0], $0xffff  }
0xc8: {  	[tilespmem:s7+$0x15880] =	vst v1;
	v11 =	vor.u32 $0x3, v14;
	v20 =	vld.idx.msk [tilespmem:v20+s3+$0x0], $0xffff  }
0xc9: {  	[tilespmem:s7+$0x15900] =	vst v9;
	v1 =	vld.idx.msk [tilespmem:v21+s3+$0x0], $0xffff;
	v21 =	vor.u32 $0x4, v14  }
0xca: {  	[tilespmem:s7+$0x15980] =	vst v8;
	v9 =	vld.idx.msk [tilespmem:v18+s3+$0x0], $0xffff;
	v18 =	vor.u32 $0x5, v14  }
0xcb: {  	[tilespmem:s7+$0x15A00] =	vst v7;
	v7 =	vld.idx.msk [tilespmem:v12+s3+$0x0], $0xffff;
	v14 =	vor.u32 $0x6, v14  }
0xcc: {  	[tilespmem:s7+$0x15A80] =	vst v4;
	v8 =	vld.idx.msk [tilespmem:v19+s3+$0x0], $0xffff  }
0xcd: {  	[tilespmem:s7+$0x15B00] =	vst v5;
	v4 =	vld.idx.msk [tilespmem:v11+s3+$0x0], $0xffff  }
0xce: {  	[tilespmem:s7+$0x15B80] =	vst v2;
	v5 =	vld.idx.msk [tilespmem:v21+s3+$0x0], $0xffff;
	v11 =	vmul.f32 v20, v10  }
0xcf: {  	[tilespmem:s7+$0x13C80] =	vst v0;
	v2 =	vld.idx.msk [tilespmem:v18+s3+$0x0], $0xffff;
	v12 =	vmul.f32 v20, v3  }
0xd0: {  	v0 =	vld.idx.msk [tilespmem:v14+s3+$0x0], $0xffff;
	v14 =	vmul.f32 v6, v17;
	[tilespmem:s9+$0x15C00] =	vst v11  }
0xd1: {  	v11 =	vmul.f32 v8, v3;
	[tilespmem:s9+$0x14000] =	vst v12  }
0xd2: {  	v12 =	vmul.f32 v7, v3;
	[tilespmem:s9+$0x14080] =	vst v14  }
0xd3: {  	v14 =	vmul.f32 v8, v17;
	[tilespmem:s9+$0x13D00] =	vst v11  }
0xd4: {  	v11 =	vmul.f32 v4, v3;
	[tilespmem:s9+$0x13D80] =	vst v12  }
0xd5: {  	[tilespmem:s9+$0x14100] =	vst v14;
	v12 =	vmul.f32 v5, v3  }
0xd6: {  	v14 =	vmul.f32 v5, v17;
	[tilespmem:s9+$0x13E00] =	vst v11  }
0xd7: {  	v11 =	vmul.f32 v2, v3;
	[tilespmem:s9+$0x13E80] =	vst v12  }
0xd8: {  	v12 =	vmul.f32 v0, v3;
	[tilespmem:s9+$0x14280] =	vst v14  }
0xd9: {  	v14 =	vmul.f32 v20, v17;
	[tilespmem:s9+$0x13F00] =	vst v11  }
0xda: {  	v11 =	vmul.f32 v7, v17;
	[tilespmem:s9+$0x13F80] =	vst v12  }
0xdb: {  	v12 =	vmul.f32 v4, v17;
	[tilespmem:s9+$0x14400] =	vst v14  }
0xdc: {  	v14 =	vmul.f32 v7, v16;
	[tilespmem:s9+$0x14180] =	vst v11  }
0xdd: {  	v11 =	vmul.f32 v2, v17;
	[tilespmem:s9+$0x14200] =	vst v12  }
0xde: {  	v12 =	vmul.f32 v0, v17;
	[tilespmem:s9+$0x14580] =	vst v14  }
0xdf: {  	v14 =	vmul.f32 v2, v16;
	[tilespmem:s9+$0x14300] =	vst v11  }
0xe0: {  	v11 =	vmul.f32 v6, v16;
	[tilespmem:s9+$0x14380] =	vst v12  }
0xe1: {  	v12 =	vmul.f32 v8, v16;
	[tilespmem:s9+$0x14700] =	vst v14  }
0xe2: {  	v14 =	vmul.f32 v6, v15;
	[tilespmem:s9+$0x14480] =	vst v11  }
0xe3: {  	v11 =	vmul.f32 v4, v16;
	[tilespmem:s9+$0x14500] =	vst v12  }
0xe4: {  	v12 =	vmul.f32 v5, v16;
	[tilespmem:s9+$0x14880] =	vst v14  }
0xe5: {  	v14 =	vmul.f32 v4, v15;
	[tilespmem:s9+$0x14600] =	vst v11  }
0xe6: {  	v11 =	vmul.f32 v0, v16;
	[tilespmem:s9+$0x14680] =	vst v12  }
0xe7: {  	v12 =	vmul.f32 v20, v16;
	[tilespmem:s9+$0x14A00] =	vst v14  }
0xe8: {  	v14 =	vmul.f32 v0, v15;
	[tilespmem:s9+$0x14780] =	vst v11  }
0xe9: {  	v11 =	vmul.f32 v8, v15;
	[tilespmem:s9+$0x14800] =	vst v12  }
0xea: {  	v12 =	vmul.f32 v7, v15;
	[tilespmem:s9+$0x14B80] =	vst v14  }
0xeb: {  	v14 =	vmul.f32 v8, v13;
	[tilespmem:s9+$0x14900] =	vst v11  }
0xec: {  	v11 =	vmul.f32 v5, v15;
	[tilespmem:s9+$0x14980] =	vst v12  }
0xed: {  	v12 =	vmul.f32 v2, v15;
	[tilespmem:s9+$0x14D00] =	vst v14  }
0xee: {  	v14 =	vmul.f32 v5, v13;
	[tilespmem:s9+$0x14A80] =	vst v11  }
0xef: {  	v11 =	vmul.f32 v20, v15;
	[tilespmem:s9+$0x14B00] =	vst v12  }
0xf0: {  	v12 =	vmul.f32 v6, v13;
	[tilespmem:s9+$0x14E80] =	vst v14  }
0xf1: {  	[tilespmem:s9+$0x14C00] =	vst v11;
	v11 =	vmul.f32 v7, v13  }
0xf2: {  	[tilespmem:s9+$0x14C80] =	vst v12;
	v12 =	vmul.f32 v4, v13  }
0xf3: {  	[tilespmem:s9+$0x14D80] =	vst v11;
	v11 =	vmul.f32 v2, v13  }
0xf4: {  	[tilespmem:s9+$0x14E00] =	vst v12;
	v12 =	vmul.f32 v0, v13  }
0xf5: {  	v13 =	vmul.f32 v20, v13;
	[tilespmem:s9+$0x14F00] =	vst v11  }
0xf6: {  	v11 =	vmul.f32 v6, v1;
	[tilespmem:s9+$0x14F80] =	vst v12  }
0xf7: {  	v12 =	vmul.f32 v8, v1;
	[tilespmem:s9+$0x15000] =	vst v13  }
0xf8: {  	v13 =	vmul.f32 v7, v1;
	[tilespmem:s9+$0x15080] =	vst v11  }
0xf9: {  	v11 =	vmul.f32 v4, v1;
	[tilespmem:s9+$0x15100] =	vst v12  }
0xfa: {  	v12 =	vmul.f32 v5, v1;
	[tilespmem:s9+$0x15180] =	vst v13  }
0xfb: {  	v13 =	vmul.f32 v2, v1;
	[tilespmem:s9+$0x15200] =	vst v11  }
0xfc: {  	v11 =	vmul.f32 v0, v1;
	[tilespmem:s9+$0x15280] =	vst v12  }
0xfd: {  	v1 =	vmul.f32 v20, v1;
	[tilespmem:s9+$0x15300] =	vst v13  }
0xfe: {  	v12 =	vmul.f32 v6, v9;
	[tilespmem:s9+$0x15380] =	vst v11  }
0xff: {  	v11 =	vmul.f32 v8, v9;
	[tilespmem:s9+$0x15400] =	vst v1  }
0x100: {  	v1 =	vmul.f32 v7, v9;
	[tilespmem:s9+$0x15480] =	vst v12  }
0x101: {  	v8 =	vmul.f32 v8, v10;
	[tilespmem:s9+$0x15500] =	vst v11  }
0x102: {  	v7 =	vmul.f32 v7, v10;
	[tilespmem:s9+$0x15580] =	vst v1  }
0x103: {  	v12 =	vmul.f32 v4, v9;
	[tilespmem:s9+$0x15900] =	vst v8  }
0x104: {  	v11 =	vmul.f32 v5, v9;
	[tilespmem:s9+$0x15980] =	vst v7  }
0x105: {  	v1 =	vmul.f32 v2, v9;
	[tilespmem:s9+$0x15600] =	vst v12  }
0x106: {  	v2 =	vmul.f32 v2, v10;
	[tilespmem:s9+$0x15680] =	vst v11  }
0x107: {  	v12 =	vmul.f32 v0, v9;
	[tilespmem:s9+$0x15700] =	vst v1  }
0x108: {  	v9 =	vmul.f32 v20, v9;
	[tilespmem:s9+$0x15B00] =	vst v2  }
0x109: {  	v1 =	vmul.f32 v6, v10;
	[tilespmem:s9+$0x15780] =	vst v12  }
0x10a: {  	v0 =	vmul.f32 v0, v10;
	[tilespmem:s9+$0x15800] =	vst v9  }
0x10b: {  	[tilespmem:s9+$0x15880] =	vst v1;
	v1 =	vmul.f32 v4, v10  }
0x10c: {  	[tilespmem:s9+$0x15B80] =	vst v0;
	v4 =	vmul.f32 v5, v10  }
0x10d: {  	[tilespmem:s9+$0x15A00] =	vst v1;
	v1 =	vmul.f32 v6, v3  }
0x10e: {  	s12 =	sshll.u32 s14, $0xE;
	[tilespmem:s9+$0x15A80] =	vst v4  }
0x10f: {  	p2 =	seq.s32 s14, $0x26;
	s7 =	sadd.s32 s12, s19;
	[tilespmem:s9+$0x13C80] =	vst v1  }
0x110: {  	[hbm4b:s7+s31] =	stream.strided.scatter [tilespmem:s21], [sflag:$0x5], $0x2000, s0, s31, $0x38;
	[tilespmem:$0x1BC80] =	vst v63  }
0x111: {  	s7 =	sadd.s32 @!p2 s15, s24  }
0x112: {  	s7 =	sshll.u32 @!p2 s7, $0x4  }
0x113: {  	s10 =	simm.s32 @!p2 $0x0;
	s11 =	simm.s32 @!p2 $0x13880;
	s9 =	sadd.s32 @!p2 s5, s7  }
0x114: {  	[tilespmem:s11], [sflag:$0x1] =	stream.linear.gather @!p2 [hbm4b:s9+s10], $0x80, $0x38;
	[tilespmem:$0x1BC80] =	vst v63  }
0x115: {  	s7 =	sadd.s32 @!p2 s7, s20;
	s9 =	simm.s32 @!p2 $0x13A80  }
0x116: {  	[tilespmem:s9], [sflag:$0x1] =	stream.linear.gather @!p2 [hbm4b:s7+s10], $0x80, $0x38;
	[tilespmem:$0x1BC80] =	vst v63  }
0x117: {  	_ =	swait.ge [sflag:s22], $0x80  }
0x118: {  	[sflag:s22] =	ssyncset.done $0x0  }
0x119: {  	[sflag:s22] =	ssyncadd.s32 $0xFFFFFF80  }
0x11a: {  	_ =	swait.ge [sflag:s22], $0x80  }
0x11b: {  	[sflag:s22] =	ssyncset.done $0x0  }
0x11c: {  	s7 =	simm.s32 @!p1 $0x6;
	[sflag:s22] =	ssyncadd.s32 $0xFFFFFF80  }
0x11d: {  	_ =	swait.ge @!p1 [sflag:s7], $0x2000  }
0x11e: {  	[sflag:s7] =	ssyncset.done @!p1 $0x0  }
0x11f: {  	[sflag:s7] =	ssyncadd.s32 @!p1 $0xFFFFE000;
	s7 =	simm.s32 $0x0  }
0x120: {  	v0 =	vld [tilespmem:s7+$0x13900]  }
0x121: {  	v1 =	vld [tilespmem:s7+$0x13B00];
	_ =	sdelay $0x3  }
0x122: {  	v0 =	vshll.u32 v0, $0x3  }
0x123: {  	v1 =	vshll.u32 v1, $0x3  }
0x124: {  	v2 =	vor.u32 $0x1, v0  }
0x125: {  	v3 =	vor.u32 $0x2, v0  }
0x126: {  	v6 =	vor.u32 $0x4, v0  }
0x127: {  	v7 =	vor.u32 $0x7, v0;
	v5 =	vld.idx.msk [tilespmem:v0+s3+$0x0], $0xffff  }
0x128: {  	v9 =	vor.u32 $0x7, v1;
	v8 =	vld.idx.msk [tilespmem:v1+s3+$0x0], $0xffff  }
0x129: {  	v10 =	vor.u32 $0x5, v0;
	v2 =	vld.idx.msk [tilespmem:v2+s3+$0x0], $0xffff  }
0x12a: {  	v14 =	vor.u32 $0x4, v1;
	v3 =	vld.idx.msk [tilespmem:v3+s3+$0x0], $0xffff  }
0x12b: {  	v4 =	vor.u32 $0x3, v0;
	v0 =	vor.u32 $0x6, v0;
	v6 =	vld.idx.msk [tilespmem:v6+s3+$0x0], $0xffff  }
0x12c: {  	v11 =	vor.u32 $0x1, v1;
	v13 =	vld.idx.msk [tilespmem:v7+s3+$0x0], $0xffff  }
0x12d: {  	v12 =	vor.u32 $0x3, v1;
	v9 =	vld.idx.msk [tilespmem:v9+s3+$0x0], $0xffff  }
0x12e: {  	v10 =	vld.idx.msk [tilespmem:v10+s3+$0x0], $0xffff  }
0x12f: {  	v7 =	vor.u32 $0x2, v1;
	v25 =	vld.idx.msk [tilespmem:v14+s3+$0x0], $0xffff  }
0x130: {  	v22 =	vld.idx.msk [tilespmem:v0+s3+$0x0], $0xffff;
	v0 =	vor.u32 $0x5, v1  }
0x131: {  	v23 =	vld.idx.msk [tilespmem:v11+s3+$0x0], $0xffff;
	v1 =	vor.u32 $0x6, v1  }
0x132: {  	v24 =	vld.idx.msk [tilespmem:v12+s3+$0x0], $0xffff  }
0x133: {  	v4 =	vld.idx.msk [tilespmem:v4+s3+$0x0], $0xffff  }
0x134: {  	v7 =	vld.idx.msk [tilespmem:v7+s3+$0x0], $0xffff;
	v11 =	vmul.f32 v9, v13  }
0x135: {  	v12 =	vmul.f32 v25, v6;
	v26 =	vld.idx.msk [tilespmem:v0+s3+$0x0], $0xffff  }
0x136: {  	v28 =	vmul.f32 v23, v10;
	v27 =	vld.idx.msk [tilespmem:v1+s3+$0x0], $0xffff;
	[tilespmem:s7+$0x17C00] =	vst v11  }
0x137: {  	v30 =	vmul.f32 v24, v10;
	[tilespmem:s7+$0x16E80] =	vst v12  }
0x138: {  	v31 =	vmul.f32 v25, v10;
	[tilespmem:s7+$0x17100] =	vst v28  }
0x139: {  	v0 =	vmul.f32 v9, v5;
	[tilespmem:s7+$0x17200] =	vst v30  }
0x13a: {  	v1 =	vmul.f32 v8, v2;
	[tilespmem:s7+$0x17280] =	vst v31  }
0x13b: {  	v11 =	vmul.f32 v23, v5;
	[tilespmem:s7+$0x16000] =	vst v0  }
0x13c: {  	v29 =	vmul.f32 v7, v10;
	[tilespmem:s7+$0x16080] =	vst v1  }
0x13d: {  	v0 =	vmul.f32 v7, v5;
	[tilespmem:s7+$0x15D00] =	vst v11  }
0x13e: {  	v1 =	vmul.f32 v24, v5;
	[tilespmem:s7+$0x17180] =	vst v29  }
0x13f: {  	v11 =	vmul.f32 v23, v2;
	[tilespmem:s7+$0x15D80] =	vst v0  }
0x140: {  	v0 =	vmul.f32 v25, v5;
	[tilespmem:s7+$0x15E00] =	vst v1  }
0x141: {  	[tilespmem:s7+$0x16100] =	vst v11;
	v11 =	vmul.f32 v25, v2  }
0x142: {  	v1 =	vmul.f32 v26, v5;
	[tilespmem:s7+$0x15E80] =	vst v0  }
0x143: {  	v14 =	vmul.f32 v27, v6;
	[tilespmem:s7+$0x16280] =	vst v11  }
0x144: {  	v0 =	vmul.f32 v27, v5;
	[tilespmem:s7+$0x15F00] =	vst v1  }
0x145: {  	v11 =	vmul.f32 v7, v6;
	[tilespmem:s7+$0x16F80] =	vst v14  }
0x146: {  	v1 =	vmul.f32 v7, v2;
	[tilespmem:s7+$0x15F80] =	vst v0  }
0x147: {  	v0 =	vmul.f32 v24, v2;
	[tilespmem:s7+$0x16D80] =	vst v11  }
0x148: {  	[tilespmem:s7+$0x16180] =	vst v1;
	v1 =	vmul.f32 v26, v2  }
0x149: {  	[tilespmem:s7+$0x16200] =	vst v0;
	v0 =	vmul.f32 v27, v2  }
0x14a: {  	v2 =	vmul.f32 v9, v2;
	[tilespmem:s7+$0x16300] =	vst v1  }
0x14b: {  	v1 =	vmul.f32 v8, v3;
	[tilespmem:s7+$0x16380] =	vst v0  }
0x14c: {  	v0 =	vmul.f32 v23, v3;
	[tilespmem:s7+$0x16400] =	vst v2  }
0x14d: {  	v2 =	vmul.f32 v7, v3;
	[tilespmem:s7+$0x16480] =	vst v1  }
0x14e: {  	v1 =	vmul.f32 v24, v3;
	[tilespmem:s7+$0x16500] =	vst v0  }
0x14f: {  	v0 =	vmul.f32 v25, v3;
	[tilespmem:s7+$0x16580] =	vst v2  }
0x150: {  	v2 =	vmul.f32 v26, v3;
	[tilespmem:s7+$0x16600] =	vst v1  }
0x151: {  	v1 =	vmul.f32 v27, v3;
	[tilespmem:s7+$0x16680] =	vst v0  }
0x152: {  	v18 =	vmul.f32 v9, v10;
	v0 =	vmul.f32 v9, v3;
	[tilespmem:s7+$0x16700] =	vst v2  }
0x153: {  	v19 =	vmul.f32 v8, v22;
	v2 =	vmul.f32 v8, v4;
	[tilespmem:s7+$0x16780] =	vst v1  }
0x154: {  	v16 =	vmul.f32 v24, v22;
	v3 =	vmul.f32 v26, v4;
	[tilespmem:s7+$0x16800] =	vst v0  }
0x155: {  	v15 =	vmul.f32 v25, v22;
	v1 =	vmul.f32 v23, v4;
	[tilespmem:s7+$0x16880] =	vst v2  }
0x156: {  	v17 =	vmul.f32 v7, v22;
	v0 =	vmul.f32 v7, v4;
	[tilespmem:s7+$0x16B00] =	vst v3  }
0x157: {  	v20 =	vmul.f32 v26, v10;
	v2 =	vmul.f32 v24, v4;
	[tilespmem:s7+$0x16900] =	vst v1  }
0x158: {  	v21 =	vmul.f32 v27, v10;
	v3 =	vmul.f32 v9, v6;
	[tilespmem:s7+$0x16980] =	vst v0  }
0x159: {  	v12 =	vmul.f32 v27, v22;
	[tilespmem:s7+$0x16A00] =	vst v2;
	v2 =	vmul.f32 v27, v4  }
0x15a: {  	v14 =	vmul.f32 v26, v22;
	v1 =	vmul.f32 v25, v4;
	[tilespmem:s7+$0x17000] =	vst v3  }
0x15b: {  	v11 =	vmul.f32 v9, v22;
	[tilespmem:s7+$0x16B80] =	vst v2;
	v2 =	vmul.f32 v23, v6  }
0x15c: {  	s9 =	simm.s32 $0x10;
	v0 =	vmul.f32 v8, v5;
	v4 =	vmul.f32 v9, v4;
	[tilespmem:s7+$0x16A80] =	vst v1  }
0x15d: {  	v5 =	vmul.f32 v8, v6;
	[tilespmem:s7+$0x16D00] =	vst v2;
	v2 =	vmul.f32 v8, v10;
	v10 =	vld [tilespmem:s9+$0x13900]  }
0x15e: {  	v9 =	vmul.f32 v23, v13;
	v3 =	vld [tilespmem:s9+$0x13B00];
	[tilespmem:s7+$0x16C00] =	vst v4;
	v4 =	vmul.f32 v24, v6  }
0x15f: {  	v1 =	vmul.f32 v8, v13;
	[tilespmem:s7+$0x16C80] =	vst v5;
	v5 =	vmul.f32 v26, v6  }
0x160: {  	v6 =	vmul.f32 v23, v22;
	[tilespmem:s7+$0x16E00] =	vst v4;
	v8 =	vmul.f32 v7, v13  }
0x161: {  	[tilespmem:s7+$0x16F00] =	vst v5;
	v7 =	vmul.f32 v24, v13;
	v5 =	vmul.f32 v25, v13  }
0x162: {  	s10 =	simm.s32 $0x80;
	v4 =	vmul.f32 v26, v13;
	[tilespmem:s7+$0x17080] =	vst v2;
	v2 =	vmul.f32 v27, v13;
	v10 =	vshll.u32 v10, $0x3  }
.LBB2_5:
0x163: {  	p3 =	sne.s32 s10, $0x1C0;
	v13 =	vshll.u32 v3, $0x3;
	[tilespmem:s7+$0x17300] =	vst v20  }
0x164: {  	v3 =	vor.u32 $0x1, v10;
	[tilespmem:s7+$0x17380] =	vst v21  }
0x165: {  	v20 =	vor.u32 $0x2, v10;
	[tilespmem:s7+$0x17400] =	vst v18  }
0x166: {  	v18 =	vor.u32 $0x3, v10;
	[tilespmem:s7+$0x17480] =	vst v19  }
0x167: {  	v21 =	vor.u32 $0x4, v10;
	v19 =	vld.idx.msk [tilespmem:v10+s3+$0x0], $0xffff;
	[tilespmem:s7+$0x17500] =	vst v6  }
0x168: {  	v22 =	vor.u32 $0x7, v10;
	v6 =	vld.idx.msk [tilespmem:v13+s3+$0x0], $0xffff;
	[tilespmem:s7+$0x17580] =	vst v17  }
0x169: {  	v23 =	vor.u32 $0x7, v13;
	v17 =	vld.idx.msk [tilespmem:v3+s3+$0x0], $0xffff;
	[tilespmem:s7+$0x17600] =	vst v16  }
0x16a: {  	v16 =	vld.idx.msk [tilespmem:v20+s3+$0x0], $0xffff;
	v20 =	vor.u32 $0x5, v10;
	[tilespmem:s7+$0x17680] =	vst v15  }
0x16b: {  	v10 =	vor.u32 $0x6, v10;
	v15 =	vld.idx.msk [tilespmem:v18+s3+$0x0], $0xffff;
	[tilespmem:s7+$0x17700] =	vst v14  }
0x16c: {  	v18 =	vor.u32 $0x1, v13;
	v14 =	vld.idx.msk [tilespmem:v21+s3+$0x0], $0xffff;
	[tilespmem:s7+$0x17780] =	vst v12  }
0x16d: {  	v12 =	vor.u32 $0x2, v13;
	v3 =	vld.idx.msk [tilespmem:v22+s3+$0x0], $0xffff;
	[tilespmem:s7+$0x17800] =	vst v11  }
0x16e: {  	v21 =	vor.u32 $0x3, v13;
	v22 =	vmul.f32 v6, v19;
	v11 =	vld.idx.msk [tilespmem:v23+s3+$0x0], $0xffff;
	[tilespmem:s7+$0x17880] =	vst v1  }
0x16f: {  	v24 =	vmul.f32 v6, v17;
	v23 =	vld.idx.msk [tilespmem:v20+s3+$0x0], $0xffff;
	v20 =	vor.u32 $0x4, v13;
	[tilespmem:s7+$0x17900] =	vst v9  }
0x170: {  	v25 =	vor.u32 $0x5, v13;
	v26 =	vmul.f32 v6, v16;
	v9 =	vld.idx.msk [tilespmem:v10+s3+$0x0], $0xffff;
	[tilespmem:s7+$0x17980] =	vst v8  }
0x171: {  	v13 =	vor.u32 $0x6, v13;
	v27 =	vmul.f32 v6, v15;
	v8 =	vld.idx.msk [tilespmem:v18+s3+$0x0], $0xffff;
	[tilespmem:s7+$0x17A00] =	vst v7  }
0x172: {  	v10 =	vmul.f32 v6, v14;
	v7 =	vld.idx.msk [tilespmem:v12+s3+$0x0], $0xffff;
	[tilespmem:s7+$0x17A80] =	vst v5  }
0x173: {  	v1 =	vmul.f32 v6, v3;
	v5 =	vld.idx.msk [tilespmem:v21+s3+$0x0], $0xffff;
	[tilespmem:s7+$0x17B00] =	vst v4  }
0x174: {  	v12 =	vmul.f32 v11, v19;
	v18 =	vmul.f32 v11, v3;
	v4 =	vld.idx.msk [tilespmem:v20+s3+$0x0], $0xffff;
	[tilespmem:s7+$0x17B80] =	vst v2  }
0x175: {  	v20 =	vmul.f32 v11, v17;
	v2 =	vld.idx.msk [tilespmem:v25+s3+$0x0], $0xffff;
	v25 =	vmul.f32 v11, v16;
	[tilespmem:s7+$0x15C80] =	vst v0;
	v0 =	vmov v22;
	s7 =	smov.u32 s9  }
0x176: {  	v28 =	vmul.f32 v11, v15;
	v22 =	vld.idx.msk [tilespmem:v13+s3+$0x0], $0xffff;
	v13 =	vmul.f32 v11, v14;
	[tilespmem:s7+$0x17C00] =	vst v18  }
0x177: {  	v18 =	vmul.f32 v8, v19;
	[tilespmem:s7+$0x16000] =	vst v12;
	v12 =	vmul.f32 v8, v17  }
0x178: {  	v21 =	vmul.f32 v7, v19;
	[tilespmem:s7+$0x16080] =	vst v24;
	v24 =	vmul.f32 v7, v17  }
0x179: {  	v29 =	vmul.f32 v5, v17;
	[tilespmem:s7+$0x15D00] =	vst v18;
	v18 =	vmul.f32 v5, v19  }
0x17a: {  	v30 =	vmul.f32 v4, v17;
	[tilespmem:s7+$0x15D80] =	vst v21;
	v21 =	vmul.f32 v4, v19  }
0x17b: {  	v31 =	vmul.f32 v2, v17;
	[tilespmem:s7+$0x15E00] =	vst v18;
	v18 =	vmul.f32 v2, v19  }
0x17c: {  	v19 =	vmul.f32 v22, v19;
	v17 =	vmul.f32 v22, v17;
	[tilespmem:s7+$0x15E80] =	vst v21  }
0x17d: {  	v21 =	vmul.f32 v7, v16;
	[tilespmem:s7+$0x15F00] =	vst v18;
	v18 =	vmul.f32 v8, v16  }
0x17e: {  	v32 =	vmul.f32 v4, v16;
	[tilespmem:s7+$0x15F80] =	vst v19;
	v19 =	vmul.f32 v5, v16  }
0x17f: {  	v33 =	vmul.f32 v22, v16;
	[tilespmem:s7+$0x16100] =	vst v12;
	v12 =	vmul.f32 v2, v16  }
0x180: {  	v34 =	vmul.f32 v7, v15;
	[tilespmem:s7+$0x16180] =	vst v24;
	v24 =	vmul.f32 v8, v15  }
0x181: {  	v35 =	vmul.f32 v4, v15;
	[tilespmem:s7+$0x16200] =	vst v29;
	v29 =	vmul.f32 v5, v15  }
0x182: {  	v36 =	vmul.f32 v22, v15;
	[tilespmem:s7+$0x16280] =	vst v30;
	v30 =	vmul.f32 v2, v15  }
0x183: {  	v37 =	vmul.f32 v7, v14;
	[tilespmem:s7+$0x16300] =	vst v31;
	v31 =	vmul.f32 v8, v14  }
0x184: {  	v38 =	vmul.f32 v5, v14;
	v39 =	vmul.f32 v4, v14;
	[tilespmem:s7+$0x16380] =	vst v17  }
0x185: {  	v40 =	vmul.f32 v2, v14;
	v41 =	vmul.f32 v22, v14;
	[tilespmem:s7+$0x16400] =	vst v20  }
0x186: {  	v42 =	vmul.f32 v8, v23;
	[tilespmem:s7+$0x16480] =	vst v26;
	v26 =	vmul.f32 v6, v23  }
0x187: {  	v43 =	vmul.f32 v7, v23;
	v44 =	vmul.f32 v5, v23;
	[tilespmem:s7+$0x16500] =	vst v18  }
0x188: {  	v45 =	vmul.f32 v4, v23;
	v20 =	vmul.f32 v2, v23;
	[tilespmem:s7+$0x16580] =	vst v21  }
0x189: {  	v18 =	vmul.f32 v11, v23;
	v21 =	vmul.f32 v22, v23;
	[tilespmem:s7+$0x16600] =	vst v19  }
0x18a: {  	v19 =	vmul.f32 v6, v9;
	v6 =	vmul.f32 v8, v9;
	[tilespmem:s7+$0x16680] =	vst v32  }
0x18b: {  	v16 =	vmul.f32 v5, v9;
	v17 =	vmul.f32 v7, v9;
	[tilespmem:s7+$0x16700] =	vst v12  }
0x18c: {  	v15 =	vmul.f32 v4, v9;
	v14 =	vmul.f32 v2, v9;
	[tilespmem:s7+$0x16780] =	vst v33  }
0x18d: {  	v11 =	vmul.f32 v11, v9;
	v12 =	vmul.f32 v22, v9;
	[tilespmem:s7+$0x16800] =	vst v25  }
0x18e: {  	v9 =	vmul.f32 v8, v3;
	v8 =	vmul.f32 v7, v3;
	[tilespmem:s7+$0x16880] =	vst v27  }
0x18f: {  	v7 =	vmul.f32 v5, v3;
	v5 =	vmul.f32 v4, v3;
	[tilespmem:s7+$0x16900] =	vst v24  }
0x190: {  	v4 =	vmul.f32 v2, v3;
	v2 =	vmul.f32 v22, v3;
	[tilespmem:s7+$0x16980] =	vst v34  }
0x191: {  	[tilespmem:s7+$0x16A00] =	vst v29  }
0x192: {  	[tilespmem:s7+$0x16A80] =	vst v35  }
0x193: {  	[tilespmem:s7+$0x16B00] =	vst v30  }
0x194: {  	[tilespmem:s7+$0x16B80] =	vst v36  }
0x195: {  	[tilespmem:s7+$0x16C00] =	vst v28  }
0x196: {  	[tilespmem:s7+$0x16C80] =	vst v10  }
0x197: {  	[tilespmem:s7+$0x16D00] =	vst v31  }
0x198: {  	[tilespmem:s7+$0x16D80] =	vst v37  }
0x199: {  	[tilespmem:s7+$0x16E00] =	vst v38  }
0x19a: {  	[tilespmem:s7+$0x16E80] =	vst v39  }
0x19b: {  	[tilespmem:s7+$0x16F00] =	vst v40  }
0x19c: {  	s9 =	sshra.s32 s10, $0x2;
	[tilespmem:s7+$0x16F80] =	vst v41  }
0x19d: {  	v10 =	vld [tilespmem:s9+$0x13900];
	[tilespmem:s7+$0x17000] =	vst v13  }
.Ltmp3:
0x19e: {  	v3 =	vld [tilespmem:s9+$0x13B00];
	[tilespmem:s7+$0x17080] =	vst v26;
	(pc) =	sbr.rel @p3 .LBB2_5-.Ltmp3, $4  }
0x19f: {  	[tilespmem:s7+$0x17100] =	vst v42  }
0x1a0: {  	[tilespmem:s7+$0x17180] =	vst v43  }
0x1a1: {  	[tilespmem:s7+$0x17200] =	vst v44  }
0x1a2: {  	s10 =	sadd.s32 $0x40, s10;
	v10 =	vshll.u32 v10, $0x3;
	[tilespmem:s7+$0x17280] =	vst v45  }
0x1a3: {  	v13 =	vshll.u32 v3, $0x3;
	[tilespmem:s7+$0x17300] =	vst v20  }
0x1a4: {  	v20 =	vor.u32 $0x1, v10;
	[tilespmem:s7+$0x17380] =	vst v21  }
0x1a5: {  	v21 =	vor.u32 $0x2, v10;
	[tilespmem:s7+$0x17400] =	vst v18  }
0x1a6: {  	v18 =	vor.u32 $0x3, v10;
	[tilespmem:s7+$0x17480] =	vst v19  }
0x1a7: {  	v3 =	vld.idx.msk [tilespmem:v10+s3+$0x0], $0xffff;
	v19 =	vor.u32 $0x4, v10;
	[tilespmem:s7+$0x17500] =	vst v6  }
0x1a8: {  	v22 =	vor.u32 $0x7, v10;
	[tilespmem:s7+$0x17580] =	vst v17;
	v6 =	vld.idx.msk [tilespmem:v13+s3+$0x0], $0xffff  }
0x1a9: {  	[tilespmem:s7+$0x17600] =	vst v16;
	v17 =	vld.idx.msk [tilespmem:v20+s3+$0x0], $0xffff;
	v20 =	vor.u32 $0x7, v13  }
0x1aa: {  	[tilespmem:s7+$0x17680] =	vst v15;
	v16 =	vld.idx.msk [tilespmem:v21+s3+$0x0], $0xffff;
	v21 =	vor.u32 $0x5, v10  }
0x1ab: {  	[tilespmem:s7+$0x17700] =	vst v14;
	v15 =	vld.idx.msk [tilespmem:v18+s3+$0x0], $0xffff;
	v18 =	vor.u32 $0x6, v10  }
0x1ac: {  	[tilespmem:s7+$0x17780] =	vst v12;
	v12 =	vor.u32 $0x2, v13;
	v14 =	vld.idx.msk [tilespmem:v19+s3+$0x0], $0xffff  }
0x1ad: {  	[tilespmem:s7+$0x17800] =	vst v11;
	v19 =	vor.u32 $0x1, v13;
	v10 =	vld.idx.msk [tilespmem:v22+s3+$0x0], $0xffff  }
0x1ae: {  	[tilespmem:s7+$0x17880] =	vst v1;
	v11 =	vor.u32 $0x3, v13;
	v20 =	vld.idx.msk [tilespmem:v20+s3+$0x0], $0xffff  }
0x1af: {  	[tilespmem:s7+$0x17900] =	vst v9;
	v1 =	vld.idx.msk [tilespmem:v21+s3+$0x0], $0xffff;
	v21 =	vor.u32 $0x4, v13  }
0x1b0: {  	[tilespmem:s7+$0x17980] =	vst v8;
	v9 =	vld.idx.msk [tilespmem:v18+s3+$0x0], $0xffff;
	v18 =	vor.u32 $0x5, v13  }
0x1b1: {  	[tilespmem:s7+$0x17A00] =	vst v7;
	v7 =	vld.idx.msk [tilespmem:v12+s3+$0x0], $0xffff;
	v13 =	vor.u32 $0x6, v13  }
0x1b2: {  	[tilespmem:s7+$0x17A80] =	vst v5;
	v8 =	vld.idx.msk [tilespmem:v19+s3+$0x0], $0xffff  }
0x1b3: {  	[tilespmem:s7+$0x17B00] =	vst v4;
	v5 =	vld.idx.msk [tilespmem:v11+s3+$0x0], $0xffff  }
0x1b4: {  	[tilespmem:s7+$0x17B80] =	vst v2;
	v4 =	vld.idx.msk [tilespmem:v21+s3+$0x0], $0xffff;
	v11 =	vmul.f32 v20, v10  }
0x1b5: {  	[tilespmem:s7+$0x15C80] =	vst v0;
	v2 =	vld.idx.msk [tilespmem:v18+s3+$0x0], $0xffff;
	v12 =	vmul.f32 v20, v3  }
0x1b6: {  	v0 =	vld.idx.msk [tilespmem:v13+s3+$0x0], $0xffff;
	v13 =	vmul.f32 v6, v17;
	[tilespmem:s9+$0x17C00] =	vst v11  }
0x1b7: {  	v11 =	vmul.f32 v8, v3;
	[tilespmem:s9+$0x16000] =	vst v12  }
0x1b8: {  	v12 =	vmul.f32 v7, v3;
	[tilespmem:s9+$0x16080] =	vst v13  }
0x1b9: {  	v13 =	vmul.f32 v8, v17;
	[tilespmem:s9+$0x15D00] =	vst v11  }
0x1ba: {  	v11 =	vmul.f32 v5, v3;
	[tilespmem:s9+$0x15D80] =	vst v12  }
0x1bb: {  	[tilespmem:s9+$0x16100] =	vst v13;
	v12 =	vmul.f32 v4, v3  }
0x1bc: {  	v13 =	vmul.f32 v4, v17;
	[tilespmem:s9+$0x15E00] =	vst v11  }
0x1bd: {  	v11 =	vmul.f32 v2, v3;
	[tilespmem:s9+$0x15E80] =	vst v12  }
0x1be: {  	v12 =	vmul.f32 v0, v3;
	[tilespmem:s9+$0x16280] =	vst v13  }
0x1bf: {  	v13 =	vmul.f32 v20, v17;
	[tilespmem:s9+$0x15F00] =	vst v11  }
0x1c0: {  	v11 =	vmul.f32 v7, v17;
	[tilespmem:s9+$0x15F80] =	vst v12  }
0x1c1: {  	v12 =	vmul.f32 v5, v17;
	[tilespmem:s9+$0x16400] =	vst v13  }
0x1c2: {  	v13 =	vmul.f32 v7, v16;
	[tilespmem:s9+$0x16180] =	vst v11  }
0x1c3: {  	v11 =	vmul.f32 v2, v17;
	[tilespmem:s9+$0x16200] =	vst v12  }
0x1c4: {  	v12 =	vmul.f32 v0, v17;
	[tilespmem:s9+$0x16580] =	vst v13  }
0x1c5: {  	v13 =	vmul.f32 v2, v16;
	[tilespmem:s9+$0x16300] =	vst v11  }
0x1c6: {  	v11 =	vmul.f32 v6, v16;
	[tilespmem:s9+$0x16380] =	vst v12  }
0x1c7: {  	v12 =	vmul.f32 v8, v16;
	[tilespmem:s9+$0x16700] =	vst v13  }
0x1c8: {  	v13 =	vmul.f32 v6, v15;
	[tilespmem:s9+$0x16480] =	vst v11  }
0x1c9: {  	v11 =	vmul.f32 v5, v16;
	[tilespmem:s9+$0x16500] =	vst v12  }
0x1ca: {  	v12 =	vmul.f32 v4, v16;
	[tilespmem:s9+$0x16880] =	vst v13  }
0x1cb: {  	v13 =	vmul.f32 v5, v15;
	[tilespmem:s9+$0x16600] =	vst v11  }
0x1cc: {  	v11 =	vmul.f32 v0, v16;
	[tilespmem:s9+$0x16680] =	vst v12  }
0x1cd: {  	v12 =	vmul.f32 v20, v16;
	[tilespmem:s9+$0x16A00] =	vst v13  }
0x1ce: {  	v13 =	vmul.f32 v0, v15;
	[tilespmem:s9+$0x16780] =	vst v11  }
0x1cf: {  	v11 =	vmul.f32 v8, v15;
	[tilespmem:s9+$0x16800] =	vst v12  }
0x1d0: {  	v12 =	vmul.f32 v7, v15;
	[tilespmem:s9+$0x16B80] =	vst v13  }
0x1d1: {  	v13 =	vmul.f32 v8, v14;
	[tilespmem:s9+$0x16900] =	vst v11  }
0x1d2: {  	v11 =	vmul.f32 v4, v15;
	[tilespmem:s9+$0x16980] =	vst v12  }
0x1d3: {  	v12 =	vmul.f32 v2, v15;
	[tilespmem:s9+$0x16D00] =	vst v13  }
0x1d4: {  	v13 =	vmul.f32 v4, v14;
	[tilespmem:s9+$0x16A80] =	vst v11  }
0x1d5: {  	v11 =	vmul.f32 v20, v15;
	[tilespmem:s9+$0x16B00] =	vst v12  }
0x1d6: {  	v12 =	vmul.f32 v6, v14;
	[tilespmem:s9+$0x16E80] =	vst v13  }
0x1d7: {  	v13 =	vmul.f32 v20, v14;
	[tilespmem:s9+$0x16C00] =	vst v11  }
0x1d8: {  	v11 =	vmul.f32 v7, v14;
	[tilespmem:s9+$0x16C80] =	vst v12  }
0x1d9: {  	v12 =	vmul.f32 v5, v14;
	[tilespmem:s9+$0x17000] =	vst v13  }
0x1da: {  	v13 =	vmul.f32 v7, v1;
	[tilespmem:s9+$0x16D80] =	vst v11  }
0x1db: {  	v11 =	vmul.f32 v2, v14;
	[tilespmem:s9+$0x16E00] =	vst v12  }
0x1dc: {  	v12 =	vmul.f32 v0, v14;
	[tilespmem:s9+$0x17180] =	vst v13  }
0x1dd: {  	v13 =	vmul.f32 v2, v1;
	[tilespmem:s9+$0x16F00] =	vst v11  }
0x1de: {  	v11 =	vmul.f32 v6, v1;
	[tilespmem:s9+$0x16F80] =	vst v12  }
0x1df: {  	v12 =	vmul.f32 v8, v1;
	[tilespmem:s9+$0x17300] =	vst v13  }
0x1e0: {  	[tilespmem:s9+$0x17080] =	vst v11;
	v11 =	vmul.f32 v5, v1  }
0x1e1: {  	[tilespmem:s9+$0x17100] =	vst v12;
	v12 =	vmul.f32 v4, v1  }
0x1e2: {  	[tilespmem:s9+$0x17200] =	vst v11;
	v11 =	vmul.f32 v0, v1  }
0x1e3: {  	v1 =	vmul.f32 v20, v1;
	[tilespmem:s9+$0x17280] =	vst v12  }
0x1e4: {  	v12 =	vmul.f32 v6, v9;
	[tilespmem:s9+$0x17380] =	vst v11  }
0x1e5: {  	v11 =	vmul.f32 v8, v9;
	[tilespmem:s9+$0x17400] =	vst v1  }
0x1e6: {  	v1 =	vmul.f32 v7, v9;
	[tilespmem:s9+$0x17480] =	vst v12  }
0x1e7: {  	v8 =	vmul.f32 v8, v10;
	[tilespmem:s9+$0x17500] =	vst v11  }
0x1e8: {  	v7 =	vmul.f32 v7, v10;
	[tilespmem:s9+$0x17580] =	vst v1  }
0x1e9: {  	v12 =	vmul.f32 v5, v9;
	[tilespmem:s9+$0x17900] =	vst v8  }
0x1ea: {  	v11 =	vmul.f32 v4, v9;
	[tilespmem:s9+$0x17980] =	vst v7  }
0x1eb: {  	v1 =	vmul.f32 v2, v9;
	[tilespmem:s9+$0x17600] =	vst v12  }
0x1ec: {  	v4 =	vmul.f32 v4, v10;
	[tilespmem:s9+$0x17680] =	vst v11  }
0x1ed: {  	v2 =	vmul.f32 v2, v10;
	[tilespmem:s9+$0x17700] =	vst v1  }
0x1ee: {  	v12 =	vmul.f32 v0, v9;
	[tilespmem:s9+$0x17A80] =	vst v4  }
0x1ef: {  	v1 =	vmul.f32 v6, v10;
	[tilespmem:s9+$0x17B00] =	vst v2  }
0x1f0: {  	v9 =	vmul.f32 v20, v9;
	[tilespmem:s9+$0x17780] =	vst v12  }
0x1f1: {  	[tilespmem:s9+$0x17880] =	vst v1;
	v1 =	vmul.f32 v5, v10  }
0x1f2: {  	s11 =	sor.u32 s4, s24;
	v0 =	vmul.f32 v0, v10;
	[tilespmem:s9+$0x17800] =	vst v9  }
0x1f3: {  	s7 =	sshll.u32 s11, $0x7;
	[tilespmem:s9+$0x17A00] =	vst v1;
	v1 =	vmul.f32 v6, v3  }
0x1f4: {  	s7 =	sadd.s32 s7, s2;
	[tilespmem:s9+$0x17B80] =	vst v0  }
0x1f5: {  	s12 =	sadd.s32 $0x1000, s7;
	[tilespmem:s9+$0x15C80] =	vst v1;
	s9 =	sadd.s32 @!p2 s16, s24  }
0x1f6: {  	[hbm4b:s12+s31] =	stream.strided.scatter [tilespmem:s23], [sflag:$0x6], $0x2000, s0, s31, $0x38;
	[tilespmem:$0x1BC80] =	vst v63  }
0x1f7: {  	s9 =	sshll.u32 @!p2 s9, $0x4  }
0x1f8: {  	s11 =	simm.s32 @!p2 $0x0;
	s12 =	simm.s32 @!p2 $0x13900;
	s10 =	sadd.s32 @!p2 s5, s9  }
0x1f9: {  	[tilespmem:s12], [sflag:$0x2] =	stream.linear.gather @!p2 [hbm4b:s10+s11], $0x80, $0x38;
	[tilespmem:$0x1BC80] =	vst v63  }
0x1fa: {  	s9 =	sadd.s32 @!p2 s9, s20;
	s10 =	simm.s32 @!p2 $0x13B00  }
0x1fb: {  	[tilespmem:s10], [sflag:$0x2] =	stream.linear.gather @!p2 [hbm4b:s9+s11], $0x80, $0x38;
	[tilespmem:$0x1BC80] =	vst v63  }
0x1fc: {  	_ =	swait.ge [sflag:s26], $0x80  }
0x1fd: {  	[sflag:s26] =	ssyncset.done $0x0  }
0x1fe: {  	[sflag:s26] =	ssyncadd.s32 $0xFFFFFF80  }
0x1ff: {  	_ =	swait.ge [sflag:s26], $0x80  }
0x200: {  	[sflag:s26] =	ssyncset.done $0x0  }
0x201: {  	s9 =	simm.s32 @!p1 $0x7;
	[sflag:s26] =	ssyncadd.s32 $0xFFFFFF80  }
0x202: {  	_ =	swait.ge @!p1 [sflag:s9], $0x2000  }
0x203: {  	[sflag:s9] =	ssyncset.done @!p1 $0x0  }
0x204: {  	[sflag:s9] =	ssyncadd.s32 @!p1 $0xFFFFE000;
	s9 =	simm.s32 $0x0  }
0x205: {  	v0 =	vld [tilespmem:s9+$0x13980]  }
0x206: {  	v1 =	vld [tilespmem:s9+$0x13B80];
	_ =	sdelay $0x3  }
0x207: {  	v0 =	vshll.u32 v0, $0x3  }
0x208: {  	v1 =	vshll.u32 v1, $0x3  }
0x209: {  	v2 =	vor.u32 $0x1, v0  }
0x20a: {  	v3 =	vor.u32 $0x2, v0  }
0x20b: {  	v6 =	vor.u32 $0x4, v0  }
0x20c: {  	v7 =	vor.u32 $0x7, v0;
	v5 =	vld.idx.msk [tilespmem:v0+s3+$0x0], $0xffff  }
0x20d: {  	v9 =	vor.u32 $0x7, v1;
	v8 =	vld.idx.msk [tilespmem:v1+s3+$0x0], $0xffff  }
0x20e: {  	v10 =	vor.u32 $0x5, v0;
	v2 =	vld.idx.msk [tilespmem:v2+s3+$0x0], $0xffff  }
0x20f: {  	v14 =	vor.u32 $0x4, v1;
	v3 =	vld.idx.msk [tilespmem:v3+s3+$0x0], $0xffff  }
0x210: {  	v4 =	vor.u32 $0x3, v0;
	v0 =	vor.u32 $0x6, v0;
	v6 =	vld.idx.msk [tilespmem:v6+s3+$0x0], $0xffff  }
0x211: {  	v11 =	vor.u32 $0x1, v1;
	v13 =	vld.idx.msk [tilespmem:v7+s3+$0x0], $0xffff  }
0x212: {  	v12 =	vor.u32 $0x3, v1;
	v9 =	vld.idx.msk [tilespmem:v9+s3+$0x0], $0xffff  }
0x213: {  	v10 =	vld.idx.msk [tilespmem:v10+s3+$0x0], $0xffff  }
0x214: {  	v7 =	vor.u32 $0x2, v1;
	v25 =	vld.idx.msk [tilespmem:v14+s3+$0x0], $0xffff  }
0x215: {  	v22 =	vld.idx.msk [tilespmem:v0+s3+$0x0], $0xffff;
	v0 =	vor.u32 $0x5, v1  }
0x216: {  	v23 =	vld.idx.msk [tilespmem:v11+s3+$0x0], $0xffff;
	v1 =	vor.u32 $0x6, v1  }
0x217: {  	v24 =	vld.idx.msk [tilespmem:v12+s3+$0x0], $0xffff  }
0x218: {  	v4 =	vld.idx.msk [tilespmem:v4+s3+$0x0], $0xffff  }
0x219: {  	v7 =	vld.idx.msk [tilespmem:v7+s3+$0x0], $0xffff;
	v11 =	vmul.f32 v9, v13  }
0x21a: {  	v12 =	vmul.f32 v25, v6;
	v26 =	vld.idx.msk [tilespmem:v0+s3+$0x0], $0xffff  }
0x21b: {  	v28 =	vmul.f32 v23, v10;
	v27 =	vld.idx.msk [tilespmem:v1+s3+$0x0], $0xffff;
	[tilespmem:s9+$0x19C00] =	vst v11  }
0x21c: {  	v30 =	vmul.f32 v24, v10;
	[tilespmem:s9+$0x18E80] =	vst v12  }
0x21d: {  	v31 =	vmul.f32 v25, v10;
	[tilespmem:s9+$0x19100] =	vst v28  }
0x21e: {  	v0 =	vmul.f32 v9, v5;
	[tilespmem:s9+$0x19200] =	vst v30  }
0x21f: {  	v1 =	vmul.f32 v8, v2;
	[tilespmem:s9+$0x19280] =	vst v31  }
0x220: {  	v11 =	vmul.f32 v23, v5;
	[tilespmem:s9+$0x18000] =	vst v0  }
0x221: {  	v29 =	vmul.f32 v7, v10;
	[tilespmem:s9+$0x18080] =	vst v1  }
0x222: {  	v0 =	vmul.f32 v7, v5;
	[tilespmem:s9+$0x17D00] =	vst v11  }
0x223: {  	v1 =	vmul.f32 v24, v5;
	[tilespmem:s9+$0x19180] =	vst v29  }
0x224: {  	v11 =	vmul.f32 v23, v2;
	[tilespmem:s9+$0x17D80] =	vst v0  }
0x225: {  	v0 =	vmul.f32 v25, v5;
	[tilespmem:s9+$0x17E00] =	vst v1  }
0x226: {  	[tilespmem:s9+$0x18100] =	vst v11;
	v11 =	vmul.f32 v25, v2  }
0x227: {  	v1 =	vmul.f32 v26, v5;
	[tilespmem:s9+$0x17E80] =	vst v0  }
0x228: {  	v14 =	vmul.f32 v27, v6;
	[tilespmem:s9+$0x18280] =	vst v11  }
0x229: {  	v0 =	vmul.f32 v27, v5;
	[tilespmem:s9+$0x17F00] =	vst v1  }
0x22a: {  	v11 =	vmul.f32 v7, v6;
	[tilespmem:s9+$0x18F80] =	vst v14  }
0x22b: {  	v1 =	vmul.f32 v7, v2;
	[tilespmem:s9+$0x17F80] =	vst v0  }
0x22c: {  	v0 =	vmul.f32 v24, v2;
	[tilespmem:s9+$0x18D80] =	vst v11  }
0x22d: {  	[tilespmem:s9+$0x18180] =	vst v1;
	v1 =	vmul.f32 v26, v2  }
0x22e: {  	[tilespmem:s9+$0x18200] =	vst v0;
	v0 =	vmul.f32 v27, v2  }
0x22f: {  	v2 =	vmul.f32 v9, v2;
	[tilespmem:s9+$0x18300] =	vst v1  }
0x230: {  	v1 =	vmul.f32 v8, v3;
	[tilespmem:s9+$0x18380] =	vst v0  }
0x231: {  	v0 =	vmul.f32 v23, v3;
	[tilespmem:s9+$0x18400] =	vst v2  }
0x232: {  	v2 =	vmul.f32 v7, v3;
	[tilespmem:s9+$0x18480] =	vst v1  }
0x233: {  	v1 =	vmul.f32 v24, v3;
	[tilespmem:s9+$0x18500] =	vst v0  }
0x234: {  	v0 =	vmul.f32 v25, v3;
	[tilespmem:s9+$0x18580] =	vst v2  }
0x235: {  	v2 =	vmul.f32 v26, v3;
	[tilespmem:s9+$0x18600] =	vst v1  }
0x236: {  	v1 =	vmul.f32 v27, v3;
	[tilespmem:s9+$0x18680] =	vst v0  }
0x237: {  	v18 =	vmul.f32 v9, v10;
	v0 =	vmul.f32 v9, v3;
	[tilespmem:s9+$0x18700] =	vst v2  }
0x238: {  	v19 =	vmul.f32 v8, v22;
	v2 =	vmul.f32 v8, v4;
	[tilespmem:s9+$0x18780] =	vst v1  }
0x239: {  	v16 =	vmul.f32 v24, v22;
	v3 =	vmul.f32 v26, v4;
	[tilespmem:s9+$0x18800] =	vst v0  }
0x23a: {  	v15 =	vmul.f32 v25, v22;
	v1 =	vmul.f32 v23, v4;
	[tilespmem:s9+$0x18880] =	vst v2  }
0x23b: {  	v17 =	vmul.f32 v7, v22;
	v0 =	vmul.f32 v7, v4;
	[tilespmem:s9+$0x18B00] =	vst v3  }
0x23c: {  	v20 =	vmul.f32 v26, v10;
	v2 =	vmul.f32 v24, v4;
	[tilespmem:s9+$0x18900] =	vst v1  }
0x23d: {  	v21 =	vmul.f32 v27, v10;
	v3 =	vmul.f32 v9, v6;
	[tilespmem:s9+$0x18980] =	vst v0  }
0x23e: {  	v12 =	vmul.f32 v27, v22;
	[tilespmem:s9+$0x18A00] =	vst v2;
	v2 =	vmul.f32 v27, v4  }
0x23f: {  	v14 =	vmul.f32 v26, v22;
	v1 =	vmul.f32 v25, v4;
	[tilespmem:s9+$0x19000] =	vst v3  }
0x240: {  	v11 =	vmul.f32 v9, v22;
	[tilespmem:s9+$0x18B80] =	vst v2;
	v2 =	vmul.f32 v23, v6  }
0x241: {  	s10 =	simm.s32 $0x10;
	v0 =	vmul.f32 v8, v5;
	v4 =	vmul.f32 v9, v4;
	[tilespmem:s9+$0x18A80] =	vst v1  }
0x242: {  	v5 =	vmul.f32 v8, v6;
	[tilespmem:s9+$0x18D00] =	vst v2;
	v2 =	vmul.f32 v8, v10;
	v10 =	vld [tilespmem:s10+$0x13980]  }
0x243: {  	v9 =	vmul.f32 v23, v13;
	v3 =	vld [tilespmem:s10+$0x13B80];
	[tilespmem:s9+$0x18C00] =	vst v4;
	v4 =	vmul.f32 v24, v6  }
0x244: {  	v1 =	vmul.f32 v8, v13;
	[tilespmem:s9+$0x18C80] =	vst v5;
	v5 =	vmul.f32 v26, v6  }
0x245: {  	v6 =	vmul.f32 v23, v22;
	[tilespmem:s9+$0x18E00] =	vst v4;
	v8 =	vmul.f32 v7, v13  }
0x246: {  	[tilespmem:s9+$0x18F00] =	vst v5;
	v7 =	vmul.f32 v24, v13;
	v5 =	vmul.f32 v25, v13  }
0x247: {  	s11 =	simm.s32 $0x80;
	v4 =	vmul.f32 v26, v13;
	[tilespmem:s9+$0x19080] =	vst v2;
	v2 =	vmul.f32 v27, v13;
	v10 =	vshll.u32 v10, $0x3  }
.LBB2_7:
0x248: {  	p3 =	sne.s32 s11, $0x1C0;
	v13 =	vshll.u32 v3, $0x3;
	[tilespmem:s9+$0x19300] =	vst v20  }
0x249: {  	v3 =	vor.u32 $0x1, v10;
	[tilespmem:s9+$0x19380] =	vst v21  }
0x24a: {  	v20 =	vor.u32 $0x2, v10;
	[tilespmem:s9+$0x19400] =	vst v18  }
0x24b: {  	v18 =	vor.u32 $0x3, v10;
	[tilespmem:s9+$0x19480] =	vst v19  }
0x24c: {  	v21 =	vor.u32 $0x4, v10;
	v19 =	vld.idx.msk [tilespmem:v10+s3+$0x0], $0xffff;
	[tilespmem:s9+$0x19500] =	vst v6  }
0x24d: {  	v22 =	vor.u32 $0x7, v10;
	v6 =	vld.idx.msk [tilespmem:v13+s3+$0x0], $0xffff;
	[tilespmem:s9+$0x19580] =	vst v17  }
0x24e: {  	v23 =	vor.u32 $0x7, v13;
	v17 =	vld.idx.msk [tilespmem:v3+s3+$0x0], $0xffff;
	[tilespmem:s9+$0x19600] =	vst v16  }
0x24f: {  	v16 =	vld.idx.msk [tilespmem:v20+s3+$0x0], $0xffff;
	v20 =	vor.u32 $0x5, v10;
	[tilespmem:s9+$0x19680] =	vst v15  }
0x250: {  	v10 =	vor.u32 $0x6, v10;
	v15 =	vld.idx.msk [tilespmem:v18+s3+$0x0], $0xffff;
	[tilespmem:s9+$0x19700] =	vst v14  }
0x251: {  	v18 =	vor.u32 $0x1, v13;
	v14 =	vld.idx.msk [tilespmem:v21+s3+$0x0], $0xffff;
	[tilespmem:s9+$0x19780] =	vst v12  }
0x252: {  	v12 =	vor.u32 $0x2, v13;
	v3 =	vld.idx.msk [tilespmem:v22+s3+$0x0], $0xffff;
	[tilespmem:s9+$0x19800] =	vst v11  }
0x253: {  	v21 =	vor.u32 $0x3, v13;
	v22 =	vmul.f32 v6, v19;
	v11 =	vld.idx.msk [tilespmem:v23+s3+$0x0], $0xffff;
	[tilespmem:s9+$0x19880] =	vst v1  }
0x254: {  	v24 =	vmul.f32 v6, v17;
	v23 =	vld.idx.msk [tilespmem:v20+s3+$0x0], $0xffff;
	v20 =	vor.u32 $0x4, v13;
	[tilespmem:s9+$0x19900] =	vst v9  }
0x255: {  	v25 =	vor.u32 $0x5, v13;
	v26 =	vmul.f32 v6, v16;
	v9 =	vld.idx.msk [tilespmem:v10+s3+$0x0], $0xffff;
	[tilespmem:s9+$0x19980] =	vst v8  }
0x256: {  	v13 =	vor.u32 $0x6, v13;
	v27 =	vmul.f32 v6, v15;
	v8 =	vld.idx.msk [tilespmem:v18+s3+$0x0], $0xffff;
	[tilespmem:s9+$0x19A00] =	vst v7  }
0x257: {  	v10 =	vmul.f32 v6, v14;
	v7 =	vld.idx.msk [tilespmem:v12+s3+$0x0], $0xffff;
	[tilespmem:s9+$0x19A80] =	vst v5  }
0x258: {  	v1 =	vmul.f32 v6, v3;
	v5 =	vld.idx.msk [tilespmem:v21+s3+$0x0], $0xffff;
	[tilespmem:s9+$0x19B00] =	vst v4  }
0x259: {  	v12 =	vmul.f32 v11, v19;
	v18 =	vmul.f32 v11, v3;
	v4 =	vld.idx.msk [tilespmem:v20+s3+$0x0], $0xffff;
	[tilespmem:s9+$0x19B80] =	vst v2  }
0x25a: {  	v20 =	vmul.f32 v11, v17;
	v2 =	vld.idx.msk [tilespmem:v25+s3+$0x0], $0xffff;
	v25 =	vmul.f32 v11, v16;
	[tilespmem:s9+$0x17C80] =	vst v0;
	v0 =	vmov v22;
	s9 =	smov.u32 s10  }
0x25b: {  	v28 =	vmul.f32 v11, v15;
	v22 =	vld.idx.msk [tilespmem:v13+s3+$0x0], $0xffff;
	v13 =	vmul.f32 v11, v14;
	[tilespmem:s9+$0x19C00] =	vst v18  }
0x25c: {  	v18 =	vmul.f32 v8, v19;
	[tilespmem:s9+$0x18000] =	vst v12;
	v12 =	vmul.f32 v8, v17  }
0x25d: {  	v21 =	vmul.f32 v7, v19;
	[tilespmem:s9+$0x18080] =	vst v24;
	v24 =	vmul.f32 v7, v17  }
0x25e: {  	v29 =	vmul.f32 v5, v17;
	[tilespmem:s9+$0x17D00] =	vst v18;
	v18 =	vmul.f32 v5, v19  }
0x25f: {  	v30 =	vmul.f32 v4, v17;
	[tilespmem:s9+$0x17D80] =	vst v21;
	v21 =	vmul.f32 v4, v19  }
0x260: {  	v31 =	vmul.f32 v2, v17;
	[tilespmem:s9+$0x17E00] =	vst v18;
	v18 =	vmul.f32 v2, v19  }
0x261: {  	v19 =	vmul.f32 v22, v19;
	v17 =	vmul.f32 v22, v17;
	[tilespmem:s9+$0x17E80] =	vst v21  }
0x262: {  	v21 =	vmul.f32 v7, v16;
	[tilespmem:s9+$0x17F00] =	vst v18;
	v18 =	vmul.f32 v8, v16  }
0x263: {  	v32 =	vmul.f32 v4, v16;
	[tilespmem:s9+$0x17F80] =	vst v19;
	v19 =	vmul.f32 v5, v16  }
0x264: {  	v33 =	vmul.f32 v22, v16;
	[tilespmem:s9+$0x18100] =	vst v12;
	v12 =	vmul.f32 v2, v16  }
0x265: {  	v34 =	vmul.f32 v7, v15;
	[tilespmem:s9+$0x18180] =	vst v24;
	v24 =	vmul.f32 v8, v15  }
0x266: {  	v35 =	vmul.f32 v4, v15;
	[tilespmem:s9+$0x18200] =	vst v29;
	v29 =	vmul.f32 v5, v15  }
0x267: {  	v36 =	vmul.f32 v22, v15;
	[tilespmem:s9+$0x18280] =	vst v30;
	v30 =	vmul.f32 v2, v15  }
0x268: {  	v37 =	vmul.f32 v7, v14;
	[tilespmem:s9+$0x18300] =	vst v31;
	v31 =	vmul.f32 v8, v14  }
0x269: {  	v38 =	vmul.f32 v5, v14;
	v39 =	vmul.f32 v4, v14;
	[tilespmem:s9+$0x18380] =	vst v17  }
0x26a: {  	v40 =	vmul.f32 v2, v14;
	v41 =	vmul.f32 v22, v14;
	[tilespmem:s9+$0x18400] =	vst v20  }
0x26b: {  	v42 =	vmul.f32 v8, v23;
	[tilespmem:s9+$0x18480] =	vst v26;
	v26 =	vmul.f32 v6, v23  }
0x26c: {  	v43 =	vmul.f32 v7, v23;
	v44 =	vmul.f32 v5, v23;
	[tilespmem:s9+$0x18500] =	vst v18  }
0x26d: {  	v45 =	vmul.f32 v4, v23;
	v20 =	vmul.f32 v2, v23;
	[tilespmem:s9+$0x18580] =	vst v21  }
0x26e: {  	v18 =	vmul.f32 v11, v23;
	v21 =	vmul.f32 v22, v23;
	[tilespmem:s9+$0x18600] =	vst v19  }
0x26f: {  	v19 =	vmul.f32 v6, v9;
	v6 =	vmul.f32 v8, v9;
	[tilespmem:s9+$0x18680] =	vst v32  }
0x270: {  	v16 =	vmul.f32 v5, v9;
	v17 =	vmul.f32 v7, v9;
	[tilespmem:s9+$0x18700] =	vst v12  }
0x271: {  	v15 =	vmul.f32 v4, v9;
	v14 =	vmul.f32 v2, v9;
	[tilespmem:s9+$0x18780] =	vst v33  }
0x272: {  	v11 =	vmul.f32 v11, v9;
	v12 =	vmul.f32 v22, v9;
	[tilespmem:s9+$0x18800] =	vst v25  }
0x273: {  	v9 =	vmul.f32 v8, v3;
	v8 =	vmul.f32 v7, v3;
	[tilespmem:s9+$0x18880] =	vst v27  }
0x274: {  	v7 =	vmul.f32 v5, v3;
	v5 =	vmul.f32 v4, v3;
	[tilespmem:s9+$0x18900] =	vst v24  }
0x275: {  	v4 =	vmul.f32 v2, v3;
	v2 =	vmul.f32 v22, v3;
	[tilespmem:s9+$0x18980] =	vst v34  }
0x276: {  	[tilespmem:s9+$0x18A00] =	vst v29  }
0x277: {  	[tilespmem:s9+$0x18A80] =	vst v35  }
0x278: {  	[tilespmem:s9+$0x18B00] =	vst v30  }
0x279: {  	[tilespmem:s9+$0x18B80] =	vst v36  }
0x27a: {  	[tilespmem:s9+$0x18C00] =	vst v28  }
0x27b: {  	[tilespmem:s9+$0x18C80] =	vst v10  }
0x27c: {  	[tilespmem:s9+$0x18D00] =	vst v31  }
0x27d: {  	[tilespmem:s9+$0x18D80] =	vst v37  }
0x27e: {  	[tilespmem:s9+$0x18E00] =	vst v38  }
0x27f: {  	[tilespmem:s9+$0x18E80] =	vst v39  }
0x280: {  	[tilespmem:s9+$0x18F00] =	vst v40  }
0x281: {  	s10 =	sshra.s32 s11, $0x2;
	[tilespmem:s9+$0x18F80] =	vst v41  }
0x282: {  	v10 =	vld [tilespmem:s10+$0x13980];
	[tilespmem:s9+$0x19000] =	vst v13  }
.Ltmp4:
0x283: {  	v3 =	vld [tilespmem:s10+$0x13B80];
	[tilespmem:s9+$0x19080] =	vst v26;
	(pc) =	sbr.rel @p3 .LBB2_7-.Ltmp4, $4  }
0x284: {  	[tilespmem:s9+$0x19100] =	vst v42  }
0x285: {  	[tilespmem:s9+$0x19180] =	vst v43  }
0x286: {  	[tilespmem:s9+$0x19200] =	vst v44  }
0x287: {  	s11 =	sadd.s32 $0x40, s11;
	v10 =	vshll.u32 v10, $0x3;
	[tilespmem:s9+$0x19280] =	vst v45  }
0x288: {  	v13 =	vshll.u32 v3, $0x3;
	[tilespmem:s9+$0x19300] =	vst v20  }
0x289: {  	v20 =	vor.u32 $0x1, v10;
	[tilespmem:s9+$0x19380] =	vst v21  }
0x28a: {  	v21 =	vor.u32 $0x2, v10;
	[tilespmem:s9+$0x19400] =	vst v18  }
0x28b: {  	v18 =	vor.u32 $0x3, v10;
	[tilespmem:s9+$0x19480] =	vst v19  }
0x28c: {  	v3 =	vld.idx.msk [tilespmem:v10+s3+$0x0], $0xffff;
	v19 =	vor.u32 $0x4, v10;
	[tilespmem:s9+$0x19500] =	vst v6  }
0x28d: {  	v22 =	vor.u32 $0x7, v10;
	[tilespmem:s9+$0x19580] =	vst v17;
	v6 =	vld.idx.msk [tilespmem:v13+s3+$0x0], $0xffff  }
0x28e: {  	[tilespmem:s9+$0x19600] =	vst v16;
	v17 =	vld.idx.msk [tilespmem:v20+s3+$0x0], $0xffff;
	v20 =	vor.u32 $0x7, v13  }
0x28f: {  	[tilespmem:s9+$0x19680] =	vst v15;
	v16 =	vld.idx.msk [tilespmem:v21+s3+$0x0], $0xffff;
	v21 =	vor.u32 $0x5, v10  }
0x290: {  	[tilespmem:s9+$0x19700] =	vst v14;
	v15 =	vld.idx.msk [tilespmem:v18+s3+$0x0], $0xffff;
	v18 =	vor.u32 $0x6, v10  }
0x291: {  	[tilespmem:s9+$0x19780] =	vst v12;
	v12 =	vor.u32 $0x2, v13;
	v14 =	vld.idx.msk [tilespmem:v19+s3+$0x0], $0xffff  }
0x292: {  	[tilespmem:s9+$0x19800] =	vst v11;
	v19 =	vor.u32 $0x1, v13;
	v10 =	vld.idx.msk [tilespmem:v22+s3+$0x0], $0xffff  }
0x293: {  	[tilespmem:s9+$0x19880] =	vst v1;
	v11 =	vor.u32 $0x3, v13;
	v20 =	vld.idx.msk [tilespmem:v20+s3+$0x0], $0xffff  }
0x294: {  	[tilespmem:s9+$0x19900] =	vst v9;
	v1 =	vld.idx.msk [tilespmem:v21+s3+$0x0], $0xffff;
	v21 =	vor.u32 $0x4, v13  }
0x295: {  	[tilespmem:s9+$0x19980] =	vst v8;
	v9 =	vld.idx.msk [tilespmem:v18+s3+$0x0], $0xffff;
	v18 =	vor.u32 $0x5, v13  }
0x296: {  	[tilespmem:s9+$0x19A00] =	vst v7;
	v7 =	vld.idx.msk [tilespmem:v12+s3+$0x0], $0xffff;
	v13 =	vor.u32 $0x6, v13  }
0x297: {  	[tilespmem:s9+$0x19A80] =	vst v5;
	v8 =	vld.idx.msk [tilespmem:v19+s3+$0x0], $0xffff  }
0x298: {  	[tilespmem:s9+$0x19B00] =	vst v4;
	v5 =	vld.idx.msk [tilespmem:v11+s3+$0x0], $0xffff  }
0x299: {  	[tilespmem:s9+$0x19B80] =	vst v2;
	v4 =	vld.idx.msk [tilespmem:v21+s3+$0x0], $0xffff;
	v11 =	vmul.f32 v20, v10  }
0x29a: {  	[tilespmem:s9+$0x17C80] =	vst v0;
	v2 =	vld.idx.msk [tilespmem:v18+s3+$0x0], $0xffff;
	v12 =	vmul.f32 v20, v3  }
0x29b: {  	v0 =	vld.idx.msk [tilespmem:v13+s3+$0x0], $0xffff;
	v13 =	vmul.f32 v6, v17;
	[tilespmem:s10+$0x19C00] =	vst v11  }
0x29c: {  	v11 =	vmul.f32 v8, v3;
	[tilespmem:s10+$0x18000] =	vst v12  }
0x29d: {  	v12 =	vmul.f32 v7, v3;
	[tilespmem:s10+$0x18080] =	vst v13  }
0x29e: {  	v13 =	vmul.f32 v8, v17;
	[tilespmem:s10+$0x17D00] =	vst v11  }
0x29f: {  	v11 =	vmul.f32 v5, v3;
	[tilespmem:s10+$0x17D80] =	vst v12  }
0x2a0: {  	[tilespmem:s10+$0x18100] =	vst v13;
	v12 =	vmul.f32 v4, v3  }
0x2a1: {  	v13 =	vmul.f32 v4, v17;
	[tilespmem:s10+$0x17E00] =	vst v11  }
0x2a2: {  	v11 =	vmul.f32 v2, v3;
	[tilespmem:s10+$0x17E80] =	vst v12  }
0x2a3: {  	v12 =	vmul.f32 v0, v3;
	[tilespmem:s10+$0x18280] =	vst v13  }
0x2a4: {  	v13 =	vmul.f32 v20, v17;
	[tilespmem:s10+$0x17F00] =	vst v11  }
0x2a5: {  	v11 =	vmul.f32 v7, v17;
	[tilespmem:s10+$0x17F80] =	vst v12  }
0x2a6: {  	v12 =	vmul.f32 v5, v17;
	[tilespmem:s10+$0x18400] =	vst v13  }
0x2a7: {  	v13 =	vmul.f32 v7, v16;
	[tilespmem:s10+$0x18180] =	vst v11  }
0x2a8: {  	v11 =	vmul.f32 v2, v17;
	[tilespmem:s10+$0x18200] =	vst v12  }
0x2a9: {  	v12 =	vmul.f32 v0, v17;
	[tilespmem:s10+$0x18580] =	vst v13  }
0x2aa: {  	v13 =	vmul.f32 v2, v16;
	[tilespmem:s10+$0x18300] =	vst v11  }
0x2ab: {  	v11 =	vmul.f32 v6, v16;
	[tilespmem:s10+$0x18380] =	vst v12  }
0x2ac: {  	v12 =	vmul.f32 v8, v16;
	[tilespmem:s10+$0x18700] =	vst v13  }
0x2ad: {  	v13 =	vmul.f32 v6, v15;
	[tilespmem:s10+$0x18480] =	vst v11  }
0x2ae: {  	v11 =	vmul.f32 v5, v16;
	[tilespmem:s10+$0x18500] =	vst v12  }
0x2af: {  	v12 =	vmul.f32 v4, v16;
	[tilespmem:s10+$0x18880] =	vst v13  }
0x2b0: {  	v13 =	vmul.f32 v5, v15;
	[tilespmem:s10+$0x18600] =	vst v11  }
0x2b1: {  	v11 =	vmul.f32 v0, v16;
	[tilespmem:s10+$0x18680] =	vst v12  }
0x2b2: {  	v12 =	vmul.f32 v20, v16;
	[tilespmem:s10+$0x18A00] =	vst v13  }
0x2b3: {  	v13 =	vmul.f32 v0, v15;
	[tilespmem:s10+$0x18780] =	vst v11  }
0x2b4: {  	v11 =	vmul.f32 v8, v15;
	[tilespmem:s10+$0x18800] =	vst v12  }
0x2b5: {  	v12 =	vmul.f32 v7, v15;
	[tilespmem:s10+$0x18B80] =	vst v13  }
0x2b6: {  	v13 =	vmul.f32 v8, v14;
	[tilespmem:s10+$0x18900] =	vst v11  }
0x2b7: {  	v11 =	vmul.f32 v4, v15;
	[tilespmem:s10+$0x18980] =	vst v12  }
0x2b8: {  	v12 =	vmul.f32 v2, v15;
	[tilespmem:s10+$0x18D00] =	vst v13  }
0x2b9: {  	v13 =	vmul.f32 v4, v14;
	[tilespmem:s10+$0x18A80] =	vst v11  }
0x2ba: {  	v11 =	vmul.f32 v20, v15;
	[tilespmem:s10+$0x18B00] =	vst v12  }
0x2bb: {  	v12 =	vmul.f32 v6, v14;
	[tilespmem:s10+$0x18E80] =	vst v13  }
0x2bc: {  	v13 =	vmul.f32 v20, v14;
	[tilespmem:s10+$0x18C00] =	vst v11  }
0x2bd: {  	v11 =	vmul.f32 v7, v14;
	[tilespmem:s10+$0x18C80] =	vst v12  }
0x2be: {  	v12 =	vmul.f32 v5, v14;
	[tilespmem:s10+$0x19000] =	vst v13  }
0x2bf: {  	v13 =	vmul.f32 v7, v1;
	[tilespmem:s10+$0x18D80] =	vst v11  }
0x2c0: {  	v11 =	vmul.f32 v2, v14;
	[tilespmem:s10+$0x18E00] =	vst v12  }
0x2c1: {  	v12 =	vmul.f32 v0, v14;
	[tilespmem:s10+$0x19180] =	vst v13  }
0x2c2: {  	v13 =	vmul.f32 v2, v1;
	[tilespmem:s10+$0x18F00] =	vst v11  }
0x2c3: {  	v11 =	vmul.f32 v6, v1;
	[tilespmem:s10+$0x18F80] =	vst v12  }
0x2c4: {  	v12 =	vmul.f32 v8, v1;
	[tilespmem:s10+$0x19300] =	vst v13  }
0x2c5: {  	[tilespmem:s10+$0x19080] =	vst v11;
	v11 =	vmul.f32 v5, v1  }
0x2c6: {  	[tilespmem:s10+$0x19100] =	vst v12;
	v12 =	vmul.f32 v4, v1  }
0x2c7: {  	[tilespmem:s10+$0x19200] =	vst v11;
	v11 =	vmul.f32 v0, v1  }
0x2c8: {  	v1 =	vmul.f32 v20, v1;
	[tilespmem:s10+$0x19280] =	vst v12  }
0x2c9: {  	v12 =	vmul.f32 v6, v9;
	[tilespmem:s10+$0x19380] =	vst v11  }
0x2ca: {  	v11 =	vmul.f32 v8, v9;
	[tilespmem:s10+$0x19400] =	vst v1  }
0x2cb: {  	v1 =	vmul.f32 v7, v9;
	[tilespmem:s10+$0x19480] =	vst v12  }
0x2cc: {  	v8 =	vmul.f32 v8, v10;
	[tilespmem:s10+$0x19500] =	vst v11  }
0x2cd: {  	v7 =	vmul.f32 v7, v10;
	[tilespmem:s10+$0x19580] =	vst v1  }
0x2ce: {  	v12 =	vmul.f32 v5, v9;
	[tilespmem:s10+$0x19900] =	vst v8  }
0x2cf: {  	v11 =	vmul.f32 v4, v9;
	[tilespmem:s10+$0x19980] =	vst v7  }
0x2d0: {  	v1 =	vmul.f32 v2, v9;
	[tilespmem:s10+$0x19600] =	vst v12  }
0x2d1: {  	v4 =	vmul.f32 v4, v10;
	[tilespmem:s10+$0x19680] =	vst v11  }
0x2d2: {  	v2 =	vmul.f32 v2, v10;
	[tilespmem:s10+$0x19700] =	vst v1  }
0x2d3: {  	v12 =	vmul.f32 v0, v9;
	[tilespmem:s10+$0x19A80] =	vst v4  }
0x2d4: {  	v1 =	vmul.f32 v6, v10;
	[tilespmem:s10+$0x19B00] =	vst v2  }
0x2d5: {  	v9 =	vmul.f32 v20, v9;
	[tilespmem:s10+$0x19780] =	vst v12  }
0x2d6: {  	[tilespmem:s10+$0x19880] =	vst v1;
	v1 =	vmul.f32 v5, v10  }
0x2d7: {  	v0 =	vmul.f32 v0, v10;
	[tilespmem:s10+$0x19800] =	vst v9  }
0x2d8: {  	[tilespmem:s10+$0x19A00] =	vst v1;
	v1 =	vmul.f32 v6, v3  }
0x2d9: {  	s9 =	sadd.s32 @!p2 s17, s24;
	[tilespmem:s10+$0x19B80] =	vst v0  }
0x2da: {  	s12 =	sadd.s32 $0x2000, s7;
	s9 =	sshll.u32 @!p2 s9, $0x4;
	[tilespmem:s10+$0x17C80] =	vst v1  }
0x2db: {  	[hbm4b:s12+s31] =	stream.strided.scatter [tilespmem:s28], [sflag:$0x7], $0x2000, s0, s31, $0x38;
	[tilespmem:$0x1BC80] =	vst v63  }
0x2dc: {  	s11 =	simm.s32 @!p2 $0x0;
	s10 =	sadd.s32 @!p2 s5, s9;
	s12 =	simm.s32 @!p2 $0x13980  }
0x2dd: {  	[tilespmem:s12], [sflag:$0x3] =	stream.linear.gather @!p2 [hbm4b:s10+s11], $0x80, $0x38;
	[tilespmem:$0x1BC80] =	vst v63  }
0x2de: {  	s9 =	sadd.s32 @!p2 s9, s20;
	s10 =	simm.s32 @!p2 $0x13B80  }
0x2df: {  	[tilespmem:s10], [sflag:$0x3] =	stream.linear.gather @!p2 [hbm4b:s9+s11], $0x80, $0x38;
	[tilespmem:$0x1BC80] =	vst v63  }
0x2e0: {  	_ =	swait.ge [sflag:s6], $0x80  }
0x2e1: {  	[sflag:s6] =	ssyncset.done $0x0  }
0x2e2: {  	[sflag:s6] =	ssyncadd.s32 $0xFFFFFF80  }
0x2e3: {  	_ =	swait.ge [sflag:s6], $0x80  }
0x2e4: {  	[sflag:s6] =	ssyncset.done $0x0  }
0x2e5: {  	s9 =	simm.s32 @!p1 $0x8;
	[sflag:s6] =	ssyncadd.s32 $0xFFFFFF80  }
0x2e6: {  	_ =	swait.ge @!p1 [sflag:s9], $0x2000  }
0x2e7: {  	[sflag:s9] =	ssyncset.done @!p1 $0x0  }
0x2e8: {  	[sflag:s9] =	ssyncadd.s32 @!p1 $0xFFFFE000;
	s9 =	simm.s32 $0x0  }
0x2e9: {  	v0 =	vld [tilespmem:s9+$0x13A00]  }
0x2ea: {  	v1 =	vld [tilespmem:s9+$0x13C00];
	_ =	sdelay $0x3  }
0x2eb: {  	v0 =	vshll.u32 v0, $0x3  }
0x2ec: {  	v1 =	vshll.u32 v1, $0x3  }
0x2ed: {  	v2 =	vor.u32 $0x1, v0  }
0x2ee: {  	v3 =	vor.u32 $0x2, v0  }
0x2ef: {  	v6 =	vor.u32 $0x4, v0  }
0x2f0: {  	v7 =	vor.u32 $0x7, v0;
	v5 =	vld.idx.msk [tilespmem:v0+s3+$0x0], $0xffff  }
0x2f1: {  	v9 =	vor.u32 $0x7, v1;
	v8 =	vld.idx.msk [tilespmem:v1+s3+$0x0], $0xffff  }
0x2f2: {  	v10 =	vor.u32 $0x5, v0;
	v2 =	vld.idx.msk [tilespmem:v2+s3+$0x0], $0xffff  }
0x2f3: {  	v14 =	vor.u32 $0x4, v1;
	v3 =	vld.idx.msk [tilespmem:v3+s3+$0x0], $0xffff  }
0x2f4: {  	v4 =	vor.u32 $0x3, v0;
	v0 =	vor.u32 $0x6, v0;
	v6 =	vld.idx.msk [tilespmem:v6+s3+$0x0], $0xffff  }
0x2f5: {  	v11 =	vor.u32 $0x1, v1;
	v13 =	vld.idx.msk [tilespmem:v7+s3+$0x0], $0xffff  }
0x2f6: {  	v12 =	vor.u32 $0x3, v1;
	v9 =	vld.idx.msk [tilespmem:v9+s3+$0x0], $0xffff  }
0x2f7: {  	v10 =	vld.idx.msk [tilespmem:v10+s3+$0x0], $0xffff  }
0x2f8: {  	v7 =	vor.u32 $0x2, v1;
	v25 =	vld.idx.msk [tilespmem:v14+s3+$0x0], $0xffff  }
0x2f9: {  	v22 =	vld.idx.msk [tilespmem:v0+s3+$0x0], $0xffff;
	v0 =	vor.u32 $0x5, v1  }
0x2fa: {  	v23 =	vld.idx.msk [tilespmem:v11+s3+$0x0], $0xffff;
	v1 =	vor.u32 $0x6, v1  }
0x2fb: {  	v24 =	vld.idx.msk [tilespmem:v12+s3+$0x0], $0xffff  }
0x2fc: {  	v4 =	vld.idx.msk [tilespmem:v4+s3+$0x0], $0xffff  }
0x2fd: {  	v7 =	vld.idx.msk [tilespmem:v7+s3+$0x0], $0xffff;
	v11 =	vmul.f32 v9, v13  }
0x2fe: {  	v12 =	vmul.f32 v25, v6;
	v26 =	vld.idx.msk [tilespmem:v0+s3+$0x0], $0xffff  }
0x2ff: {  	v28 =	vmul.f32 v23, v10;
	v27 =	vld.idx.msk [tilespmem:v1+s3+$0x0], $0xffff;
	[tilespmem:s9+$0x1BC00] =	vst v11  }
0x300: {  	v30 =	vmul.f32 v24, v10;
	[tilespmem:s9+$0x1AE80] =	vst v12  }
0x301: {  	v31 =	vmul.f32 v25, v10;
	[tilespmem:s9+$0x1B100] =	vst v28  }
0x302: {  	v0 =	vmul.f32 v9, v5;
	[tilespmem:s9+$0x1B200] =	vst v30  }
0x303: {  	v1 =	vmul.f32 v8, v2;
	[tilespmem:s9+$0x1B280] =	vst v31  }
0x304: {  	v11 =	vmul.f32 v23, v5;
	[tilespmem:s9+$0x1A000] =	vst v0  }
0x305: {  	v29 =	vmul.f32 v7, v10;
	[tilespmem:s9+$0x1A080] =	vst v1  }
0x306: {  	v0 =	vmul.f32 v7, v5;
	[tilespmem:s9+$0x19D00] =	vst v11  }
0x307: {  	v1 =	vmul.f32 v24, v5;
	[tilespmem:s9+$0x1B180] =	vst v29  }
0x308: {  	v11 =	vmul.f32 v23, v2;
	[tilespmem:s9+$0x19D80] =	vst v0  }
0x309: {  	v0 =	vmul.f32 v25, v5;
	[tilespmem:s9+$0x19E00] =	vst v1  }
0x30a: {  	[tilespmem:s9+$0x1A100] =	vst v11;
	v11 =	vmul.f32 v25, v2  }
0x30b: {  	v1 =	vmul.f32 v26, v5;
	[tilespmem:s9+$0x19E80] =	vst v0  }
0x30c: {  	v14 =	vmul.f32 v27, v6;
	[tilespmem:s9+$0x1A280] =	vst v11  }
0x30d: {  	v0 =	vmul.f32 v27, v5;
	[tilespmem:s9+$0x19F00] =	vst v1  }
0x30e: {  	v11 =	vmul.f32 v7, v6;
	[tilespmem:s9+$0x1AF80] =	vst v14  }
0x30f: {  	v1 =	vmul.f32 v7, v2;
	[tilespmem:s9+$0x19F80] =	vst v0  }
0x310: {  	v0 =	vmul.f32 v24, v2;
	[tilespmem:s9+$0x1AD80] =	vst v11  }
0x311: {  	[tilespmem:s9+$0x1A180] =	vst v1;
	v1 =	vmul.f32 v26, v2  }
0x312: {  	[tilespmem:s9+$0x1A200] =	vst v0;
	v0 =	vmul.f32 v27, v2  }
0x313: {  	v2 =	vmul.f32 v9, v2;
	[tilespmem:s9+$0x1A300] =	vst v1  }
0x314: {  	v1 =	vmul.f32 v8, v3;
	[tilespmem:s9+$0x1A380] =	vst v0  }
0x315: {  	v0 =	vmul.f32 v23, v3;
	[tilespmem:s9+$0x1A400] =	vst v2  }
0x316: {  	v2 =	vmul.f32 v7, v3;
	[tilespmem:s9+$0x1A480] =	vst v1  }
0x317: {  	v1 =	vmul.f32 v24, v3;
	[tilespmem:s9+$0x1A500] =	vst v0  }
0x318: {  	v0 =	vmul.f32 v25, v3;
	[tilespmem:s9+$0x1A580] =	vst v2  }
0x319: {  	v2 =	vmul.f32 v26, v3;
	[tilespmem:s9+$0x1A600] =	vst v1  }
0x31a: {  	v1 =	vmul.f32 v27, v3;
	[tilespmem:s9+$0x1A680] =	vst v0  }
0x31b: {  	v18 =	vmul.f32 v9, v10;
	v0 =	vmul.f32 v9, v3;
	[tilespmem:s9+$0x1A700] =	vst v2  }
0x31c: {  	v19 =	vmul.f32 v8, v22;
	v2 =	vmul.f32 v8, v4;
	[tilespmem:s9+$0x1A780] =	vst v1  }
0x31d: {  	v16 =	vmul.f32 v24, v22;
	v3 =	vmul.f32 v26, v4;
	[tilespmem:s9+$0x1A800] =	vst v0  }
0x31e: {  	v15 =	vmul.f32 v25, v22;
	v1 =	vmul.f32 v23, v4;
	[tilespmem:s9+$0x1A880] =	vst v2  }
0x31f: {  	v17 =	vmul.f32 v7, v22;
	v0 =	vmul.f32 v7, v4;
	[tilespmem:s9+$0x1AB00] =	vst v3  }
0x320: {  	v20 =	vmul.f32 v26, v10;
	v2 =	vmul.f32 v24, v4;
	[tilespmem:s9+$0x1A900] =	vst v1  }
0x321: {  	v21 =	vmul.f32 v27, v10;
	v3 =	vmul.f32 v9, v6;
	[tilespmem:s9+$0x1A980] =	vst v0  }
0x322: {  	v12 =	vmul.f32 v27, v22;
	[tilespmem:s9+$0x1AA00] =	vst v2;
	v2 =	vmul.f32 v27, v4  }
0x323: {  	v14 =	vmul.f32 v26, v22;
	v1 =	vmul.f32 v25, v4;
	[tilespmem:s9+$0x1B000] =	vst v3  }
0x324: {  	v11 =	vmul.f32 v9, v22;
	[tilespmem:s9+$0x1AB80] =	vst v2;
	v2 =	vmul.f32 v23, v6  }
0x325: {  	s10 =	simm.s32 $0x10;
	v0 =	vmul.f32 v8, v5;
	v4 =	vmul.f32 v9, v4;
	[tilespmem:s9+$0x1AA80] =	vst v1  }
0x326: {  	v5 =	vmul.f32 v8, v6;
	[tilespmem:s9+$0x1AD00] =	vst v2;
	v2 =	vmul.f32 v8, v10;
	v10 =	vld [tilespmem:s10+$0x13A00]  }
0x327: {  	v9 =	vmul.f32 v23, v13;
	v3 =	vld [tilespmem:s10+$0x13C00];
	[tilespmem:s9+$0x1AC00] =	vst v4;
	v4 =	vmul.f32 v24, v6  }
0x328: {  	v1 =	vmul.f32 v8, v13;
	[tilespmem:s9+$0x1AC80] =	vst v5;
	v5 =	vmul.f32 v26, v6  }
0x329: {  	v6 =	vmul.f32 v23, v22;
	[tilespmem:s9+$0x1AE00] =	vst v4;
	v8 =	vmul.f32 v7, v13  }
0x32a: {  	[tilespmem:s9+$0x1AF00] =	vst v5;
	v7 =	vmul.f32 v24, v13;
	v5 =	vmul.f32 v25, v13  }
0x32b: {  	s11 =	simm.s32 $0x80;
	v4 =	vmul.f32 v26, v13;
	[tilespmem:s9+$0x1B080] =	vst v2;
	v2 =	vmul.f32 v27, v13;
	v10 =	vshll.u32 v10, $0x3  }
.LBB2_9:
0x32c: {  	p1 =	sne.s32 s11, $0x1C0;
	v13 =	vshll.u32 v3, $0x3;
	[tilespmem:s9+$0x1B300] =	vst v20  }
0x32d: {  	v3 =	vor.u32 $0x1, v10;
	[tilespmem:s9+$0x1B380] =	vst v21  }
0x32e: {  	v20 =	vor.u32 $0x2, v10;
	[tilespmem:s9+$0x1B400] =	vst v18  }
0x32f: {  	v18 =	vor.u32 $0x3, v10;
	[tilespmem:s9+$0x1B480] =	vst v19  }
0x330: {  	v21 =	vor.u32 $0x4, v10;
	v19 =	vld.idx.msk [tilespmem:v10+s3+$0x0], $0xffff;
	[tilespmem:s9+$0x1B500] =	vst v6  }
0x331: {  	v22 =	vor.u32 $0x7, v10;
	v6 =	vld.idx.msk [tilespmem:v13+s3+$0x0], $0xffff;
	[tilespmem:s9+$0x1B580] =	vst v17  }
0x332: {  	v23 =	vor.u32 $0x7, v13;
	v17 =	vld.idx.msk [tilespmem:v3+s3+$0x0], $0xffff;
	[tilespmem:s9+$0x1B600] =	vst v16  }
0x333: {  	v16 =	vld.idx.msk [tilespmem:v20+s3+$0x0], $0xffff;
	v20 =	vor.u32 $0x5, v10;
	[tilespmem:s9+$0x1B680] =	vst v15  }
0x334: {  	v10 =	vor.u32 $0x6, v10;
	v15 =	vld.idx.msk [tilespmem:v18+s3+$0x0], $0xffff;
	[tilespmem:s9+$0x1B700] =	vst v14  }
0x335: {  	v18 =	vor.u32 $0x1, v13;
	v14 =	vld.idx.msk [tilespmem:v21+s3+$0x0], $0xffff;
	[tilespmem:s9+$0x1B780] =	vst v12  }
0x336: {  	v12 =	vor.u32 $0x2, v13;
	v3 =	vld.idx.msk [tilespmem:v22+s3+$0x0], $0xffff;
	[tilespmem:s9+$0x1B800] =	vst v11  }
0x337: {  	v21 =	vor.u32 $0x3, v13;
	v22 =	vmul.f32 v6, v19;
	v11 =	vld.idx.msk [tilespmem:v23+s3+$0x0], $0xffff;
	[tilespmem:s9+$0x1B880] =	vst v1  }
0x338: {  	v24 =	vmul.f32 v6, v17;
	v23 =	vld.idx.msk [tilespmem:v20+s3+$0x0], $0xffff;
	v20 =	vor.u32 $0x4, v13;
	[tilespmem:s9+$0x1B900] =	vst v9  }
0x339: {  	v25 =	vor.u32 $0x5, v13;
	v26 =	vmul.f32 v6, v16;
	v9 =	vld.idx.msk [tilespmem:v10+s3+$0x0], $0xffff;
	[tilespmem:s9+$0x1B980] =	vst v8  }
0x33a: {  	v13 =	vor.u32 $0x6, v13;
	v27 =	vmul.f32 v6, v15;
	v8 =	vld.idx.msk [tilespmem:v18+s3+$0x0], $0xffff;
	[tilespmem:s9+$0x1BA00] =	vst v7  }
0x33b: {  	v10 =	vmul.f32 v6, v14;
	v7 =	vld.idx.msk [tilespmem:v12+s3+$0x0], $0xffff;
	[tilespmem:s9+$0x1BA80] =	vst v5  }
0x33c: {  	v1 =	vmul.f32 v6, v3;
	v5 =	vld.idx.msk [tilespmem:v21+s3+$0x0], $0xffff;
	[tilespmem:s9+$0x1BB00] =	vst v4  }
0x33d: {  	v12 =	vmul.f32 v11, v19;
	v18 =	vmul.f32 v11, v3;
	v4 =	vld.idx.msk [tilespmem:v20+s3+$0x0], $0xffff;
	[tilespmem:s9+$0x1BB80] =	vst v2  }
0x33e: {  	v20 =	vmul.f32 v11, v17;
	v2 =	vld.idx.msk [tilespmem:v25+s3+$0x0], $0xffff;
	v25 =	vmul.f32 v11, v16;
	[tilespmem:s9+$0x19C80] =	vst v0;
	v0 =	vmov v22;
	s9 =	smov.u32 s10  }
0x33f: {  	v28 =	vmul.f32 v11, v15;
	v22 =	vld.idx.msk [tilespmem:v13+s3+$0x0], $0xffff;
	v13 =	vmul.f32 v11, v14;
	[tilespmem:s9+$0x1BC00] =	vst v18  }
0x340: {  	v18 =	vmul.f32 v8, v19;
	[tilespmem:s9+$0x1A000] =	vst v12;
	v12 =	vmul.f32 v8, v17  }
0x341: {  	v21 =	vmul.f32 v7, v19;
	[tilespmem:s9+$0x1A080] =	vst v24;
	v24 =	vmul.f32 v7, v17  }
0x342: {  	v29 =	vmul.f32 v5, v17;
	[tilespmem:s9+$0x19D00] =	vst v18;
	v18 =	vmul.f32 v5, v19  }
0x343: {  	v30 =	vmul.f32 v4, v17;
	[tilespmem:s9+$0x19D80] =	vst v21;
	v21 =	vmul.f32 v4, v19  }
0x344: {  	v31 =	vmul.f32 v2, v17;
	[tilespmem:s9+$0x19E00] =	vst v18;
	v18 =	vmul.f32 v2, v19  }
0x345: {  	v19 =	vmul.f32 v22, v19;
	v17 =	vmul.f32 v22, v17;
	[tilespmem:s9+$0x19E80] =	vst v21  }
0x346: {  	v21 =	vmul.f32 v7, v16;
	[tilespmem:s9+$0x19F00] =	vst v18;
	v18 =	vmul.f32 v8, v16  }
0x347: {  	v32 =	vmul.f32 v4, v16;
	[tilespmem:s9+$0x19F80] =	vst v19;
	v19 =	vmul.f32 v5, v16  }
0x348: {  	v33 =	vmul.f32 v22, v16;
	[tilespmem:s9+$0x1A100] =	vst v12;
	v12 =	vmul.f32 v2, v16  }
0x349: {  	v34 =	vmul.f32 v7, v15;
	[tilespmem:s9+$0x1A180] =	vst v24;
	v24 =	vmul.f32 v8, v15  }
0x34a: {  	v35 =	vmul.f32 v4, v15;
	[tilespmem:s9+$0x1A200] =	vst v29;
	v29 =	vmul.f32 v5, v15  }
0x34b: {  	v36 =	vmul.f32 v22, v15;
	[tilespmem:s9+$0x1A280] =	vst v30;
	v30 =	vmul.f32 v2, v15  }
0x34c: {  	v37 =	vmul.f32 v7, v14;
	[tilespmem:s9+$0x1A300] =	vst v31;
	v31 =	vmul.f32 v8, v14  }
0x34d: {  	v38 =	vmul.f32 v5, v14;
	v39 =	vmul.f32 v4, v14;
	[tilespmem:s9+$0x1A380] =	vst v17  }
0x34e: {  	v40 =	vmul.f32 v2, v14;
	v41 =	vmul.f32 v22, v14;
	[tilespmem:s9+$0x1A400] =	vst v20  }
0x34f: {  	v42 =	vmul.f32 v8, v23;
	[tilespmem:s9+$0x1A480] =	vst v26;
	v26 =	vmul.f32 v6, v23  }
0x350: {  	v43 =	vmul.f32 v7, v23;
	v44 =	vmul.f32 v5, v23;
	[tilespmem:s9+$0x1A500] =	vst v18  }
0x351: {  	v45 =	vmul.f32 v4, v23;
	v20 =	vmul.f32 v2, v23;
	[tilespmem:s9+$0x1A580] =	vst v21  }
0x352: {  	v18 =	vmul.f32 v11, v23;
	v21 =	vmul.f32 v22, v23;
	[tilespmem:s9+$0x1A600] =	vst v19  }
0x353: {  	v19 =	vmul.f32 v6, v9;
	v6 =	vmul.f32 v8, v9;
	[tilespmem:s9+$0x1A680] =	vst v32  }
0x354: {  	v16 =	vmul.f32 v5, v9;
	v17 =	vmul.f32 v7, v9;
	[tilespmem:s9+$0x1A700] =	vst v12  }
0x355: {  	v15 =	vmul.f32 v4, v9;
	v14 =	vmul.f32 v2, v9;
	[tilespmem:s9+$0x1A780] =	vst v33  }
0x356: {  	v11 =	vmul.f32 v11, v9;
	v12 =	vmul.f32 v22, v9;
	[tilespmem:s9+$0x1A800] =	vst v25  }
0x357: {  	v9 =	vmul.f32 v8, v3;
	v8 =	vmul.f32 v7, v3;
	[tilespmem:s9+$0x1A880] =	vst v27  }
0x358: {  	v7 =	vmul.f32 v5, v3;
	v5 =	vmul.f32 v4, v3;
	[tilespmem:s9+$0x1A900] =	vst v24  }
0x359: {  	v4 =	vmul.f32 v2, v3;
	v2 =	vmul.f32 v22, v3;
	[tilespmem:s9+$0x1A980] =	vst v34  }
0x35a: {  	[tilespmem:s9+$0x1AA00] =	vst v29  }
0x35b: {  	[tilespmem:s9+$0x1AA80] =	vst v35  }
0x35c: {  	[tilespmem:s9+$0x1AB00] =	vst v30  }
0x35d: {  	[tilespmem:s9+$0x1AB80] =	vst v36  }
0x35e: {  	[tilespmem:s9+$0x1AC00] =	vst v28  }
0x35f: {  	[tilespmem:s9+$0x1AC80] =	vst v10  }
0x360: {  	[tilespmem:s9+$0x1AD00] =	vst v31  }
0x361: {  	[tilespmem:s9+$0x1AD80] =	vst v37  }
0x362: {  	[tilespmem:s9+$0x1AE00] =	vst v38  }
0x363: {  	[tilespmem:s9+$0x1AE80] =	vst v39  }
0x364: {  	[tilespmem:s9+$0x1AF00] =	vst v40  }
0x365: {  	s10 =	sshra.s32 s11, $0x2;
	[tilespmem:s9+$0x1AF80] =	vst v41  }
0x366: {  	v10 =	vld [tilespmem:s10+$0x13A00];
	[tilespmem:s9+$0x1B000] =	vst v13  }
.Ltmp5:
0x367: {  	v3 =	vld [tilespmem:s10+$0x13C00];
	[tilespmem:s9+$0x1B080] =	vst v26;
	(pc) =	sbr.rel @p1 .LBB2_9-.Ltmp5, $4  }
0x368: {  	[tilespmem:s9+$0x1B100] =	vst v42  }
0x369: {  	[tilespmem:s9+$0x1B180] =	vst v43  }
0x36a: {  	[tilespmem:s9+$0x1B200] =	vst v44  }
0x36b: {  	s11 =	sadd.s32 $0x40, s11;
	v10 =	vshll.u32 v10, $0x3;
	[tilespmem:s9+$0x1B280] =	vst v45  }
0x36c: {  	v13 =	vshll.u32 v3, $0x3;
	[tilespmem:s9+$0x1B300] =	vst v20  }
0x36d: {  	v36 =	vor.u32 $0x1, v10;
	[tilespmem:s9+$0x1B380] =	vst v21  }
0x36e: {  	v37 =	vor.u32 $0x2, v10;
	[tilespmem:s9+$0x1B400] =	vst v18  }
0x36f: {  	v38 =	vor.u32 $0x3, v10;
	[tilespmem:s9+$0x1B480] =	vst v19  }
0x370: {  	v3 =	vld.idx.msk [tilespmem:v10+s3+$0x0], $0xffff;
	v39 =	vor.u32 $0x4, v10;
	[tilespmem:s9+$0x1B500] =	vst v6  }
0x371: {  	v22 =	vor.u32 $0x7, v10;
	[tilespmem:s9+$0x1B580] =	vst v17;
	v6 =	vld.idx.msk [tilespmem:v13+s3+$0x0], $0xffff  }
0x372: {  	[tilespmem:s9+$0x1B600] =	vst v16;
	v43 =	vor.u32 $0x5, v10;
	v40 =	vld.idx.msk [tilespmem:v36+s3+$0x0], $0xffff  }
0x373: {  	[tilespmem:s9+$0x1B680] =	vst v15;
	v45 =	vor.u32 $0x6, v10;
	v42 =	vld.idx.msk [tilespmem:v37+s3+$0x0], $0xffff  }
0x374: {  	[tilespmem:s9+$0x1B700] =	vst v14;
	v41 =	vor.u32 $0x7, v13;
	v44 =	vld.idx.msk [tilespmem:v38+s3+$0x0], $0xffff  }
0x375: {  	[tilespmem:s9+$0x1B780] =	vst v12;
	v47 =	vor.u32 $0x1, v13;
	v46 =	vld.idx.msk [tilespmem:v39+s3+$0x0], $0xffff  }
0x376: {  	[tilespmem:s9+$0x1B800] =	vst v11;
	v48 =	vor.u32 $0x2, v13;
	v10 =	vld.idx.msk [tilespmem:v22+s3+$0x0], $0xffff  }
0x377: {  	[tilespmem:s9+$0x1B880] =	vst v1;
	v49 =	vor.u32 $0x3, v13;
	v1 =	vld.idx.msk [tilespmem:v43+s3+$0x0], $0xffff  }
0x378: {  	[tilespmem:s9+$0x1B900] =	vst v9;
	v50 =	vor.u32 $0x4, v13;
	v9 =	vld.idx.msk [tilespmem:v45+s3+$0x0], $0xffff  }
0x379: {  	[tilespmem:s9+$0x1B980] =	vst v8;
	v51 =	vor.u32 $0x5, v13;
	v20 =	vld.idx.msk [tilespmem:v41+s3+$0x0], $0xffff  }
0x37a: {  	[tilespmem:s9+$0x1BA00] =	vst v7;
	v13 =	vor.u32 $0x6, v13;
	v8 =	vld.idx.msk [tilespmem:v47+s3+$0x0], $0xffff  }
0x37b: {  	[tilespmem:s9+$0x1BA80] =	vst v5;
	v7 =	vld.idx.msk [tilespmem:v48+s3+$0x0], $0xffff  }
0x37c: {  	[tilespmem:s9+$0x1BB00] =	vst v4;
	v5 =	vld.idx.msk [tilespmem:v49+s3+$0x0], $0xffff  }
0x37d: {  	[tilespmem:s9+$0x1BB80] =	vst v2;
	v4 =	vld.idx.msk [tilespmem:v50+s3+$0x0], $0xffff;
	v54 =	vmul.f32 v6, v40  }
0x37e: {  	[tilespmem:s9+$0x19C80] =	vst v0;
	v2 =	vld.idx.msk [tilespmem:v51+s3+$0x0], $0xffff;
	v23 =	vmul.f32 v6, v42  }
0x37f: {  	v0 =	vld.idx.msk [tilespmem:v13+s3+$0x0], $0xffff;
	v31 =	vmul.f32 v6, v44;
	[tilespmem:s10+$0x1A080] =	vst v54  }
0x380: {  	v39 =	vmul.f32 v6, v46;
	[tilespmem:s10+$0x1A480] =	vst v23  }
0x381: {  	v47 =	vmul.f32 v6, v1;
	[tilespmem:s10+$0x1A880] =	vst v31  }
0x382: {  	v52 =	vmul.f32 v20, v10;
	[tilespmem:s10+$0x1AC80] =	vst v39  }
0x383: {  	v53 =	vmul.f32 v20, v3;
	[tilespmem:s10+$0x1B080] =	vst v47  }
0x384: {  	v55 =	vmul.f32 v8, v3;
	[tilespmem:s10+$0x1BC00] =	vst v52  }
0x385: {  	v56 =	vmul.f32 v7, v3;
	[tilespmem:s10+$0x1A000] =	vst v53  }
0x386: {  	v57 =	vmul.f32 v5, v3;
	[tilespmem:s10+$0x19D00] =	vst v55  }
0x387: {  	v58 =	vmul.f32 v4, v3;
	[tilespmem:s10+$0x19D80] =	vst v56  }
0x388: {  	v59 =	vmul.f32 v2, v3;
	[tilespmem:s10+$0x19E00] =	vst v57  }
0x389: {  	v61 =	vmul.f32 v8, v40;
	[tilespmem:s10+$0x19E80] =	vst v58  }
0x38a: {  	v62 =	vmul.f32 v7, v40;
	[tilespmem:s10+$0x19F00] =	vst v59  }
0x38b: {  	v63 =	vmul.f32 v5, v40;
	[tilespmem:s10+$0x1A100] =	vst v61  }
0x38c: {  	v18 =	vmul.f32 v4, v40;
	[tilespmem:s10+$0x1A180] =	vst v62  }
0x38d: {  	v19 =	vmul.f32 v2, v40;
	[tilespmem:s10+$0x1A200] =	vst v63  }
0x38e: {  	v22 =	vmul.f32 v20, v40;
	[tilespmem:s10+$0x1A280] =	vst v18  }
0x38f: {  	v24 =	vmul.f32 v8, v42;
	[tilespmem:s10+$0x1A300] =	vst v19  }
0x390: {  	v25 =	vmul.f32 v7, v42;
	[tilespmem:s10+$0x1A400] =	vst v22  }
0x391: {  	v26 =	vmul.f32 v5, v42;
	[tilespmem:s10+$0x1A500] =	vst v24  }
0x392: {  	v27 =	vmul.f32 v4, v42;
	[tilespmem:s10+$0x1A580] =	vst v25  }
0x393: {  	v28 =	vmul.f32 v2, v42;
	[tilespmem:s10+$0x1A600] =	vst v26  }
0x394: {  	v30 =	vmul.f32 v20, v42;
	[tilespmem:s10+$0x1A680] =	vst v27  }
0x395: {  	v32 =	vmul.f32 v8, v44;
	[tilespmem:s10+$0x1A700] =	vst v28  }
0x396: {  	v33 =	vmul.f32 v7, v44;
	[tilespmem:s10+$0x1A800] =	vst v30  }
0x397: {  	v34 =	vmul.f32 v5, v44;
	[tilespmem:s10+$0x1A900] =	vst v32  }
0x398: {  	v35 =	vmul.f32 v4, v44;
	[tilespmem:s10+$0x1A980] =	vst v33  }
0x399: {  	v36 =	vmul.f32 v2, v44;
	[tilespmem:s10+$0x1AA00] =	vst v34  }
0x39a: {  	v38 =	vmul.f32 v20, v44;
	[tilespmem:s10+$0x1AA80] =	vst v35  }
0x39b: {  	v41 =	vmul.f32 v7, v46;
	[tilespmem:s10+$0x1AB00] =	vst v36  }
0x39c: {  	v43 =	vmul.f32 v4, v46;
	[tilespmem:s10+$0x1AC00] =	vst v38  }
0x39d: {  	v48 =	vmul.f32 v8, v1;
	[tilespmem:s10+$0x1AD80] =	vst v41  }
0x39e: {  	v49 =	vmul.f32 v7, v1;
	[tilespmem:s10+$0x1AE80] =	vst v43  }
0x39f: {  	v50 =	vmul.f32 v5, v1;
	[tilespmem:s10+$0x1B100] =	vst v48  }
0x3a0: {  	v51 =	vmul.f32 v4, v1;
	[tilespmem:s10+$0x1B180] =	vst v49  }
0x3a1: {  	v54 =	vmul.f32 v6, v9;
	[tilespmem:s10+$0x1B200] =	vst v50  }
0x3a2: {  	v52 =	vmul.f32 v2, v1;
	[tilespmem:s10+$0x1B280] =	vst v51  }
0x3a3: {  	v55 =	vmul.f32 v8, v9;
	[tilespmem:s10+$0x1B480] =	vst v54  }
0x3a4: {  	v56 =	vmul.f32 v7, v9;
	[tilespmem:s10+$0x1B300] =	vst v52  }
0x3a5: {  	v57 =	vmul.f32 v5, v9;
	[tilespmem:s10+$0x1B500] =	vst v55  }
0x3a6: {  	v58 =	vmul.f32 v4, v9;
	[tilespmem:s10+$0x1B580] =	vst v56  }
0x3a7: {  	v59 =	vmul.f32 v2, v9;
	[tilespmem:s10+$0x1B600] =	vst v57  }
0x3a8: {  	v61 =	vmul.f32 v6, v10;
	[tilespmem:s10+$0x1B680] =	vst v58  }
0x3a9: {  	v7 =	vmul.f32 v7, v10;
	[tilespmem:s10+$0x1B700] =	vst v59  }
0x3aa: {  	v62 =	vmul.f32 v5, v10;
	[tilespmem:s10+$0x1B880] =	vst v61  }
0x3ab: {  	v4 =	vmul.f32 v4, v10;
	[tilespmem:s10+$0x1B980] =	vst v7  }
0x3ac: {  	v63 =	vmul.f32 v6, v3;
	[tilespmem:s10+$0x1BA00] =	vst v62  }
0x3ad: {  	v60 =	vmul.f32 v0, v3;
	[tilespmem:s10+$0x1BA80] =	vst v4  }
0x3ae: {  	v21 =	vmul.f32 v0, v40;
	[tilespmem:s10+$0x19C80] =	vst v63  }
0x3af: {  	v29 =	vmul.f32 v0, v42;
	[tilespmem:s10+$0x19F80] =	vst v60  }
0x3b0: {  	v37 =	vmul.f32 v0, v44;
	[tilespmem:s10+$0x1A380] =	vst v21  }
0x3b1: {  	v40 =	vmul.f32 v8, v46;
	[tilespmem:s10+$0x1A780] =	vst v29  }
0x3b2: {  	v42 =	vmul.f32 v5, v46;
	[tilespmem:s10+$0x1AB80] =	vst v37  }
0x3b3: {  	v44 =	vmul.f32 v2, v46;
	[tilespmem:s10+$0x1AD00] =	vst v40  }
0x3b4: {  	v45 =	vmul.f32 v0, v46;
	[tilespmem:s10+$0x1AE00] =	vst v42  }
0x3b5: {  	v46 =	vmul.f32 v20, v46;
	[tilespmem:s10+$0x1AF00] =	vst v44  }
0x3b6: {  	v53 =	vmul.f32 v0, v1;
	[tilespmem:s10+$0x1AF80] =	vst v45  }
0x3b7: {  	v1 =	vmul.f32 v20, v1;
	[tilespmem:s10+$0x1B000] =	vst v46  }
0x3b8: {  	v8 =	vmul.f32 v8, v10;
	[tilespmem:s10+$0x1B380] =	vst v53  }
0x3b9: {  	v2 =	vmul.f32 v2, v10;
	[tilespmem:s10+$0x1B400] =	vst v1  }
0x3ba: {  	v60 =	vmul.f32 v0, v9;
	[tilespmem:s10+$0x1B900] =	vst v8  }
.Ltmp6:
0x3bb: {  	v9 =	vmul.f32 v20, v9;
	[tilespmem:s10+$0x1BB00] =	vst v2;
	(pc) =	sbr.rel @p2 .LBB2_12-.Ltmp6, $4  }
0x3bc: {  	v0 =	vmul.f32 v0, v10;
	[tilespmem:s10+$0x1B780] =	vst v60  }
0x3bd: {  	[tilespmem:s10+$0x1B800] =	vst v9  }
0x3be: {  	s7 =	sadd.s32 $0x3000, s7;
	[tilespmem:s10+$0x1BB80] =	vst v0  }
0x3bf: {  	[hbm4b:s7+s31] =	stream.strided.scatter [tilespmem:s8], [sflag:$0x8], $0x2000, s0, s31, $0x38;
	[tilespmem:$0x1BC80] =	vst v63  }
0x3c0: {  	s7 =	sadd.s32 s18, s24  }
.Ltmp7:
0x3c1: {  	s7 =	sshll.u32 s7, $0x4;
	(pc) =	sbr.rel .LBB2_2-.Ltmp7, $4  }
0x3c2: {  	s9 =	sadd.s32 s5, s7  }
0x3c3: {  	[tilespmem:s1], [sflag:$0x4] =	stream.linear.gather [hbm4b:s9+s3], $0x80, $0x38;
	[tilespmem:$0x1BC80] =	vst v63  }
0x3c4: {  	s14 =	sadd.s32 $0x1, s14;
	s7 =	sadd.s32 s7, s20  }
0x3c5: {  	[tilespmem:s29], [sflag:$0x4] =	stream.linear.gather [hbm4b:s7+s3], $0x80, $0x38;
	[tilespmem:$0x1BC80] =	vst v63  }
.LBB2_12:
0x3c6: {  	s7 =	simm.s32 $0x5  }
0x3c7: {  	_ =	swait.ge [sflag:s7], $0x2000  }
0x3c8: {  	[sflag:s7] =	ssyncset.done $0x0  }
0x3c9: {  	s12 =	simm.s32 $0x6;
	[sflag:s7] =	ssyncadd.s32 $0xFFFFE000  }
0x3ca: {  	_ =	swait.ge [sflag:s12], $0x2000  }
0x3cb: {  	[sflag:s12] =	ssyncset.done $0x0  }
0x3cc: {  	s14 =	simm.s32 $0x7;
	[sflag:s12] =	ssyncadd.s32 $0xFFFFE000  }
0x3cd: {  	_ =	swait.ge [sflag:s14], $0x2000  }
.Ltmp8:
0x3ce: {  	[sflag:s14] =	ssyncset.done $0x0;
	(pc) =	sbr.rel @p0 .LBB2_16-.Ltmp8, $4  }
0x3cf: {  	s24 =	simm.s32 $0x8;
	[sflag:s14] =	ssyncadd.s32 $0xFFFFE000  }
0x3d0: {  	_ =	swait.ge [sflag:s24], $0x2000  }
0x3d1: {  	[sflag:s24] =	ssyncset.done $0x0  }
0x3d2: {  	[sflag:s24] =	ssyncadd.s32 $0xFFFFE000  }
0x3d3: {  	s7 =	simm.s32 $0x0;
	s9 =	rddreg [dreg:$0xc];
	s10 =	simm.s32 $0x13880  }
0x3d4: {  	[tilespmem:s10], [sflag:$0x9] =	stream.linear.gather [hbm4b:s9+s7], $0x80, $0x38;
	[tilespmem:$0x1BC80] =	vst v63  }
0x3d5: {  	_ =	swait.ge [sflag:s25], $0x80  }
0x3d6: {  	[sflag:s25] =	ssyncset.done $0x0  }
0x3d7: {  	s24 =	simm.s32 $0x13A80;
	s14 =	rddreg [dreg:$0xd];
	[sflag:s25] =	ssyncadd.s32 $0xFFFFFF80  }
0x3d8: {  	[tilespmem:s24], [sflag:$0x9] =	stream.linear.gather [hbm4b:s14+s7], $0x80, $0x38;
	[tilespmem:$0x1BC80] =	vst v63  }
0x3d9: {  	_ =	swait.ge [sflag:s25], $0x80  }
0x3da: {  	[sflag:s25] =	ssyncset.done $0x0  }
0x3db: {  	s7 =	simm.s32 $0x0;
	[sflag:s25] =	ssyncadd.s32 $0xFFFFFF80  }
0x3dc: {  	v0 =	vld [tilespmem:s7+$0x13880]  }
0x3dd: {  	v1 =	vld [tilespmem:s7+$0x13A80];
	_ =	sdelay $0x3  }
0x3de: {  	v0 =	vshll.u32 v0, $0x3  }
0x3df: {  	v1 =	vshll.u32 v1, $0x3  }
0x3e0: {  	v2 =	vor.u32 $0x1, v0  }
0x3e1: {  	v3 =	vor.u32 $0x2, v0  }
0x3e2: {  	v6 =	vor.u32 $0x4, v0  }
0x3e3: {  	v7 =	vor.u32 $0x7, v0;
	v5 =	vld.idx.msk [tilespmem:v0+s3+$0x0], $0xffff  }
0x3e4: {  	v9 =	vor.u32 $0x7, v1;
	v8 =	vld.idx.msk [tilespmem:v1+s3+$0x0], $0xffff  }
0x3e5: {  	v10 =	vor.u32 $0x5, v0;
	v2 =	vld.idx.msk [tilespmem:v2+s3+$0x0], $0xffff  }
0x3e6: {  	v14 =	vor.u32 $0x4, v1;
	v3 =	vld.idx.msk [tilespmem:v3+s3+$0x0], $0xffff  }
0x3e7: {  	v4 =	vor.u32 $0x3, v0;
	v0 =	vor.u32 $0x6, v0;
	v6 =	vld.idx.msk [tilespmem:v6+s3+$0x0], $0xffff  }
0x3e8: {  	v11 =	vor.u32 $0x1, v1;
	v13 =	vld.idx.msk [tilespmem:v7+s3+$0x0], $0xffff  }
0x3e9: {  	v12 =	vor.u32 $0x3, v1;
	v9 =	vld.idx.msk [tilespmem:v9+s3+$0x0], $0xffff  }
0x3ea: {  	v10 =	vld.idx.msk [tilespmem:v10+s3+$0x0], $0xffff  }
0x3eb: {  	v7 =	vor.u32 $0x2, v1;
	v25 =	vld.idx.msk [tilespmem:v14+s3+$0x0], $0xffff  }
0x3ec: {  	v22 =	vld.idx.msk [tilespmem:v0+s3+$0x0], $0xffff;
	v0 =	vor.u32 $0x5, v1  }
0x3ed: {  	v23 =	vld.idx.msk [tilespmem:v11+s3+$0x0], $0xffff;
	v1 =	vor.u32 $0x6, v1  }
0x3ee: {  	v24 =	vld.idx.msk [tilespmem:v12+s3+$0x0], $0xffff  }
0x3ef: {  	v4 =	vld.idx.msk [tilespmem:v4+s3+$0x0], $0xffff  }
0x3f0: {  	v7 =	vld.idx.msk [tilespmem:v7+s3+$0x0], $0xffff;
	v11 =	vmul.f32 v9, v13  }
0x3f1: {  	v12 =	vmul.f32 v25, v6;
	v26 =	vld.idx.msk [tilespmem:v0+s3+$0x0], $0xffff  }
0x3f2: {  	v28 =	vmul.f32 v23, v10;
	v27 =	vld.idx.msk [tilespmem:v1+s3+$0x0], $0xffff;
	[tilespmem:s7+$0x15C00] =	vst v11  }
0x3f3: {  	v30 =	vmul.f32 v24, v10;
	[tilespmem:s7+$0x14E80] =	vst v12  }
0x3f4: {  	v31 =	vmul.f32 v25, v10;
	[tilespmem:s7+$0x15100] =	vst v28  }
0x3f5: {  	v0 =	vmul.f32 v9, v5;
	[tilespmem:s7+$0x15200] =	vst v30  }
0x3f6: {  	v1 =	vmul.f32 v8, v2;
	[tilespmem:s7+$0x15280] =	vst v31  }
0x3f7: {  	v11 =	vmul.f32 v23, v5;
	[tilespmem:s7+$0x14000] =	vst v0  }
0x3f8: {  	v29 =	vmul.f32 v7, v10;
	[tilespmem:s7+$0x14080] =	vst v1  }
0x3f9: {  	v0 =	vmul.f32 v7, v5;
	[tilespmem:s7+$0x13D00] =	vst v11  }
0x3fa: {  	v1 =	vmul.f32 v24, v5;
	[tilespmem:s7+$0x15180] =	vst v29  }
0x3fb: {  	v11 =	vmul.f32 v23, v2;
	[tilespmem:s7+$0x13D80] =	vst v0  }
0x3fc: {  	v0 =	vmul.f32 v25, v5;
	[tilespmem:s7+$0x13E00] =	vst v1  }
0x3fd: {  	[tilespmem:s7+$0x14100] =	vst v11;
	v11 =	vmul.f32 v25, v2  }
0x3fe: {  	v1 =	vmul.f32 v26, v5;
	[tilespmem:s7+$0x13E80] =	vst v0  }
0x3ff: {  	v14 =	vmul.f32 v27, v6;
	[tilespmem:s7+$0x14280] =	vst v11  }
0x400: {  	v0 =	vmul.f32 v27, v5;
	[tilespmem:s7+$0x13F00] =	vst v1  }
0x401: {  	v11 =	vmul.f32 v7, v6;
	[tilespmem:s7+$0x14F80] =	vst v14  }
0x402: {  	v1 =	vmul.f32 v7, v2;
	[tilespmem:s7+$0x13F80] =	vst v0  }
0x403: {  	v0 =	vmul.f32 v24, v2;
	[tilespmem:s7+$0x14D80] =	vst v11  }
0x404: {  	[tilespmem:s7+$0x14180] =	vst v1;
	v1 =	vmul.f32 v26, v2  }
0x405: {  	[tilespmem:s7+$0x14200] =	vst v0;
	v0 =	vmul.f32 v27, v2  }
0x406: {  	v2 =	vmul.f32 v9, v2;
	[tilespmem:s7+$0x14300] =	vst v1  }
0x407: {  	v1 =	vmul.f32 v8, v3;
	[tilespmem:s7+$0x14380] =	vst v0  }
0x408: {  	v0 =	vmul.f32 v23, v3;
	[tilespmem:s7+$0x14400] =	vst v2  }
0x409: {  	v2 =	vmul.f32 v7, v3;
	[tilespmem:s7+$0x14480] =	vst v1  }
0x40a: {  	v1 =	vmul.f32 v24, v3;
	[tilespmem:s7+$0x14500] =	vst v0  }
0x40b: {  	v0 =	vmul.f32 v25, v3;
	[tilespmem:s7+$0x14580] =	vst v2  }
0x40c: {  	v2 =	vmul.f32 v26, v3;
	[tilespmem:s7+$0x14600] =	vst v1  }
0x40d: {  	v1 =	vmul.f32 v27, v3;
	[tilespmem:s7+$0x14680] =	vst v0  }
0x40e: {  	v18 =	vmul.f32 v9, v10;
	v0 =	vmul.f32 v9, v3;
	[tilespmem:s7+$0x14700] =	vst v2  }
0x40f: {  	v19 =	vmul.f32 v8, v22;
	v2 =	vmul.f32 v8, v4;
	[tilespmem:s7+$0x14780] =	vst v1  }
0x410: {  	v16 =	vmul.f32 v24, v22;
	v3 =	vmul.f32 v26, v4;
	[tilespmem:s7+$0x14800] =	vst v0  }
0x411: {  	v15 =	vmul.f32 v25, v22;
	v1 =	vmul.f32 v23, v4;
	[tilespmem:s7+$0x14880] =	vst v2  }
0x412: {  	v17 =	vmul.f32 v7, v22;
	v0 =	vmul.f32 v7, v4;
	[tilespmem:s7+$0x14B00] =	vst v3  }
0x413: {  	v20 =	vmul.f32 v26, v10;
	v2 =	vmul.f32 v24, v4;
	[tilespmem:s7+$0x14900] =	vst v1  }
0x414: {  	v21 =	vmul.f32 v27, v10;
	v3 =	vmul.f32 v9, v6;
	[tilespmem:s7+$0x14980] =	vst v0  }
0x415: {  	v12 =	vmul.f32 v27, v22;
	[tilespmem:s7+$0x14A00] =	vst v2;
	v2 =	vmul.f32 v27, v4  }
0x416: {  	v14 =	vmul.f32 v26, v22;
	v1 =	vmul.f32 v25, v4;
	[tilespmem:s7+$0x15000] =	vst v3  }
0x417: {  	v11 =	vmul.f32 v9, v22;
	[tilespmem:s7+$0x14B80] =	vst v2;
	v2 =	vmul.f32 v23, v6  }
0x418: {  	s9 =	simm.s32 $0x10;
	v0 =	vmul.f32 v8, v5;
	v4 =	vmul.f32 v9, v4;
	[tilespmem:s7+$0x14A80] =	vst v1  }
0x419: {  	v5 =	vmul.f32 v8, v6;
	[tilespmem:s7+$0x14D00] =	vst v2;
	v2 =	vmul.f32 v8, v10;
	v10 =	vld [tilespmem:s9+$0x13880]  }
0x41a: {  	v9 =	vmul.f32 v23, v13;
	v3 =	vld [tilespmem:s9+$0x13A80];
	[tilespmem:s7+$0x14C00] =	vst v4;
	v4 =	vmul.f32 v24, v6  }
0x41b: {  	v1 =	vmul.f32 v8, v13;
	[tilespmem:s7+$0x14C80] =	vst v5;
	v5 =	vmul.f32 v26, v6  }
0x41c: {  	v6 =	vmul.f32 v23, v22;
	[tilespmem:s7+$0x14E00] =	vst v4;
	v8 =	vmul.f32 v7, v13  }
0x41d: {  	[tilespmem:s7+$0x14F00] =	vst v5;
	v7 =	vmul.f32 v24, v13;
	v5 =	vmul.f32 v25, v13  }
0x41e: {  	s10 =	simm.s32 $0x80;
	v4 =	vmul.f32 v26, v13;
	[tilespmem:s7+$0x15080] =	vst v2;
	v2 =	vmul.f32 v27, v13;
	v10 =	vshll.u32 v10, $0x3  }
.LBB2_14:
0x41f: {  	p1 =	sne.s32 s10, $0x1C0;
	v13 =	vshll.u32 v3, $0x3;
	[tilespmem:s7+$0x15300] =	vst v20  }
0x420: {  	v3 =	vor.u32 $0x1, v10;
	[tilespmem:s7+$0x15380] =	vst v21  }
0x421: {  	v20 =	vor.u32 $0x2, v10;
	[tilespmem:s7+$0x15400] =	vst v18  }
0x422: {  	v18 =	vor.u32 $0x3, v10;
	[tilespmem:s7+$0x15480] =	vst v19  }
0x423: {  	v21 =	vor.u32 $0x4, v10;
	v19 =	vld.idx.msk [tilespmem:v10+s3+$0x0], $0xffff;
	[tilespmem:s7+$0x15500] =	vst v6  }
0x424: {  	v22 =	vor.u32 $0x7, v10;
	v6 =	vld.idx.msk [tilespmem:v13+s3+$0x0], $0xffff;
	[tilespmem:s7+$0x15580] =	vst v17  }
0x425: {  	v23 =	vor.u32 $0x7, v13;
	v17 =	vld.idx.msk [tilespmem:v3+s3+$0x0], $0xffff;
	[tilespmem:s7+$0x15600] =	vst v16  }
0x426: {  	v16 =	vld.idx.msk [tilespmem:v20+s3+$0x0], $0xffff;
	v20 =	vor.u32 $0x5, v10;
	[tilespmem:s7+$0x15680] =	vst v15  }
0x427: {  	v10 =	vor.u32 $0x6, v10;
	v15 =	vld.idx.msk [tilespmem:v18+s3+$0x0], $0xffff;
	[tilespmem:s7+$0x15700] =	vst v14  }
0x428: {  	v18 =	vor.u32 $0x1, v13;
	v14 =	vld.idx.msk [tilespmem:v21+s3+$0x0], $0xffff;
	[tilespmem:s7+$0x15780] =	vst v12  }
0x429: {  	v12 =	vor.u32 $0x2, v13;
	v3 =	vld.idx.msk [tilespmem:v22+s3+$0x0], $0xffff;
	[tilespmem:s7+$0x15800] =	vst v11  }
0x42a: {  	v21 =	vor.u32 $0x3, v13;
	v22 =	vmul.f32 v6, v19;
	v11 =	vld.idx.msk [tilespmem:v23+s3+$0x0], $0xffff;
	[tilespmem:s7+$0x15880] =	vst v1  }
0x42b: {  	v24 =	vmul.f32 v6, v17;
	v23 =	vld.idx.msk [tilespmem:v20+s3+$0x0], $0xffff;
	v20 =	vor.u32 $0x4, v13;
	[tilespmem:s7+$0x15900] =	vst v9  }
0x42c: {  	v25 =	vor.u32 $0x5, v13;
	v26 =	vmul.f32 v6, v16;
	v9 =	vld.idx.msk [tilespmem:v10+s3+$0x0], $0xffff;
	[tilespmem:s7+$0x15980] =	vst v8  }
0x42d: {  	v13 =	vor.u32 $0x6, v13;
	v27 =	vmul.f32 v6, v15;
	v8 =	vld.idx.msk [tilespmem:v18+s3+$0x0], $0xffff;
	[tilespmem:s7+$0x15A00] =	vst v7  }
0x42e: {  	v10 =	vmul.f32 v6, v14;
	v7 =	vld.idx.msk [tilespmem:v12+s3+$0x0], $0xffff;
	[tilespmem:s7+$0x15A80] =	vst v5  }
0x42f: {  	v1 =	vmul.f32 v6, v3;
	v5 =	vld.idx.msk [tilespmem:v21+s3+$0x0], $0xffff;
	[tilespmem:s7+$0x15B00] =	vst v4  }
0x430: {  	v12 =	vmul.f32 v11, v19;
	v18 =	vmul.f32 v11, v3;
	v4 =	vld.idx.msk [tilespmem:v20+s3+$0x0], $0xffff;
	[tilespmem:s7+$0x15B80] =	vst v2  }
0x431: {  	v20 =	vmul.f32 v11, v17;
	v2 =	vld.idx.msk [tilespmem:v25+s3+$0x0], $0xffff;
	v25 =	vmul.f32 v11, v16;
	[tilespmem:s7+$0x13C80] =	vst v0;
	v0 =	vmov v22;
	s7 =	smov.u32 s9  }
0x432: {  	v28 =	vmul.f32 v11, v15;
	v22 =	vld.idx.msk [tilespmem:v13+s3+$0x0], $0xffff;
	v13 =	vmul.f32 v11, v14;
	[tilespmem:s7+$0x15C00] =	vst v18  }
0x433: {  	v18 =	vmul.f32 v8, v19;
	[tilespmem:s7+$0x14000] =	vst v12;
	v12 =	vmul.f32 v8, v17  }
0x434: {  	v21 =	vmul.f32 v7, v19;
	[tilespmem:s7+$0x14080] =	vst v24;
	v24 =	vmul.f32 v7, v17  }
0x435: {  	v29 =	vmul.f32 v5, v17;
	[tilespmem:s7+$0x13D00] =	vst v18;
	v18 =	vmul.f32 v5, v19  }
0x436: {  	v30 =	vmul.f32 v4, v17;
	[tilespmem:s7+$0x13D80] =	vst v21;
	v21 =	vmul.f32 v4, v19  }
0x437: {  	v31 =	vmul.f32 v2, v17;
	[tilespmem:s7+$0x13E00] =	vst v18;
	v18 =	vmul.f32 v2, v19  }
0x438: {  	v19 =	vmul.f32 v22, v19;
	v17 =	vmul.f32 v22, v17;
	[tilespmem:s7+$0x13E80] =	vst v21  }
0x439: {  	v21 =	vmul.f32 v7, v16;
	[tilespmem:s7+$0x13F00] =	vst v18;
	v18 =	vmul.f32 v8, v16  }
0x43a: {  	v32 =	vmul.f32 v4, v16;
	[tilespmem:s7+$0x13F80] =	vst v19;
	v19 =	vmul.f32 v5, v16  }
0x43b: {  	v33 =	vmul.f32 v22, v16;
	[tilespmem:s7+$0x14100] =	vst v12;
	v12 =	vmul.f32 v2, v16  }
0x43c: {  	v34 =	vmul.f32 v7, v15;
	[tilespmem:s7+$0x14180] =	vst v24;
	v24 =	vmul.f32 v8, v15  }
0x43d: {  	v35 =	vmul.f32 v4, v15;
	[tilespmem:s7+$0x14200] =	vst v29;
	v29 =	vmul.f32 v5, v15  }
0x43e: {  	v36 =	vmul.f32 v22, v15;
	[tilespmem:s7+$0x14280] =	vst v30;
	v30 =	vmul.f32 v2, v15  }
0x43f: {  	v37 =	vmul.f32 v7, v14;
	[tilespmem:s7+$0x14300] =	vst v31;
	v31 =	vmul.f32 v8, v14  }
0x440: {  	v38 =	vmul.f32 v5, v14;
	v39 =	vmul.f32 v4, v14;
	[tilespmem:s7+$0x14380] =	vst v17  }
0x441: {  	v40 =	vmul.f32 v2, v14;
	v41 =	vmul.f32 v22, v14;
	[tilespmem:s7+$0x14400] =	vst v20  }
0x442: {  	v42 =	vmul.f32 v8, v23;
	[tilespmem:s7+$0x14480] =	vst v26;
	v26 =	vmul.f32 v6, v23  }
0x443: {  	v43 =	vmul.f32 v7, v23;
	v44 =	vmul.f32 v5, v23;
	[tilespmem:s7+$0x14500] =	vst v18  }
0x444: {  	v45 =	vmul.f32 v4, v23;
	v20 =	vmul.f32 v2, v23;
	[tilespmem:s7+$0x14580] =	vst v21  }
0x445: {  	v18 =	vmul.f32 v11, v23;
	v21 =	vmul.f32 v22, v23;
	[tilespmem:s7+$0x14600] =	vst v19  }
0x446: {  	v19 =	vmul.f32 v6, v9;
	v6 =	vmul.f32 v8, v9;
	[tilespmem:s7+$0x14680] =	vst v32  }
0x447: {  	v16 =	vmul.f32 v5, v9;
	v17 =	vmul.f32 v7, v9;
	[tilespmem:s7+$0x14700] =	vst v12  }
0x448: {  	v15 =	vmul.f32 v4, v9;
	v14 =	vmul.f32 v2, v9;
	[tilespmem:s7+$0x14780] =	vst v33  }
0x449: {  	v11 =	vmul.f32 v11, v9;
	v12 =	vmul.f32 v22, v9;
	[tilespmem:s7+$0x14800] =	vst v25  }
0x44a: {  	v9 =	vmul.f32 v8, v3;
	v8 =	vmul.f32 v7, v3;
	[tilespmem:s7+$0x14880] =	vst v27  }
0x44b: {  	v7 =	vmul.f32 v5, v3;
	v5 =	vmul.f32 v4, v3;
	[tilespmem:s7+$0x14900] =	vst v24  }
0x44c: {  	v4 =	vmul.f32 v2, v3;
	v2 =	vmul.f32 v22, v3;
	[tilespmem:s7+$0x14980] =	vst v34  }
0x44d: {  	[tilespmem:s7+$0x14A00] =	vst v29  }
0x44e: {  	[tilespmem:s7+$0x14A80] =	vst v35  }
0x44f: {  	[tilespmem:s7+$0x14B00] =	vst v30  }
0x450: {  	[tilespmem:s7+$0x14B80] =	vst v36  }
0x451: {  	[tilespmem:s7+$0x14C00] =	vst v28  }
0x452: {  	[tilespmem:s7+$0x14C80] =	vst v10  }
0x453: {  	[tilespmem:s7+$0x14D00] =	vst v31  }
0x454: {  	[tilespmem:s7+$0x14D80] =	vst v37  }
0x455: {  	[tilespmem:s7+$0x14E00] =	vst v38  }
0x456: {  	[tilespmem:s7+$0x14E80] =	vst v39  }
0x457: {  	[tilespmem:s7+$0x14F00] =	vst v40  }
0x458: {  	s9 =	sshra.s32 s10, $0x2;
	[tilespmem:s7+$0x14F80] =	vst v41  }
0x459: {  	v10 =	vld [tilespmem:s9+$0x13880];
	[tilespmem:s7+$0x15000] =	vst v13  }
.Ltmp9:
0x45a: {  	v3 =	vld [tilespmem:s9+$0x13A80];
	[tilespmem:s7+$0x15080] =	vst v26;
	(pc) =	sbr.rel @p1 .LBB2_14-.Ltmp9, $4  }
0x45b: {  	[tilespmem:s7+$0x15100] =	vst v42  }
0x45c: {  	[tilespmem:s7+$0x15180] =	vst v43  }
0x45d: {  	[tilespmem:s7+$0x15200] =	vst v44  }
0x45e: {  	s10 =	sadd.s32 $0x40, s10;
	v10 =	vshll.u32 v10, $0x3;
	[tilespmem:s7+$0x15280] =	vst v45  }
0x45f: {  	v13 =	vshll.u32 v3, $0x3;
	[tilespmem:s7+$0x15300] =	vst v20  }
0x460: {  	v36 =	vor.u32 $0x1, v10;
	[tilespmem:s7+$0x15380] =	vst v21  }
0x461: {  	v37 =	vor.u32 $0x2, v10;
	[tilespmem:s7+$0x15400] =	vst v18  }
0x462: {  	v38 =	vor.u32 $0x3, v10;
	[tilespmem:s7+$0x15480] =	vst v19  }
0x463: {  	v3 =	vld.idx.msk [tilespmem:v10+s3+$0x0], $0xffff;
	v39 =	vor.u32 $0x4, v10;
	[tilespmem:s7+$0x15500] =	vst v6  }
0x464: {  	v22 =	vor.u32 $0x7, v10;
	[tilespmem:s7+$0x15580] =	vst v17;
	v6 =	vld.idx.msk [tilespmem:v13+s3+$0x0], $0xffff  }
0x465: {  	[tilespmem:s7+$0x15600] =	vst v16;
	v43 =	vor.u32 $0x5, v10;
	v40 =	vld.idx.msk [tilespmem:v36+s3+$0x0], $0xffff  }
0x466: {  	[tilespmem:s7+$0x15680] =	vst v15;
	v45 =	vor.u32 $0x6, v10;
	v42 =	vld.idx.msk [tilespmem:v37+s3+$0x0], $0xffff  }
0x467: {  	[tilespmem:s7+$0x15700] =	vst v14;
	v41 =	vor.u32 $0x7, v13;
	v44 =	vld.idx.msk [tilespmem:v38+s3+$0x0], $0xffff  }
0x468: {  	[tilespmem:s7+$0x15780] =	vst v12;
	v47 =	vor.u32 $0x1, v13;
	v46 =	vld.idx.msk [tilespmem:v39+s3+$0x0], $0xffff  }
0x469: {  	[tilespmem:s7+$0x15800] =	vst v11;
	v48 =	vor.u32 $0x2, v13;
	v10 =	vld.idx.msk [tilespmem:v22+s3+$0x0], $0xffff  }
0x46a: {  	[tilespmem:s7+$0x15880] =	vst v1;
	v49 =	vor.u32 $0x3, v13;
	v1 =	vld.idx.msk [tilespmem:v43+s3+$0x0], $0xffff  }
0x46b: {  	[tilespmem:s7+$0x15900] =	vst v9;
	v50 =	vor.u32 $0x4, v13;
	v9 =	vld.idx.msk [tilespmem:v45+s3+$0x0], $0xffff  }
0x46c: {  	[tilespmem:s7+$0x15980] =	vst v8;
	v51 =	vor.u32 $0x5, v13;
	v20 =	vld.idx.msk [tilespmem:v41+s3+$0x0], $0xffff  }
0x46d: {  	[tilespmem:s7+$0x15A00] =	vst v7;
	v13 =	vor.u32 $0x6, v13;
	v8 =	vld.idx.msk [tilespmem:v47+s3+$0x0], $0xffff  }
0x46e: {  	[tilespmem:s7+$0x15A80] =	vst v5;
	v7 =	vld.idx.msk [tilespmem:v48+s3+$0x0], $0xffff  }
0x46f: {  	[tilespmem:s7+$0x15B00] =	vst v4;
	v5 =	vld.idx.msk [tilespmem:v49+s3+$0x0], $0xffff  }
0x470: {  	[tilespmem:s7+$0x15B80] =	vst v2;
	v4 =	vld.idx.msk [tilespmem:v50+s3+$0x0], $0xffff;
	v54 =	vmul.f32 v6, v40  }
0x471: {  	[tilespmem:s7+$0x13C80] =	vst v0;
	v2 =	vld.idx.msk [tilespmem:v51+s3+$0x0], $0xffff;
	v23 =	vmul.f32 v6, v42  }
0x472: {  	v0 =	vld.idx.msk [tilespmem:v13+s3+$0x0], $0xffff;
	v31 =	vmul.f32 v6, v44;
	[tilespmem:s9+$0x14080] =	vst v54  }
0x473: {  	v39 =	vmul.f32 v6, v46;
	[tilespmem:s9+$0x14480] =	vst v23  }
0x474: {  	v47 =	vmul.f32 v6, v1;
	[tilespmem:s9+$0x14880] =	vst v31  }
0x475: {  	v52 =	vmul.f32 v20, v10;
	[tilespmem:s9+$0x14C80] =	vst v39  }
0x476: {  	v53 =	vmul.f32 v20, v3;
	[tilespmem:s9+$0x15080] =	vst v47  }
0x477: {  	v55 =	vmul.f32 v8, v3;
	[tilespmem:s9+$0x15C00] =	vst v52  }
0x478: {  	v56 =	vmul.f32 v7, v3;
	[tilespmem:s9+$0x14000] =	vst v53  }
0x479: {  	v57 =	vmul.f32 v5, v3;
	[tilespmem:s9+$0x13D00] =	vst v55  }
0x47a: {  	v58 =	vmul.f32 v4, v3;
	[tilespmem:s9+$0x13D80] =	vst v56  }
0x47b: {  	v59 =	vmul.f32 v2, v3;
	[tilespmem:s9+$0x13E00] =	vst v57  }
0x47c: {  	v61 =	vmul.f32 v8, v40;
	[tilespmem:s9+$0x13E80] =	vst v58  }
0x47d: {  	v62 =	vmul.f32 v7, v40;
	[tilespmem:s9+$0x13F00] =	vst v59  }
0x47e: {  	v63 =	vmul.f32 v5, v40;
	[tilespmem:s9+$0x14100] =	vst v61  }
0x47f: {  	v18 =	vmul.f32 v4, v40;
	[tilespmem:s9+$0x14180] =	vst v62  }
0x480: {  	v19 =	vmul.f32 v2, v40;
	[tilespmem:s9+$0x14200] =	vst v63  }
0x481: {  	v22 =	vmul.f32 v20, v40;
	[tilespmem:s9+$0x14280] =	vst v18  }
0x482: {  	v24 =	vmul.f32 v8, v42;
	[tilespmem:s9+$0x14300] =	vst v19  }
0x483: {  	v25 =	vmul.f32 v7, v42;
	[tilespmem:s9+$0x14400] =	vst v22  }
0x484: {  	v26 =	vmul.f32 v5, v42;
	[tilespmem:s9+$0x14500] =	vst v24  }
0x485: {  	v27 =	vmul.f32 v4, v42;
	[tilespmem:s9+$0x14580] =	vst v25  }
0x486: {  	v28 =	vmul.f32 v2, v42;
	[tilespmem:s9+$0x14600] =	vst v26  }
0x487: {  	v30 =	vmul.f32 v20, v42;
	[tilespmem:s9+$0x14680] =	vst v27  }
0x488: {  	v32 =	vmul.f32 v8, v44;
	[tilespmem:s9+$0x14700] =	vst v28  }
0x489: {  	v33 =	vmul.f32 v7, v44;
	[tilespmem:s9+$0x14800] =	vst v30  }
0x48a: {  	v34 =	vmul.f32 v5, v44;
	[tilespmem:s9+$0x14900] =	vst v32  }
0x48b: {  	v35 =	vmul.f32 v4, v44;
	[tilespmem:s9+$0x14980] =	vst v33  }
0x48c: {  	v36 =	vmul.f32 v2, v44;
	[tilespmem:s9+$0x14A00] =	vst v34  }
0x48d: {  	v38 =	vmul.f32 v20, v44;
	[tilespmem:s9+$0x14A80] =	vst v35  }
0x48e: {  	v41 =	vmul.f32 v7, v46;
	[tilespmem:s9+$0x14B00] =	vst v36  }
0x48f: {  	v43 =	vmul.f32 v4, v46;
	[tilespmem:s9+$0x14C00] =	vst v38  }
0x490: {  	v48 =	vmul.f32 v8, v1;
	[tilespmem:s9+$0x14D80] =	vst v41  }
0x491: {  	v49 =	vmul.f32 v7, v1;
	[tilespmem:s9+$0x14E80] =	vst v43  }
0x492: {  	v50 =	vmul.f32 v5, v1;
	[tilespmem:s9+$0x15100] =	vst v48  }
0x493: {  	v51 =	vmul.f32 v4, v1;
	[tilespmem:s9+$0x15180] =	vst v49  }
0x494: {  	v54 =	vmul.f32 v6, v9;
	[tilespmem:s9+$0x15200] =	vst v50  }
0x495: {  	v52 =	vmul.f32 v2, v1;
	[tilespmem:s9+$0x15280] =	vst v51  }
0x496: {  	v55 =	vmul.f32 v8, v9;
	[tilespmem:s9+$0x15480] =	vst v54  }
0x497: {  	v56 =	vmul.f32 v7, v9;
	[tilespmem:s9+$0x15300] =	vst v52  }
0x498: {  	v57 =	vmul.f32 v5, v9;
	[tilespmem:s9+$0x15500] =	vst v55  }
0x499: {  	v58 =	vmul.f32 v4, v9;
	[tilespmem:s9+$0x15580] =	vst v56  }
0x49a: {  	v59 =	vmul.f32 v2, v9;
	[tilespmem:s9+$0x15600] =	vst v57  }
0x49b: {  	v61 =	vmul.f32 v6, v10;
	[tilespmem:s9+$0x15680] =	vst v58  }
0x49c: {  	v7 =	vmul.f32 v7, v10;
	[tilespmem:s9+$0x15700] =	vst v59  }
0x49d: {  	v62 =	vmul.f32 v5, v10;
	[tilespmem:s9+$0x15880] =	vst v61  }
0x49e: {  	v4 =	vmul.f32 v4, v10;
	[tilespmem:s9+$0x15980] =	vst v7  }
0x49f: {  	v63 =	vmul.f32 v6, v3;
	[tilespmem:s9+$0x15A00] =	vst v62  }
0x4a0: {  	v60 =	vmul.f32 v0, v3;
	[tilespmem:s9+$0x15A80] =	vst v4  }
0x4a1: {  	v21 =	vmul.f32 v0, v40;
	[tilespmem:s9+$0x13C80] =	vst v63  }
0x4a2: {  	v29 =	vmul.f32 v0, v42;
	[tilespmem:s9+$0x13F80] =	vst v60  }
0x4a3: {  	v37 =	vmul.f32 v0, v44;
	[tilespmem:s9+$0x14380] =	vst v21  }
0x4a4: {  	v40 =	vmul.f32 v8, v46;
	[tilespmem:s9+$0x14780] =	vst v29  }
0x4a5: {  	v42 =	vmul.f32 v5, v46;
	[tilespmem:s9+$0x14B80] =	vst v37  }
0x4a6: {  	v44 =	vmul.f32 v2, v46;
	[tilespmem:s9+$0x14D00] =	vst v40  }
0x4a7: {  	v45 =	vmul.f32 v0, v46;
	[tilespmem:s9+$0x14E00] =	vst v42  }
0x4a8: {  	v46 =	vmul.f32 v20, v46;
	[tilespmem:s9+$0x14F00] =	vst v44  }
0x4a9: {  	v53 =	vmul.f32 v0, v1;
	[tilespmem:s9+$0x14F80] =	vst v45  }
0x4aa: {  	v1 =	vmul.f32 v20, v1;
	[tilespmem:s9+$0x15000] =	vst v46  }
0x4ab: {  	v8 =	vmul.f32 v8, v10;
	[tilespmem:s9+$0x15380] =	vst v53  }
0x4ac: {  	v2 =	vmul.f32 v2, v10;
	[tilespmem:s9+$0x15400] =	vst v1  }
0x4ad: {  	v60 =	vmul.f32 v0, v9;
	[tilespmem:s9+$0x15900] =	vst v8  }
0x4ae: {  	v9 =	vmul.f32 v20, v9;
	[tilespmem:s9+$0x15B00] =	vst v2  }
0x4af: {  	v0 =	vmul.f32 v0, v10;
	[tilespmem:s9+$0x15780] =	vst v60  }
0x4b0: {  	[tilespmem:s9+$0x15800] =	vst v9  }
0x4b1: {  	[tilespmem:s9+$0x15B80] =	vst v0  }
.Ltmp10:
0x4b2: {  	s7 =	rddreg [dreg:$0xe];
	(pc) =	sbr.rel .LBB2_16-.Ltmp10, $4  }
0x4b3: {  	[hbm4b:s7+s31] =	stream.strided.scatter [tilespmem:s21], [sflag:$0x9], $0x2000, s0, s31, $0x38;
	[tilespmem:$0x1BC80] =	vst v63  }
0x4b4: {  	_ =	swait.ge [sflag:s25], $0x2000  }
0x4b5: {  	[sflag:s25] =	ssyncset.done $0x0  }
0x4b6: {  	[sflag:s25] =	ssyncadd.s32 $0xFFFFE000  }
.LBB2_17:
0x4b7: {  	_ =	sfence.sel $0x180000  }
0x4b8: {  	[bflag:$0x0] =	sbarrier.arrive $0xFFFF  }
0x4b9: {  	_ =	strace $0x90000047  }
0x4ba: {  	s0 =	stileid.u32;
	[bflag:$0x2] =	sbarrier.arrive $0xFFFF  }
0x4bb: {  	p0 =	sne.s32 s0, $0x0;
	s0 =	rddreg [dreg:$0x2]  }
0x4bc: {  	s0 =	sadd.s32 @!p0 $0x100000, s0  }
0x4bd: {  	[sflag:s0] =	ssyncadd.tile.s32 @!p0 $0x1;
	_ =	shalt  }
.Lfunc_end2:
_tile_overlayer_lowered:
.L_overlay_start_2:
0x4be: {  	(tag) =	ssettag $0x2  }
0x4bf: {  	s0 =	rddreg [dreg:$0x0];
	s2 =	stileid.u32  }
0x4c0: {  	s1 =	rddreg [dreg:$0x1];
	p0 =	sne.s32 s2, $0x0  }
0x4c1: {  	s3 =	rddreg [dreg:$0x2];
	[bflag:$0x3] =	sbarrier.arrive $0xFFFF;
	s2 =	simm.s32 @!p0 $0x1C09  }
0x4c2: {  	[timem:s3], [sflag:s2] =	dma.local @!p0 [hbm:s0], s1  }
0x4c3: {  	s0 =	simm.s32 @!p0 $0x9  }
0x4c4: {  	_ =	swait.ge @!p0 [sflag:s0], s1  }
0x4c5: {  	s1 =	ssub.s32 @!p0 $0x0, s1;
	[sflag:s0] =	ssyncset.done @!p0 $0x0  }
0x4c6: {  	[sflag:s0] =	ssyncadd.s32 @!p0 s1  }
0x4c7: {  	[bflag:$0x3] =	sbarrier.arrive $0xFFFF  }
0x4c8: {  	_ =	shalt  }

</sc_bundles>
